<compile_context>
chip_gen: v7x
topology: tpu7x:2x2x1
jax: 0.10.2.dev20260603
libtpu: 0.0.44.dev20260713+nightly
codegen_flags: <defaults>
</compile_context>

<pallas_src>
import functools

import jax
import jax.numpy as jnp
from jax import lax
from jax.experimental import pallas as pl
from jax.experimental.pallas import tpu as pltpu
from jax.experimental.pallas import tpu_sc as plsc

_C1 = 10
_BB = 2048
_RS = 2048
_NC = 1
_NW = 16 * _NC
_CH = 16
c2_static = 1000


def _sc_body(p1_hbm, p2_hbm, t_hbm, se_out, mass_out, sel_out,
             p1buf, p2buf, tbuf, trows, dmasem, sebuf, massbuf, selbuf):
    c2 = 1000
    wid = lax.axis_index("s") * _NC + lax.axis_index("c")
    rows_pw = _RS // _NW
    pltpu.sync_copy(t_hbm, tbuf)

    iota = lax.iota(jnp.int32, 16)
    tsums = []
    for j in range(_C1):
        acc = jnp.zeros((16,), jnp.float32)
        for k in range(1024 // 16):
            acc = acc + tbuf[j, pl.ds(k * 16, 16)]
        tsums.append(jnp.sum(acc))

    zero_f = jnp.zeros((16,), jnp.float32)

    def chunk(i, _):
        r0 = wid * rows_pw + i * _CH
        pltpu.sync_copy(p1_hbm.at[pl.ds(r0, _CH)], p1buf)
        pltpu.sync_copy(p2_hbm.at[pl.ds(r0, _CH)], p2buf)

        m = plsc.load_gather(p1buf, [iota, jnp.full((16,), 0, jnp.int32)])
        a = jnp.zeros((16,), jnp.int32)
        for j in range(1, _C1):
            v = plsc.load_gather(p1buf, [iota, jnp.full((16,), j, jnp.int32)])
            gt = v > m
            m = jnp.where(gt, v, m)
            a = jnp.where(gt, jnp.int32(j), a)
        mass = zero_f
        for j in range(_C1):
            mass = mass + jnp.where(a == j, tsums[j], 0.0)

        pltpu.async_copy(t_hbm.at[a], trows, dmasem).wait()

        def row_body(r, carry):
            sevec, selvec = carry
            e0 = zero_f
            e1 = zero_f
            s0 = zero_f
            s1 = zero_f
            for k in range(31):
                v0 = p2buf[r, pl.ds(2 * k * 16, 16)]
                t0 = trows[r, pl.ds(2 * k * 16, 16)]
                e0 = e0 + jnp.exp(v0)
                s0 = s0 + t0 * v0
                v1 = p2buf[r, pl.ds((2 * k + 1) * 16, 16)]
                t1 = trows[r, pl.ds((2 * k + 1) * 16, 16)]
                e1 = e1 + jnp.exp(v1)
                s1 = s1 + t1 * v1
            vt = p2buf[r, pl.ds(984, 16)]
            tt = trows[r, pl.ds(984, 16)]
            mk = iota >= 8
            e0 = e0 + jnp.where(mk, jnp.exp(vt), 0.0)
            s0 = s0 + jnp.where(mk, tt * vt, 0.0)
            se = jnp.sum(e0 + e1)
            sl = jnp.sum(s0 + s1)
            sevec = jnp.where(iota == r, se, sevec)
            selvec = jnp.where(iota == r, sl, selvec)
            return sevec, selvec

        sevec, selvec = lax.fori_loop(0, _CH, row_body, (zero_f, zero_f))

        sebuf[...] = sevec
        selbuf[...] = selvec
        massbuf[...] = mass
        pltpu.sync_copy(sebuf, se_out.at[wid, pl.ds(i * _CH, _CH)])
        pltpu.sync_copy(selbuf, sel_out.at[wid, pl.ds(i * _CH, _CH)])
        pltpu.sync_copy(massbuf, mass_out.at[wid, pl.ds(i * _CH, _CH)])
        return 0

    lax.fori_loop(0, rows_pw // _CH, chunk, 0)


def _tc_body(batch, p1t_ref, p2_ref, t_ref, out_ref):
    i = pl.program_id(0)
    p1t = p1t_ref[...]
    p2 = p2_ref[...]
    tbl = t_ref[...]
    c2 = p2.shape[1]

    e = jnp.exp(p2)
    ones_row = jnp.ones((1, c2), dtype=jnp.float32)
    sumexp = jax.lax.dot_general(
        ones_row, e, (((1,), (1,)), ((), ())), preferred_element_type=jnp.float32
    )
    lse = jnp.log(sumexp)

    m1 = jnp.max(p1t, axis=0, keepdims=True)
    ids = jax.lax.broadcasted_iota(jnp.int32, p1t.shape, 0)
    cand = jnp.where(p1t == m1, ids, _C1)
    a = jnp.min(cand, axis=0, keepdims=True)
    oht = (ids == a).astype(jnp.float32)

    scores_t = jax.lax.dot_general(
        tbl, p2, (((1,), (1,)), ((), ())), preferred_element_type=jnp.float32
    )
    sel_total = jnp.sum(oht * scores_t)

    tsum = jnp.sum(tbl, axis=1, keepdims=True)
    mass = jnp.sum(oht * tsum, axis=0, keepdims=True)
    lse_total = jnp.sum(mass * lse)

    part = (lse_total - sel_total) * (1.0 / batch)

    @pl.when(i == 0)
    def _init():
        out_ref[...] = jnp.zeros_like(out_ref)

    out_ref[...] += jnp.reshape(part, (1, 1))


def _combine_body(batch, part_ref, se_ref, mass_ref, sel_ref, out_ref):
    se = se_ref[...]
    part_sc = jnp.sum(mass_ref[...] * jnp.log(se)) - jnp.sum(sel_ref[...])
    out_ref[...] = part_ref[...] + jnp.reshape(part_sc * (1.0 / batch), (1, 1))


def kernel(pred1_logits, pred2_logits, label_table):
    batch, c1 = pred1_logits.shape
    _, c2 = pred2_logits.shape
    rows_pw = _RS // _NW

    mesh = plsc.VectorSubcoreMesh(
        core_axis_name="c", subcore_axis_name="s", num_cores=_NC
    )
    sc_call = pl.kernel(
        _sc_body,
        out_type=[
            jax.ShapeDtypeStruct((_NW, rows_pw), jnp.float32),
            jax.ShapeDtypeStruct((_NW, rows_pw), jnp.float32),
            jax.ShapeDtypeStruct((_NW, rows_pw), jnp.float32),
        ],
        mesh=mesh,
        scratch_types=[
            pltpu.VMEM((_CH, c1), jnp.float32),
            pltpu.VMEM((_CH, c2), jnp.float32),
            pltpu.VMEM((c1, 1024), jnp.float32),
            pltpu.VMEM((_CH, 1024), jnp.float32),
            pltpu.SemaphoreType.DMA,
            pltpu.VMEM((_CH,), jnp.float32),
            pltpu.VMEM((_CH,), jnp.float32),
            pltpu.VMEM((_CH,), jnp.float32),
        ],
        compiler_params=pltpu.CompilerParams(
            use_tc_tiling_on_sc=True,
            needs_layout_passes=False,
            has_side_effects=False,
        ),
        cost_estimate=pl.CostEstimate(
            flops=2 * _RS * c2_static,
            bytes_accessed=(_RS * c2_static + _RS * _C1) * 4,
            transcendentals=_RS * c2_static,
        ),
    )
    ntc = (batch - _RS) // _BB
    off = _RS // _BB
    part_tc = pl.pallas_call(
        functools.partial(_tc_body, batch),
        grid=(ntc,),
        in_specs=[
            pl.BlockSpec((c1, _BB), lambda i: (0, off + i)),
            pl.BlockSpec((_BB, c2), lambda i: (off + i, 0)),
            pl.BlockSpec((c1, c2), lambda i: (0, 0)),
        ],
        out_specs=pl.BlockSpec((1, 1), lambda i: (0, 0)),
        out_shape=jax.ShapeDtypeStruct((1, 1), jnp.float32),
    )(pred1_logits.T, pred2_logits, label_table)

    table_pad = jnp.pad(label_table, ((0, 0), (0, 1024 - c2)))
    se_sc, mass_sc, sel_sc = sc_call(pred1_logits, pred2_logits, table_pad)

    out = pl.pallas_call(
        functools.partial(_combine_body, batch),
        in_specs=[
            pl.BlockSpec((1, 1), lambda: (0, 0)),
            pl.BlockSpec((_NW, rows_pw), lambda: (0, 0)),
            pl.BlockSpec((_NW, rows_pw), lambda: (0, 0)),
            pl.BlockSpec((_NW, rows_pw), lambda: (0, 0)),
        ],
        out_specs=pl.BlockSpec((1, 1), lambda: (0, 0)),
        out_shape=jax.ShapeDtypeStruct((1, 1), jnp.float32),
    )(part_tc, se_sc, mass_sc, sel_sc)
    return out[0, 0]

# --- scband reference (transcript-rebuilt; emitter-appended) ---
"""Pipeline reference for scband-consistency-loss-1709396984445 (READ-ONLY COPY).

The authoritative reference and input builder live on the scoring server;
editing this copy changes nothing except your own understanding.
"""

import jax, jax.numpy as jnp
import numpy as np

C1 = 10
C2 = 1000
BATCH = 16384

def _build_label_table():
    # Dense soft-label table equivalent to the pred1->pred2 index dict:
    # class i maps to correct pred2 indices [4i, 4i+1, 4i+2, 4i+3], each weighted 1/4.
    T = np.zeros((C1, C2), dtype=np.float32)
    for i in range(C1):
        idxs = [4 * i, 4 * i + 1, 4 * i + 2, 4 * i + 3]
        T[i, idxs] = 1.0 / len(idxs)
    return jnp.asarray(T)

def setup_inputs(seed: int = 0) -> dict:
    key = jax.random.key(seed)
    k1, k2 = jax.random.split(key)
    pred1_logits = jax.random.normal(k1, (BATCH, C1), dtype=jnp.float32)
    pred2_logits = jax.random.normal(k2, (BATCH, C2), dtype=jnp.float32)
    return {
        "pred1_logits": pred1_logits,
        "pred2_logits": pred2_logits,
        "label_table": _build_label_table(),
    }

def reference(pred1_logits, pred2_logits, label_table):
    # pred1 = argmax over pred1 logits (hard class prediction)
    pred1 = jnp.argmax(pred1_logits, axis=1)
    # Gather per-row soft consistency labels from the table (scatter_memory gather)
    labels = jnp.take(label_table, pred1, axis=0)  # [B, C2]
    # torch CrossEntropyLoss with soft (probability) targets:
    # mean over batch of -sum(target * log_softmax(input))
    logp = jax.nn.log_softmax(pred2_logits, axis=1)
    loss = jnp.mean(-jnp.sum(labels * logp, axis=1))
    return loss

if __name__ == "__main__":
    import jax
    _d = setup_inputs()
    print(jax.jit(kernel)(*tuple(_d.values())))

</pallas_src>

<mosaic_0001>
#map = affine_map<(d0, d1) -> (0, 0)>
module attributes {stable_mosaic.version = 14 : i64} {
  func.func @_sc_body(%arg0: i32, %arg1: i32, %arg2: memref<16384x10xf32, #tpu.memory_space<hbm>>, %arg3: memref<16384x1000xf32, #tpu.memory_space<hbm>>, %arg4: memref<10x1024xf32, #tpu.memory_space<hbm>>, %arg5: memref<16x128xf32, #tpu.memory_space<hbm>>, %arg6: memref<16x128xf32, #tpu.memory_space<hbm>>, %arg7: memref<16x128xf32, #tpu.memory_space<hbm>>, %arg8: memref<16x10xf32, #tpu.memory_space<vmem>>, %arg9: memref<16x1000xf32, #tpu.memory_space<vmem>>, %arg10: memref<10x1024xf32, #tpu.memory_space<vmem>>, %arg11: memref<16x1024xf32, #tpu.memory_space<vmem>>, %arg12: memref<!tpu.dma_semaphore, #tpu.memory_space<semaphore_mem>>, %arg13: memref<16xf32, #tpu.memory_space<vmem>>, %arg14: memref<16xf32, #tpu.memory_space<vmem>>, %arg15: memref<16xf32, #tpu.memory_space<vmem>>) attributes {dimension_semantics = [#tpu.dimension_semantics<core_parallel>, #tpu.dimension_semantics<subcore_parallel>], iteration_bounds = array<i64: 1, 16>, scalar_prefetch = 0 : i64, scratch_operands = 8 : i64, tpu.core_type = #tpu.core_type<sc_vector_subcore>, window_params = [{transform_indices = #map}, {transform_indices = #map}, {transform_indices = #map}, {transform_indices = #map}, {transform_indices = #map}, {transform_indices = #map}]} {
    %mul3A = arith.constant 1 : i32
    %mul3A_0 = arith.muli %arg1, %mul3A : i32
    %add3A = arith.addi %mul3A_0, %arg0 : i32
    "tpu.region"() ({
      %run_scoped3A = tpu.sem_alloc : memref<!tpu.dma_semaphore, #tpu.memory_space<semaphore_mem>>
      tpu.enqueue_dma source(%arg4 : memref<10x1024xf32, #tpu.memory_space<hbm>>) target(%arg10 : memref<10x1024xf32, #tpu.memory_space<vmem>>) target_semaphore(%run_scoped3A : memref<!tpu.dma_semaphore, #tpu.memory_space<semaphore_mem>>)
      tpu.wait_dma2 semaphore(%run_scoped3A : memref<!tpu.dma_semaphore, #tpu.memory_space<semaphore_mem>>) src(%arg4 : memref<10x1024xf32, #tpu.memory_space<hbm>>) dst(%arg10 : memref<10x1024xf32, #tpu.memory_space<vmem>>)
      tpu.yield
    }) : () -> ()
    %iota3A = tpu.iota {dimensions = array<i32: 0>} : vector<16xi32>
    %broadcast_in_dim3A = arith.constant 0.000000e+00 : f32
    %broadcast_in_dim3A_1 = vector.broadcast %broadcast_in_dim3A : f32 to vector<16xf32>
    %get3A = arith.constant 0 : i32
    %get3A_2 = arith.index_cast %get3A : i32 to index
    %get3A_3 = arith.constant 0 : index
    %get3A_4 = tpu.vector_load %arg10[%get3A_2, %get3A_3] {strides = array<i32>} : memref<10x1024xf32, #tpu.memory_space<vmem>>, vector<16xf32>,
    %add3A_5 = arith.addf %broadcast_in_dim3A_1, %get3A_4 : vector<16xf32>
    %get3A_6 = arith.constant 0 : i32
    %get3A_7 = arith.index_cast %get3A_6 : i32 to index
    %get3A_8 = arith.constant 16 : index
    %get3A_9 = tpu.vector_load %arg10[%get3A_7, %get3A_8] {strides = array<i32>} : memref<10x1024xf32, #tpu.memory_space<vmem>>, vector<16xf32>,
    %add3A_10 = arith.addf %add3A_5, %get3A_9 : vector<16xf32>
    %get3A_11 = arith.constant 0 : i32
    %get3A_12 = arith.index_cast %get3A_11 : i32 to index
    %get3A_13 = arith.constant 32 : index
    %get3A_14 = tpu.vector_load %arg10[%get3A_12, %get3A_13] {strides = array<i32>} : memref<10x1024xf32, #tpu.memory_space<vmem>>, vector<16xf32>,
    %add3A_15 = arith.addf %add3A_10, %get3A_14 : vector<16xf32>
    %get3A_16 = arith.constant 0 : i32
    %get3A_17 = arith.index_cast %get3A_16 : i32 to index
    %get3A_18 = arith.constant 48 : index
    %get3A_19 = tpu.vector_load %arg10[%get3A_17, %get3A_18] {strides = array<i32>} : memref<10x1024xf32, #tpu.memory_space<vmem>>, vector<16xf32>,
    %add3A_20 = arith.addf %add3A_15, %get3A_19 : vector<16xf32>
    %get3A_21 = arith.constant 0 : i32
    %get3A_22 = arith.index_cast %get3A_21 : i32 to index
    %get3A_23 = arith.constant 64 : index
    %get3A_24 = tpu.vector_load %arg10[%get3A_22, %get3A_23] {strides = array<i32>} : memref<10x1024xf32, #tpu.memory_space<vmem>>, vector<16xf32>,
    %add3A_25 = arith.addf %add3A_20, %get3A_24 : vector<16xf32>
    %get3A_26 = arith.constant 0 : i32
    %get3A_27 = arith.index_cast %get3A_26 : i32 to index
    %get3A_28 = arith.constant 80 : index
    %get3A_29 = tpu.vector_load %arg10[%get3A_27, %get3A_28] {strides = array<i32>} : memref<10x1024xf32, #tpu.memory_space<vmem>>, vector<16xf32>,
    %add3A_30 = arith.addf %add3A_25, %get3A_29 : vector<16xf32>
    %get3A_31 = arith.constant 0 : i32
    %get3A_32 = arith.index_cast %get3A_31 : i32 to index
    %get3A_33 = arith.constant 96 : index
    %get3A_34 = tpu.vector_load %arg10[%get3A_32, %get3A_33] {strides = array<i32>} : memref<10x1024xf32, #tpu.memory_space<vmem>>, vector<16xf32>,
    %add3A_35 = arith.addf %add3A_30, %get3A_34 : vector<16xf32>
    %get3A_36 = arith.constant 0 : i32
    %get3A_37 = arith.index_cast %get3A_36 : i32 to index
    %get3A_38 = arith.constant 112 : index
    %get3A_39 = tpu.vector_load %arg10[%get3A_37, %get3A_38] {strides = array<i32>} : memref<10x1024xf32, #tpu.memory_space<vmem>>, vector<16xf32>,
    %add3A_40 = arith.addf %add3A_35, %get3A_39 : vector<16xf32>
    %get3A_41 = arith.constant 0 : i32
    %get3A_42 = arith.index_cast %get3A_41 : i32 to index
    %get3A_43 = arith.constant 128 : index
    %get3A_44 = tpu.vector_load %arg10[%get3A_42, %get3A_43] {strides = array<i32>} : memref<10x1024xf32, #tpu.memory_space<vmem>>, vector<16xf32>,
    %add3A_45 = arith.addf %add3A_40, %get3A_44 : vector<16xf32>
    %get3A_46 = arith.constant 0 : i32
    %get3A_47 = arith.index_cast %get3A_46 : i32 to index
    %get3A_48 = arith.constant 144 : index
    %get3A_49 = tpu.vector_load %arg10[%get3A_47, %get3A_48] {strides = array<i32>} : memref<10x1024xf32, #tpu.memory_space<vmem>>, vector<16xf32>,
    %add3A_50 = arith.addf %add3A_45, %get3A_49 : vector<16xf32>
    %get3A_51 = arith.constant 0 : i32
    %get3A_52 = arith.index_cast %get3A_51 : i32 to index
    %get3A_53 = arith.constant 160 : index
    %get3A_54 = tpu.vector_load %arg10[%get3A_52, %get3A_53] {strides = array<i32>} : memref<10x1024xf32, #tpu.memory_space<vmem>>, vector<16xf32>,
    %add3A_55 = arith.addf %add3A_50, %get3A_54 : vector<16xf32>
    %get3A_56 = arith.constant 0 : i32
    %get3A_57 = arith.index_cast %get3A_56 : i32 to index
    %get3A_58 = arith.constant 176 : index
    %get3A_59 = tpu.vector_load %arg10[%get3A_57, %get3A_58] {strides = array<i32>} : memref<10x1024xf32, #tpu.memory_space<vmem>>, vector<16xf32>,
    %add3A_60 = arith.addf %add3A_55, %get3A_59 : vector<16xf32>
    %get3A_61 = arith.constant 0 : i32
    %get3A_62 = arith.index_cast %get3A_61 : i32 to index
    %get3A_63 = arith.constant 192 : index
    %get3A_64 = tpu.vector_load %arg10[%get3A_62, %get3A_63] {strides = array<i32>} : memref<10x1024xf32, #tpu.memory_space<vmem>>, vector<16xf32>,
    %add3A_65 = arith.addf %add3A_60, %get3A_64 : vector<16xf32>
    %get3A_66 = arith.constant 0 : i32
    %get3A_67 = arith.index_cast %get3A_66 : i32 to index
    %get3A_68 = arith.constant 208 : index
    %get3A_69 = tpu.vector_load %arg10[%get3A_67, %get3A_68] {strides = array<i32>} : memref<10x1024xf32, #tpu.memory_space<vmem>>, vector<16xf32>,
    %add3A_70 = arith.addf %add3A_65, %get3A_69 : vector<16xf32>
    %get3A_71 = arith.constant 0 : i32
    %get3A_72 = arith.index_cast %get3A_71 : i32 to index
    %get3A_73 = arith.constant 224 : index
    %get3A_74 = tpu.vector_load %arg10[%get3A_72, %get3A_73] {strides = array<i32>} : memref<10x1024xf32, #tpu.memory_space<vmem>>, vector<16xf32>,
    %add3A_75 = arith.addf %add3A_70, %get3A_74 : vector<16xf32>
    %get3A_76 = arith.constant 0 : i32
    %get3A_77 = arith.index_cast %get3A_76 : i32 to index
    %get3A_78 = arith.constant 240 : index
    %get3A_79 = tpu.vector_load %arg10[%get3A_77, %get3A_78] {strides = array<i32>} : memref<10x1024xf32, #tpu.memory_space<vmem>>, vector<16xf32>,
    %add3A_80 = arith.addf %add3A_75, %get3A_79 : vector<16xf32>
    %get3A_81 = arith.constant 0 : i32
    %get3A_82 = arith.index_cast %get3A_81 : i32 to index
    %get3A_83 = arith.constant 256 : index
    %get3A_84 = tpu.vector_load %arg10[%get3A_82, %get3A_83] {strides = array<i32>} : memref<10x1024xf32, #tpu.memory_space<vmem>>, vector<16xf32>,
    %add3A_85 = arith.addf %add3A_80, %get3A_84 : vector<16xf32>
    %get3A_86 = arith.constant 0 : i32
    %get3A_87 = arith.index_cast %get3A_86 : i32 to index
    %get3A_88 = arith.constant 272 : index
    %get3A_89 = tpu.vector_load %arg10[%get3A_87, %get3A_88] {strides = array<i32>} : memref<10x1024xf32, #tpu.memory_space<vmem>>, vector<16xf32>,
    %add3A_90 = arith.addf %add3A_85, %get3A_89 : vector<16xf32>
    %get3A_91 = arith.constant 0 : i32
    %get3A_92 = arith.index_cast %get3A_91 : i32 to index
    %get3A_93 = arith.constant 288 : index
    %get3A_94 = tpu.vector_load %arg10[%get3A_92, %get3A_93] {strides = array<i32>} : memref<10x1024xf32, #tpu.memory_space<vmem>>, vector<16xf32>,
    %add3A_95 = arith.addf %add3A_90, %get3A_94 : vector<16xf32>
    %get3A_96 = arith.constant 0 : i32
    %get3A_97 = arith.index_cast %get3A_96 : i32 to index
    %get3A_98 = arith.constant 304 : index
    %get3A_99 = tpu.vector_load %arg10[%get3A_97, %get3A_98] {strides = array<i32>} : memref<10x1024xf32, #tpu.memory_space<vmem>>, vector<16xf32>,
    %add3A_100 = arith.addf %add3A_95, %get3A_99 : vector<16xf32>
    %get3A_101 = arith.constant 0 : i32
    %get3A_102 = arith.index_cast %get3A_101 : i32 to index
    %get3A_103 = arith.constant 320 : index
    %get3A_104 = tpu.vector_load %arg10[%get3A_102, %get3A_103] {strides = array<i32>} : memref<10x1024xf32, #tpu.memory_space<vmem>>, vector<16xf32>,
    %add3A_105 = arith.addf %add3A_100, %get3A_104 : vector<16xf32>
    %get3A_106 = arith.constant 0 : i32
    %get3A_107 = arith.index_cast %get3A_106 : i32 to index
    %get3A_108 = arith.constant 336 : index
    %get3A_109 = tpu.vector_load %arg10[%get3A_107, %get3A_108] {strides = array<i32>} : memref<10x1024xf32, #tpu.memory_space<vmem>>, vector<16xf32>,
    %add3A_110 = arith.addf %add3A_105, %get3A_109 : vector<16xf32>
    %get3A_111 = arith.constant 0 : i32
    %get3A_112 = arith.index_cast %get3A_111 : i32 to index
    %get3A_113 = arith.constant 352 : index
    %get3A_114 = tpu.vector_load %arg10[%get3A_112, %get3A_113] {strides = array<i32>} : memref<10x1024xf32, #tpu.memory_space<vmem>>, vector<16xf32>,
    %add3A_115 = arith.addf %add3A_110, %get3A_114 : vector<16xf32>
    %get3A_116 = arith.constant 0 : i32
    %get3A_117 = arith.index_cast %get3A_116 : i32 to index
    %get3A_118 = arith.constant 368 : index
    %get3A_119 = tpu.vector_load %arg10[%get3A_117, %get3A_118] {strides = array<i32>} : memref<10x1024xf32, #tpu.memory_space<vmem>>, vector<16xf32>,
    %add3A_120 = arith.addf %add3A_115, %get3A_119 : vector<16xf32>
    %get3A_121 = arith.constant 0 : i32
    %get3A_122 = arith.index_cast %get3A_121 : i32 to index
    %get3A_123 = arith.constant 384 : index
    %get3A_124 = tpu.vector_load %arg10[%get3A_122, %get3A_123] {strides = array<i32>} : memref<10x1024xf32, #tpu.memory_space<vmem>>, vector<16xf32>,
    %add3A_125 = arith.addf %add3A_120, %get3A_124 : vector<16xf32>
    %get3A_126 = arith.constant 0 : i32
    %get3A_127 = arith.index_cast %get3A_126 : i32 to index
    %get3A_128 = arith.constant 400 : index
    %get3A_129 = tpu.vector_load %arg10[%get3A_127, %get3A_128] {strides = array<i32>} : memref<10x1024xf32, #tpu.memory_space<vmem>>, vector<16xf32>,
    %add3A_130 = arith.addf %add3A_125, %get3A_129 : vector<16xf32>
    %get3A_131 = arith.constant 0 : i32
    %get3A_132 = arith.index_cast %get3A_131 : i32 to index
    %get3A_133 = arith.constant 416 : index
    %get3A_134 = tpu.vector_load %arg10[%get3A_132, %get3A_133] {strides = array<i32>} : memref<10x1024xf32, #tpu.memory_space<vmem>>, vector<16xf32>,
    %add3A_135 = arith.addf %add3A_130, %get3A_134 : vector<16xf32>
    %get3A_136 = arith.constant 0 : i32
    %get3A_137 = arith.index_cast %get3A_136 : i32 to index
    %get3A_138 = arith.constant 432 : index
    %get3A_139 = tpu.vector_load %arg10[%get3A_137, %get3A_138] {strides = array<i32>} : memref<10x1024xf32, #tpu.memory_space<vmem>>, vector<16xf32>,
    %add3A_140 = arith.addf %add3A_135, %get3A_139 : vector<16xf32>
    %get3A_141 = arith.constant 0 : i32
    %get3A_142 = arith.index_cast %get3A_141 : i32 to index
    %get3A_143 = arith.constant 448 : index
    %get3A_144 = tpu.vector_load %arg10[%get3A_142, %get3A_143] {strides = array<i32>} : memref<10x1024xf32, #tpu.memory_space<vmem>>, vector<16xf32>,
    %add3A_145 = arith.addf %add3A_140, %get3A_144 : vector<16xf32>
    %get3A_146 = arith.constant 0 : i32
    %get3A_147 = arith.index_cast %get3A_146 : i32 to index
    %get3A_148 = arith.constant 464 : index
    %get3A_149 = tpu.vector_load %arg10[%get3A_147, %get3A_148] {strides = array<i32>} : memref<10x1024xf32, #tpu.memory_space<vmem>>, vector<16xf32>,
    %add3A_150 = arith.addf %add3A_145, %get3A_149 : vector<16xf32>
    %get3A_151 = arith.constant 0 : i32
    %get3A_152 = arith.index_cast %get3A_151 : i32 to index
    %get3A_153 = arith.constant 480 : index
    %get3A_154 = tpu.vector_load %arg10[%get3A_152, %get3A_153] {strides = array<i32>} : memref<10x1024xf32, #tpu.memory_space<vmem>>, vector<16xf32>,
    %add3A_155 = arith.addf %add3A_150, %get3A_154 : vector<16xf32>
    %get3A_156 = arith.constant 0 : i32
    %get3A_157 = arith.index_cast %get3A_156 : i32 to index
    %get3A_158 = arith.constant 496 : index
    %get3A_159 = tpu.vector_load %arg10[%get3A_157, %get3A_158] {strides = array<i32>} : memref<10x1024xf32, #tpu.memory_space<vmem>>, vector<16xf32>,
    %add3A_160 = arith.addf %add3A_155, %get3A_159 : vector<16xf32>
    %get3A_161 = arith.constant 0 : i32
    %get3A_162 = arith.index_cast %get3A_161 : i32 to index
    %get3A_163 = arith.constant 512 : index
    %get3A_164 = tpu.vector_load %arg10[%get3A_162, %get3A_163] {strides = array<i32>} : memref<10x1024xf32, #tpu.memory_space<vmem>>, vector<16xf32>,
    %add3A_165 = arith.addf %add3A_160, %get3A_164 : vector<16xf32>
    %get3A_166 = arith.constant 0 : i32
    %get3A_167 = arith.index_cast %get3A_166 : i32 to index
    %get3A_168 = arith.constant 528 : index
    %get3A_169 = tpu.vector_load %arg10[%get3A_167, %get3A_168] {strides = array<i32>} : memref<10x1024xf32, #tpu.memory_space<vmem>>, vector<16xf32>,
    %add3A_170 = arith.addf %add3A_165, %get3A_169 : vector<16xf32>
    %get3A_171 = arith.constant 0 : i32
    %get3A_172 = arith.index_cast %get3A_171 : i32 to index
    %get3A_173 = arith.constant 544 : index
    %get3A_174 = tpu.vector_load %arg10[%get3A_172, %get3A_173] {strides = array<i32>} : memref<10x1024xf32, #tpu.memory_space<vmem>>, vector<16xf32>,
    %add3A_175 = arith.addf %add3A_170, %get3A_174 : vector<16xf32>
    %get3A_176 = arith.constant 0 : i32
    %get3A_177 = arith.index_cast %get3A_176 : i32 to index
    %get3A_178 = arith.constant 560 : index
    %get3A_179 = tpu.vector_load %arg10[%get3A_177, %get3A_178] {strides = array<i32>} : memref<10x1024xf32, #tpu.memory_space<vmem>>, vector<16xf32>,
    %add3A_180 = arith.addf %add3A_175, %get3A_179 : vector<16xf32>
    %get3A_181 = arith.constant 0 : i32
    %get3A_182 = arith.index_cast %get3A_181 : i32 to index
    %get3A_183 = arith.constant 576 : index
    %get3A_184 = tpu.vector_load %arg10[%get3A_182, %get3A_183] {strides = array<i32>} : memref<10x1024xf32, #tpu.memory_space<vmem>>, vector<16xf32>,
    %add3A_185 = arith.addf %add3A_180, %get3A_184 : vector<16xf32>
    %get3A_186 = arith.constant 0 : i32
    %get3A_187 = arith.index_cast %get3A_186 : i32 to index
    %get3A_188 = arith.constant 592 : index
    %get3A_189 = tpu.vector_load %arg10[%get3A_187, %get3A_188] {strides = array<i32>} : memref<10x1024xf32, #tpu.memory_space<vmem>>, vector<16xf32>,
    %add3A_190 = arith.addf %add3A_185, %get3A_189 : vector<16xf32>
    %get3A_191 = arith.constant 0 : i32
    %get3A_192 = arith.index_cast %get3A_191 : i32 to index
    %get3A_193 = arith.constant 608 : index
    %get3A_194 = tpu.vector_load %arg10[%get3A_192, %get3A_193] {strides = array<i32>} : memref<10x1024xf32, #tpu.memory_space<vmem>>, vector<16xf32>,
    %add3A_195 = arith.addf %add3A_190, %get3A_194 : vector<16xf32>
    %get3A_196 = arith.constant 0 : i32
    %get3A_197 = arith.index_cast %get3A_196 : i32 to index
    %get3A_198 = arith.constant 624 : index
    %get3A_199 = tpu.vector_load %arg10[%get3A_197, %get3A_198] {strides = array<i32>} : memref<10x1024xf32, #tpu.memory_space<vmem>>, vector<16xf32>,
    %add3A_200 = arith.addf %add3A_195, %get3A_199 : vector<16xf32>
    %get3A_201 = arith.constant 0 : i32
    %get3A_202 = arith.index_cast %get3A_201 : i32 to index
    %get3A_203 = arith.constant 640 : index
    %get3A_204 = tpu.vector_load %arg10[%get3A_202, %get3A_203] {strides = array<i32>} : memref<10x1024xf32, #tpu.memory_space<vmem>>, vector<16xf32>,
    %add3A_205 = arith.addf %add3A_200, %get3A_204 : vector<16xf32>
    %get3A_206 = arith.constant 0 : i32
    %get3A_207 = arith.index_cast %get3A_206 : i32 to index
    %get3A_208 = arith.constant 656 : index
    %get3A_209 = tpu.vector_load %arg10[%get3A_207, %get3A_208] {strides = array<i32>} : memref<10x1024xf32, #tpu.memory_space<vmem>>, vector<16xf32>,
    %add3A_210 = arith.addf %add3A_205, %get3A_209 : vector<16xf32>
    %get3A_211 = arith.constant 0 : i32
    %get3A_212 = arith.index_cast %get3A_211 : i32 to index
    %get3A_213 = arith.constant 672 : index
    %get3A_214 = tpu.vector_load %arg10[%get3A_212, %get3A_213] {strides = array<i32>} : memref<10x1024xf32, #tpu.memory_space<vmem>>, vector<16xf32>,
    %add3A_215 = arith.addf %add3A_210, %get3A_214 : vector<16xf32>
    %get3A_216 = arith.constant 0 : i32
    %get3A_217 = arith.index_cast %get3A_216 : i32 to index
    %get3A_218 = arith.constant 688 : index
    %get3A_219 = tpu.vector_load %arg10[%get3A_217, %get3A_218] {strides = array<i32>} : memref<10x1024xf32, #tpu.memory_space<vmem>>, vector<16xf32>,
    %add3A_220 = arith.addf %add3A_215, %get3A_219 : vector<16xf32>
    %get3A_221 = arith.constant 0 : i32
    %get3A_222 = arith.index_cast %get3A_221 : i32 to index
    %get3A_223 = arith.constant 704 : index
    %get3A_224 = tpu.vector_load %arg10[%get3A_222, %get3A_223] {strides = array<i32>} : memref<10x1024xf32, #tpu.memory_space<vmem>>, vector<16xf32>,
    %add3A_225 = arith.addf %add3A_220, %get3A_224 : vector<16xf32>
    %get3A_226 = arith.constant 0 : i32
    %get3A_227 = arith.index_cast %get3A_226 : i32 to index
    %get3A_228 = arith.constant 720 : index
    %get3A_229 = tpu.vector_load %arg10[%get3A_227, %get3A_228] {strides = array<i32>} : memref<10x1024xf32, #tpu.memory_space<vmem>>, vector<16xf32>,
    %add3A_230 = arith.addf %add3A_225, %get3A_229 : vector<16xf32>
    %get3A_231 = arith.constant 0 : i32
    %get3A_232 = arith.index_cast %get3A_231 : i32 to index
    %get3A_233 = arith.constant 736 : index
    %get3A_234 = tpu.vector_load %arg10[%get3A_232, %get3A_233] {strides = array<i32>} : memref<10x1024xf32, #tpu.memory_space<vmem>>, vector<16xf32>,
    %add3A_235 = arith.addf %add3A_230, %get3A_234 : vector<16xf32>
    %get3A_236 = arith.constant 0 : i32
    %get3A_237 = arith.index_cast %get3A_236 : i32 to index
    %get3A_238 = arith.constant 752 : index
    %get3A_239 = tpu.vector_load %arg10[%get3A_237, %get3A_238] {strides = array<i32>} : memref<10x1024xf32, #tpu.memory_space<vmem>>, vector<16xf32>,
    %add3A_240 = arith.addf %add3A_235, %get3A_239 : vector<16xf32>
    %get3A_241 = arith.constant 0 : i32
    %get3A_242 = arith.index_cast %get3A_241 : i32 to index
    %get3A_243 = arith.constant 768 : index
    %get3A_244 = tpu.vector_load %arg10[%get3A_242, %get3A_243] {strides = array<i32>} : memref<10x1024xf32, #tpu.memory_space<vmem>>, vector<16xf32>,
    %add3A_245 = arith.addf %add3A_240, %get3A_244 : vector<16xf32>
    %get3A_246 = arith.constant 0 : i32
    %get3A_247 = arith.index_cast %get3A_246 : i32 to index
    %get3A_248 = arith.constant 784 : index
    %get3A_249 = tpu.vector_load %arg10[%get3A_247, %get3A_248] {strides = array<i32>} : memref<10x1024xf32, #tpu.memory_space<vmem>>, vector<16xf32>,
    %add3A_250 = arith.addf %add3A_245, %get3A_249 : vector<16xf32>
    %get3A_251 = arith.constant 0 : i32
    %get3A_252 = arith.index_cast %get3A_251 : i32 to index
    %get3A_253 = arith.constant 800 : index
    %get3A_254 = tpu.vector_load %arg10[%get3A_252, %get3A_253] {strides = array<i32>} : memref<10x1024xf32, #tpu.memory_space<vmem>>, vector<16xf32>,
    %add3A_255 = arith.addf %add3A_250, %get3A_254 : vector<16xf32>
    %get3A_256 = arith.constant 0 : i32
    %get3A_257 = arith.index_cast %get3A_256 : i32 to index
    %get3A_258 = arith.constant 816 : index
    %get3A_259 = tpu.vector_load %arg10[%get3A_257, %get3A_258] {strides = array<i32>} : memref<10x1024xf32, #tpu.memory_space<vmem>>, vector<16xf32>,
    %add3A_260 = arith.addf %add3A_255, %get3A_259 : vector<16xf32>
    %get3A_261 = arith.constant 0 : i32
    %get3A_262 = arith.index_cast %get3A_261 : i32 to index
    %get3A_263 = arith.constant 832 : index
    %get3A_264 = tpu.vector_load %arg10[%get3A_262, %get3A_263] {strides = array<i32>} : memref<10x1024xf32, #tpu.memory_space<vmem>>, vector<16xf32>,
    %add3A_265 = arith.addf %add3A_260, %get3A_264 : vector<16xf32>
    %get3A_266 = arith.constant 0 : i32
    %get3A_267 = arith.index_cast %get3A_266 : i32 to index
    %get3A_268 = arith.constant 848 : index
    %get3A_269 = tpu.vector_load %arg10[%get3A_267, %get3A_268] {strides = array<i32>} : memref<10x1024xf32, #tpu.memory_space<vmem>>, vector<16xf32>,
    %add3A_270 = arith.addf %add3A_265, %get3A_269 : vector<16xf32>
    %get3A_271 = arith.constant 0 : i32
    %get3A_272 = arith.index_cast %get3A_271 : i32 to index
    %get3A_273 = arith.constant 864 : index
    %get3A_274 = tpu.vector_load %arg10[%get3A_272, %get3A_273] {strides = array<i32>} : memref<10x1024xf32, #tpu.memory_space<vmem>>, vector<16xf32>,
    %add3A_275 = arith.addf %add3A_270, %get3A_274 : vector<16xf32>
    %get3A_276 = arith.constant 0 : i32
    %get3A_277 = arith.index_cast %get3A_276 : i32 to index
    %get3A_278 = arith.constant 880 : index
    %get3A_279 = tpu.vector_load %arg10[%get3A_277, %get3A_278] {strides = array<i32>} : memref<10x1024xf32, #tpu.memory_space<vmem>>, vector<16xf32>,
    %add3A_280 = arith.addf %add3A_275, %get3A_279 : vector<16xf32>
    %get3A_281 = arith.constant 0 : i32
    %get3A_282 = arith.index_cast %get3A_281 : i32 to index
    %get3A_283 = arith.constant 896 : index
    %get3A_284 = tpu.vector_load %arg10[%get3A_282, %get3A_283] {strides = array<i32>} : memref<10x1024xf32, #tpu.memory_space<vmem>>, vector<16xf32>,
    %add3A_285 = arith.addf %add3A_280, %get3A_284 : vector<16xf32>
    %get3A_286 = arith.constant 0 : i32
    %get3A_287 = arith.index_cast %get3A_286 : i32 to index
    %get3A_288 = arith.constant 912 : index
    %get3A_289 = tpu.vector_load %arg10[%get3A_287, %get3A_288] {strides = array<i32>} : memref<10x1024xf32, #tpu.memory_space<vmem>>, vector<16xf32>,
    %add3A_290 = arith.addf %add3A_285, %get3A_289 : vector<16xf32>
    %get3A_291 = arith.constant 0 : i32
    %get3A_292 = arith.index_cast %get3A_291 : i32 to index
    %get3A_293 = arith.constant 928 : index
    %get3A_294 = tpu.vector_load %arg10[%get3A_292, %get3A_293] {strides = array<i32>} : memref<10x1024xf32, #tpu.memory_space<vmem>>, vector<16xf32>,
    %add3A_295 = arith.addf %add3A_290, %get3A_294 : vector<16xf32>
    %get3A_296 = arith.constant 0 : i32
    %get3A_297 = arith.index_cast %get3A_296 : i32 to index
    %get3A_298 = arith.constant 944 : index
    %get3A_299 = tpu.vector_load %arg10[%get3A_297, %get3A_298] {strides = array<i32>} : memref<10x1024xf32, #tpu.memory_space<vmem>>, vector<16xf32>,
    %add3A_300 = arith.addf %add3A_295, %get3A_299 : vector<16xf32>
    %get3A_301 = arith.constant 0 : i32
    %get3A_302 = arith.index_cast %get3A_301 : i32 to index
    %get3A_303 = arith.constant 960 : index
    %get3A_304 = tpu.vector_load %arg10[%get3A_302, %get3A_303] {strides = array<i32>} : memref<10x1024xf32, #tpu.memory_space<vmem>>, vector<16xf32>,
    %add3A_305 = arith.addf %add3A_300, %get3A_304 : vector<16xf32>
    %get3A_306 = arith.constant 0 : i32
    %get3A_307 = arith.index_cast %get3A_306 : i32 to index
    %get3A_308 = arith.constant 976 : index
    %get3A_309 = tpu.vector_load %arg10[%get3A_307, %get3A_308] {strides = array<i32>} : memref<10x1024xf32, #tpu.memory_space<vmem>>, vector<16xf32>,
    %add3A_310 = arith.addf %add3A_305, %get3A_309 : vector<16xf32>
    %get3A_311 = arith.constant 0 : i32
    %get3A_312 = arith.index_cast %get3A_311 : i32 to index
    %get3A_313 = arith.constant 992 : index
    %get3A_314 = tpu.vector_load %arg10[%get3A_312, %get3A_313] {strides = array<i32>} : memref<10x1024xf32, #tpu.memory_space<vmem>>, vector<16xf32>,
    %add3A_315 = arith.addf %add3A_310, %get3A_314 : vector<16xf32>
    %get3A_316 = arith.constant 0 : i32
    %get3A_317 = arith.index_cast %get3A_316 : i32 to index
    %get3A_318 = arith.constant 1008 : index
    %get3A_319 = tpu.vector_load %arg10[%get3A_317, %get3A_318] {strides = array<i32>} : memref<10x1024xf32, #tpu.memory_space<vmem>>, vector<16xf32>,
    %add3A_320 = arith.addf %add3A_315, %get3A_319 : vector<16xf32>
    %reduce_sum3A = arith.constant true
    %reduce_sum3A_321 = vector.broadcast %reduce_sum3A : i1 to vector<16xi1>
    %reduce_sum3A_322 = tpu.scan <sum>, %add3A_320 masked %reduce_sum3A_321 : vector<16xf32>, vector<16xi1> -> vector<16xf32>
    %reduce_sum3A_323 = vector.extract %reduce_sum3A_322[15] : f32 from vector<16xf32>
    %broadcast_in_dim3A_324 = arith.constant 0.000000e+00 : f32
    %broadcast_in_dim3A_325 = vector.broadcast %broadcast_in_dim3A_324 : f32 to vector<16xf32>
    %get3A_326 = arith.constant 1 : i32
    %get3A_327 = arith.index_cast %get3A_326 : i32 to index
    %get3A_328 = arith.constant 0 : index
    %get3A_329 = tpu.vector_load %arg10[%get3A_327, %get3A_328] {strides = array<i32>} : memref<10x1024xf32, #tpu.memory_space<vmem>>, vector<16xf32>,
    %add3A_330 = arith.addf %broadcast_in_dim3A_325, %get3A_329 : vector<16xf32>
    %get3A_331 = arith.constant 1 : i32
    %get3A_332 = arith.index_cast %get3A_331 : i32 to index
    %get3A_333 = arith.constant 16 : index
    %get3A_334 = tpu.vector_load %arg10[%get3A_332, %get3A_333] {strides = array<i32>} : memref<10x1024xf32, #tpu.memory_space<vmem>>, vector<16xf32>,
    %add3A_335 = arith.addf %add3A_330, %get3A_334 : vector<16xf32>
    %get3A_336 = arith.constant 1 : i32
    %get3A_337 = arith.index_cast %get3A_336 : i32 to index
    %get3A_338 = arith.constant 32 : index
    %get3A_339 = tpu.vector_load %arg10[%get3A_337, %get3A_338] {strides = array<i32>} : memref<10x1024xf32, #tpu.memory_space<vmem>>, vector<16xf32>,
    %add3A_340 = arith.addf %add3A_335, %get3A_339 : vector<16xf32>
    %get3A_341 = arith.constant 1 : i32
    %get3A_342 = arith.index_cast %get3A_341 : i32 to index
    %get3A_343 = arith.constant 48 : index
    %get3A_344 = tpu.vector_load %arg10[%get3A_342, %get3A_343] {strides = array<i32>} : memref<10x1024xf32, #tpu.memory_space<vmem>>, vector<16xf32>,
    %add3A_345 = arith.addf %add3A_340, %get3A_344 : vector<16xf32>
    %get3A_346 = arith.constant 1 : i32
    %get3A_347 = arith.index_cast %get3A_346 : i32 to index
    %get3A_348 = arith.constant 64 : index
    %get3A_349 = tpu.vector_load %arg10[%get3A_347, %get3A_348] {strides = array<i32>} : memref<10x1024xf32, #tpu.memory_space<vmem>>, vector<16xf32>,
    %add3A_350 = arith.addf %add3A_345, %get3A_349 : vector<16xf32>
    %get3A_351 = arith.constant 1 : i32
    %get3A_352 = arith.index_cast %get3A_351 : i32 to index
    %get3A_353 = arith.constant 80 : index
    %get3A_354 = tpu.vector_load %arg10[%get3A_352, %get3A_353] {strides = array<i32>} : memref<10x1024xf32, #tpu.memory_space<vmem>>, vector<16xf32>,
    %add3A_355 = arith.addf %add3A_350, %get3A_354 : vector<16xf32>
    %get3A_356 = arith.constant 1 : i32
    %get3A_357 = arith.index_cast %get3A_356 : i32 to index
    %get3A_358 = arith.constant 96 : index
    %get3A_359 = tpu.vector_load %arg10[%get3A_357, %get3A_358] {strides = array<i32>} : memref<10x1024xf32, #tpu.memory_space<vmem>>, vector<16xf32>,
    %add3A_360 = arith.addf %add3A_355, %get3A_359 : vector<16xf32>
    %get3A_361 = arith.constant 1 : i32
    %get3A_362 = arith.index_cast %get3A_361 : i32 to index
    %get3A_363 = arith.constant 112 : index
    %get3A_364 = tpu.vector_load %arg10[%get3A_362, %get3A_363] {strides = array<i32>} : memref<10x1024xf32, #tpu.memory_space<vmem>>, vector<16xf32>,
    %add3A_365 = arith.addf %add3A_360, %get3A_364 : vector<16xf32>
    %get3A_366 = arith.constant 1 : i32
    %get3A_367 = arith.index_cast %get3A_366 : i32 to index
    %get3A_368 = arith.constant 128 : index
    %get3A_369 = tpu.vector_load %arg10[%get3A_367, %get3A_368] {strides = array<i32>} : memref<10x1024xf32, #tpu.memory_space<vmem>>, vector<16xf32>,
    %add3A_370 = arith.addf %add3A_365, %get3A_369 : vector<16xf32>
    %get3A_371 = arith.constant 1 : i32
    %get3A_372 = arith.index_cast %get3A_371 : i32 to index
    %get3A_373 = arith.constant 144 : index
    %get3A_374 = tpu.vector_load %arg10[%get3A_372, %get3A_373] {strides = array<i32>} : memref<10x1024xf32, #tpu.memory_space<vmem>>, vector<16xf32>,
    %add3A_375 = arith.addf %add3A_370, %get3A_374 : vector<16xf32>
    %get3A_376 = arith.constant 1 : i32
    %get3A_377 = arith.index_cast %get3A_376 : i32 to index
    %get3A_378 = arith.constant 160 : index
    %get3A_379 = tpu.vector_load %arg10[%get3A_377, %get3A_378] {strides = array<i32>} : memref<10x1024xf32, #tpu.memory_space<vmem>>, vector<16xf32>,
    %add3A_380 = arith.addf %add3A_375, %get3A_379 : vector<16xf32>
    %get3A_381 = arith.constant 1 : i32
    %get3A_382 = arith.index_cast %get3A_381 : i32 to index
    %get3A_383 = arith.constant 176 : index
    %get3A_384 = tpu.vector_load %arg10[%get3A_382, %get3A_383] {strides = array<i32>} : memref<10x1024xf32, #tpu.memory_space<vmem>>, vector<16xf32>,
    %add3A_385 = arith.addf %add3A_380, %get3A_384 : vector<16xf32>
    %get3A_386 = arith.constant 1 : i32
    %get3A_387 = arith.index_cast %get3A_386 : i32 to index
    %get3A_388 = arith.constant 192 : index
    %get3A_389 = tpu.vector_load %arg10[%get3A_387, %get3A_388] {strides = array<i32>} : memref<10x1024xf32, #tpu.memory_space<vmem>>, vector<16xf32>,
    %add3A_390 = arith.addf %add3A_385, %get3A_389 : vector<16xf32>
    %get3A_391 = arith.constant 1 : i32
    %get3A_392 = arith.index_cast %get3A_391 : i32 to index
    %get3A_393 = arith.constant 208 : index
    %get3A_394 = tpu.vector_load %arg10[%get3A_392, %get3A_393] {strides = array<i32>} : memref<10x1024xf32, #tpu.memory_space<vmem>>, vector<16xf32>,
    %add3A_395 = arith.addf %add3A_390, %get3A_394 : vector<16xf32>
    %get3A_396 = arith.constant 1 : i32
    %get3A_397 = arith.index_cast %get3A_396 : i32 to index
    %get3A_398 = arith.constant 224 : index
    %get3A_399 = tpu.vector_load %arg10[%get3A_397, %get3A_398] {strides = array<i32>} : memref<10x1024xf32, #tpu.memory_space<vmem>>, vector<16xf32>,
    %add3A_400 = arith.addf %add3A_395, %get3A_399 : vector<16xf32>
    %get3A_401 = arith.constant 1 : i32
    %get3A_402 = arith.index_cast %get3A_401 : i32 to index
    %get3A_403 = arith.constant 240 : index
    %get3A_404 = tpu.vector_load %arg10[%get3A_402, %get3A_403] {strides = array<i32>} : memref<10x1024xf32, #tpu.memory_space<vmem>>, vector<16xf32>,
    %add3A_405 = arith.addf %add3A_400, %get3A_404 : vector<16xf32>
    %get3A_406 = arith.constant 1 : i32
    %get3A_407 = arith.index_cast %get3A_406 : i32 to index
    %get3A_408 = arith.constant 256 : index
    %get3A_409 = tpu.vector_load %arg10[%get3A_407, %get3A_408] {strides = array<i32>} : memref<10x1024xf32, #tpu.memory_space<vmem>>, vector<16xf32>,
    %add3A_410 = arith.addf %add3A_405, %get3A_409 : vector<16xf32>
    %get3A_411 = arith.constant 1 : i32
    %get3A_412 = arith.index_cast %get3A_411 : i32 to index
    %get3A_413 = arith.constant 272 : index
    %get3A_414 = tpu.vector_load %arg10[%get3A_412, %get3A_413] {strides = array<i32>} : memref<10x1024xf32, #tpu.memory_space<vmem>>, vector<16xf32>,
    %add3A_415 = arith.addf %add3A_410, %get3A_414 : vector<16xf32>
    %get3A_416 = arith.constant 1 : i32
    %get3A_417 = arith.index_cast %get3A_416 : i32 to index
    %get3A_418 = arith.constant 288 : index
    %get3A_419 = tpu.vector_load %arg10[%get3A_417, %get3A_418] {strides = array<i32>} : memref<10x1024xf32, #tpu.memory_space<vmem>>, vector<16xf32>,
    %add3A_420 = arith.addf %add3A_415, %get3A_419 : vector<16xf32>
    %get3A_421 = arith.constant 1 : i32
    %get3A_422 = arith.index_cast %get3A_421 : i32 to index
    %get3A_423 = arith.constant 304 : index
    %get3A_424 = tpu.vector_load %arg10[%get3A_422, %get3A_423] {strides = array<i32>} : memref<10x1024xf32, #tpu.memory_space<vmem>>, vector<16xf32>,
    %add3A_425 = arith.addf %add3A_420, %get3A_424 : vector<16xf32>
    %get3A_426 = arith.constant 1 : i32
    %get3A_427 = arith.index_cast %get3A_426 : i32 to index
    %get3A_428 = arith.constant 320 : index
    %get3A_429 = tpu.vector_load %arg10[%get3A_427, %get3A_428] {strides = array<i32>} : memref<10x1024xf32, #tpu.memory_space<vmem>>, vector<16xf32>,
    %add3A_430 = arith.addf %add3A_425, %get3A_429 : vector<16xf32>
    %get3A_431 = arith.constant 1 : i32
    %get3A_432 = arith.index_cast %get3A_431 : i32 to index
    %get3A_433 = arith.constant 336 : index
    %get3A_434 = tpu.vector_load %arg10[%get3A_432, %get3A_433] {strides = array<i32>} : memref<10x1024xf32, #tpu.memory_space<vmem>>, vector<16xf32>,
    %add3A_435 = arith.addf %add3A_430, %get3A_434 : vector<16xf32>
    %get3A_436 = arith.constant 1 : i32
    %get3A_437 = arith.index_cast %get3A_436 : i32 to index
    %get3A_438 = arith.constant 352 : index
    %get3A_439 = tpu.vector_load %arg10[%get3A_437, %get3A_438] {strides = array<i32>} : memref<10x1024xf32, #tpu.memory_space<vmem>>, vector<16xf32>,
    %add3A_440 = arith.addf %add3A_435, %get3A_439 : vector<16xf32>
    %get3A_441 = arith.constant 1 : i32
    %get3A_442 = arith.index_cast %get3A_441 : i32 to index
    %get3A_443 = arith.constant 368 : index
    %get3A_444 = tpu.vector_load %arg10[%get3A_442, %get3A_443] {strides = array<i32>} : memref<10x1024xf32, #tpu.memory_space<vmem>>, vector<16xf32>,
    %add3A_445 = arith.addf %add3A_440, %get3A_444 : vector<16xf32>
    %get3A_446 = arith.constant 1 : i32
    %get3A_447 = arith.index_cast %get3A_446 : i32 to index
    %get3A_448 = arith.constant 384 : index
    %get3A_449 = tpu.vector_load %arg10[%get3A_447, %get3A_448] {strides = array<i32>} : memref<10x1024xf32, #tpu.memory_space<vmem>>, vector<16xf32>,
    %add3A_450 = arith.addf %add3A_445, %get3A_449 : vector<16xf32>
    %get3A_451 = arith.constant 1 : i32
    %get3A_452 = arith.index_cast %get3A_451 : i32 to index
    %get3A_453 = arith.constant 400 : index
    %get3A_454 = tpu.vector_load %arg10[%get3A_452, %get3A_453] {strides = array<i32>} : memref<10x1024xf32, #tpu.memory_space<vmem>>, vector<16xf32>,
    %add3A_455 = arith.addf %add3A_450, %get3A_454 : vector<16xf32>
    %get3A_456 = arith.constant 1 : i32
    %get3A_457 = arith.index_cast %get3A_456 : i32 to index
    %get3A_458 = arith.constant 416 : index
    %get3A_459 = tpu.vector_load %arg10[%get3A_457, %get3A_458] {strides = array<i32>} : memref<10x1024xf32, #tpu.memory_space<vmem>>, vector<16xf32>,
    %add3A_460 = arith.addf %add3A_455, %get3A_459 : vector<16xf32>
    %get3A_461 = arith.constant 1 : i32
    %get3A_462 = arith.index_cast %get3A_461 : i32 to index
    %get3A_463 = arith.constant 432 : index
    %get3A_464 = tpu.vector_load %arg10[%get3A_462, %get3A_463] {strides = array<i32>} : memref<10x1024xf32, #tpu.memory_space<vmem>>, vector<16xf32>,
    %add3A_465 = arith.addf %add3A_460, %get3A_464 : vector<16xf32>
    %get3A_466 = arith.constant 1 : i32
    %get3A_467 = arith.index_cast %get3A_466 : i32 to index
    %get3A_468 = arith.constant 448 : index
    %get3A_469 = tpu.vector_load %arg10[%get3A_467, %get3A_468] {strides = array<i32>} : memref<10x1024xf32, #tpu.memory_space<vmem>>, vector<16xf32>,
    %add3A_470 = arith.addf %add3A_465, %get3A_469 : vector<16xf32>
    %get3A_471 = arith.constant 1 : i32
    %get3A_472 = arith.index_cast %get3A_471 : i32 to index
    %get3A_473 = arith.constant 464 : index
    %get3A_474 = tpu.vector_load %arg10[%get3A_472, %get3A_473] {strides = array<i32>} : memref<10x1024xf32, #tpu.memory_space<vmem>>, vector<16xf32>,
    %add3A_475 = arith.addf %add3A_470, %get3A_474 : vector<16xf32>
    %get3A_476 = arith.constant 1 : i32
    %get3A_477 = arith.index_cast %get3A_476 : i32 to index
    %get3A_478 = arith.constant 480 : index
    %get3A_479 = tpu.vector_load %arg10[%get3A_477, %get3A_478] {strides = array<i32>} : memref<10x1024xf32, #tpu.memory_space<vmem>>, vector<16xf32>,
    %add3A_480 = arith.addf %add3A_475, %get3A_479 : vector<16xf32>
    %get3A_481 = arith.constant 1 : i32
    %get3A_482 = arith.index_cast %get3A_481 : i32 to index
    %get3A_483 = arith.constant 496 : index
    %get3A_484 = tpu.vector_load %arg10[%get3A_482, %get3A_483] {strides = array<i32>} : memref<10x1024xf32, #tpu.memory_space<vmem>>, vector<16xf32>,
    %add3A_485 = arith.addf %add3A_480, %get3A_484 : vector<16xf32>
    %get3A_486 = arith.constant 1 : i32
    %get3A_487 = arith.index_cast %get3A_486 : i32 to index
    %get3A_488 = arith.constant 512 : index
    %get3A_489 = tpu.vector_load %arg10[%get3A_487, %get3A_488] {strides = array<i32>} : memref<10x1024xf32, #tpu.memory_space<vmem>>, vector<16xf32>,
    %add3A_490 = arith.addf %add3A_485, %get3A_489 : vector<16xf32>
    %get3A_491 = arith.constant 1 : i32
    %get3A_492 = arith.index_cast %get3A_491 : i32 to index
    %get3A_493 = arith.constant 528 : index
    %get3A_494 = tpu.vector_load %arg10[%get3A_492, %get3A_493] {strides = array<i32>} : memref<10x1024xf32, #tpu.memory_space<vmem>>, vector<16xf32>,
    %add3A_495 = arith.addf %add3A_490, %get3A_494 : vector<16xf32>
    %get3A_496 = arith.constant 1 : i32
    %get3A_497 = arith.index_cast %get3A_496 : i32 to index
    %get3A_498 = arith.constant 544 : index
    %get3A_499 = tpu.vector_load %arg10[%get3A_497, %get3A_498] {strides = array<i32>} : memref<10x1024xf32, #tpu.memory_space<vmem>>, vector<16xf32>,
    %add3A_500 = arith.addf %add3A_495, %get3A_499 : vector<16xf32>
    %get3A_501 = arith.constant 1 : i32
    %get3A_502 = arith.index_cast %get3A_501 : i32 to index
    %get3A_503 = arith.constant 560 : index
    %get3A_504 = tpu.vector_load %arg10[%get3A_502, %get3A_503] {strides = array<i32>} : memref<10x1024xf32, #tpu.memory_space<vmem>>, vector<16xf32>,
    %add3A_505 = arith.addf %add3A_500, %get3A_504 : vector<16xf32>
    %get3A_506 = arith.constant 1 : i32
    %get3A_507 = arith.index_cast %get3A_506 : i32 to index
    %get3A_508 = arith.constant 576 : index
    %get3A_509 = tpu.vector_load %arg10[%get3A_507, %get3A_508] {strides = array<i32>} : memref<10x1024xf32, #tpu.memory_space<vmem>>, vector<16xf32>,
    %add3A_510 = arith.addf %add3A_505, %get3A_509 : vector<16xf32>
    %get3A_511 = arith.constant 1 : i32
    %get3A_512 = arith.index_cast %get3A_511 : i32 to index
    %get3A_513 = arith.constant 592 : index
    %get3A_514 = tpu.vector_load %arg10[%get3A_512, %get3A_513] {strides = array<i32>} : memref<10x1024xf32, #tpu.memory_space<vmem>>, vector<16xf32>,
    %add3A_515 = arith.addf %add3A_510, %get3A_514 : vector<16xf32>
    %get3A_516 = arith.constant 1 : i32
    %get3A_517 = arith.index_cast %get3A_516 : i32 to index
    %get3A_518 = arith.constant 608 : index
    %get3A_519 = tpu.vector_load %arg10[%get3A_517, %get3A_518] {strides = array<i32>} : memref<10x1024xf32, #tpu.memory_space<vmem>>, vector<16xf32>,
    %add3A_520 = arith.addf %add3A_515, %get3A_519 : vector<16xf32>
    %get3A_521 = arith.constant 1 : i32
    %get3A_522 = arith.index_cast %get3A_521 : i32 to index
    %get3A_523 = arith.constant 624 : index
    %get3A_524 = tpu.vector_load %arg10[%get3A_522, %get3A_523] {strides = array<i32>} : memref<10x1024xf32, #tpu.memory_space<vmem>>, vector<16xf32>,
    %add3A_525 = arith.addf %add3A_520, %get3A_524 : vector<16xf32>
    %get3A_526 = arith.constant 1 : i32
    %get3A_527 = arith.index_cast %get3A_526 : i32 to index
    %get3A_528 = arith.constant 640 : index
    %get3A_529 = tpu.vector_load %arg10[%get3A_527, %get3A_528] {strides = array<i32>} : memref<10x1024xf32, #tpu.memory_space<vmem>>, vector<16xf32>,
    %add3A_530 = arith.addf %add3A_525, %get3A_529 : vector<16xf32>
    %get3A_531 = arith.constant 1 : i32
    %get3A_532 = arith.index_cast %get3A_531 : i32 to index
    %get3A_533 = arith.constant 656 : index
    %get3A_534 = tpu.vector_load %arg10[%get3A_532, %get3A_533] {strides = array<i32>} : memref<10x1024xf32, #tpu.memory_space<vmem>>, vector<16xf32>,
    %add3A_535 = arith.addf %add3A_530, %get3A_534 : vector<16xf32>
    %get3A_536 = arith.constant 1 : i32
    %get3A_537 = arith.index_cast %get3A_536 : i32 to index
    %get3A_538 = arith.constant 672 : index
    %get3A_539 = tpu.vector_load %arg10[%get3A_537, %get3A_538] {strides = array<i32>} : memref<10x1024xf32, #tpu.memory_space<vmem>>, vector<16xf32>,
    %add3A_540 = arith.addf %add3A_535, %get3A_539 : vector<16xf32>
    %get3A_541 = arith.constant 1 : i32
    %get3A_542 = arith.index_cast %get3A_541 : i32 to index
    %get3A_543 = arith.constant 688 : index
    %get3A_544 = tpu.vector_load %arg10[%get3A_542, %get3A_543] {strides = array<i32>} : memref<10x1024xf32, #tpu.memory_space<vmem>>, vector<16xf32>,
    %add3A_545 = arith.addf %add3A_540, %get3A_544 : vector<16xf32>
    %get3A_546 = arith.constant 1 : i32
    %get3A_547 = arith.index_cast %get3A_546 : i32 to index
    %get3A_548 = arith.constant 704 : index
    %get3A_549 = tpu.vector_load %arg10[%get3A_547, %get3A_548] {strides = array<i32>} : memref<10x1024xf32, #tpu.memory_space<vmem>>, vector<16xf32>,
    %add3A_550 = arith.addf %add3A_545, %get3A_549 : vector<16xf32>
    %get3A_551 = arith.constant 1 : i32
    %get3A_552 = arith.index_cast %get3A_551 : i32 to index
    %get3A_553 = arith.constant 720 : index
    %get3A_554 = tpu.vector_load %arg10[%get3A_552, %get3A_553] {strides = array<i32>} : memref<10x1024xf32, #tpu.memory_space<vmem>>, vector<16xf32>,
    %add3A_555 = arith.addf %add3A_550, %get3A_554 : vector<16xf32>
    %get3A_556 = arith.constant 1 : i32
    %get3A_557 = arith.index_cast %get3A_556 : i32 to index
    %get3A_558 = arith.constant 736 : index
    %get3A_559 = tpu.vector_load %arg10[%get3A_557, %get3A_558] {strides = array<i32>} : memref<10x1024xf32, #tpu.memory_space<vmem>>, vector<16xf32>,
    %add3A_560 = arith.addf %add3A_555, %get3A_559 : vector<16xf32>
    %get3A_561 = arith.constant 1 : i32
    %get3A_562 = arith.index_cast %get3A_561 : i32 to index
    %get3A_563 = arith.constant 752 : index
    %get3A_564 = tpu.vector_load %arg10[%get3A_562, %get3A_563] {strides = array<i32>} : memref<10x1024xf32, #tpu.memory_space<vmem>>, vector<16xf32>,
    %add3A_565 = arith.addf %add3A_560, %get3A_564 : vector<16xf32>
    %get3A_566 = arith.constant 1 : i32
    %get3A_567 = arith.index_cast %get3A_566 : i32 to index
    %get3A_568 = arith.constant 768 : index
    %get3A_569 = tpu.vector_load %arg10[%get3A_567, %get3A_568] {strides = array<i32>} : memref<10x1024xf32, #tpu.memory_space<vmem>>, vector<16xf32>,
    %add3A_570 = arith.addf %add3A_565, %get3A_569 : vector<16xf32>
    %get3A_571 = arith.constant 1 : i32
    %get3A_572 = arith.index_cast %get3A_571 : i32 to index
    %get3A_573 = arith.constant 784 : index
    %get3A_574 = tpu.vector_load %arg10[%get3A_572, %get3A_573] {strides = array<i32>} : memref<10x1024xf32, #tpu.memory_space<vmem>>, vector<16xf32>,
    %add3A_575 = arith.addf %add3A_570, %get3A_574 : vector<16xf32>
    %get3A_576 = arith.constant 1 : i32
    %get3A_577 = arith.index_cast %get3A_576 : i32 to index
    %get3A_578 = arith.constant 800 : index
    %get3A_579 = tpu.vector_load %arg10[%get3A_577, %get3A_578] {strides = array<i32>} : memref<10x1024xf32, #tpu.memory_space<vmem>>, vector<16xf32>,
    %add3A_580 = arith.addf %add3A_575, %get3A_579 : vector<16xf32>
    %get3A_581 = arith.constant 1 : i32
    %get3A_582 = arith.index_cast %get3A_581 : i32 to index
    %get3A_583 = arith.constant 816 : index
    %get3A_584 = tpu.vector_load %arg10[%get3A_582, %get3A_583] {strides = array<i32>} : memref<10x1024xf32, #tpu.memory_space<vmem>>, vector<16xf32>,
    %add3A_585 = arith.addf %add3A_580, %get3A_584 : vector<16xf32>
    %get3A_586 = arith.constant 1 : i32
    %get3A_587 = arith.index_cast %get3A_586 : i32 to index
    %get3A_588 = arith.constant 832 : index
    %get3A_589 = tpu.vector_load %arg10[%get3A_587, %get3A_588] {strides = array<i32>} : memref<10x1024xf32, #tpu.memory_space<vmem>>, vector<16xf32>,
    %add3A_590 = arith.addf %add3A_585, %get3A_589 : vector<16xf32>
    %get3A_591 = arith.constant 1 : i32
    %get3A_592 = arith.index_cast %get3A_591 : i32 to index
    %get3A_593 = arith.constant 848 : index
    %get3A_594 = tpu.vector_load %arg10[%get3A_592, %get3A_593] {strides = array<i32>} : memref<10x1024xf32, #tpu.memory_space<vmem>>, vector<16xf32>,
    %add3A_595 = arith.addf %add3A_590, %get3A_594 : vector<16xf32>
    %get3A_596 = arith.constant 1 : i32
    %get3A_597 = arith.index_cast %get3A_596 : i32 to index
    %get3A_598 = arith.constant 864 : index
    %get3A_599 = tpu.vector_load %arg10[%get3A_597, %get3A_598] {strides = array<i32>} : memref<10x1024xf32, #tpu.memory_space<vmem>>, vector<16xf32>,
    %add3A_600 = arith.addf %add3A_595, %get3A_599 : vector<16xf32>
    %get3A_601 = arith.constant 1 : i32
    %get3A_602 = arith.index_cast %get3A_601 : i32 to index
    %get3A_603 = arith.constant 880 : index
    %get3A_604 = tpu.vector_load %arg10[%get3A_602, %get3A_603] {strides = array<i32>} : memref<10x1024xf32, #tpu.memory_space<vmem>>, vector<16xf32>,
    %add3A_605 = arith.addf %add3A_600, %get3A_604 : vector<16xf32>
    %get3A_606 = arith.constant 1 : i32
    %get3A_607 = arith.index_cast %get3A_606 : i32 to index
    %get3A_608 = arith.constant 896 : index
    %get3A_609 = tpu.vector_load %arg10[%get3A_607, %get3A_608] {strides = array<i32>} : memref<10x1024xf32, #tpu.memory_space<vmem>>, vector<16xf32>,
    %add3A_610 = arith.addf %add3A_605, %get3A_609 : vector<16xf32>
    %get3A_611 = arith.constant 1 : i32
    %get3A_612 = arith.index_cast %get3A_611 : i32 to index
    %get3A_613 = arith.constant 912 : index
    %get3A_614 = tpu.vector_load %arg10[%get3A_612, %get3A_613] {strides = array<i32>} : memref<10x1024xf32, #tpu.memory_space<vmem>>, vector<16xf32>,
    %add3A_615 = arith.addf %add3A_610, %get3A_614 : vector<16xf32>
    %get3A_616 = arith.constant 1 : i32
    %get3A_617 = arith.index_cast %get3A_616 : i32 to index
    %get3A_618 = arith.constant 928 : index
    %get3A_619 = tpu.vector_load %arg10[%get3A_617, %get3A_618] {strides = array<i32>} : memref<10x1024xf32, #tpu.memory_space<vmem>>, vector<16xf32>,
    %add3A_620 = arith.addf %add3A_615, %get3A_619 : vector<16xf32>
    %get3A_621 = arith.constant 1 : i32
    %get3A_622 = arith.index_cast %get3A_621 : i32 to index
    %get3A_623 = arith.constant 944 : index
    %get3A_624 = tpu.vector_load %arg10[%get3A_622, %get3A_623] {strides = array<i32>} : memref<10x1024xf32, #tpu.memory_space<vmem>>, vector<16xf32>,
    %add3A_625 = arith.addf %add3A_620, %get3A_624 : vector<16xf32>
    %get3A_626 = arith.constant 1 : i32
    %get3A_627 = arith.index_cast %get3A_626 : i32 to index
    %get3A_628 = arith.constant 960 : index
    %get3A_629 = tpu.vector_load %arg10[%get3A_627, %get3A_628] {strides = array<i32>} : memref<10x1024xf32, #tpu.memory_space<vmem>>, vector<16xf32>,
    %add3A_630 = arith.addf %add3A_625, %get3A_629 : vector<16xf32>
    %get3A_631 = arith.constant 1 : i32
    %get3A_632 = arith.index_cast %get3A_631 : i32 to index
    %get3A_633 = arith.constant 976 : index
    %get3A_634 = tpu.vector_load %arg10[%get3A_632, %get3A_633] {strides = array<i32>} : memref<10x1024xf32, #tpu.memory_space<vmem>>, vector<16xf32>,
    %add3A_635 = arith.addf %add3A_630, %get3A_634 : vector<16xf32>
    %get3A_636 = arith.constant 1 : i32
    %get3A_637 = arith.index_cast %get3A_636 : i32 to index
    %get3A_638 = arith.constant 992 : index
    %get3A_639 = tpu.vector_load %arg10[%get3A_637, %get3A_638] {strides = array<i32>} : memref<10x1024xf32, #tpu.memory_space<vmem>>, vector<16xf32>,
    %add3A_640 = arith.addf %add3A_635, %get3A_639 : vector<16xf32>
    %get3A_641 = arith.constant 1 : i32
    %get3A_642 = arith.index_cast %get3A_641 : i32 to index
    %get3A_643 = arith.constant 1008 : index
    %get3A_644 = tpu.vector_load %arg10[%get3A_642, %get3A_643] {strides = array<i32>} : memref<10x1024xf32, #tpu.memory_space<vmem>>, vector<16xf32>,
    %add3A_645 = arith.addf %add3A_640, %get3A_644 : vector<16xf32>
    %reduce_sum3A_646 = arith.constant true
    %reduce_sum3A_647 = vector.broadcast %reduce_sum3A_646 : i1 to vector<16xi1>
    %reduce_sum3A_648 = tpu.scan <sum>, %add3A_645 masked %reduce_sum3A_647 : vector<16xf32>, vector<16xi1> -> vector<16xf32>
    %reduce_sum3A_649 = vector.extract %reduce_sum3A_648[15] : f32 from vector<16xf32>
    %broadcast_in_dim3A_650 = arith.constant 0.000000e+00 : f32
    %broadcast_in_dim3A_651 = vector.broadcast %broadcast_in_dim3A_650 : f32 to vector<16xf32>
    %get3A_652 = arith.constant 2 : i32
    %get3A_653 = arith.index_cast %get3A_652 : i32 to index
    %get3A_654 = arith.constant 0 : index
    %get3A_655 = tpu.vector_load %arg10[%get3A_653, %get3A_654] {strides = array<i32>} : memref<10x1024xf32, #tpu.memory_space<vmem>>, vector<16xf32>,
    %add3A_656 = arith.addf %broadcast_in_dim3A_651, %get3A_655 : vector<16xf32>
    %get3A_657 = arith.constant 2 : i32
    %get3A_658 = arith.index_cast %get3A_657 : i32 to index
    %get3A_659 = arith.constant 16 : index
    %get3A_660 = tpu.vector_load %arg10[%get3A_658, %get3A_659] {strides = array<i32>} : memref<10x1024xf32, #tpu.memory_space<vmem>>, vector<16xf32>,
    %add3A_661 = arith.addf %add3A_656, %get3A_660 : vector<16xf32>
    %get3A_662 = arith.constant 2 : i32
    %get3A_663 = arith.index_cast %get3A_662 : i32 to index
    %get3A_664 = arith.constant 32 : index
    %get3A_665 = tpu.vector_load %arg10[%get3A_663, %get3A_664] {strides = array<i32>} : memref<10x1024xf32, #tpu.memory_space<vmem>>, vector<16xf32>,
    %add3A_666 = arith.addf %add3A_661, %get3A_665 : vector<16xf32>
    %get3A_667 = arith.constant 2 : i32
    %get3A_668 = arith.index_cast %get3A_667 : i32 to index
    %get3A_669 = arith.constant 48 : index
    %get3A_670 = tpu.vector_load %arg10[%get3A_668, %get3A_669] {strides = array<i32>} : memref<10x1024xf32, #tpu.memory_space<vmem>>, vector<16xf32>,
    %add3A_671 = arith.addf %add3A_666, %get3A_670 : vector<16xf32>
    %get3A_672 = arith.constant 2 : i32
    %get3A_673 = arith.index_cast %get3A_672 : i32 to index
    %get3A_674 = arith.constant 64 : index
    %get3A_675 = tpu.vector_load %arg10[%get3A_673, %get3A_674] {strides = array<i32>} : memref<10x1024xf32, #tpu.memory_space<vmem>>, vector<16xf32>,
    %add3A_676 = arith.addf %add3A_671, %get3A_675 : vector<16xf32>
    %get3A_677 = arith.constant 2 : i32
    %get3A_678 = arith.index_cast %get3A_677 : i32 to index
    %get3A_679 = arith.constant 80 : index
    %get3A_680 = tpu.vector_load %arg10[%get3A_678, %get3A_679] {strides = array<i32>} : memref<10x1024xf32, #tpu.memory_space<vmem>>, vector<16xf32>,
    %add3A_681 = arith.addf %add3A_676, %get3A_680 : vector<16xf32>
    %get3A_682 = arith.constant 2 : i32
    %get3A_683 = arith.index_cast %get3A_682 : i32 to index
    %get3A_684 = arith.constant 96 : index
    %get3A_685 = tpu.vector_load %arg10[%get3A_683, %get3A_684] {strides = array<i32>} : memref<10x1024xf32, #tpu.memory_space<vmem>>, vector<16xf32>,
    %add3A_686 = arith.addf %add3A_681, %get3A_685 : vector<16xf32>
    %get3A_687 = arith.constant 2 : i32
    %get3A_688 = arith.index_cast %get3A_687 : i32 to index
    %get3A_689 = arith.constant 112 : index
    %get3A_690 = tpu.vector_load %arg10[%get3A_688, %get3A_689] {strides = array<i32>} : memref<10x1024xf32, #tpu.memory_space<vmem>>, vector<16xf32>,
    %add3A_691 = arith.addf %add3A_686, %get3A_690 : vector<16xf32>
    %get3A_692 = arith.constant 2 : i32
    %get3A_693 = arith.index_cast %get3A_692 : i32 to index
    %get3A_694 = arith.constant 128 : index
    %get3A_695 = tpu.vector_load %arg10[%get3A_693, %get3A_694] {strides = array<i32>} : memref<10x1024xf32, #tpu.memory_space<vmem>>, vector<16xf32>,
    %add3A_696 = arith.addf %add3A_691, %get3A_695 : vector<16xf32>
    %get3A_697 = arith.constant 2 : i32
    %get3A_698 = arith.index_cast %get3A_697 : i32 to index
    %get3A_699 = arith.constant 144 : index
    %get3A_700 = tpu.vector_load %arg10[%get3A_698, %get3A_699] {strides = array<i32>} : memref<10x1024xf32, #tpu.memory_space<vmem>>, vector<16xf32>,
    %add3A_701 = arith.addf %add3A_696, %get3A_700 : vector<16xf32>
    %get3A_702 = arith.constant 2 : i32
    %get3A_703 = arith.index_cast %get3A_702 : i32 to index
    %get3A_704 = arith.constant 160 : index
    %get3A_705 = tpu.vector_load %arg10[%get3A_703, %get3A_704] {strides = array<i32>} : memref<10x1024xf32, #tpu.memory_space<vmem>>, vector<16xf32>,
    %add3A_706 = arith.addf %add3A_701, %get3A_705 : vector<16xf32>
    %get3A_707 = arith.constant 2 : i32
    %get3A_708 = arith.index_cast %get3A_707 : i32 to index
    %get3A_709 = arith.constant 176 : index
    %get3A_710 = tpu.vector_load %arg10[%get3A_708, %get3A_709] {strides = array<i32>} : memref<10x1024xf32, #tpu.memory_space<vmem>>, vector<16xf32>,
    %add3A_711 = arith.addf %add3A_706, %get3A_710 : vector<16xf32>
    %get3A_712 = arith.constant 2 : i32
    %get3A_713 = arith.index_cast %get3A_712 : i32 to index
    %get3A_714 = arith.constant 192 : index
    %get3A_715 = tpu.vector_load %arg10[%get3A_713, %get3A_714] {strides = array<i32>} : memref<10x1024xf32, #tpu.memory_space<vmem>>, vector<16xf32>,
    %add3A_716 = arith.addf %add3A_711, %get3A_715 : vector<16xf32>
    %get3A_717 = arith.constant 2 : i32
    %get3A_718 = arith.index_cast %get3A_717 : i32 to index
    %get3A_719 = arith.constant 208 : index
    %get3A_720 = tpu.vector_load %arg10[%get3A_718, %get3A_719] {strides = array<i32>} : memref<10x1024xf32, #tpu.memory_space<vmem>>, vector<16xf32>,
    %add3A_721 = arith.addf %add3A_716, %get3A_720 : vector<16xf32>
    %get3A_722 = arith.constant 2 : i32
    %get3A_723 = arith.index_cast %get3A_722 : i32 to index
    %get3A_724 = arith.constant 224 : index
    %get3A_725 = tpu.vector_load %arg10[%get3A_723, %get3A_724] {strides = array<i32>} : memref<10x1024xf32, #tpu.memory_space<vmem>>, vector<16xf32>,
    %add3A_726 = arith.addf %add3A_721, %get3A_725 : vector<16xf32>
    %get3A_727 = arith.constant 2 : i32
    %get3A_728 = arith.index_cast %get3A_727 : i32 to index
    %get3A_729 = arith.constant 240 : index
    %get3A_730 = tpu.vector_load %arg10[%get3A_728, %get3A_729] {strides = array<i32>} : memref<10x1024xf32, #tpu.memory_space<vmem>>, vector<16xf32>,
    %add3A_731 = arith.addf %add3A_726, %get3A_730 : vector<16xf32>
    %get3A_732 = arith.constant 2 : i32
    %get3A_733 = arith.index_cast %get3A_732 : i32 to index
    %get3A_734 = arith.constant 256 : index
    %get3A_735 = tpu.vector_load %arg10[%get3A_733, %get3A_734] {strides = array<i32>} : memref<10x1024xf32, #tpu.memory_space<vmem>>, vector<16xf32>,
    %add3A_736 = arith.addf %add3A_731, %get3A_735 : vector<16xf32>
    %get3A_737 = arith.constant 2 : i32
    %get3A_738 = arith.index_cast %get3A_737 : i32 to index
    %get3A_739 = arith.constant 272 : index
    %get3A_740 = tpu.vector_load %arg10[%get3A_738, %get3A_739] {strides = array<i32>} : memref<10x1024xf32, #tpu.memory_space<vmem>>, vector<16xf32>,
    %add3A_741 = arith.addf %add3A_736, %get3A_740 : vector<16xf32>
    %get3A_742 = arith.constant 2 : i32
    %get3A_743 = arith.index_cast %get3A_742 : i32 to index
    %get3A_744 = arith.constant 288 : index
    %get3A_745 = tpu.vector_load %arg10[%get3A_743, %get3A_744] {strides = array<i32>} : memref<10x1024xf32, #tpu.memory_space<vmem>>, vector<16xf32>,
    %add3A_746 = arith.addf %add3A_741, %get3A_745 : vector<16xf32>
    %get3A_747 = arith.constant 2 : i32
    %get3A_748 = arith.index_cast %get3A_747 : i32 to index
    %get3A_749 = arith.constant 304 : index
    %get3A_750 = tpu.vector_load %arg10[%get3A_748, %get3A_749] {strides = array<i32>} : memref<10x1024xf32, #tpu.memory_space<vmem>>, vector<16xf32>,
    %add3A_751 = arith.addf %add3A_746, %get3A_750 : vector<16xf32>
    %get3A_752 = arith.constant 2 : i32
    %get3A_753 = arith.index_cast %get3A_752 : i32 to index
    %get3A_754 = arith.constant 320 : index
    %get3A_755 = tpu.vector_load %arg10[%get3A_753, %get3A_754] {strides = array<i32>} : memref<10x1024xf32, #tpu.memory_space<vmem>>, vector<16xf32>,
    %add3A_756 = arith.addf %add3A_751, %get3A_755 : vector<16xf32>
    %get3A_757 = arith.constant 2 : i32
    %get3A_758 = arith.index_cast %get3A_757 : i32 to index
    %get3A_759 = arith.constant 336 : index
    %get3A_760 = tpu.vector_load %arg10[%get3A_758, %get3A_759] {strides = array<i32>} : memref<10x1024xf32, #tpu.memory_space<vmem>>, vector<16xf32>,
    %add3A_761 = arith.addf %add3A_756, %get3A_760 : vector<16xf32>
    %get3A_762 = arith.constant 2 : i32
    %get3A_763 = arith.index_cast %get3A_762 : i32 to index
    %get3A_764 = arith.constant 352 : index
    %get3A_765 = tpu.vector_load %arg10[%get3A_763, %get3A_764] {strides = array<i32>} : memref<10x1024xf32, #tpu.memory_space<vmem>>, vector<16xf32>,
    %add3A_766 = arith.addf %add3A_761, %get3A_765 : vector<16xf32>
    %get3A_767 = arith.constant 2 : i32
    %get3A_768 = arith.index_cast %get3A_767 : i32 to index
    %get3A_769 = arith.constant 368 : index
    %get3A_770 = tpu.vector_load %arg10[%get3A_768, %get3A_769] {strides = array<i32>} : memref<10x1024xf32, #tpu.memory_space<vmem>>, vector<16xf32>,
    %add3A_771 = arith.addf %add3A_766, %get3A_770 : vector<16xf32>
    %get3A_772 = arith.constant 2 : i32
    %get3A_773 = arith.index_cast %get3A_772 : i32 to index
    %get3A_774 = arith.constant 384 : index
    %get3A_775 = tpu.vector_load %arg10[%get3A_773, %get3A_774] {strides = array<i32>} : memref<10x1024xf32, #tpu.memory_space<vmem>>, vector<16xf32>,
    %add3A_776 = arith.addf %add3A_771, %get3A_775 : vector<16xf32>
    %get3A_777 = arith.constant 2 : i32
    %get3A_778 = arith.index_cast %get3A_777 : i32 to index
    %get3A_779 = arith.constant 400 : index
    %get3A_780 = tpu.vector_load %arg10[%get3A_778, %get3A_779] {strides = array<i32>} : memref<10x1024xf32, #tpu.memory_space<vmem>>, vector<16xf32>,
    %add3A_781 = arith.addf %add3A_776, %get3A_780 : vector<16xf32>
    %get3A_782 = arith.constant 2 : i32
    %get3A_783 = arith.index_cast %get3A_782 : i32 to index
    %get3A_784 = arith.constant 416 : index
    %get3A_785 = tpu.vector_load %arg10[%get3A_783, %get3A_784] {strides = array<i32>} : memref<10x1024xf32, #tpu.memory_space<vmem>>, vector<16xf32>,
    %add3A_786 = arith.addf %add3A_781, %get3A_785 : vector<16xf32>
    %get3A_787 = arith.constant 2 : i32
    %get3A_788 = arith.index_cast %get3A_787 : i32 to index
    %get3A_789 = arith.constant 432 : index
    %get3A_790 = tpu.vector_load %arg10[%get3A_788, %get3A_789] {strides = array<i32>} : memref<10x1024xf32, #tpu.memory_space<vmem>>, vector<16xf32>,
    %add3A_791 = arith.addf %add3A_786, %get3A_790 : vector<16xf32>
    %get3A_792 = arith.constant 2 : i32
    %get3A_793 = arith.index_cast %get3A_792 : i32 to index
    %get3A_794 = arith.constant 448 : index
    %get3A_795 = tpu.vector_load %arg10[%get3A_793, %get3A_794] {strides = array<i32>} : memref<10x1024xf32, #tpu.memory_space<vmem>>, vector<16xf32>,
    %add3A_796 = arith.addf %add3A_791, %get3A_795 : vector<16xf32>
    %get3A_797 = arith.constant 2 : i32
    %get3A_798 = arith.index_cast %get3A_797 : i32 to index
    %get3A_799 = arith.constant 464 : index
    %get3A_800 = tpu.vector_load %arg10[%get3A_798, %get3A_799] {strides = array<i32>} : memref<10x1024xf32, #tpu.memory_space<vmem>>, vector<16xf32>,
    %add3A_801 = arith.addf %add3A_796, %get3A_800 : vector<16xf32>
    %get3A_802 = arith.constant 2 : i32
    %get3A_803 = arith.index_cast %get3A_802 : i32 to index
    %get3A_804 = arith.constant 480 : index
    %get3A_805 = tpu.vector_load %arg10[%get3A_803, %get3A_804] {strides = array<i32>} : memref<10x1024xf32, #tpu.memory_space<vmem>>, vector<16xf32>,
    %add3A_806 = arith.addf %add3A_801, %get3A_805 : vector<16xf32>
    %get3A_807 = arith.constant 2 : i32
    %get3A_808 = arith.index_cast %get3A_807 : i32 to index
    %get3A_809 = arith.constant 496 : index
    %get3A_810 = tpu.vector_load %arg10[%get3A_808, %get3A_809] {strides = array<i32>} : memref<10x1024xf32, #tpu.memory_space<vmem>>, vector<16xf32>,
    %add3A_811 = arith.addf %add3A_806, %get3A_810 : vector<16xf32>
    %get3A_812 = arith.constant 2 : i32
    %get3A_813 = arith.index_cast %get3A_812 : i32 to index
    %get3A_814 = arith.constant 512 : index
    %get3A_815 = tpu.vector_load %arg10[%get3A_813, %get3A_814] {strides = array<i32>} : memref<10x1024xf32, #tpu.memory_space<vmem>>, vector<16xf32>,
    %add3A_816 = arith.addf %add3A_811, %get3A_815 : vector<16xf32>
    %get3A_817 = arith.constant 2 : i32
    %get3A_818 = arith.index_cast %get3A_817 : i32 to index
    %get3A_819 = arith.constant 528 : index
    %get3A_820 = tpu.vector_load %arg10[%get3A_818, %get3A_819] {strides = array<i32>} : memref<10x1024xf32, #tpu.memory_space<vmem>>, vector<16xf32>,
    %add3A_821 = arith.addf %add3A_816, %get3A_820 : vector<16xf32>
    %get3A_822 = arith.constant 2 : i32
    %get3A_823 = arith.index_cast %get3A_822 : i32 to index
    %get3A_824 = arith.constant 544 : index
    %get3A_825 = tpu.vector_load %arg10[%get3A_823, %get3A_824] {strides = array<i32>} : memref<10x1024xf32, #tpu.memory_space<vmem>>, vector<16xf32>,
    %add3A_826 = arith.addf %add3A_821, %get3A_825 : vector<16xf32>
    %get3A_827 = arith.constant 2 : i32
    %get3A_828 = arith.index_cast %get3A_827 : i32 to index
    %get3A_829 = arith.constant 560 : index
    %get3A_830 = tpu.vector_load %arg10[%get3A_828, %get3A_829] {strides = array<i32>} : memref<10x1024xf32, #tpu.memory_space<vmem>>, vector<16xf32>,
    %add3A_831 = arith.addf %add3A_826, %get3A_830 : vector<16xf32>
    %get3A_832 = arith.constant 2 : i32
    %get3A_833 = arith.index_cast %get3A_832 : i32 to index
    %get3A_834 = arith.constant 576 : index
    %get3A_835 = tpu.vector_load %arg10[%get3A_833, %get3A_834] {strides = array<i32>} : memref<10x1024xf32, #tpu.memory_space<vmem>>, vector<16xf32>,
    %add3A_836 = arith.addf %add3A_831, %get3A_835 : vector<16xf32>
    %get3A_837 = arith.constant 2 : i32
    %get3A_838 = arith.index_cast %get3A_837 : i32 to index
    %get3A_839 = arith.constant 592 : index
    %get3A_840 = tpu.vector_load %arg10[%get3A_838, %get3A_839] {strides = array<i32>} : memref<10x1024xf32, #tpu.memory_space<vmem>>, vector<16xf32>,
    %add3A_841 = arith.addf %add3A_836, %get3A_840 : vector<16xf32>
    %get3A_842 = arith.constant 2 : i32
    %get3A_843 = arith.index_cast %get3A_842 : i32 to index
    %get3A_844 = arith.constant 608 : index
    %get3A_845 = tpu.vector_load %arg10[%get3A_843, %get3A_844] {strides = array<i32>} : memref<10x1024xf32, #tpu.memory_space<vmem>>, vector<16xf32>,
    %add3A_846 = arith.addf %add3A_841, %get3A_845 : vector<16xf32>
    %get3A_847 = arith.constant 2 : i32
    %get3A_848 = arith.index_cast %get3A_847 : i32 to index
    %get3A_849 = arith.constant 624 : index
    %get3A_850 = tpu.vector_load %arg10[%get3A_848, %get3A_849] {strides = array<i32>} : memref<10x1024xf32, #tpu.memory_space<vmem>>, vector<16xf32>,
    %add3A_851 = arith.addf %add3A_846, %get3A_850 : vector<16xf32>
    %get3A_852 = arith.constant 2 : i32
    %get3A_853 = arith.index_cast %get3A_852 : i32 to index
    %get3A_854 = arith.constant 640 : index
    %get3A_855 = tpu.vector_load %arg10[%get3A_853, %get3A_854] {strides = array<i32>} : memref<10x1024xf32, #tpu.memory_space<vmem>>, vector<16xf32>,
    %add3A_856 = arith.addf %add3A_851, %get3A_855 : vector<16xf32>
    %get3A_857 = arith.constant 2 : i32
    %get3A_858 = arith.index_cast %get3A_857 : i32 to index
    %get3A_859 = arith.constant 656 : index
    %get3A_860 = tpu.vector_load %arg10[%get3A_858, %get3A_859] {strides = array<i32>} : memref<10x1024xf32, #tpu.memory_space<vmem>>, vector<16xf32>,
    %add3A_861 = arith.addf %add3A_856, %get3A_860 : vector<16xf32>
    %get3A_862 = arith.constant 2 : i32
    %get3A_863 = arith.index_cast %get3A_862 : i32 to index
    %get3A_864 = arith.constant 672 : index
    %get3A_865 = tpu.vector_load %arg10[%get3A_863, %get3A_864] {strides = array<i32>} : memref<10x1024xf32, #tpu.memory_space<vmem>>, vector<16xf32>,
    %add3A_866 = arith.addf %add3A_861, %get3A_865 : vector<16xf32>
    %get3A_867 = arith.constant 2 : i32
    %get3A_868 = arith.index_cast %get3A_867 : i32 to index
    %get3A_869 = arith.constant 688 : index
    %get3A_870 = tpu.vector_load %arg10[%get3A_868, %get3A_869] {strides = array<i32>} : memref<10x1024xf32, #tpu.memory_space<vmem>>, vector<16xf32>,
    %add3A_871 = arith.addf %add3A_866, %get3A_870 : vector<16xf32>
    %get3A_872 = arith.constant 2 : i32
    %get3A_873 = arith.index_cast %get3A_872 : i32 to index
    %get3A_874 = arith.constant 704 : index
    %get3A_875 = tpu.vector_load %arg10[%get3A_873, %get3A_874] {strides = array<i32>} : memref<10x1024xf32, #tpu.memory_space<vmem>>, vector<16xf32>,
    %add3A_876 = arith.addf %add3A_871, %get3A_875 : vector<16xf32>
    %get3A_877 = arith.constant 2 : i32
    %get3A_878 = arith.index_cast %get3A_877 : i32 to index
    %get3A_879 = arith.constant 720 : index
    %get3A_880 = tpu.vector_load %arg10[%get3A_878, %get3A_879] {strides = array<i32>} : memref<10x1024xf32, #tpu.memory_space<vmem>>, vector<16xf32>,
    %add3A_881 = arith.addf %add3A_876, %get3A_880 : vector<16xf32>
    %get3A_882 = arith.constant 2 : i32
    %get3A_883 = arith.index_cast %get3A_882 : i32 to index
    %get3A_884 = arith.constant 736 : index
    %get3A_885 = tpu.vector_load %arg10[%get3A_883, %get3A_884] {strides = array<i32>} : memref<10x1024xf32, #tpu.memory_space<vmem>>, vector<16xf32>,
    %add3A_886 = arith.addf %add3A_881, %get3A_885 : vector<16xf32>
    %get3A_887 = arith.constant 2 : i32
    %get3A_888 = arith.index_cast %get3A_887 : i32 to index
    %get3A_889 = arith.constant 752 : index
    %get3A_890 = tpu.vector_load %arg10[%get3A_888, %get3A_889] {strides = array<i32>} : memref<10x1024xf32, #tpu.memory_space<vmem>>, vector<16xf32>,
    %add3A_891 = arith.addf %add3A_886, %get3A_890 : vector<16xf32>
    %get3A_892 = arith.constant 2 : i32
    %get3A_893 = arith.index_cast %get3A_892 : i32 to index
    %get3A_894 = arith.constant 768 : index
    %get3A_895 = tpu.vector_load %arg10[%get3A_893, %get3A_894] {strides = array<i32>} : memref<10x1024xf32, #tpu.memory_space<vmem>>, vector<16xf32>,
    %add3A_896 = arith.addf %add3A_891, %get3A_895 : vector<16xf32>
    %get3A_897 = arith.constant 2 : i32
    %get3A_898 = arith.index_cast %get3A_897 : i32 to index
    %get3A_899 = arith.constant 784 : index
    %get3A_900 = tpu.vector_load %arg10[%get3A_898, %get3A_899] {strides = array<i32>} : memref<10x1024xf32, #tpu.memory_space<vmem>>, vector<16xf32>,
    %add3A_901 = arith.addf %add3A_896, %get3A_900 : vector<16xf32>
    %get3A_902 = arith.constant 2 : i32
    %get3A_903 = arith.index_cast %get3A_902 : i32 to index
    %get3A_904 = arith.constant 800 : index
    %get3A_905 = tpu.vector_load %arg10[%get3A_903, %get3A_904] {strides = array<i32>} : memref<10x1024xf32, #tpu.memory_space<vmem>>, vector<16xf32>,
    %add3A_906 = arith.addf %add3A_901, %get3A_905 : vector<16xf32>
    %get3A_907 = arith.constant 2 : i32
    %get3A_908 = arith.index_cast %get3A_907 : i32 to index
    %get3A_909 = arith.constant 816 : index
    %get3A_910 = tpu.vector_load %arg10[%get3A_908, %get3A_909] {strides = array<i32>} : memref<10x1024xf32, #tpu.memory_space<vmem>>, vector<16xf32>,
    %add3A_911 = arith.addf %add3A_906, %get3A_910 : vector<16xf32>
    %get3A_912 = arith.constant 2 : i32
    %get3A_913 = arith.index_cast %get3A_912 : i32 to index
    %get3A_914 = arith.constant 832 : index
    %get3A_915 = tpu.vector_load %arg10[%get3A_913, %get3A_914] {strides = array<i32>} : memref<10x1024xf32, #tpu.memory_space<vmem>>, vector<16xf32>,
    %add3A_916 = arith.addf %add3A_911, %get3A_915 : vector<16xf32>
    %get3A_917 = arith.constant 2 : i32
    %get3A_918 = arith.index_cast %get3A_917 : i32 to index
    %get3A_919 = arith.constant 848 : index
    %get3A_920 = tpu.vector_load %arg10[%get3A_918, %get3A_919] {strides = array<i32>} : memref<10x1024xf32, #tpu.memory_space<vmem>>, vector<16xf32>,
    %add3A_921 = arith.addf %add3A_916, %get3A_920 : vector<16xf32>
    %get3A_922 = arith.constant 2 : i32
    %get3A_923 = arith.index_cast %get3A_922 : i32 to index
    %get3A_924 = arith.constant 864 : index
    %get3A_925 = tpu.vector_load %arg10[%get3A_923, %get3A_924] {strides = array<i32>} : memref<10x1024xf32, #tpu.memory_space<vmem>>, vector<16xf32>,
    %add3A_926 = arith.addf %add3A_921, %get3A_925 : vector<16xf32>
    %get3A_927 = arith.constant 2 : i32
    %get3A_928 = arith.index_cast %get3A_927 : i32 to index
    %get3A_929 = arith.constant 880 : index
    %get3A_930 = tpu.vector_load %arg10[%get3A_928, %get3A_929] {strides = array<i32>} : memref<10x1024xf32, #tpu.memory_space<vmem>>, vector<16xf32>,
    %add3A_931 = arith.addf %add3A_926, %get3A_930 : vector<16xf32>
    %get3A_932 = arith.constant 2 : i32
    %get3A_933 = arith.index_cast %get3A_932 : i32 to index
    %get3A_934 = arith.constant 896 : index
    %get3A_935 = tpu.vector_load %arg10[%get3A_933, %get3A_934] {strides = array<i32>} : memref<10x1024xf32, #tpu.memory_space<vmem>>, vector<16xf32>,
    %add3A_936 = arith.addf %add3A_931, %get3A_935 : vector<16xf32>
    %get3A_937 = arith.constant 2 : i32
    %get3A_938 = arith.index_cast %get3A_937 : i32 to index
    %get3A_939 = arith.constant 912 : index
    %get3A_940 = tpu.vector_load %arg10[%get3A_938, %get3A_939] {strides = array<i32>} : memref<10x1024xf32, #tpu.memory_space<vmem>>, vector<16xf32>,
    %add3A_941 = arith.addf %add3A_936, %get3A_940 : vector<16xf32>
    %get3A_942 = arith.constant 2 : i32
    %get3A_943 = arith.index_cast %get3A_942 : i32 to index
    %get3A_944 = arith.constant 928 : index
    %get3A_945 = tpu.vector_load %arg10[%get3A_943, %get3A_944] {strides = array<i32>} : memref<10x1024xf32, #tpu.memory_space<vmem>>, vector<16xf32>,
    %add3A_946 = arith.addf %add3A_941, %get3A_945 : vector<16xf32>
    %get3A_947 = arith.constant 2 : i32
    %get3A_948 = arith.index_cast %get3A_947 : i32 to index
    %get3A_949 = arith.constant 944 : index
    %get3A_950 = tpu.vector_load %arg10[%get3A_948, %get3A_949] {strides = array<i32>} : memref<10x1024xf32, #tpu.memory_space<vmem>>, vector<16xf32>,
    %add3A_951 = arith.addf %add3A_946, %get3A_950 : vector<16xf32>
    %get3A_952 = arith.constant 2 : i32
    %get3A_953 = arith.index_cast %get3A_952 : i32 to index
    %get3A_954 = arith.constant 960 : index
    %get3A_955 = tpu.vector_load %arg10[%get3A_953, %get3A_954] {strides = array<i32>} : memref<10x1024xf32, #tpu.memory_space<vmem>>, vector<16xf32>,
    %add3A_956 = arith.addf %add3A_951, %get3A_955 : vector<16xf32>
    %get3A_957 = arith.constant 2 : i32
    %get3A_958 = arith.index_cast %get3A_957 : i32 to index
    %get3A_959 = arith.constant 976 : index
    %get3A_960 = tpu.vector_load %arg10[%get3A_958, %get3A_959] {strides = array<i32>} : memref<10x1024xf32, #tpu.memory_space<vmem>>, vector<16xf32>,
    %add3A_961 = arith.addf %add3A_956, %get3A_960 : vector<16xf32>
    %get3A_962 = arith.constant 2 : i32
    %get3A_963 = arith.index_cast %get3A_962 : i32 to index
    %get3A_964 = arith.constant 992 : index
    %get3A_965 = tpu.vector_load %arg10[%get3A_963, %get3A_964] {strides = array<i32>} : memref<10x1024xf32, #tpu.memory_space<vmem>>, vector<16xf32>,
    %add3A_966 = arith.addf %add3A_961, %get3A_965 : vector<16xf32>
    %get3A_967 = arith.constant 2 : i32
    %get3A_968 = arith.index_cast %get3A_967 : i32 to index
    %get3A_969 = arith.constant 1008 : index
    %get3A_970 = tpu.vector_load %arg10[%get3A_968, %get3A_969] {strides = array<i32>} : memref<10x1024xf32, #tpu.memory_space<vmem>>, vector<16xf32>,
    %add3A_971 = arith.addf %add3A_966, %get3A_970 : vector<16xf32>
    %reduce_sum3A_972 = arith.constant true
    %reduce_sum3A_973 = vector.broadcast %reduce_sum3A_972 : i1 to vector<16xi1>
    %reduce_sum3A_974 = tpu.scan <sum>, %add3A_971 masked %reduce_sum3A_973 : vector<16xf32>, vector<16xi1> -> vector<16xf32>
    %reduce_sum3A_975 = vector.extract %reduce_sum3A_974[15] : f32 from vector<16xf32>
    %broadcast_in_dim3A_976 = arith.constant 0.000000e+00 : f32
    %broadcast_in_dim3A_977 = vector.broadcast %broadcast_in_dim3A_976 : f32 to vector<16xf32>
    %get3A_978 = arith.constant 3 : i32
    %get3A_979 = arith.index_cast %get3A_978 : i32 to index
    %get3A_980 = arith.constant 0 : index
    %get3A_981 = tpu.vector_load %arg10[%get3A_979, %get3A_980] {strides = array<i32>} : memref<10x1024xf32, #tpu.memory_space<vmem>>, vector<16xf32>,
    %add3A_982 = arith.addf %broadcast_in_dim3A_977, %get3A_981 : vector<16xf32>
    %get3A_983 = arith.constant 3 : i32
    %get3A_984 = arith.index_cast %get3A_983 : i32 to index
    %get3A_985 = arith.constant 16 : index
    %get3A_986 = tpu.vector_load %arg10[%get3A_984, %get3A_985] {strides = array<i32>} : memref<10x1024xf32, #tpu.memory_space<vmem>>, vector<16xf32>,
    %add3A_987 = arith.addf %add3A_982, %get3A_986 : vector<16xf32>
    %get3A_988 = arith.constant 3 : i32
    %get3A_989 = arith.index_cast %get3A_988 : i32 to index
    %get3A_990 = arith.constant 32 : index
    %get3A_991 = tpu.vector_load %arg10[%get3A_989, %get3A_990] {strides = array<i32>} : memref<10x1024xf32, #tpu.memory_space<vmem>>, vector<16xf32>,
    %add3A_992 = arith.addf %add3A_987, %get3A_991 : vector<16xf32>
    %get3A_993 = arith.constant 3 : i32
    %get3A_994 = arith.index_cast %get3A_993 : i32 to index
    %get3A_995 = arith.constant 48 : index
    %get3A_996 = tpu.vector_load %arg10[%get3A_994, %get3A_995] {strides = array<i32>} : memref<10x1024xf32, #tpu.memory_space<vmem>>, vector<16xf32>,
    %add3A_997 = arith.addf %add3A_992, %get3A_996 : vector<16xf32>
    %get3A_998 = arith.constant 3 : i32
    %get3A_999 = arith.index_cast %get3A_998 : i32 to index
    %get3A_1000 = arith.constant 64 : index
    %get3A_1001 = tpu.vector_load %arg10[%get3A_999, %get3A_1000] {strides = array<i32>} : memref<10x1024xf32, #tpu.memory_space<vmem>>, vector<16xf32>,
    %add3A_1002 = arith.addf %add3A_997, %get3A_1001 : vector<16xf32>
    %get3A_1003 = arith.constant 3 : i32
    %get3A_1004 = arith.index_cast %get3A_1003 : i32 to index
    %get3A_1005 = arith.constant 80 : index
    %get3A_1006 = tpu.vector_load %arg10[%get3A_1004, %get3A_1005] {strides = array<i32>} : memref<10x1024xf32, #tpu.memory_space<vmem>>, vector<16xf32>,
    %add3A_1007 = arith.addf %add3A_1002, %get3A_1006 : vector<16xf32>
    %get3A_1008 = arith.constant 3 : i32
    %get3A_1009 = arith.index_cast %get3A_1008 : i32 to index
    %get3A_1010 = arith.constant 96 : index
    %get3A_1011 = tpu.vector_load %arg10[%get3A_1009, %get3A_1010] {strides = array<i32>} : memref<10x1024xf32, #tpu.memory_space<vmem>>, vector<16xf32>,
    %add3A_1012 = arith.addf %add3A_1007, %get3A_1011 : vector<16xf32>
    %get3A_1013 = arith.constant 3 : i32
    %get3A_1014 = arith.index_cast %get3A_1013 : i32 to index
    %get3A_1015 = arith.constant 112 : index
    %get3A_1016 = tpu.vector_load %arg10[%get3A_1014, %get3A_1015] {strides = array<i32>} : memref<10x1024xf32, #tpu.memory_space<vmem>>, vector<16xf32>,
    %add3A_1017 = arith.addf %add3A_1012, %get3A_1016 : vector<16xf32>
    %get3A_1018 = arith.constant 3 : i32
    %get3A_1019 = arith.index_cast %get3A_1018 : i32 to index
    %get3A_1020 = arith.constant 128 : index
    %get3A_1021 = tpu.vector_load %arg10[%get3A_1019, %get3A_1020] {strides = array<i32>} : memref<10x1024xf32, #tpu.memory_space<vmem>>, vector<16xf32>,
    %add3A_1022 = arith.addf %add3A_1017, %get3A_1021 : vector<16xf32>
    %get3A_1023 = arith.constant 3 : i32
    %get3A_1024 = arith.index_cast %get3A_1023 : i32 to index
    %get3A_1025 = arith.constant 144 : index
    %get3A_1026 = tpu.vector_load %arg10[%get3A_1024, %get3A_1025] {strides = array<i32>} : memref<10x1024xf32, #tpu.memory_space<vmem>>, vector<16xf32>,
    %add3A_1027 = arith.addf %add3A_1022, %get3A_1026 : vector<16xf32>
    %get3A_1028 = arith.constant 3 : i32
    %get3A_1029 = arith.index_cast %get3A_1028 : i32 to index
    %get3A_1030 = arith.constant 160 : index
    %get3A_1031 = tpu.vector_load %arg10[%get3A_1029, %get3A_1030] {strides = array<i32>} : memref<10x1024xf32, #tpu.memory_space<vmem>>, vector<16xf32>,
    %add3A_1032 = arith.addf %add3A_1027, %get3A_1031 : vector<16xf32>
    %get3A_1033 = arith.constant 3 : i32
    %get3A_1034 = arith.index_cast %get3A_1033 : i32 to index
    %get3A_1035 = arith.constant 176 : index
    %get3A_1036 = tpu.vector_load %arg10[%get3A_1034, %get3A_1035] {strides = array<i32>} : memref<10x1024xf32, #tpu.memory_space<vmem>>, vector<16xf32>,
    %add3A_1037 = arith.addf %add3A_1032, %get3A_1036 : vector<16xf32>
    %get3A_1038 = arith.constant 3 : i32
    %get3A_1039 = arith.index_cast %get3A_1038 : i32 to index
    %get3A_1040 = arith.constant 192 : index
    %get3A_1041 = tpu.vector_load %arg10[%get3A_1039, %get3A_1040] {strides = array<i32>} : memref<10x1024xf32, #tpu.memory_space<vmem>>, vector<16xf32>,
    %add3A_1042 = arith.addf %add3A_1037, %get3A_1041 : vector<16xf32>
    %get3A_1043 = arith.constant 3 : i32
    %get3A_1044 = arith.index_cast %get3A_1043 : i32 to index
    %get3A_1045 = arith.constant 208 : index
    %get3A_1046 = tpu.vector_load %arg10[%get3A_1044, %get3A_1045] {strides = array<i32>} : memref<10x1024xf32, #tpu.memory_space<vmem>>, vector<16xf32>,
    %add3A_1047 = arith.addf %add3A_1042, %get3A_1046 : vector<16xf32>
    %get3A_1048 = arith.constant 3 : i32
    %get3A_1049 = arith.index_cast %get3A_1048 : i32 to index
    %get3A_1050 = arith.constant 224 : index
    %get3A_1051 = tpu.vector_load %arg10[%get3A_1049, %get3A_1050] {strides = array<i32>} : memref<10x1024xf32, #tpu.memory_space<vmem>>, vector<16xf32>,
    %add3A_1052 = arith.addf %add3A_1047, %get3A_1051 : vector<16xf32>
    %get3A_1053 = arith.constant 3 : i32
    %get3A_1054 = arith.index_cast %get3A_1053 : i32 to index
    %get3A_1055 = arith.constant 240 : index
    %get3A_1056 = tpu.vector_load %arg10[%get3A_1054, %get3A_1055] {strides = array<i32>} : memref<10x1024xf32, #tpu.memory_space<vmem>>, vector<16xf32>,
    %add3A_1057 = arith.addf %add3A_1052, %get3A_1056 : vector<16xf32>
    %get3A_1058 = arith.constant 3 : i32
    %get3A_1059 = arith.index_cast %get3A_1058 : i32 to index
    %get3A_1060 = arith.constant 256 : index
    %get3A_1061 = tpu.vector_load %arg10[%get3A_1059, %get3A_1060] {strides = array<i32>} : memref<10x1024xf32, #tpu.memory_space<vmem>>, vector<16xf32>,
    %add3A_1062 = arith.addf %add3A_1057, %get3A_1061 : vector<16xf32>
    %get3A_1063 = arith.constant 3 : i32
    %get3A_1064 = arith.index_cast %get3A_1063 : i32 to index
    %get3A_1065 = arith.constant 272 : index
    %get3A_1066 = tpu.vector_load %arg10[%get3A_1064, %get3A_1065] {strides = array<i32>} : memref<10x1024xf32, #tpu.memory_space<vmem>>, vector<16xf32>,
    %add3A_1067 = arith.addf %add3A_1062, %get3A_1066 : vector<16xf32>
    %get3A_1068 = arith.constant 3 : i32
    %get3A_1069 = arith.index_cast %get3A_1068 : i32 to index
    %get3A_1070 = arith.constant 288 : index
    %get3A_1071 = tpu.vector_load %arg10[%get3A_1069, %get3A_1070] {strides = array<i32>} : memref<10x1024xf32, #tpu.memory_space<vmem>>, vector<16xf32>,
    %add3A_1072 = arith.addf %add3A_1067, %get3A_1071 : vector<16xf32>
    %get3A_1073 = arith.constant 3 : i32
    %get3A_1074 = arith.index_cast %get3A_1073 : i32 to index
    %get3A_1075 = arith.constant 304 : index
    %get3A_1076 = tpu.vector_load %arg10[%get3A_1074, %get3A_1075] {strides = array<i32>} : memref<10x1024xf32, #tpu.memory_space<vmem>>, vector<16xf32>,
    %add3A_1077 = arith.addf %add3A_1072, %get3A_1076 : vector<16xf32>
    %get3A_1078 = arith.constant 3 : i32
    %get3A_1079 = arith.index_cast %get3A_1078 : i32 to index
    %get3A_1080 = arith.constant 320 : index
    %get3A_1081 = tpu.vector_load %arg10[%get3A_1079, %get3A_1080] {strides = array<i32>} : memref<10x1024xf32, #tpu.memory_space<vmem>>, vector<16xf32>,
    %add3A_1082 = arith.addf %add3A_1077, %get3A_1081 : vector<16xf32>
    %get3A_1083 = arith.constant 3 : i32
    %get3A_1084 = arith.index_cast %get3A_1083 : i32 to index
    %get3A_1085 = arith.constant 336 : index
    %get3A_1086 = tpu.vector_load %arg10[%get3A_1084, %get3A_1085] {strides = array<i32>} : memref<10x1024xf32, #tpu.memory_space<vmem>>, vector<16xf32>,
    %add3A_1087 = arith.addf %add3A_1082, %get3A_1086 : vector<16xf32>
    %get3A_1088 = arith.constant 3 : i32
    %get3A_1089 = arith.index_cast %get3A_1088 : i32 to index
    %get3A_1090 = arith.constant 352 : index
    %get3A_1091 = tpu.vector_load %arg10[%get3A_1089, %get3A_1090] {strides = array<i32>} : memref<10x1024xf32, #tpu.memory_space<vmem>>, vector<16xf32>,
    %add3A_1092 = arith.addf %add3A_1087, %get3A_1091 : vector<16xf32>
    %get3A_1093 = arith.constant 3 : i32
    %get3A_1094 = arith.index_cast %get3A_1093 : i32 to index
    %get3A_1095 = arith.constant 368 : index
    %get3A_1096 = tpu.vector_load %arg10[%get3A_1094, %get3A_1095] {strides = array<i32>} : memref<10x1024xf32, #tpu.memory_space<vmem>>, vector<16xf32>,
    %add3A_1097 = arith.addf %add3A_1092, %get3A_1096 : vector<16xf32>
    %get3A_1098 = arith.constant 3 : i32
    %get3A_1099 = arith.index_cast %get3A_1098 : i32 to index
    %get3A_1100 = arith.constant 384 : index
    %get3A_1101 = tpu.vector_load %arg10[%get3A_1099, %get3A_1100] {strides = array<i32>} : memref<10x1024xf32, #tpu.memory_space<vmem>>, vector<16xf32>,
    %add3A_1102 = arith.addf %add3A_1097, %get3A_1101 : vector<16xf32>
    %get3A_1103 = arith.constant 3 : i32
    %get3A_1104 = arith.index_cast %get3A_1103 : i32 to index
    %get3A_1105 = arith.constant 400 : index
    %get3A_1106 = tpu.vector_load %arg10[%get3A_1104, %get3A_1105] {strides = array<i32>} : memref<10x1024xf32, #tpu.memory_space<vmem>>, vector<16xf32>,
    %add3A_1107 = arith.addf %add3A_1102, %get3A_1106 : vector<16xf32>
    %get3A_1108 = arith.constant 3 : i32
    %get3A_1109 = arith.index_cast %get3A_1108 : i32 to index
    %get3A_1110 = arith.constant 416 : index
    %get3A_1111 = tpu.vector_load %arg10[%get3A_1109, %get3A_1110] {strides = array<i32>} : memref<10x1024xf32, #tpu.memory_space<vmem>>, vector<16xf32>,
    %add3A_1112 = arith.addf %add3A_1107, %get3A_1111 : vector<16xf32>
    %get3A_1113 = arith.constant 3 : i32
    %get3A_1114 = arith.index_cast %get3A_1113 : i32 to index
    %get3A_1115 = arith.constant 432 : index
    %get3A_1116 = tpu.vector_load %arg10[%get3A_1114, %get3A_1115] {strides = array<i32>} : memref<10x1024xf32, #tpu.memory_space<vmem>>, vector<16xf32>,
    %add3A_1117 = arith.addf %add3A_1112, %get3A_1116 : vector<16xf32>
    %get3A_1118 = arith.constant 3 : i32
    %get3A_1119 = arith.index_cast %get3A_1118 : i32 to index
    %get3A_1120 = arith.constant 448 : index
    %get3A_1121 = tpu.vector_load %arg10[%get3A_1119, %get3A_1120] {strides = array<i32>} : memref<10x1024xf32, #tpu.memory_space<vmem>>, vector<16xf32>,
    %add3A_1122 = arith.addf %add3A_1117, %get3A_1121 : vector<16xf32>
    %get3A_1123 = arith.constant 3 : i32
    %get3A_1124 = arith.index_cast %get3A_1123 : i32 to index
    %get3A_1125 = arith.constant 464 : index
    %get3A_1126 = tpu.vector_load %arg10[%get3A_1124, %get3A_1125] {strides = array<i32>} : memref<10x1024xf32, #tpu.memory_space<vmem>>, vector<16xf32>,
    %add3A_1127 = arith.addf %add3A_1122, %get3A_1126 : vector<16xf32>
    %get3A_1128 = arith.constant 3 : i32
    %get3A_1129 = arith.index_cast %get3A_1128 : i32 to index
    %get3A_1130 = arith.constant 480 : index
    %get3A_1131 = tpu.vector_load %arg10[%get3A_1129, %get3A_1130] {strides = array<i32>} : memref<10x1024xf32, #tpu.memory_space<vmem>>, vector<16xf32>,
    %add3A_1132 = arith.addf %add3A_1127, %get3A_1131 : vector<16xf32>
    %get3A_1133 = arith.constant 3 : i32
    %get3A_1134 = arith.index_cast %get3A_1133 : i32 to index
    %get3A_1135 = arith.constant 496 : index
    %get3A_1136 = tpu.vector_load %arg10[%get3A_1134, %get3A_1135] {strides = array<i32>} : memref<10x1024xf32, #tpu.memory_space<vmem>>, vector<16xf32>,
    %add3A_1137 = arith.addf %add3A_1132, %get3A_1136 : vector<16xf32>
    %get3A_1138 = arith.constant 3 : i32
    %get3A_1139 = arith.index_cast %get3A_1138 : i32 to index
    %get3A_1140 = arith.constant 512 : index
    %get3A_1141 = tpu.vector_load %arg10[%get3A_1139, %get3A_1140] {strides = array<i32>} : memref<10x1024xf32, #tpu.memory_space<vmem>>, vector<16xf32>,
    %add3A_1142 = arith.addf %add3A_1137, %get3A_1141 : vector<16xf32>
    %get3A_1143 = arith.constant 3 : i32
    %get3A_1144 = arith.index_cast %get3A_1143 : i32 to index
    %get3A_1145 = arith.constant 528 : index
    %get3A_1146 = tpu.vector_load %arg10[%get3A_1144, %get3A_1145] {strides = array<i32>} : memref<10x1024xf32, #tpu.memory_space<vmem>>, vector<16xf32>,
    %add3A_1147 = arith.addf %add3A_1142, %get3A_1146 : vector<16xf32>
    %get3A_1148 = arith.constant 3 : i32
    %get3A_1149 = arith.index_cast %get3A_1148 : i32 to index
    %get3A_1150 = arith.constant 544 : index
    %get3A_1151 = tpu.vector_load %arg10[%get3A_1149, %get3A_1150] {strides = array<i32>} : memref<10x1024xf32, #tpu.memory_space<vmem>>, vector<16xf32>,
    %add3A_1152 = arith.addf %add3A_1147, %get3A_1151 : vector<16xf32>
    %get3A_1153 = arith.constant 3 : i32
    %get3A_1154 = arith.index_cast %get3A_1153 : i32 to index
    %get3A_1155 = arith.constant 560 : index
    %get3A_1156 = tpu.vector_load %arg10[%get3A_1154, %get3A_1155] {strides = array<i32>} : memref<10x1024xf32, #tpu.memory_space<vmem>>, vector<16xf32>,
    %add3A_1157 = arith.addf %add3A_1152, %get3A_1156 : vector<16xf32>
    %get3A_1158 = arith.constant 3 : i32
    %get3A_1159 = arith.index_cast %get3A_1158 : i32 to index
    %get3A_1160 = arith.constant 576 : index
    %get3A_1161 = tpu.vector_load %arg10[%get3A_1159, %get3A_1160] {strides = array<i32>} : memref<10x1024xf32, #tpu.memory_space<vmem>>, vector<16xf32>,
    %add3A_1162 = arith.addf %add3A_1157, %get3A_1161 : vector<16xf32>
    %get3A_1163 = arith.constant 3 : i32
    %get3A_1164 = arith.index_cast %get3A_1163 : i32 to index
    %get3A_1165 = arith.constant 592 : index
    %get3A_1166 = tpu.vector_load %arg10[%get3A_1164, %get3A_1165] {strides = array<i32>} : memref<10x1024xf32, #tpu.memory_space<vmem>>, vector<16xf32>,
    %add3A_1167 = arith.addf %add3A_1162, %get3A_1166 : vector<16xf32>
    %get3A_1168 = arith.constant 3 : i32
    %get3A_1169 = arith.index_cast %get3A_1168 : i32 to index
    %get3A_1170 = arith.constant 608 : index
    %get3A_1171 = tpu.vector_load %arg10[%get3A_1169, %get3A_1170] {strides = array<i32>} : memref<10x1024xf32, #tpu.memory_space<vmem>>, vector<16xf32>,
    %add3A_1172 = arith.addf %add3A_1167, %get3A_1171 : vector<16xf32>
    %get3A_1173 = arith.constant 3 : i32
    %get3A_1174 = arith.index_cast %get3A_1173 : i32 to index
    %get3A_1175 = arith.constant 624 : index
    %get3A_1176 = tpu.vector_load %arg10[%get3A_1174, %get3A_1175] {strides = array<i32>} : memref<10x1024xf32, #tpu.memory_space<vmem>>, vector<16xf32>,
    %add3A_1177 = arith.addf %add3A_1172, %get3A_1176 : vector<16xf32>
    %get3A_1178 = arith.constant 3 : i32
    %get3A_1179 = arith.index_cast %get3A_1178 : i32 to index
    %get3A_1180 = arith.constant 640 : index
    %get3A_1181 = tpu.vector_load %arg10[%get3A_1179, %get3A_1180] {strides = array<i32>} : memref<10x1024xf32, #tpu.memory_space<vmem>>, vector<16xf32>,
    %add3A_1182 = arith.addf %add3A_1177, %get3A_1181 : vector<16xf32>
    %get3A_1183 = arith.constant 3 : i32
    %get3A_1184 = arith.index_cast %get3A_1183 : i32 to index
    %get3A_1185 = arith.constant 656 : index
    %get3A_1186 = tpu.vector_load %arg10[%get3A_1184, %get3A_1185] {strides = array<i32>} : memref<10x1024xf32, #tpu.memory_space<vmem>>, vector<16xf32>,
    %add3A_1187 = arith.addf %add3A_1182, %get3A_1186 : vector<16xf32>
    %get3A_1188 = arith.constant 3 : i32
    %get3A_1189 = arith.index_cast %get3A_1188 : i32 to index
    %get3A_1190 = arith.constant 672 : index
    %get3A_1191 = tpu.vector_load %arg10[%get3A_1189, %get3A_1190] {strides = array<i32>} : memref<10x1024xf32, #tpu.memory_space<vmem>>, vector<16xf32>,
    %add3A_1192 = arith.addf %add3A_1187, %get3A_1191 : vector<16xf32>
    %get3A_1193 = arith.constant 3 : i32
    %get3A_1194 = arith.index_cast %get3A_1193 : i32 to index
    %get3A_1195 = arith.constant 688 : index
    %get3A_1196 = tpu.vector_load %arg10[%get3A_1194, %get3A_1195] {strides = array<i32>} : memref<10x1024xf32, #tpu.memory_space<vmem>>, vector<16xf32>,
    %add3A_1197 = arith.addf %add3A_1192, %get3A_1196 : vector<16xf32>
    %get3A_1198 = arith.constant 3 : i32
    %get3A_1199 = arith.index_cast %get3A_1198 : i32 to index
    %get3A_1200 = arith.constant 704 : index
    %get3A_1201 = tpu.vector_load %arg10[%get3A_1199, %get3A_1200] {strides = array<i32>} : memref<10x1024xf32, #tpu.memory_space<vmem>>, vector<16xf32>,
    %add3A_1202 = arith.addf %add3A_1197, %get3A_1201 : vector<16xf32>
    %get3A_1203 = arith.constant 3 : i32
    %get3A_1204 = arith.index_cast %get3A_1203 : i32 to index
    %get3A_1205 = arith.constant 720 : index
    %get3A_1206 = tpu.vector_load %arg10[%get3A_1204, %get3A_1205] {strides = array<i32>} : memref<10x1024xf32, #tpu.memory_space<vmem>>, vector<16xf32>,
    %add3A_1207 = arith.addf %add3A_1202, %get3A_1206 : vector<16xf32>
    %get3A_1208 = arith.constant 3 : i32
    %get3A_1209 = arith.index_cast %get3A_1208 : i32 to index
    %get3A_1210 = arith.constant 736 : index
    %get3A_1211 = tpu.vector_load %arg10[%get3A_1209, %get3A_1210] {strides = array<i32>} : memref<10x1024xf32, #tpu.memory_space<vmem>>, vector<16xf32>,
    %add3A_1212 = arith.addf %add3A_1207, %get3A_1211 : vector<16xf32>
    %get3A_1213 = arith.constant 3 : i32
    %get3A_1214 = arith.index_cast %get3A_1213 : i32 to index
    %get3A_1215 = arith.constant 752 : index
    %get3A_1216 = tpu.vector_load %arg10[%get3A_1214, %get3A_1215] {strides = array<i32>} : memref<10x1024xf32, #tpu.memory_space<vmem>>, vector<16xf32>,
    %add3A_1217 = arith.addf %add3A_1212, %get3A_1216 : vector<16xf32>
    %get3A_1218 = arith.constant 3 : i32
    %get3A_1219 = arith.index_cast %get3A_1218 : i32 to index
    %get3A_1220 = arith.constant 768 : index
    %get3A_1221 = tpu.vector_load %arg10[%get3A_1219, %get3A_1220] {strides = array<i32>} : memref<10x1024xf32, #tpu.memory_space<vmem>>, vector<16xf32>,
    %add3A_1222 = arith.addf %add3A_1217, %get3A_1221 : vector<16xf32>
    %get3A_1223 = arith.constant 3 : i32
    %get3A_1224 = arith.index_cast %get3A_1223 : i32 to index
    %get3A_1225 = arith.constant 784 : index
    %get3A_1226 = tpu.vector_load %arg10[%get3A_1224, %get3A_1225] {strides = array<i32>} : memref<10x1024xf32, #tpu.memory_space<vmem>>, vector<16xf32>,
    %add3A_1227 = arith.addf %add3A_1222, %get3A_1226 : vector<16xf32>
    %get3A_1228 = arith.constant 3 : i32
    %get3A_1229 = arith.index_cast %get3A_1228 : i32 to index
    %get3A_1230 = arith.constant 800 : index
    %get3A_1231 = tpu.vector_load %arg10[%get3A_1229, %get3A_1230] {strides = array<i32>} : memref<10x1024xf32, #tpu.memory_space<vmem>>, vector<16xf32>,
    %add3A_1232 = arith.addf %add3A_1227, %get3A_1231 : vector<16xf32>
    %get3A_1233 = arith.constant 3 : i32
    %get3A_1234 = arith.index_cast %get3A_1233 : i32 to index
    %get3A_1235 = arith.constant 816 : index
    %get3A_1236 = tpu.vector_load %arg10[%get3A_1234, %get3A_1235] {strides = array<i32>} : memref<10x1024xf32, #tpu.memory_space<vmem>>, vector<16xf32>,
    %add3A_1237 = arith.addf %add3A_1232, %get3A_1236 : vector<16xf32>
    %get3A_1238 = arith.constant 3 : i32
    %get3A_1239 = arith.index_cast %get3A_1238 : i32 to index
    %get3A_1240 = arith.constant 832 : index
    %get3A_1241 = tpu.vector_load %arg10[%get3A_1239, %get3A_1240] {strides = array<i32>} : memref<10x1024xf32, #tpu.memory_space<vmem>>, vector<16xf32>,
    %add3A_1242 = arith.addf %add3A_1237, %get3A_1241 : vector<16xf32>
    %get3A_1243 = arith.constant 3 : i32
    %get3A_1244 = arith.index_cast %get3A_1243 : i32 to index
    %get3A_1245 = arith.constant 848 : index
    %get3A_1246 = tpu.vector_load %arg10[%get3A_1244, %get3A_1245] {strides = array<i32>} : memref<10x1024xf32, #tpu.memory_space<vmem>>, vector<16xf32>,
    %add3A_1247 = arith.addf %add3A_1242, %get3A_1246 : vector<16xf32>
    %get3A_1248 = arith.constant 3 : i32
    %get3A_1249 = arith.index_cast %get3A_1248 : i32 to index
    %get3A_1250 = arith.constant 864 : index
    %get3A_1251 = tpu.vector_load %arg10[%get3A_1249, %get3A_1250] {strides = array<i32>} : memref<10x1024xf32, #tpu.memory_space<vmem>>, vector<16xf32>,
    %add3A_1252 = arith.addf %add3A_1247, %get3A_1251 : vector<16xf32>
    %get3A_1253 = arith.constant 3 : i32
    %get3A_1254 = arith.index_cast %get3A_1253 : i32 to index
    %get3A_1255 = arith.constant 880 : index
    %get3A_1256 = tpu.vector_load %arg10[%get3A_1254, %get3A_1255] {strides = array<i32>} : memref<10x1024xf32, #tpu.memory_space<vmem>>, vector<16xf32>,
    %add3A_1257 = arith.addf %add3A_1252, %get3A_1256 : vector<16xf32>
    %get3A_1258 = arith.constant 3 : i32
    %get3A_1259 = arith.index_cast %get3A_1258 : i32 to index
    %get3A_1260 = arith.constant 896 : index
    %get3A_1261 = tpu.vector_load %arg10[%get3A_1259, %get3A_1260] {strides = array<i32>} : memref<10x1024xf32, #tpu.memory_space<vmem>>, vector<16xf32>,
    %add3A_1262 = arith.addf %add3A_1257, %get3A_1261 : vector<16xf32>
    %get3A_1263 = arith.constant 3 : i32
    %get3A_1264 = arith.index_cast %get3A_1263 : i32 to index
    %get3A_1265 = arith.constant 912 : index
    %get3A_1266 = tpu.vector_load %arg10[%get3A_1264, %get3A_1265] {strides = array<i32>} : memref<10x1024xf32, #tpu.memory_space<vmem>>, vector<16xf32>,
    %add3A_1267 = arith.addf %add3A_1262, %get3A_1266 : vector<16xf32>
    %get3A_1268 = arith.constant 3 : i32
    %get3A_1269 = arith.index_cast %get3A_1268 : i32 to index
    %get3A_1270 = arith.constant 928 : index
    %get3A_1271 = tpu.vector_load %arg10[%get3A_1269, %get3A_1270] {strides = array<i32>} : memref<10x1024xf32, #tpu.memory_space<vmem>>, vector<16xf32>,
    %add3A_1272 = arith.addf %add3A_1267, %get3A_1271 : vector<16xf32>
    %get3A_1273 = arith.constant 3 : i32
    %get3A_1274 = arith.index_cast %get3A_1273 : i32 to index
    %get3A_1275 = arith.constant 944 : index
    %get3A_1276 = tpu.vector_load %arg10[%get3A_1274, %get3A_1275] {strides = array<i32>} : memref<10x1024xf32, #tpu.memory_space<vmem>>, vector<16xf32>,
    %add3A_1277 = arith.addf %add3A_1272, %get3A_1276 : vector<16xf32>
    %get3A_1278 = arith.constant 3 : i32
    %get3A_1279 = arith.index_cast %get3A_1278 : i32 to index
    %get3A_1280 = arith.constant 960 : index
    %get3A_1281 = tpu.vector_load %arg10[%get3A_1279, %get3A_1280] {strides = array<i32>} : memref<10x1024xf32, #tpu.memory_space<vmem>>, vector<16xf32>,
    %add3A_1282 = arith.addf %add3A_1277, %get3A_1281 : vector<16xf32>
    %get3A_1283 = arith.constant 3 : i32
    %get3A_1284 = arith.index_cast %get3A_1283 : i32 to index
    %get3A_1285 = arith.constant 976 : index
    %get3A_1286 = tpu.vector_load %arg10[%get3A_1284, %get3A_1285] {strides = array<i32>} : memref<10x1024xf32, #tpu.memory_space<vmem>>, vector<16xf32>,
    %add3A_1287 = arith.addf %add3A_1282, %get3A_1286 : vector<16xf32>
    %get3A_1288 = arith.constant 3 : i32
    %get3A_1289 = arith.index_cast %get3A_1288 : i32 to index
    %get3A_1290 = arith.constant 992 : index
    %get3A_1291 = tpu.vector_load %arg10[%get3A_1289, %get3A_1290] {strides = array<i32>} : memref<10x1024xf32, #tpu.memory_space<vmem>>, vector<16xf32>,
    %add3A_1292 = arith.addf %add3A_1287, %get3A_1291 : vector<16xf32>
    %get3A_1293 = arith.constant 3 : i32
    %get3A_1294 = arith.index_cast %get3A_1293 : i32 to index
    %get3A_1295 = arith.constant 1008 : index
    %get3A_1296 = tpu.vector_load %arg10[%get3A_1294, %get3A_1295] {strides = array<i32>} : memref<10x1024xf32, #tpu.memory_space<vmem>>, vector<16xf32>,
    %add3A_1297 = arith.addf %add3A_1292, %get3A_1296 : vector<16xf32>
    %reduce_sum3A_1298 = arith.constant true
    %reduce_sum3A_1299 = vector.broadcast %reduce_sum3A_1298 : i1 to vector<16xi1>
    %reduce_sum3A_1300 = tpu.scan <sum>, %add3A_1297 masked %reduce_sum3A_1299 : vector<16xf32>, vector<16xi1> -> vector<16xf32>
    %reduce_sum3A_1301 = vector.extract %reduce_sum3A_1300[15] : f32 from vector<16xf32>
    %broadcast_in_dim3A_1302 = arith.constant 0.000000e+00 : f32
    %broadcast_in_dim3A_1303 = vector.broadcast %broadcast_in_dim3A_1302 : f32 to vector<16xf32>
    %get3A_1304 = arith.constant 4 : i32
    %get3A_1305 = arith.index_cast %get3A_1304 : i32 to index
    %get3A_1306 = arith.constant 0 : index
    %get3A_1307 = tpu.vector_load %arg10[%get3A_1305, %get3A_1306] {strides = array<i32>} : memref<10x1024xf32, #tpu.memory_space<vmem>>, vector<16xf32>,
    %add3A_1308 = arith.addf %broadcast_in_dim3A_1303, %get3A_1307 : vector<16xf32>
    %get3A_1309 = arith.constant 4 : i32
    %get3A_1310 = arith.index_cast %get3A_1309 : i32 to index
    %get3A_1311 = arith.constant 16 : index
    %get3A_1312 = tpu.vector_load %arg10[%get3A_1310, %get3A_1311] {strides = array<i32>} : memref<10x1024xf32, #tpu.memory_space<vmem>>, vector<16xf32>,
    %add3A_1313 = arith.addf %add3A_1308, %get3A_1312 : vector<16xf32>
    %get3A_1314 = arith.constant 4 : i32
    %get3A_1315 = arith.index_cast %get3A_1314 : i32 to index
    %get3A_1316 = arith.constant 32 : index
    %get3A_1317 = tpu.vector_load %arg10[%get3A_1315, %get3A_1316] {strides = array<i32>} : memref<10x1024xf32, #tpu.memory_space<vmem>>, vector<16xf32>,
    %add3A_1318 = arith.addf %add3A_1313, %get3A_1317 : vector<16xf32>
    %get3A_1319 = arith.constant 4 : i32
    %get3A_1320 = arith.index_cast %get3A_1319 : i32 to index
    %get3A_1321 = arith.constant 48 : index
    %get3A_1322 = tpu.vector_load %arg10[%get3A_1320, %get3A_1321] {strides = array<i32>} : memref<10x1024xf32, #tpu.memory_space<vmem>>, vector<16xf32>,
    %add3A_1323 = arith.addf %add3A_1318, %get3A_1322 : vector<16xf32>
    %get3A_1324 = arith.constant 4 : i32
    %get3A_1325 = arith.index_cast %get3A_1324 : i32 to index
    %get3A_1326 = arith.constant 64 : index
    %get3A_1327 = tpu.vector_load %arg10[%get3A_1325, %get3A_1326] {strides = array<i32>} : memref<10x1024xf32, #tpu.memory_space<vmem>>, vector<16xf32>,
    %add3A_1328 = arith.addf %add3A_1323, %get3A_1327 : vector<16xf32>
    %get3A_1329 = arith.constant 4 : i32
    %get3A_1330 = arith.index_cast %get3A_1329 : i32 to index
    %get3A_1331 = arith.constant 80 : index
    %get3A_1332 = tpu.vector_load %arg10[%get3A_1330, %get3A_1331] {strides = array<i32>} : memref<10x1024xf32, #tpu.memory_space<vmem>>, vector<16xf32>,
    %add3A_1333 = arith.addf %add3A_1328, %get3A_1332 : vector<16xf32>
    %get3A_1334 = arith.constant 4 : i32
    %get3A_1335 = arith.index_cast %get3A_1334 : i32 to index
    %get3A_1336 = arith.constant 96 : index
    %get3A_1337 = tpu.vector_load %arg10[%get3A_1335, %get3A_1336] {strides = array<i32>} : memref<10x1024xf32, #tpu.memory_space<vmem>>, vector<16xf32>,
    %add3A_1338 = arith.addf %add3A_1333, %get3A_1337 : vector<16xf32>
    %get3A_1339 = arith.constant 4 : i32
    %get3A_1340 = arith.index_cast %get3A_1339 : i32 to index
    %get3A_1341 = arith.constant 112 : index
    %get3A_1342 = tpu.vector_load %arg10[%get3A_1340, %get3A_1341] {strides = array<i32>} : memref<10x1024xf32, #tpu.memory_space<vmem>>, vector<16xf32>,
    %add3A_1343 = arith.addf %add3A_1338, %get3A_1342 : vector<16xf32>
    %get3A_1344 = arith.constant 4 : i32
    %get3A_1345 = arith.index_cast %get3A_1344 : i32 to index
    %get3A_1346 = arith.constant 128 : index
    %get3A_1347 = tpu.vector_load %arg10[%get3A_1345, %get3A_1346] {strides = array<i32>} : memref<10x1024xf32, #tpu.memory_space<vmem>>, vector<16xf32>,
    %add3A_1348 = arith.addf %add3A_1343, %get3A_1347 : vector<16xf32>
    %get3A_1349 = arith.constant 4 : i32
    %get3A_1350 = arith.index_cast %get3A_1349 : i32 to index
    %get3A_1351 = arith.constant 144 : index
    %get3A_1352 = tpu.vector_load %arg10[%get3A_1350, %get3A_1351] {strides = array<i32>} : memref<10x1024xf32, #tpu.memory_space<vmem>>, vector<16xf32>,
    %add3A_1353 = arith.addf %add3A_1348, %get3A_1352 : vector<16xf32>
    %get3A_1354 = arith.constant 4 : i32
    %get3A_1355 = arith.index_cast %get3A_1354 : i32 to index
    %get3A_1356 = arith.constant 160 : index
    %get3A_1357 = tpu.vector_load %arg10[%get3A_1355, %get3A_1356] {strides = array<i32>} : memref<10x1024xf32, #tpu.memory_space<vmem>>, vector<16xf32>,
    %add3A_1358 = arith.addf %add3A_1353, %get3A_1357 : vector<16xf32>
    %get3A_1359 = arith.constant 4 : i32
    %get3A_1360 = arith.index_cast %get3A_1359 : i32 to index
    %get3A_1361 = arith.constant 176 : index
    %get3A_1362 = tpu.vector_load %arg10[%get3A_1360, %get3A_1361] {strides = array<i32>} : memref<10x1024xf32, #tpu.memory_space<vmem>>, vector<16xf32>,
    %add3A_1363 = arith.addf %add3A_1358, %get3A_1362 : vector<16xf32>
    %get3A_1364 = arith.constant 4 : i32
    %get3A_1365 = arith.index_cast %get3A_1364 : i32 to index
    %get3A_1366 = arith.constant 192 : index
    %get3A_1367 = tpu.vector_load %arg10[%get3A_1365, %get3A_1366] {strides = array<i32>} : memref<10x1024xf32, #tpu.memory_space<vmem>>, vector<16xf32>,
    %add3A_1368 = arith.addf %add3A_1363, %get3A_1367 : vector<16xf32>
    %get3A_1369 = arith.constant 4 : i32
    %get3A_1370 = arith.index_cast %get3A_1369 : i32 to index
    %get3A_1371 = arith.constant 208 : index
    %get3A_1372 = tpu.vector_load %arg10[%get3A_1370, %get3A_1371] {strides = array<i32>} : memref<10x1024xf32, #tpu.memory_space<vmem>>, vector<16xf32>,
    %add3A_1373 = arith.addf %add3A_1368, %get3A_1372 : vector<16xf32>
    %get3A_1374 = arith.constant 4 : i32
    %get3A_1375 = arith.index_cast %get3A_1374 : i32 to index
    %get3A_1376 = arith.constant 224 : index
    %get3A_1377 = tpu.vector_load %arg10[%get3A_1375, %get3A_1376] {strides = array<i32>} : memref<10x1024xf32, #tpu.memory_space<vmem>>, vector<16xf32>,
    %add3A_1378 = arith.addf %add3A_1373, %get3A_1377 : vector<16xf32>
    %get3A_1379 = arith.constant 4 : i32
    %get3A_1380 = arith.index_cast %get3A_1379 : i32 to index
    %get3A_1381 = arith.constant 240 : index
    %get3A_1382 = tpu.vector_load %arg10[%get3A_1380, %get3A_1381] {strides = array<i32>} : memref<10x1024xf32, #tpu.memory_space<vmem>>, vector<16xf32>,
    %add3A_1383 = arith.addf %add3A_1378, %get3A_1382 : vector<16xf32>
    %get3A_1384 = arith.constant 4 : i32
    %get3A_1385 = arith.index_cast %get3A_1384 : i32 to index
    %get3A_1386 = arith.constant 256 : index
    %get3A_1387 = tpu.vector_load %arg10[%get3A_1385, %get3A_1386] {strides = array<i32>} : memref<10x1024xf32, #tpu.memory_space<vmem>>, vector<16xf32>,
    %add3A_1388 = arith.addf %add3A_1383, %get3A_1387 : vector<16xf32>
    %get3A_1389 = arith.constant 4 : i32
    %get3A_1390 = arith.index_cast %get3A_1389 : i32 to index
    %get3A_1391 = arith.constant 272 : index
    %get3A_1392 = tpu.vector_load %arg10[%get3A_1390, %get3A_1391] {strides = array<i32>} : memref<10x1024xf32, #tpu.memory_space<vmem>>, vector<16xf32>,
    %add3A_1393 = arith.addf %add3A_1388, %get3A_1392 : vector<16xf32>
    %get3A_1394 = arith.constant 4 : i32
    %get3A_1395 = arith.index_cast %get3A_1394 : i32 to index
    %get3A_1396 = arith.constant 288 : index
    %get3A_1397 = tpu.vector_load %arg10[%get3A_1395, %get3A_1396] {strides = array<i32>} : memref<10x1024xf32, #tpu.memory_space<vmem>>, vector<16xf32>,
    %add3A_1398 = arith.addf %add3A_1393, %get3A_1397 : vector<16xf32>
    %get3A_1399 = arith.constant 4 : i32
    %get3A_1400 = arith.index_cast %get3A_1399 : i32 to index
    %get3A_1401 = arith.constant 304 : index
    %get3A_1402 = tpu.vector_load %arg10[%get3A_1400, %get3A_1401] {strides = array<i32>} : memref<10x1024xf32, #tpu.memory_space<vmem>>, vector<16xf32>,
    %add3A_1403 = arith.addf %add3A_1398, %get3A_1402 : vector<16xf32>
    %get3A_1404 = arith.constant 4 : i32
    %get3A_1405 = arith.index_cast %get3A_1404 : i32 to index
    %get3A_1406 = arith.constant 320 : index
    %get3A_1407 = tpu.vector_load %arg10[%get3A_1405, %get3A_1406] {strides = array<i32>} : memref<10x1024xf32, #tpu.memory_space<vmem>>, vector<16xf32>,
    %add3A_1408 = arith.addf %add3A_1403, %get3A_1407 : vector<16xf32>
    %get3A_1409 = arith.constant 4 : i32
    %get3A_1410 = arith.index_cast %get3A_1409 : i32 to index
    %get3A_1411 = arith.constant 336 : index
    %get3A_1412 = tpu.vector_load %arg10[%get3A_1410, %get3A_1411] {strides = array<i32>} : memref<10x1024xf32, #tpu.memory_space<vmem>>, vector<16xf32>,
    %add3A_1413 = arith.addf %add3A_1408, %get3A_1412 : vector<16xf32>
    %get3A_1414 = arith.constant 4 : i32
    %get3A_1415 = arith.index_cast %get3A_1414 : i32 to index
    %get3A_1416 = arith.constant 352 : index
    %get3A_1417 = tpu.vector_load %arg10[%get3A_1415, %get3A_1416] {strides = array<i32>} : memref<10x1024xf32, #tpu.memory_space<vmem>>, vector<16xf32>,
    %add3A_1418 = arith.addf %add3A_1413, %get3A_1417 : vector<16xf32>
    %get3A_1419 = arith.constant 4 : i32
    %get3A_1420 = arith.index_cast %get3A_1419 : i32 to index
    %get3A_1421 = arith.constant 368 : index
    %get3A_1422 = tpu.vector_load %arg10[%get3A_1420, %get3A_1421] {strides = array<i32>} : memref<10x1024xf32, #tpu.memory_space<vmem>>, vector<16xf32>,
    %add3A_1423 = arith.addf %add3A_1418, %get3A_1422 : vector<16xf32>
    %get3A_1424 = arith.constant 4 : i32
    %get3A_1425 = arith.index_cast %get3A_1424 : i32 to index
    %get3A_1426 = arith.constant 384 : index
    %get3A_1427 = tpu.vector_load %arg10[%get3A_1425, %get3A_1426] {strides = array<i32>} : memref<10x1024xf32, #tpu.memory_space<vmem>>, vector<16xf32>,
    %add3A_1428 = arith.addf %add3A_1423, %get3A_1427 : vector<16xf32>
    %get3A_1429 = arith.constant 4 : i32
    %get3A_1430 = arith.index_cast %get3A_1429 : i32 to index
    %get3A_1431 = arith.constant 400 : index
    %get3A_1432 = tpu.vector_load %arg10[%get3A_1430, %get3A_1431] {strides = array<i32>} : memref<10x1024xf32, #tpu.memory_space<vmem>>, vector<16xf32>,
    %add3A_1433 = arith.addf %add3A_1428, %get3A_1432 : vector<16xf32>
    %get3A_1434 = arith.constant 4 : i32
    %get3A_1435 = arith.index_cast %get3A_1434 : i32 to index
    %get3A_1436 = arith.constant 416 : index
    %get3A_1437 = tpu.vector_load %arg10[%get3A_1435, %get3A_1436] {strides = array<i32>} : memref<10x1024xf32, #tpu.memory_space<vmem>>, vector<16xf32>,
    %add3A_1438 = arith.addf %add3A_1433, %get3A_1437 : vector<16xf32>
    %get3A_1439 = arith.constant 4 : i32
    %get3A_1440 = arith.index_cast %get3A_1439 : i32 to index
    %get3A_1441 = arith.constant 432 : index
    %get3A_1442 = tpu.vector_load %arg10[%get3A_1440, %get3A_1441] {strides = array<i32>} : memref<10x1024xf32, #tpu.memory_space<vmem>>, vector<16xf32>,
    %add3A_1443 = arith.addf %add3A_1438, %get3A_1442 : vector<16xf32>
    %get3A_1444 = arith.constant 4 : i32
    %get3A_1445 = arith.index_cast %get3A_1444 : i32 to index
    %get3A_1446 = arith.constant 448 : index
    %get3A_1447 = tpu.vector_load %arg10[%get3A_1445, %get3A_1446] {strides = array<i32>} : memref<10x1024xf32, #tpu.memory_space<vmem>>, vector<16xf32>,
    %add3A_1448 = arith.addf %add3A_1443, %get3A_1447 : vector<16xf32>
    %get3A_1449 = arith.constant 4 : i32
    %get3A_1450 = arith.index_cast %get3A_1449 : i32 to index
    %get3A_1451 = arith.constant 464 : index
    %get3A_1452 = tpu.vector_load %arg10[%get3A_1450, %get3A_1451] {strides = array<i32>} : memref<10x1024xf32, #tpu.memory_space<vmem>>, vector<16xf32>,
    %add3A_1453 = arith.addf %add3A_1448, %get3A_1452 : vector<16xf32>
    %get3A_1454 = arith.constant 4 : i32
    %get3A_1455 = arith.index_cast %get3A_1454 : i32 to index
    %get3A_1456 = arith.constant 480 : index
    %get3A_1457 = tpu.vector_load %arg10[%get3A_1455, %get3A_1456] {strides = array<i32>} : memref<10x1024xf32, #tpu.memory_space<vmem>>, vector<16xf32>,
    %add3A_1458 = arith.addf %add3A_1453, %get3A_1457 : vector<16xf32>
    %get3A_1459 = arith.constant 4 : i32
    %get3A_1460 = arith.index_cast %get3A_1459 : i32 to index
    %get3A_1461 = arith.constant 496 : index
    %get3A_1462 = tpu.vector_load %arg10[%get3A_1460, %get3A_1461] {strides = array<i32>} : memref<10x1024xf32, #tpu.memory_space<vmem>>, vector<16xf32>,
    %add3A_1463 = arith.addf %add3A_1458, %get3A_1462 : vector<16xf32>
    %get3A_1464 = arith.constant 4 : i32
    %get3A_1465 = arith.index_cast %get3A_1464 : i32 to index
    %get3A_1466 = arith.constant 512 : index
    %get3A_1467 = tpu.vector_load %arg10[%get3A_1465, %get3A_1466] {strides = array<i32>} : memref<10x1024xf32, #tpu.memory_space<vmem>>, vector<16xf32>,
    %add3A_1468 = arith.addf %add3A_1463, %get3A_1467 : vector<16xf32>
    %get3A_1469 = arith.constant 4 : i32
    %get3A_1470 = arith.index_cast %get3A_1469 : i32 to index
    %get3A_1471 = arith.constant 528 : index
    %get3A_1472 = tpu.vector_load %arg10[%get3A_1470, %get3A_1471] {strides = array<i32>} : memref<10x1024xf32, #tpu.memory_space<vmem>>, vector<16xf32>,
    %add3A_1473 = arith.addf %add3A_1468, %get3A_1472 : vector<16xf32>
    %get3A_1474 = arith.constant 4 : i32
    %get3A_1475 = arith.index_cast %get3A_1474 : i32 to index
    %get3A_1476 = arith.constant 544 : index
    %get3A_1477 = tpu.vector_load %arg10[%get3A_1475, %get3A_1476] {strides = array<i32>} : memref<10x1024xf32, #tpu.memory_space<vmem>>, vector<16xf32>,
    %add3A_1478 = arith.addf %add3A_1473, %get3A_1477 : vector<16xf32>
    %get3A_1479 = arith.constant 4 : i32
    %get3A_1480 = arith.index_cast %get3A_1479 : i32 to index
    %get3A_1481 = arith.constant 560 : index
    %get3A_1482 = tpu.vector_load %arg10[%get3A_1480, %get3A_1481] {strides = array<i32>} : memref<10x1024xf32, #tpu.memory_space<vmem>>, vector<16xf32>,
    %add3A_1483 = arith.addf %add3A_1478, %get3A_1482 : vector<16xf32>
    %get3A_1484 = arith.constant 4 : i32
    %get3A_1485 = arith.index_cast %get3A_1484 : i32 to index
    %get3A_1486 = arith.constant 576 : index
    %get3A_1487 = tpu.vector_load %arg10[%get3A_1485, %get3A_1486] {strides = array<i32>} : memref<10x1024xf32, #tpu.memory_space<vmem>>, vector<16xf32>,
    %add3A_1488 = arith.addf %add3A_1483, %get3A_1487 : vector<16xf32>
    %get3A_1489 = arith.constant 4 : i32
    %get3A_1490 = arith.index_cast %get3A_1489 : i32 to index
    %get3A_1491 = arith.constant 592 : index
    %get3A_1492 = tpu.vector_load %arg10[%get3A_1490, %get3A_1491] {strides = array<i32>} : memref<10x1024xf32, #tpu.memory_space<vmem>>, vector<16xf32>,
    %add3A_1493 = arith.addf %add3A_1488, %get3A_1492 : vector<16xf32>
    %get3A_1494 = arith.constant 4 : i32
    %get3A_1495 = arith.index_cast %get3A_1494 : i32 to index
    %get3A_1496 = arith.constant 608 : index
    %get3A_1497 = tpu.vector_load %arg10[%get3A_1495, %get3A_1496] {strides = array<i32>} : memref<10x1024xf32, #tpu.memory_space<vmem>>, vector<16xf32>,
    %add3A_1498 = arith.addf %add3A_1493, %get3A_1497 : vector<16xf32>
    %get3A_1499 = arith.constant 4 : i32
    %get3A_1500 = arith.index_cast %get3A_1499 : i32 to index
    %get3A_1501 = arith.constant 624 : index
    %get3A_1502 = tpu.vector_load %arg10[%get3A_1500, %get3A_1501] {strides = array<i32>} : memref<10x1024xf32, #tpu.memory_space<vmem>>, vector<16xf32>,
    %add3A_1503 = arith.addf %add3A_1498, %get3A_1502 : vector<16xf32>
    %get3A_1504 = arith.constant 4 : i32
    %get3A_1505 = arith.index_cast %get3A_1504 : i32 to index
    %get3A_1506 = arith.constant 640 : index
    %get3A_1507 = tpu.vector_load %arg10[%get3A_1505, %get3A_1506] {strides = array<i32>} : memref<10x1024xf32, #tpu.memory_space<vmem>>, vector<16xf32>,
    %add3A_1508 = arith.addf %add3A_1503, %get3A_1507 : vector<16xf32>
    %get3A_1509 = arith.constant 4 : i32
    %get3A_1510 = arith.index_cast %get3A_1509 : i32 to index
    %get3A_1511 = arith.constant 656 : index
    %get3A_1512 = tpu.vector_load %arg10[%get3A_1510, %get3A_1511] {strides = array<i32>} : memref<10x1024xf32, #tpu.memory_space<vmem>>, vector<16xf32>,
    %add3A_1513 = arith.addf %add3A_1508, %get3A_1512 : vector<16xf32>
    %get3A_1514 = arith.constant 4 : i32
    %get3A_1515 = arith.index_cast %get3A_1514 : i32 to index
    %get3A_1516 = arith.constant 672 : index
    %get3A_1517 = tpu.vector_load %arg10[%get3A_1515, %get3A_1516] {strides = array<i32>} : memref<10x1024xf32, #tpu.memory_space<vmem>>, vector<16xf32>,
    %add3A_1518 = arith.addf %add3A_1513, %get3A_1517 : vector<16xf32>
    %get3A_1519 = arith.constant 4 : i32
    %get3A_1520 = arith.index_cast %get3A_1519 : i32 to index
    %get3A_1521 = arith.constant 688 : index
    %get3A_1522 = tpu.vector_load %arg10[%get3A_1520, %get3A_1521] {strides = array<i32>} : memref<10x1024xf32, #tpu.memory_space<vmem>>, vector<16xf32>,
    %add3A_1523 = arith.addf %add3A_1518, %get3A_1522 : vector<16xf32>
    %get3A_1524 = arith.constant 4 : i32
    %get3A_1525 = arith.index_cast %get3A_1524 : i32 to index
    %get3A_1526 = arith.constant 704 : index
    %get3A_1527 = tpu.vector_load %arg10[%get3A_1525, %get3A_1526] {strides = array<i32>} : memref<10x1024xf32, #tpu.memory_space<vmem>>, vector<16xf32>,
    %add3A_1528 = arith.addf %add3A_1523, %get3A_1527 : vector<16xf32>
    %get3A_1529 = arith.constant 4 : i32
    %get3A_1530 = arith.index_cast %get3A_1529 : i32 to index
    %get3A_1531 = arith.constant 720 : index
    %get3A_1532 = tpu.vector_load %arg10[%get3A_1530, %get3A_1531] {strides = array<i32>} : memref<10x1024xf32, #tpu.memory_space<vmem>>, vector<16xf32>,
    %add3A_1533 = arith.addf %add3A_1528, %get3A_1532 : vector<16xf32>
    %get3A_1534 = arith.constant 4 : i32
    %get3A_1535 = arith.index_cast %get3A_1534 : i32 to index
    %get3A_1536 = arith.constant 736 : index
    %get3A_1537 = tpu.vector_load %arg10[%get3A_1535, %get3A_1536] {strides = array<i32>} : memref<10x1024xf32, #tpu.memory_space<vmem>>, vector<16xf32>,
    %add3A_1538 = arith.addf %add3A_1533, %get3A_1537 : vector<16xf32>
    %get3A_1539 = arith.constant 4 : i32
    %get3A_1540 = arith.index_cast %get3A_1539 : i32 to index
    %get3A_1541 = arith.constant 752 : index
    %get3A_1542 = tpu.vector_load %arg10[%get3A_1540, %get3A_1541] {strides = array<i32>} : memref<10x1024xf32, #tpu.memory_space<vmem>>, vector<16xf32>,
    %add3A_1543 = arith.addf %add3A_1538, %get3A_1542 : vector<16xf32>
    %get3A_1544 = arith.constant 4 : i32
    %get3A_1545 = arith.index_cast %get3A_1544 : i32 to index
    %get3A_1546 = arith.constant 768 : index
    %get3A_1547 = tpu.vector_load %arg10[%get3A_1545, %get3A_1546] {strides = array<i32>} : memref<10x1024xf32, #tpu.memory_space<vmem>>, vector<16xf32>,
    %add3A_1548 = arith.addf %add3A_1543, %get3A_1547 : vector<16xf32>
    %get3A_1549 = arith.constant 4 : i32
    %get3A_1550 = arith.index_cast %get3A_1549 : i32 to index
    %get3A_1551 = arith.constant 784 : index
    %get3A_1552 = tpu.vector_load %arg10[%get3A_1550, %get3A_1551] {strides = array<i32>} : memref<10x1024xf32, #tpu.memory_space<vmem>>, vector<16xf32>,
    %add3A_1553 = arith.addf %add3A_1548, %get3A_1552 : vector<16xf32>
    %get3A_1554 = arith.constant 4 : i32
    %get3A_1555 = arith.index_cast %get3A_1554 : i32 to index
    %get3A_1556 = arith.constant 800 : index
    %get3A_1557 = tpu.vector_load %arg10[%get3A_1555, %get3A_1556] {strides = array<i32>} : memref<10x1024xf32, #tpu.memory_space<vmem>>, vector<16xf32>,
    %add3A_1558 = arith.addf %add3A_1553, %get3A_1557 : vector<16xf32>
    %get3A_1559 = arith.constant 4 : i32
    %get3A_1560 = arith.index_cast %get3A_1559 : i32 to index
    %get3A_1561 = arith.constant 816 : index
    %get3A_1562 = tpu.vector_load %arg10[%get3A_1560, %get3A_1561] {strides = array<i32>} : memref<10x1024xf32, #tpu.memory_space<vmem>>, vector<16xf32>,
    %add3A_1563 = arith.addf %add3A_1558, %get3A_1562 : vector<16xf32>
    %get3A_1564 = arith.constant 4 : i32
    %get3A_1565 = arith.index_cast %get3A_1564 : i32 to index
    %get3A_1566 = arith.constant 832 : index
    %get3A_1567 = tpu.vector_load %arg10[%get3A_1565, %get3A_1566] {strides = array<i32>} : memref<10x1024xf32, #tpu.memory_space<vmem>>, vector<16xf32>,
    %add3A_1568 = arith.addf %add3A_1563, %get3A_1567 : vector<16xf32>
    %get3A_1569 = arith.constant 4 : i32
    %get3A_1570 = arith.index_cast %get3A_1569 : i32 to index
    %get3A_1571 = arith.constant 848 : index
    %get3A_1572 = tpu.vector_load %arg10[%get3A_1570, %get3A_1571] {strides = array<i32>} : memref<10x1024xf32, #tpu.memory_space<vmem>>, vector<16xf32>,
    %add3A_1573 = arith.addf %add3A_1568, %get3A_1572 : vector<16xf32>
    %get3A_1574 = arith.constant 4 : i32
    %get3A_1575 = arith.index_cast %get3A_1574 : i32 to index
    %get3A_1576 = arith.constant 864 : index
    %get3A_1577 = tpu.vector_load %arg10[%get3A_1575, %get3A_1576] {strides = array<i32>} : memref<10x1024xf32, #tpu.memory_space<vmem>>, vector<16xf32>,
    %add3A_1578 = arith.addf %add3A_1573, %get3A_1577 : vector<16xf32>
    %get3A_1579 = arith.constant 4 : i32
    %get3A_1580 = arith.index_cast %get3A_1579 : i32 to index
    %get3A_1581 = arith.constant 880 : index
    %get3A_1582 = tpu.vector_load %arg10[%get3A_1580, %get3A_1581] {strides = array<i32>} : memref<10x1024xf32, #tpu.memory_space<vmem>>, vector<16xf32>,
    %add3A_1583 = arith.addf %add3A_1578, %get3A_1582 : vector<16xf32>
    %get3A_1584 = arith.constant 4 : i32
    %get3A_1585 = arith.index_cast %get3A_1584 : i32 to index
    %get3A_1586 = arith.constant 896 : index
    %get3A_1587 = tpu.vector_load %arg10[%get3A_1585, %get3A_1586] {strides = array<i32>} : memref<10x1024xf32, #tpu.memory_space<vmem>>, vector<16xf32>,
    %add3A_1588 = arith.addf %add3A_1583, %get3A_1587 : vector<16xf32>
    %get3A_1589 = arith.constant 4 : i32
    %get3A_1590 = arith.index_cast %get3A_1589 : i32 to index
    %get3A_1591 = arith.constant 912 : index
    %get3A_1592 = tpu.vector_load %arg10[%get3A_1590, %get3A_1591] {strides = array<i32>} : memref<10x1024xf32, #tpu.memory_space<vmem>>, vector<16xf32>,
    %add3A_1593 = arith.addf %add3A_1588, %get3A_1592 : vector<16xf32>
    %get3A_1594 = arith.constant 4 : i32
    %get3A_1595 = arith.index_cast %get3A_1594 : i32 to index
    %get3A_1596 = arith.constant 928 : index
    %get3A_1597 = tpu.vector_load %arg10[%get3A_1595, %get3A_1596] {strides = array<i32>} : memref<10x1024xf32, #tpu.memory_space<vmem>>, vector<16xf32>,
    %add3A_1598 = arith.addf %add3A_1593, %get3A_1597 : vector<16xf32>
    %get3A_1599 = arith.constant 4 : i32
    %get3A_1600 = arith.index_cast %get3A_1599 : i32 to index
    %get3A_1601 = arith.constant 944 : index
    %get3A_1602 = tpu.vector_load %arg10[%get3A_1600, %get3A_1601] {strides = array<i32>} : memref<10x1024xf32, #tpu.memory_space<vmem>>, vector<16xf32>,
    %add3A_1603 = arith.addf %add3A_1598, %get3A_1602 : vector<16xf32>
    %get3A_1604 = arith.constant 4 : i32
    %get3A_1605 = arith.index_cast %get3A_1604 : i32 to index
    %get3A_1606 = arith.constant 960 : index
    %get3A_1607 = tpu.vector_load %arg10[%get3A_1605, %get3A_1606] {strides = array<i32>} : memref<10x1024xf32, #tpu.memory_space<vmem>>, vector<16xf32>,
    %add3A_1608 = arith.addf %add3A_1603, %get3A_1607 : vector<16xf32>
    %get3A_1609 = arith.constant 4 : i32
    %get3A_1610 = arith.index_cast %get3A_1609 : i32 to index
    %get3A_1611 = arith.constant 976 : index
    %get3A_1612 = tpu.vector_load %arg10[%get3A_1610, %get3A_1611] {strides = array<i32>} : memref<10x1024xf32, #tpu.memory_space<vmem>>, vector<16xf32>,
    %add3A_1613 = arith.addf %add3A_1608, %get3A_1612 : vector<16xf32>
    %get3A_1614 = arith.constant 4 : i32
    %get3A_1615 = arith.index_cast %get3A_1614 : i32 to index
    %get3A_1616 = arith.constant 992 : index
    %get3A_1617 = tpu.vector_load %arg10[%get3A_1615, %get3A_1616] {strides = array<i32>} : memref<10x1024xf32, #tpu.memory_space<vmem>>, vector<16xf32>,
    %add3A_1618 = arith.addf %add3A_1613, %get3A_1617 : vector<16xf32>
    %get3A_1619 = arith.constant 4 : i32
    %get3A_1620 = arith.index_cast %get3A_1619 : i32 to index
    %get3A_1621 = arith.constant 1008 : index
    %get3A_1622 = tpu.vector_load %arg10[%get3A_1620, %get3A_1621] {strides = array<i32>} : memref<10x1024xf32, #tpu.memory_space<vmem>>, vector<16xf32>,
    %add3A_1623 = arith.addf %add3A_1618, %get3A_1622 : vector<16xf32>
    %reduce_sum3A_1624 = arith.constant true
    %reduce_sum3A_1625 = vector.broadcast %reduce_sum3A_1624 : i1 to vector<16xi1>
    %reduce_sum3A_1626 = tpu.scan <sum>, %add3A_1623 masked %reduce_sum3A_1625 : vector<16xf32>, vector<16xi1> -> vector<16xf32>
    %reduce_sum3A_1627 = vector.extract %reduce_sum3A_1626[15] : f32 from vector<16xf32>
    %broadcast_in_dim3A_1628 = arith.constant 0.000000e+00 : f32
    %broadcast_in_dim3A_1629 = vector.broadcast %broadcast_in_dim3A_1628 : f32 to vector<16xf32>
    %get3A_1630 = arith.constant 5 : i32
    %get3A_1631 = arith.index_cast %get3A_1630 : i32 to index
    %get3A_1632 = arith.constant 0 : index
    %get3A_1633 = tpu.vector_load %arg10[%get3A_1631, %get3A_1632] {strides = array<i32>} : memref<10x1024xf32, #tpu.memory_space<vmem>>, vector<16xf32>,
    %add3A_1634 = arith.addf %broadcast_in_dim3A_1629, %get3A_1633 : vector<16xf32>
    %get3A_1635 = arith.constant 5 : i32
    %get3A_1636 = arith.index_cast %get3A_1635 : i32 to index
    %get3A_1637 = arith.constant 16 : index
    %get3A_1638 = tpu.vector_load %arg10[%get3A_1636, %get3A_1637] {strides = array<i32>} : memref<10x1024xf32, #tpu.memory_space<vmem>>, vector<16xf32>,
    %add3A_1639 = arith.addf %add3A_1634, %get3A_1638 : vector<16xf32>
    %get3A_1640 = arith.constant 5 : i32
    %get3A_1641 = arith.index_cast %get3A_1640 : i32 to index
    %get3A_1642 = arith.constant 32 : index
    %get3A_1643 = tpu.vector_load %arg10[%get3A_1641, %get3A_1642] {strides = array<i32>} : memref<10x1024xf32, #tpu.memory_space<vmem>>, vector<16xf32>,
    %add3A_1644 = arith.addf %add3A_1639, %get3A_1643 : vector<16xf32>
    %get3A_1645 = arith.constant 5 : i32
    %get3A_1646 = arith.index_cast %get3A_1645 : i32 to index
    %get3A_1647 = arith.constant 48 : index
    %get3A_1648 = tpu.vector_load %arg10[%get3A_1646, %get3A_1647] {strides = array<i32>} : memref<10x1024xf32, #tpu.memory_space<vmem>>, vector<16xf32>,
    %add3A_1649 = arith.addf %add3A_1644, %get3A_1648 : vector<16xf32>
    %get3A_1650 = arith.constant 5 : i32
    %get3A_1651 = arith.index_cast %get3A_1650 : i32 to index
    %get3A_1652 = arith.constant 64 : index
    %get3A_1653 = tpu.vector_load %arg10[%get3A_1651, %get3A_1652] {strides = array<i32>} : memref<10x1024xf32, #tpu.memory_space<vmem>>, vector<16xf32>,
    %add3A_1654 = arith.addf %add3A_1649, %get3A_1653 : vector<16xf32>
    %get3A_1655 = arith.constant 5 : i32
    %get3A_1656 = arith.index_cast %get3A_1655 : i32 to index
    %get3A_1657 = arith.constant 80 : index
    %get3A_1658 = tpu.vector_load %arg10[%get3A_1656, %get3A_1657] {strides = array<i32>} : memref<10x1024xf32, #tpu.memory_space<vmem>>, vector<16xf32>,
    %add3A_1659 = arith.addf %add3A_1654, %get3A_1658 : vector<16xf32>
    %get3A_1660 = arith.constant 5 : i32
    %get3A_1661 = arith.index_cast %get3A_1660 : i32 to index
    %get3A_1662 = arith.constant 96 : index
    %get3A_1663 = tpu.vector_load %arg10[%get3A_1661, %get3A_1662] {strides = array<i32>} : memref<10x1024xf32, #tpu.memory_space<vmem>>, vector<16xf32>,
    %add3A_1664 = arith.addf %add3A_1659, %get3A_1663 : vector<16xf32>
    %get3A_1665 = arith.constant 5 : i32
    %get3A_1666 = arith.index_cast %get3A_1665 : i32 to index
    %get3A_1667 = arith.constant 112 : index
    %get3A_1668 = tpu.vector_load %arg10[%get3A_1666, %get3A_1667] {strides = array<i32>} : memref<10x1024xf32, #tpu.memory_space<vmem>>, vector<16xf32>,
    %add3A_1669 = arith.addf %add3A_1664, %get3A_1668 : vector<16xf32>
    %get3A_1670 = arith.constant 5 : i32
    %get3A_1671 = arith.index_cast %get3A_1670 : i32 to index
    %get3A_1672 = arith.constant 128 : index
    %get3A_1673 = tpu.vector_load %arg10[%get3A_1671, %get3A_1672] {strides = array<i32>} : memref<10x1024xf32, #tpu.memory_space<vmem>>, vector<16xf32>,
    %add3A_1674 = arith.addf %add3A_1669, %get3A_1673 : vector<16xf32>
    %get3A_1675 = arith.constant 5 : i32
    %get3A_1676 = arith.index_cast %get3A_1675 : i32 to index
    %get3A_1677 = arith.constant 144 : index
    %get3A_1678 = tpu.vector_load %arg10[%get3A_1676, %get3A_1677] {strides = array<i32>} : memref<10x1024xf32, #tpu.memory_space<vmem>>, vector<16xf32>,
    %add3A_1679 = arith.addf %add3A_1674, %get3A_1678 : vector<16xf32>
    %get3A_1680 = arith.constant 5 : i32
    %get3A_1681 = arith.index_cast %get3A_1680 : i32 to index
    %get3A_1682 = arith.constant 160 : index
    %get3A_1683 = tpu.vector_load %arg10[%get3A_1681, %get3A_1682] {strides = array<i32>} : memref<10x1024xf32, #tpu.memory_space<vmem>>, vector<16xf32>,
    %add3A_1684 = arith.addf %add3A_1679, %get3A_1683 : vector<16xf32>
    %get3A_1685 = arith.constant 5 : i32
    %get3A_1686 = arith.index_cast %get3A_1685 : i32 to index
    %get3A_1687 = arith.constant 176 : index
    %get3A_1688 = tpu.vector_load %arg10[%get3A_1686, %get3A_1687] {strides = array<i32>} : memref<10x1024xf32, #tpu.memory_space<vmem>>, vector<16xf32>,
    %add3A_1689 = arith.addf %add3A_1684, %get3A_1688 : vector<16xf32>
    %get3A_1690 = arith.constant 5 : i32
    %get3A_1691 = arith.index_cast %get3A_1690 : i32 to index
    %get3A_1692 = arith.constant 192 : index
    %get3A_1693 = tpu.vector_load %arg10[%get3A_1691, %get3A_1692] {strides = array<i32>} : memref<10x1024xf32, #tpu.memory_space<vmem>>, vector<16xf32>,
    %add3A_1694 = arith.addf %add3A_1689, %get3A_1693 : vector<16xf32>
    %get3A_1695 = arith.constant 5 : i32
    %get3A_1696 = arith.index_cast %get3A_1695 : i32 to index
    %get3A_1697 = arith.constant 208 : index
    %get3A_1698 = tpu.vector_load %arg10[%get3A_1696, %get3A_1697] {strides = array<i32>} : memref<10x1024xf32, #tpu.memory_space<vmem>>, vector<16xf32>,
    %add3A_1699 = arith.addf %add3A_1694, %get3A_1698 : vector<16xf32>
    %get3A_1700 = arith.constant 5 : i32
    %get3A_1701 = arith.index_cast %get3A_1700 : i32 to index
    %get3A_1702 = arith.constant 224 : index
    %get3A_1703 = tpu.vector_load %arg10[%get3A_1701, %get3A_1702] {strides = array<i32>} : memref<10x1024xf32, #tpu.memory_space<vmem>>, vector<16xf32>,
    %add3A_1704 = arith.addf %add3A_1699, %get3A_1703 : vector<16xf32>
    %get3A_1705 = arith.constant 5 : i32
    %get3A_1706 = arith.index_cast %get3A_1705 : i32 to index
    %get3A_1707 = arith.constant 240 : index
    %get3A_1708 = tpu.vector_load %arg10[%get3A_1706, %get3A_1707] {strides = array<i32>} : memref<10x1024xf32, #tpu.memory_space<vmem>>, vector<16xf32>,
    %add3A_1709 = arith.addf %add3A_1704, %get3A_1708 : vector<16xf32>
    %get3A_1710 = arith.constant 5 : i32
    %get3A_1711 = arith.index_cast %get3A_1710 : i32 to index
    %get3A_1712 = arith.constant 256 : index
    %get3A_1713 = tpu.vector_load %arg10[%get3A_1711, %get3A_1712] {strides = array<i32>} : memref<10x1024xf32, #tpu.memory_space<vmem>>, vector<16xf32>,
    %add3A_1714 = arith.addf %add3A_1709, %get3A_1713 : vector<16xf32>
    %get3A_1715 = arith.constant 5 : i32
    %get3A_1716 = arith.index_cast %get3A_1715 : i32 to index
    %get3A_1717 = arith.constant 272 : index
    %get3A_1718 = tpu.vector_load %arg10[%get3A_1716, %get3A_1717] {strides = array<i32>} : memref<10x1024xf32, #tpu.memory_space<vmem>>, vector<16xf32>,
    %add3A_1719 = arith.addf %add3A_1714, %get3A_1718 : vector<16xf32>
    %get3A_1720 = arith.constant 5 : i32
    %get3A_1721 = arith.index_cast %get3A_1720 : i32 to index
    %get3A_1722 = arith.constant 288 : index
    %get3A_1723 = tpu.vector_load %arg10[%get3A_1721, %get3A_1722] {strides = array<i32>} : memref<10x1024xf32, #tpu.memory_space<vmem>>, vector<16xf32>,
    %add3A_1724 = arith.addf %add3A_1719, %get3A_1723 : vector<16xf32>
    %get3A_1725 = arith.constant 5 : i32
    %get3A_1726 = arith.index_cast %get3A_1725 : i32 to index
    %get3A_1727 = arith.constant 304 : index
    %get3A_1728 = tpu.vector_load %arg10[%get3A_1726, %get3A_1727] {strides = array<i32>} : memref<10x1024xf32, #tpu.memory_space<vmem>>, vector<16xf32>,
    %add3A_1729 = arith.addf %add3A_1724, %get3A_1728 : vector<16xf32>
    %get3A_1730 = arith.constant 5 : i32
    %get3A_1731 = arith.index_cast %get3A_1730 : i32 to index
    %get3A_1732 = arith.constant 320 : index
    %get3A_1733 = tpu.vector_load %arg10[%get3A_1731, %get3A_1732] {strides = array<i32>} : memref<10x1024xf32, #tpu.memory_space<vmem>>, vector<16xf32>,
    %add3A_1734 = arith.addf %add3A_1729, %get3A_1733 : vector<16xf32>
    %get3A_1735 = arith.constant 5 : i32
    %get3A_1736 = arith.index_cast %get3A_1735 : i32 to index
    %get3A_1737 = arith.constant 336 : index
    %get3A_1738 = tpu.vector_load %arg10[%get3A_1736, %get3A_1737] {strides = array<i32>} : memref<10x1024xf32, #tpu.memory_space<vmem>>, vector<16xf32>,
    %add3A_1739 = arith.addf %add3A_1734, %get3A_1738 : vector<16xf32>
    %get3A_1740 = arith.constant 5 : i32
    %get3A_1741 = arith.index_cast %get3A_1740 : i32 to index
    %get3A_1742 = arith.constant 352 : index
    %get3A_1743 = tpu.vector_load %arg10[%get3A_1741, %get3A_1742] {strides = array<i32>} : memref<10x1024xf32, #tpu.memory_space<vmem>>, vector<16xf32>,
    %add3A_1744 = arith.addf %add3A_1739, %get3A_1743 : vector<16xf32>
    %get3A_1745 = arith.constant 5 : i32
    %get3A_1746 = arith.index_cast %get3A_1745 : i32 to index
    %get3A_1747 = arith.constant 368 : index
    %get3A_1748 = tpu.vector_load %arg10[%get3A_1746, %get3A_1747] {strides = array<i32>} : memref<10x1024xf32, #tpu.memory_space<vmem>>, vector<16xf32>,
    %add3A_1749 = arith.addf %add3A_1744, %get3A_1748 : vector<16xf32>
    %get3A_1750 = arith.constant 5 : i32
    %get3A_1751 = arith.index_cast %get3A_1750 : i32 to index
    %get3A_1752 = arith.constant 384 : index
    %get3A_1753 = tpu.vector_load %arg10[%get3A_1751, %get3A_1752] {strides = array<i32>} : memref<10x1024xf32, #tpu.memory_space<vmem>>, vector<16xf32>,
    %add3A_1754 = arith.addf %add3A_1749, %get3A_1753 : vector<16xf32>
    %get3A_1755 = arith.constant 5 : i32
    %get3A_1756 = arith.index_cast %get3A_1755 : i32 to index
    %get3A_1757 = arith.constant 400 : index
    %get3A_1758 = tpu.vector_load %arg10[%get3A_1756, %get3A_1757] {strides = array<i32>} : memref<10x1024xf32, #tpu.memory_space<vmem>>, vector<16xf32>,
    %add3A_1759 = arith.addf %add3A_1754, %get3A_1758 : vector<16xf32>
    %get3A_1760 = arith.constant 5 : i32
    %get3A_1761 = arith.index_cast %get3A_1760 : i32 to index
    %get3A_1762 = arith.constant 416 : index
    %get3A_1763 = tpu.vector_load %arg10[%get3A_1761, %get3A_1762] {strides = array<i32>} : memref<10x1024xf32, #tpu.memory_space<vmem>>, vector<16xf32>,
    %add3A_1764 = arith.addf %add3A_1759, %get3A_1763 : vector<16xf32>
    %get3A_1765 = arith.constant 5 : i32
    %get3A_1766 = arith.index_cast %get3A_1765 : i32 to index
    %get3A_1767 = arith.constant 432 : index
    %get3A_1768 = tpu.vector_load %arg10[%get3A_1766, %get3A_1767] {strides = array<i32>} : memref<10x1024xf32, #tpu.memory_space<vmem>>, vector<16xf32>,
    %add3A_1769 = arith.addf %add3A_1764, %get3A_1768 : vector<16xf32>
    %get3A_1770 = arith.constant 5 : i32
    %get3A_1771 = arith.index_cast %get3A_1770 : i32 to index
    %get3A_1772 = arith.constant 448 : index
    %get3A_1773 = tpu.vector_load %arg10[%get3A_1771, %get3A_1772] {strides = array<i32>} : memref<10x1024xf32, #tpu.memory_space<vmem>>, vector<16xf32>,
    %add3A_1774 = arith.addf %add3A_1769, %get3A_1773 : vector<16xf32>
    %get3A_1775 = arith.constant 5 : i32
    %get3A_1776 = arith.index_cast %get3A_1775 : i32 to index
    %get3A_1777 = arith.constant 464 : index
    %get3A_1778 = tpu.vector_load %arg10[%get3A_1776, %get3A_1777] {strides = array<i32>} : memref<10x1024xf32, #tpu.memory_space<vmem>>, vector<16xf32>,
    %add3A_1779 = arith.addf %add3A_1774, %get3A_1778 : vector<16xf32>
    %get3A_1780 = arith.constant 5 : i32
    %get3A_1781 = arith.index_cast %get3A_1780 : i32 to index
    %get3A_1782 = arith.constant 480 : index
    %get3A_1783 = tpu.vector_load %arg10[%get3A_1781, %get3A_1782] {strides = array<i32>} : memref<10x1024xf32, #tpu.memory_space<vmem>>, vector<16xf32>,
    %add3A_1784 = arith.addf %add3A_1779, %get3A_1783 : vector<16xf32>
    %get3A_1785 = arith.constant 5 : i32
    %get3A_1786 = arith.index_cast %get3A_1785 : i32 to index
    %get3A_1787 = arith.constant 496 : index
    %get3A_1788 = tpu.vector_load %arg10[%get3A_1786, %get3A_1787] {strides = array<i32>} : memref<10x1024xf32, #tpu.memory_space<vmem>>, vector<16xf32>,
    %add3A_1789 = arith.addf %add3A_1784, %get3A_1788 : vector<16xf32>
    %get3A_1790 = arith.constant 5 : i32
    %get3A_1791 = arith.index_cast %get3A_1790 : i32 to index
    %get3A_1792 = arith.constant 512 : index
    %get3A_1793 = tpu.vector_load %arg10[%get3A_1791, %get3A_1792] {strides = array<i32>} : memref<10x1024xf32, #tpu.memory_space<vmem>>, vector<16xf32>,
    %add3A_1794 = arith.addf %add3A_1789, %get3A_1793 : vector<16xf32>
    %get3A_1795 = arith.constant 5 : i32
    %get3A_1796 = arith.index_cast %get3A_1795 : i32 to index
    %get3A_1797 = arith.constant 528 : index
    %get3A_1798 = tpu.vector_load %arg10[%get3A_1796, %get3A_1797] {strides = array<i32>} : memref<10x1024xf32, #tpu.memory_space<vmem>>, vector<16xf32>,
    %add3A_1799 = arith.addf %add3A_1794, %get3A_1798 : vector<16xf32>
    %get3A_1800 = arith.constant 5 : i32
    %get3A_1801 = arith.index_cast %get3A_1800 : i32 to index
    %get3A_1802 = arith.constant 544 : index
    %get3A_1803 = tpu.vector_load %arg10[%get3A_1801, %get3A_1802] {strides = array<i32>} : memref<10x1024xf32, #tpu.memory_space<vmem>>, vector<16xf32>,
    %add3A_1804 = arith.addf %add3A_1799, %get3A_1803 : vector<16xf32>
    %get3A_1805 = arith.constant 5 : i32
    %get3A_1806 = arith.index_cast %get3A_1805 : i32 to index
    %get3A_1807 = arith.constant 560 : index
    %get3A_1808 = tpu.vector_load %arg10[%get3A_1806, %get3A_1807] {strides = array<i32>} : memref<10x1024xf32, #tpu.memory_space<vmem>>, vector<16xf32>,
    %add3A_1809 = arith.addf %add3A_1804, %get3A_1808 : vector<16xf32>
    %get3A_1810 = arith.constant 5 : i32
    %get3A_1811 = arith.index_cast %get3A_1810 : i32 to index
    %get3A_1812 = arith.constant 576 : index
    %get3A_1813 = tpu.vector_load %arg10[%get3A_1811, %get3A_1812] {strides = array<i32>} : memref<10x1024xf32, #tpu.memory_space<vmem>>, vector<16xf32>,
    %add3A_1814 = arith.addf %add3A_1809, %get3A_1813 : vector<16xf32>
    %get3A_1815 = arith.constant 5 : i32
    %get3A_1816 = arith.index_cast %get3A_1815 : i32 to index
    %get3A_1817 = arith.constant 592 : index
    %get3A_1818 = tpu.vector_load %arg10[%get3A_1816, %get3A_1817] {strides = array<i32>} : memref<10x1024xf32, #tpu.memory_space<vmem>>, vector<16xf32>,
    %add3A_1819 = arith.addf %add3A_1814, %get3A_1818 : vector<16xf32>
    %get3A_1820 = arith.constant 5 : i32
    %get3A_1821 = arith.index_cast %get3A_1820 : i32 to index
    %get3A_1822 = arith.constant 608 : index
    %get3A_1823 = tpu.vector_load %arg10[%get3A_1821, %get3A_1822] {strides = array<i32>} : memref<10x1024xf32, #tpu.memory_space<vmem>>, vector<16xf32>,
    %add3A_1824 = arith.addf %add3A_1819, %get3A_1823 : vector<16xf32>
    %get3A_1825 = arith.constant 5 : i32
    %get3A_1826 = arith.index_cast %get3A_1825 : i32 to index
    %get3A_1827 = arith.constant 624 : index
    %get3A_1828 = tpu.vector_load %arg10[%get3A_1826, %get3A_1827] {strides = array<i32>} : memref<10x1024xf32, #tpu.memory_space<vmem>>, vector<16xf32>,
    %add3A_1829 = arith.addf %add3A_1824, %get3A_1828 : vector<16xf32>
    %get3A_1830 = arith.constant 5 : i32
    %get3A_1831 = arith.index_cast %get3A_1830 : i32 to index
    %get3A_1832 = arith.constant 640 : index
    %get3A_1833 = tpu.vector_load %arg10[%get3A_1831, %get3A_1832] {strides = array<i32>} : memref<10x1024xf32, #tpu.memory_space<vmem>>, vector<16xf32>,
    %add3A_1834 = arith.addf %add3A_1829, %get3A_1833 : vector<16xf32>
    %get3A_1835 = arith.constant 5 : i32
    %get3A_1836 = arith.index_cast %get3A_1835 : i32 to index
    %get3A_1837 = arith.constant 656 : index
    %get3A_1838 = tpu.vector_load %arg10[%get3A_1836, %get3A_1837] {strides = array<i32>} : memref<10x1024xf32, #tpu.memory_space<vmem>>, vector<16xf32>,
    %add3A_1839 = arith.addf %add3A_1834, %get3A_1838 : vector<16xf32>
    %get3A_1840 = arith.constant 5 : i32
    %get3A_1841 = arith.index_cast %get3A_1840 : i32 to index
    %get3A_1842 = arith.constant 672 : index
    %get3A_1843 = tpu.vector_load %arg10[%get3A_1841, %get3A_1842] {strides = array<i32>} : memref<10x1024xf32, #tpu.memory_space<vmem>>, vector<16xf32>,
    %add3A_1844 = arith.addf %add3A_1839, %get3A_1843 : vector<16xf32>
    %get3A_1845 = arith.constant 5 : i32
    %get3A_1846 = arith.index_cast %get3A_1845 : i32 to index
    %get3A_1847 = arith.constant 688 : index
    %get3A_1848 = tpu.vector_load %arg10[%get3A_1846, %get3A_1847] {strides = array<i32>} : memref<10x1024xf32, #tpu.memory_space<vmem>>, vector<16xf32>,
    %add3A_1849 = arith.addf %add3A_1844, %get3A_1848 : vector<16xf32>
    %get3A_1850 = arith.constant 5 : i32
    %get3A_1851 = arith.index_cast %get3A_1850 : i32 to index
    %get3A_1852 = arith.constant 704 : index
    %get3A_1853 = tpu.vector_load %arg10[%get3A_1851, %get3A_1852] {strides = array<i32>} : memref<10x1024xf32, #tpu.memory_space<vmem>>, vector<16xf32>,
    %add3A_1854 = arith.addf %add3A_1849, %get3A_1853 : vector<16xf32>
    %get3A_1855 = arith.constant 5 : i32
    %get3A_1856 = arith.index_cast %get3A_1855 : i32 to index
    %get3A_1857 = arith.constant 720 : index
    %get3A_1858 = tpu.vector_load %arg10[%get3A_1856, %get3A_1857] {strides = array<i32>} : memref<10x1024xf32, #tpu.memory_space<vmem>>, vector<16xf32>,
    %add3A_1859 = arith.addf %add3A_1854, %get3A_1858 : vector<16xf32>
    %get3A_1860 = arith.constant 5 : i32
    %get3A_1861 = arith.index_cast %get3A_1860 : i32 to index
    %get3A_1862 = arith.constant 736 : index
    %get3A_1863 = tpu.vector_load %arg10[%get3A_1861, %get3A_1862] {strides = array<i32>} : memref<10x1024xf32, #tpu.memory_space<vmem>>, vector<16xf32>,
    %add3A_1864 = arith.addf %add3A_1859, %get3A_1863 : vector<16xf32>
    %get3A_1865 = arith.constant 5 : i32
    %get3A_1866 = arith.index_cast %get3A_1865 : i32 to index
    %get3A_1867 = arith.constant 752 : index
    %get3A_1868 = tpu.vector_load %arg10[%get3A_1866, %get3A_1867] {strides = array<i32>} : memref<10x1024xf32, #tpu.memory_space<vmem>>, vector<16xf32>,
    %add3A_1869 = arith.addf %add3A_1864, %get3A_1868 : vector<16xf32>
    %get3A_1870 = arith.constant 5 : i32
    %get3A_1871 = arith.index_cast %get3A_1870 : i32 to index
    %get3A_1872 = arith.constant 768 : index
    %get3A_1873 = tpu.vector_load %arg10[%get3A_1871, %get3A_1872] {strides = array<i32>} : memref<10x1024xf32, #tpu.memory_space<vmem>>, vector<16xf32>,
    %add3A_1874 = arith.addf %add3A_1869, %get3A_1873 : vector<16xf32>
    %get3A_1875 = arith.constant 5 : i32
    %get3A_1876 = arith.index_cast %get3A_1875 : i32 to index
    %get3A_1877 = arith.constant 784 : index
    %get3A_1878 = tpu.vector_load %arg10[%get3A_1876, %get3A_1877] {strides = array<i32>} : memref<10x1024xf32, #tpu.memory_space<vmem>>, vector<16xf32>,
    %add3A_1879 = arith.addf %add3A_1874, %get3A_1878 : vector<16xf32>
    %get3A_1880 = arith.constant 5 : i32
    %get3A_1881 = arith.index_cast %get3A_1880 : i32 to index
    %get3A_1882 = arith.constant 800 : index
    %get3A_1883 = tpu.vector_load %arg10[%get3A_1881, %get3A_1882] {strides = array<i32>} : memref<10x1024xf32, #tpu.memory_space<vmem>>, vector<16xf32>,
    %add3A_1884 = arith.addf %add3A_1879, %get3A_1883 : vector<16xf32>
    %get3A_1885 = arith.constant 5 : i32
    %get3A_1886 = arith.index_cast %get3A_1885 : i32 to index
    %get3A_1887 = arith.constant 816 : index
    %get3A_1888 = tpu.vector_load %arg10[%get3A_1886, %get3A_1887] {strides = array<i32>} : memref<10x1024xf32, #tpu.memory_space<vmem>>, vector<16xf32>,
    %add3A_1889 = arith.addf %add3A_1884, %get3A_1888 : vector<16xf32>
    %get3A_1890 = arith.constant 5 : i32
    %get3A_1891 = arith.index_cast %get3A_1890 : i32 to index
    %get3A_1892 = arith.constant 832 : index
    %get3A_1893 = tpu.vector_load %arg10[%get3A_1891, %get3A_1892] {strides = array<i32>} : memref<10x1024xf32, #tpu.memory_space<vmem>>, vector<16xf32>,
    %add3A_1894 = arith.addf %add3A_1889, %get3A_1893 : vector<16xf32>
    %get3A_1895 = arith.constant 5 : i32
    %get3A_1896 = arith.index_cast %get3A_1895 : i32 to index
    %get3A_1897 = arith.constant 848 : index
    %get3A_1898 = tpu.vector_load %arg10[%get3A_1896, %get3A_1897] {strides = array<i32>} : memref<10x1024xf32, #tpu.memory_space<vmem>>, vector<16xf32>,
    %add3A_1899 = arith.addf %add3A_1894, %get3A_1898 : vector<16xf32>
    %get3A_1900 = arith.constant 5 : i32
    %get3A_1901 = arith.index_cast %get3A_1900 : i32 to index
    %get3A_1902 = arith.constant 864 : index
    %get3A_1903 = tpu.vector_load %arg10[%get3A_1901, %get3A_1902] {strides = array<i32>} : memref<10x1024xf32, #tpu.memory_space<vmem>>, vector<16xf32>,
    %add3A_1904 = arith.addf %add3A_1899, %get3A_1903 : vector<16xf32>
    %get3A_1905 = arith.constant 5 : i32
    %get3A_1906 = arith.index_cast %get3A_1905 : i32 to index
    %get3A_1907 = arith.constant 880 : index
    %get3A_1908 = tpu.vector_load %arg10[%get3A_1906, %get3A_1907] {strides = array<i32>} : memref<10x1024xf32, #tpu.memory_space<vmem>>, vector<16xf32>,
    %add3A_1909 = arith.addf %add3A_1904, %get3A_1908 : vector<16xf32>
    %get3A_1910 = arith.constant 5 : i32
    %get3A_1911 = arith.index_cast %get3A_1910 : i32 to index
    %get3A_1912 = arith.constant 896 : index
    %get3A_1913 = tpu.vector_load %arg10[%get3A_1911, %get3A_1912] {strides = array<i32>} : memref<10x1024xf32, #tpu.memory_space<vmem>>, vector<16xf32>,
    %add3A_1914 = arith.addf %add3A_1909, %get3A_1913 : vector<16xf32>
    %get3A_1915 = arith.constant 5 : i32
    %get3A_1916 = arith.index_cast %get3A_1915 : i32 to index
    %get3A_1917 = arith.constant 912 : index
    %get3A_1918 = tpu.vector_load %arg10[%get3A_1916, %get3A_1917] {strides = array<i32>} : memref<10x1024xf32, #tpu.memory_space<vmem>>, vector<16xf32>,
    %add3A_1919 = arith.addf %add3A_1914, %get3A_1918 : vector<16xf32>
    %get3A_1920 = arith.constant 5 : i32
    %get3A_1921 = arith.index_cast %get3A_1920 : i32 to index
    %get3A_1922 = arith.constant 928 : index
    %get3A_1923 = tpu.vector_load %arg10[%get3A_1921, %get3A_1922] {strides = array<i32>} : memref<10x1024xf32, #tpu.memory_space<vmem>>, vector<16xf32>,
    %add3A_1924 = arith.addf %add3A_1919, %get3A_1923 : vector<16xf32>
    %get3A_1925 = arith.constant 5 : i32
    %get3A_1926 = arith.index_cast %get3A_1925 : i32 to index
    %get3A_1927 = arith.constant 944 : index
    %get3A_1928 = tpu.vector_load %arg10[%get3A_1926, %get3A_1927] {strides = array<i32>} : memref<10x1024xf32, #tpu.memory_space<vmem>>, vector<16xf32>,
    %add3A_1929 = arith.addf %add3A_1924, %get3A_1928 : vector<16xf32>
    %get3A_1930 = arith.constant 5 : i32
    %get3A_1931 = arith.index_cast %get3A_1930 : i32 to index
    %get3A_1932 = arith.constant 960 : index
    %get3A_1933 = tpu.vector_load %arg10[%get3A_1931, %get3A_1932] {strides = array<i32>} : memref<10x1024xf32, #tpu.memory_space<vmem>>, vector<16xf32>,
    %add3A_1934 = arith.addf %add3A_1929, %get3A_1933 : vector<16xf32>
    %get3A_1935 = arith.constant 5 : i32
    %get3A_1936 = arith.index_cast %get3A_1935 : i32 to index
    %get3A_1937 = arith.constant 976 : index
    %get3A_1938 = tpu.vector_load %arg10[%get3A_1936, %get3A_1937] {strides = array<i32>} : memref<10x1024xf32, #tpu.memory_space<vmem>>, vector<16xf32>,
    %add3A_1939 = arith.addf %add3A_1934, %get3A_1938 : vector<16xf32>
    %get3A_1940 = arith.constant 5 : i32
    %get3A_1941 = arith.index_cast %get3A_1940 : i32 to index
    %get3A_1942 = arith.constant 992 : index
    %get3A_1943 = tpu.vector_load %arg10[%get3A_1941, %get3A_1942] {strides = array<i32>} : memref<10x1024xf32, #tpu.memory_space<vmem>>, vector<16xf32>,
    %add3A_1944 = arith.addf %add3A_1939, %get3A_1943 : vector<16xf32>
    %get3A_1945 = arith.constant 5 : i32
    %get3A_1946 = arith.index_cast %get3A_1945 : i32 to index
    %get3A_1947 = arith.constant 1008 : index
    %get3A_1948 = tpu.vector_load %arg10[%get3A_1946, %get3A_1947] {strides = array<i32>} : memref<10x1024xf32, #tpu.memory_space<vmem>>, vector<16xf32>,
    %add3A_1949 = arith.addf %add3A_1944, %get3A_1948 : vector<16xf32>
    %reduce_sum3A_1950 = arith.constant true
    %reduce_sum3A_1951 = vector.broadcast %reduce_sum3A_1950 : i1 to vector<16xi1>
    %reduce_sum3A_1952 = tpu.scan <sum>, %add3A_1949 masked %reduce_sum3A_1951 : vector<16xf32>, vector<16xi1> -> vector<16xf32>
    %reduce_sum3A_1953 = vector.extract %reduce_sum3A_1952[15] : f32 from vector<16xf32>
    %broadcast_in_dim3A_1954 = arith.constant 0.000000e+00 : f32
    %broadcast_in_dim3A_1955 = vector.broadcast %broadcast_in_dim3A_1954 : f32 to vector<16xf32>
    %get3A_1956 = arith.constant 6 : i32
    %get3A_1957 = arith.index_cast %get3A_1956 : i32 to index
    %get3A_1958 = arith.constant 0 : index
    %get3A_1959 = tpu.vector_load %arg10[%get3A_1957, %get3A_1958] {strides = array<i32>} : memref<10x1024xf32, #tpu.memory_space<vmem>>, vector<16xf32>,
    %add3A_1960 = arith.addf %broadcast_in_dim3A_1955, %get3A_1959 : vector<16xf32>
    %get3A_1961 = arith.constant 6 : i32
    %get3A_1962 = arith.index_cast %get3A_1961 : i32 to index
    %get3A_1963 = arith.constant 16 : index
    %get3A_1964 = tpu.vector_load %arg10[%get3A_1962, %get3A_1963] {strides = array<i32>} : memref<10x1024xf32, #tpu.memory_space<vmem>>, vector<16xf32>,
    %add3A_1965 = arith.addf %add3A_1960, %get3A_1964 : vector<16xf32>
    %get3A_1966 = arith.constant 6 : i32
    %get3A_1967 = arith.index_cast %get3A_1966 : i32 to index
    %get3A_1968 = arith.constant 32 : index
    %get3A_1969 = tpu.vector_load %arg10[%get3A_1967, %get3A_1968] {strides = array<i32>} : memref<10x1024xf32, #tpu.memory_space<vmem>>, vector<16xf32>,
    %add3A_1970 = arith.addf %add3A_1965, %get3A_1969 : vector<16xf32>
    %get3A_1971 = arith.constant 6 : i32
    %get3A_1972 = arith.index_cast %get3A_1971 : i32 to index
    %get3A_1973 = arith.constant 48 : index
    %get3A_1974 = tpu.vector_load %arg10[%get3A_1972, %get3A_1973] {strides = array<i32>} : memref<10x1024xf32, #tpu.memory_space<vmem>>, vector<16xf32>,
    %add3A_1975 = arith.addf %add3A_1970, %get3A_1974 : vector<16xf32>
    %get3A_1976 = arith.constant 6 : i32
    %get3A_1977 = arith.index_cast %get3A_1976 : i32 to index
    %get3A_1978 = arith.constant 64 : index
    %get3A_1979 = tpu.vector_load %arg10[%get3A_1977, %get3A_1978] {strides = array<i32>} : memref<10x1024xf32, #tpu.memory_space<vmem>>, vector<16xf32>,
    %add3A_1980 = arith.addf %add3A_1975, %get3A_1979 : vector<16xf32>
    %get3A_1981 = arith.constant 6 : i32
    %get3A_1982 = arith.index_cast %get3A_1981 : i32 to index
    %get3A_1983 = arith.constant 80 : index
    %get3A_1984 = tpu.vector_load %arg10[%get3A_1982, %get3A_1983] {strides = array<i32>} : memref<10x1024xf32, #tpu.memory_space<vmem>>, vector<16xf32>,
    %add3A_1985 = arith.addf %add3A_1980, %get3A_1984 : vector<16xf32>
    %get3A_1986 = arith.constant 6 : i32
    %get3A_1987 = arith.index_cast %get3A_1986 : i32 to index
    %get3A_1988 = arith.constant 96 : index
    %get3A_1989 = tpu.vector_load %arg10[%get3A_1987, %get3A_1988] {strides = array<i32>} : memref<10x1024xf32, #tpu.memory_space<vmem>>, vector<16xf32>,
    %add3A_1990 = arith.addf %add3A_1985, %get3A_1989 : vector<16xf32>
    %get3A_1991 = arith.constant 6 : i32
    %get3A_1992 = arith.index_cast %get3A_1991 : i32 to index
    %get3A_1993 = arith.constant 112 : index
    %get3A_1994 = tpu.vector_load %arg10[%get3A_1992, %get3A_1993] {strides = array<i32>} : memref<10x1024xf32, #tpu.memory_space<vmem>>, vector<16xf32>,
    %add3A_1995 = arith.addf %add3A_1990, %get3A_1994 : vector<16xf32>
    %get3A_1996 = arith.constant 6 : i32
    %get3A_1997 = arith.index_cast %get3A_1996 : i32 to index
    %get3A_1998 = arith.constant 128 : index
    %get3A_1999 = tpu.vector_load %arg10[%get3A_1997, %get3A_1998] {strides = array<i32>} : memref<10x1024xf32, #tpu.memory_space<vmem>>, vector<16xf32>,
    %add3A_2000 = arith.addf %add3A_1995, %get3A_1999 : vector<16xf32>
    %get3A_2001 = arith.constant 6 : i32
    %get3A_2002 = arith.index_cast %get3A_2001 : i32 to index
    %get3A_2003 = arith.constant 144 : index
    %get3A_2004 = tpu.vector_load %arg10[%get3A_2002, %get3A_2003] {strides = array<i32>} : memref<10x1024xf32, #tpu.memory_space<vmem>>, vector<16xf32>,
    %add3A_2005 = arith.addf %add3A_2000, %get3A_2004 : vector<16xf32>
    %get3A_2006 = arith.constant 6 : i32
    %get3A_2007 = arith.index_cast %get3A_2006 : i32 to index
    %get3A_2008 = arith.constant 160 : index
    %get3A_2009 = tpu.vector_load %arg10[%get3A_2007, %get3A_2008] {strides = array<i32>} : memref<10x1024xf32, #tpu.memory_space<vmem>>, vector<16xf32>,
    %add3A_2010 = arith.addf %add3A_2005, %get3A_2009 : vector<16xf32>
    %get3A_2011 = arith.constant 6 : i32
    %get3A_2012 = arith.index_cast %get3A_2011 : i32 to index
    %get3A_2013 = arith.constant 176 : index
    %get3A_2014 = tpu.vector_load %arg10[%get3A_2012, %get3A_2013] {strides = array<i32>} : memref<10x1024xf32, #tpu.memory_space<vmem>>, vector<16xf32>,
    %add3A_2015 = arith.addf %add3A_2010, %get3A_2014 : vector<16xf32>
    %get3A_2016 = arith.constant 6 : i32
    %get3A_2017 = arith.index_cast %get3A_2016 : i32 to index
    %get3A_2018 = arith.constant 192 : index
    %get3A_2019 = tpu.vector_load %arg10[%get3A_2017, %get3A_2018] {strides = array<i32>} : memref<10x1024xf32, #tpu.memory_space<vmem>>, vector<16xf32>,
    %add3A_2020 = arith.addf %add3A_2015, %get3A_2019 : vector<16xf32>
    %get3A_2021 = arith.constant 6 : i32
    %get3A_2022 = arith.index_cast %get3A_2021 : i32 to index
    %get3A_2023 = arith.constant 208 : index
    %get3A_2024 = tpu.vector_load %arg10[%get3A_2022, %get3A_2023] {strides = array<i32>} : memref<10x1024xf32, #tpu.memory_space<vmem>>, vector<16xf32>,
    %add3A_2025 = arith.addf %add3A_2020, %get3A_2024 : vector<16xf32>
    %get3A_2026 = arith.constant 6 : i32
    %get3A_2027 = arith.index_cast %get3A_2026 : i32 to index
    %get3A_2028 = arith.constant 224 : index
    %get3A_2029 = tpu.vector_load %arg10[%get3A_2027, %get3A_2028] {strides = array<i32>} : memref<10x1024xf32, #tpu.memory_space<vmem>>, vector<16xf32>,
    %add3A_2030 = arith.addf %add3A_2025, %get3A_2029 : vector<16xf32>
    %get3A_2031 = arith.constant 6 : i32
    %get3A_2032 = arith.index_cast %get3A_2031 : i32 to index
    %get3A_2033 = arith.constant 240 : index
    %get3A_2034 = tpu.vector_load %arg10[%get3A_2032, %get3A_2033] {strides = array<i32>} : memref<10x1024xf32, #tpu.memory_space<vmem>>, vector<16xf32>,
    %add3A_2035 = arith.addf %add3A_2030, %get3A_2034 : vector<16xf32>
    %get3A_2036 = arith.constant 6 : i32
    %get3A_2037 = arith.index_cast %get3A_2036 : i32 to index
    %get3A_2038 = arith.constant 256 : index
    %get3A_2039 = tpu.vector_load %arg10[%get3A_2037, %get3A_2038] {strides = array<i32>} : memref<10x1024xf32, #tpu.memory_space<vmem>>, vector<16xf32>,
    %add3A_2040 = arith.addf %add3A_2035, %get3A_2039 : vector<16xf32>
    %get3A_2041 = arith.constant 6 : i32
    %get3A_2042 = arith.index_cast %get3A_2041 : i32 to index
    %get3A_2043 = arith.constant 272 : index
    %get3A_2044 = tpu.vector_load %arg10[%get3A_2042, %get3A_2043] {strides = array<i32>} : memref<10x1024xf32, #tpu.memory_space<vmem>>, vector<16xf32>,
    %add3A_2045 = arith.addf %add3A_2040, %get3A_2044 : vector<16xf32>
    %get3A_2046 = arith.constant 6 : i32
    %get3A_2047 = arith.index_cast %get3A_2046 : i32 to index
    %get3A_2048 = arith.constant 288 : index
    %get3A_2049 = tpu.vector_load %arg10[%get3A_2047, %get3A_2048] {strides = array<i32>} : memref<10x1024xf32, #tpu.memory_space<vmem>>, vector<16xf32>,
    %add3A_2050 = arith.addf %add3A_2045, %get3A_2049 : vector<16xf32>
    %get3A_2051 = arith.constant 6 : i32
    %get3A_2052 = arith.index_cast %get3A_2051 : i32 to index
    %get3A_2053 = arith.constant 304 : index
    %get3A_2054 = tpu.vector_load %arg10[%get3A_2052, %get3A_2053] {strides = array<i32>} : memref<10x1024xf32, #tpu.memory_space<vmem>>, vector<16xf32>,
    %add3A_2055 = arith.addf %add3A_2050, %get3A_2054 : vector<16xf32>
    %get3A_2056 = arith.constant 6 : i32
    %get3A_2057 = arith.index_cast %get3A_2056 : i32 to index
    %get3A_2058 = arith.constant 320 : index
    %get3A_2059 = tpu.vector_load %arg10[%get3A_2057, %get3A_2058] {strides = array<i32>} : memref<10x1024xf32, #tpu.memory_space<vmem>>, vector<16xf32>,
    %add3A_2060 = arith.addf %add3A_2055, %get3A_2059 : vector<16xf32>
    %get3A_2061 = arith.constant 6 : i32
    %get3A_2062 = arith.index_cast %get3A_2061 : i32 to index
    %get3A_2063 = arith.constant 336 : index
    %get3A_2064 = tpu.vector_load %arg10[%get3A_2062, %get3A_2063] {strides = array<i32>} : memref<10x1024xf32, #tpu.memory_space<vmem>>, vector<16xf32>,
    %add3A_2065 = arith.addf %add3A_2060, %get3A_2064 : vector<16xf32>
    %get3A_2066 = arith.constant 6 : i32
    %get3A_2067 = arith.index_cast %get3A_2066 : i32 to index
    %get3A_2068 = arith.constant 352 : index
    %get3A_2069 = tpu.vector_load %arg10[%get3A_2067, %get3A_2068] {strides = array<i32>} : memref<10x1024xf32, #tpu.memory_space<vmem>>, vector<16xf32>,
    %add3A_2070 = arith.addf %add3A_2065, %get3A_2069 : vector<16xf32>
    %get3A_2071 = arith.constant 6 : i32
    %get3A_2072 = arith.index_cast %get3A_2071 : i32 to index
    %get3A_2073 = arith.constant 368 : index
    %get3A_2074 = tpu.vector_load %arg10[%get3A_2072, %get3A_2073] {strides = array<i32>} : memref<10x1024xf32, #tpu.memory_space<vmem>>, vector<16xf32>,
    %add3A_2075 = arith.addf %add3A_2070, %get3A_2074 : vector<16xf32>
    %get3A_2076 = arith.constant 6 : i32
    %get3A_2077 = arith.index_cast %get3A_2076 : i32 to index
    %get3A_2078 = arith.constant 384 : index
    %get3A_2079 = tpu.vector_load %arg10[%get3A_2077, %get3A_2078] {strides = array<i32>} : memref<10x1024xf32, #tpu.memory_space<vmem>>, vector<16xf32>,
    %add3A_2080 = arith.addf %add3A_2075, %get3A_2079 : vector<16xf32>
    %get3A_2081 = arith.constant 6 : i32
    %get3A_2082 = arith.index_cast %get3A_2081 : i32 to index
    %get3A_2083 = arith.constant 400 : index
    %get3A_2084 = tpu.vector_load %arg10[%get3A_2082, %get3A_2083] {strides = array<i32>} : memref<10x1024xf32, #tpu.memory_space<vmem>>, vector<16xf32>,
    %add3A_2085 = arith.addf %add3A_2080, %get3A_2084 : vector<16xf32>
    %get3A_2086 = arith.constant 6 : i32
    %get3A_2087 = arith.index_cast %get3A_2086 : i32 to index
    %get3A_2088 = arith.constant 416 : index
    %get3A_2089 = tpu.vector_load %arg10[%get3A_2087, %get3A_2088] {strides = array<i32>} : memref<10x1024xf32, #tpu.memory_space<vmem>>, vector<16xf32>,
    %add3A_2090 = arith.addf %add3A_2085, %get3A_2089 : vector<16xf32>
    %get3A_2091 = arith.constant 6 : i32
    %get3A_2092 = arith.index_cast %get3A_2091 : i32 to index
    %get3A_2093 = arith.constant 432 : index
    %get3A_2094 = tpu.vector_load %arg10[%get3A_2092, %get3A_2093] {strides = array<i32>} : memref<10x1024xf32, #tpu.memory_space<vmem>>, vector<16xf32>,
    %add3A_2095 = arith.addf %add3A_2090, %get3A_2094 : vector<16xf32>
    %get3A_2096 = arith.constant 6 : i32
    %get3A_2097 = arith.index_cast %get3A_2096 : i32 to index
    %get3A_2098 = arith.constant 448 : index
    %get3A_2099 = tpu.vector_load %arg10[%get3A_2097, %get3A_2098] {strides = array<i32>} : memref<10x1024xf32, #tpu.memory_space<vmem>>, vector<16xf32>,
    %add3A_2100 = arith.addf %add3A_2095, %get3A_2099 : vector<16xf32>
    %get3A_2101 = arith.constant 6 : i32
    %get3A_2102 = arith.index_cast %get3A_2101 : i32 to index
    %get3A_2103 = arith.constant 464 : index
    %get3A_2104 = tpu.vector_load %arg10[%get3A_2102, %get3A_2103] {strides = array<i32>} : memref<10x1024xf32, #tpu.memory_space<vmem>>, vector<16xf32>,
    %add3A_2105 = arith.addf %add3A_2100, %get3A_2104 : vector<16xf32>
    %get3A_2106 = arith.constant 6 : i32
    %get3A_2107 = arith.index_cast %get3A_2106 : i32 to index
    %get3A_2108 = arith.constant 480 : index
    %get3A_2109 = tpu.vector_load %arg10[%get3A_2107, %get3A_2108] {strides = array<i32>} : memref<10x1024xf32, #tpu.memory_space<vmem>>, vector<16xf32>,
    %add3A_2110 = arith.addf %add3A_2105, %get3A_2109 : vector<16xf32>
    %get3A_2111 = arith.constant 6 : i32
    %get3A_2112 = arith.index_cast %get3A_2111 : i32 to index
    %get3A_2113 = arith.constant 496 : index
    %get3A_2114 = tpu.vector_load %arg10[%get3A_2112, %get3A_2113] {strides = array<i32>} : memref<10x1024xf32, #tpu.memory_space<vmem>>, vector<16xf32>,
    %add3A_2115 = arith.addf %add3A_2110, %get3A_2114 : vector<16xf32>
    %get3A_2116 = arith.constant 6 : i32
    %get3A_2117 = arith.index_cast %get3A_2116 : i32 to index
    %get3A_2118 = arith.constant 512 : index
    %get3A_2119 = tpu.vector_load %arg10[%get3A_2117, %get3A_2118] {strides = array<i32>} : memref<10x1024xf32, #tpu.memory_space<vmem>>, vector<16xf32>,
    %add3A_2120 = arith.addf %add3A_2115, %get3A_2119 : vector<16xf32>
    %get3A_2121 = arith.constant 6 : i32
    %get3A_2122 = arith.index_cast %get3A_2121 : i32 to index
    %get3A_2123 = arith.constant 528 : index
    %get3A_2124 = tpu.vector_load %arg10[%get3A_2122, %get3A_2123] {strides = array<i32>} : memref<10x1024xf32, #tpu.memory_space<vmem>>, vector<16xf32>,
    %add3A_2125 = arith.addf %add3A_2120, %get3A_2124 : vector<16xf32>
    %get3A_2126 = arith.constant 6 : i32
    %get3A_2127 = arith.index_cast %get3A_2126 : i32 to index
    %get3A_2128 = arith.constant 544 : index
    %get3A_2129 = tpu.vector_load %arg10[%get3A_2127, %get3A_2128] {strides = array<i32>} : memref<10x1024xf32, #tpu.memory_space<vmem>>, vector<16xf32>,
    %add3A_2130 = arith.addf %add3A_2125, %get3A_2129 : vector<16xf32>
    %get3A_2131 = arith.constant 6 : i32
    %get3A_2132 = arith.index_cast %get3A_2131 : i32 to index
    %get3A_2133 = arith.constant 560 : index
    %get3A_2134 = tpu.vector_load %arg10[%get3A_2132, %get3A_2133] {strides = array<i32>} : memref<10x1024xf32, #tpu.memory_space<vmem>>, vector<16xf32>,
    %add3A_2135 = arith.addf %add3A_2130, %get3A_2134 : vector<16xf32>
    %get3A_2136 = arith.constant 6 : i32
    %get3A_2137 = arith.index_cast %get3A_2136 : i32 to index
    %get3A_2138 = arith.constant 576 : index
    %get3A_2139 = tpu.vector_load %arg10[%get3A_2137, %get3A_2138] {strides = array<i32>} : memref<10x1024xf32, #tpu.memory_space<vmem>>, vector<16xf32>,
    %add3A_2140 = arith.addf %add3A_2135, %get3A_2139 : vector<16xf32>
    %get3A_2141 = arith.constant 6 : i32
    %get3A_2142 = arith.index_cast %get3A_2141 : i32 to index
    %get3A_2143 = arith.constant 592 : index
    %get3A_2144 = tpu.vector_load %arg10[%get3A_2142, %get3A_2143] {strides = array<i32>} : memref<10x1024xf32, #tpu.memory_space<vmem>>, vector<16xf32>,
    %add3A_2145 = arith.addf %add3A_2140, %get3A_2144 : vector<16xf32>
    %get3A_2146 = arith.constant 6 : i32
    %get3A_2147 = arith.index_cast %get3A_2146 : i32 to index
    %get3A_2148 = arith.constant 608 : index
    %get3A_2149 = tpu.vector_load %arg10[%get3A_2147, %get3A_2148] {strides = array<i32>} : memref<10x1024xf32, #tpu.memory_space<vmem>>, vector<16xf32>,
    %add3A_2150 = arith.addf %add3A_2145, %get3A_2149 : vector<16xf32>
    %get3A_2151 = arith.constant 6 : i32
    %get3A_2152 = arith.index_cast %get3A_2151 : i32 to index
    %get3A_2153 = arith.constant 624 : index
    %get3A_2154 = tpu.vector_load %arg10[%get3A_2152, %get3A_2153] {strides = array<i32>} : memref<10x1024xf32, #tpu.memory_space<vmem>>, vector<16xf32>,
    %add3A_2155 = arith.addf %add3A_2150, %get3A_2154 : vector<16xf32>
    %get3A_2156 = arith.constant 6 : i32
    %get3A_2157 = arith.index_cast %get3A_2156 : i32 to index
    %get3A_2158 = arith.constant 640 : index
    %get3A_2159 = tpu.vector_load %arg10[%get3A_2157, %get3A_2158] {strides = array<i32>} : memref<10x1024xf32, #tpu.memory_space<vmem>>, vector<16xf32>,
    %add3A_2160 = arith.addf %add3A_2155, %get3A_2159 : vector<16xf32>
    %get3A_2161 = arith.constant 6 : i32
    %get3A_2162 = arith.index_cast %get3A_2161 : i32 to index
    %get3A_2163 = arith.constant 656 : index
    %get3A_2164 = tpu.vector_load %arg10[%get3A_2162, %get3A_2163] {strides = array<i32>} : memref<10x1024xf32, #tpu.memory_space<vmem>>, vector<16xf32>,
    %add3A_2165 = arith.addf %add3A_2160, %get3A_2164 : vector<16xf32>
    %get3A_2166 = arith.constant 6 : i32
    %get3A_2167 = arith.index_cast %get3A_2166 : i32 to index
    %get3A_2168 = arith.constant 672 : index
    %get3A_2169 = tpu.vector_load %arg10[%get3A_2167, %get3A_2168] {strides = array<i32>} : memref<10x1024xf32, #tpu.memory_space<vmem>>, vector<16xf32>,
    %add3A_2170 = arith.addf %add3A_2165, %get3A_2169 : vector<16xf32>
    %get3A_2171 = arith.constant 6 : i32
    %get3A_2172 = arith.index_cast %get3A_2171 : i32 to index
    %get3A_2173 = arith.constant 688 : index
    %get3A_2174 = tpu.vector_load %arg10[%get3A_2172, %get3A_2173] {strides = array<i32>} : memref<10x1024xf32, #tpu.memory_space<vmem>>, vector<16xf32>,
    %add3A_2175 = arith.addf %add3A_2170, %get3A_2174 : vector<16xf32>
    %get3A_2176 = arith.constant 6 : i32
    %get3A_2177 = arith.index_cast %get3A_2176 : i32 to index
    %get3A_2178 = arith.constant 704 : index
    %get3A_2179 = tpu.vector_load %arg10[%get3A_2177, %get3A_2178] {strides = array<i32>} : memref<10x1024xf32, #tpu.memory_space<vmem>>, vector<16xf32>,
    %add3A_2180 = arith.addf %add3A_2175, %get3A_2179 : vector<16xf32>
    %get3A_2181 = arith.constant 6 : i32
    %get3A_2182 = arith.index_cast %get3A_2181 : i32 to index
    %get3A_2183 = arith.constant 720 : index
    %get3A_2184 = tpu.vector_load %arg10[%get3A_2182, %get3A_2183] {strides = array<i32>} : memref<10x1024xf32, #tpu.memory_space<vmem>>, vector<16xf32>,
    %add3A_2185 = arith.addf %add3A_2180, %get3A_2184 : vector<16xf32>
    %get3A_2186 = arith.constant 6 : i32
    %get3A_2187 = arith.index_cast %get3A_2186 : i32 to index
    %get3A_2188 = arith.constant 736 : index
    %get3A_2189 = tpu.vector_load %arg10[%get3A_2187, %get3A_2188] {strides = array<i32>} : memref<10x1024xf32, #tpu.memory_space<vmem>>, vector<16xf32>,
    %add3A_2190 = arith.addf %add3A_2185, %get3A_2189 : vector<16xf32>
    %get3A_2191 = arith.constant 6 : i32
    %get3A_2192 = arith.index_cast %get3A_2191 : i32 to index
    %get3A_2193 = arith.constant 752 : index
    %get3A_2194 = tpu.vector_load %arg10[%get3A_2192, %get3A_2193] {strides = array<i32>} : memref<10x1024xf32, #tpu.memory_space<vmem>>, vector<16xf32>,
    %add3A_2195 = arith.addf %add3A_2190, %get3A_2194 : vector<16xf32>
    %get3A_2196 = arith.constant 6 : i32
    %get3A_2197 = arith.index_cast %get3A_2196 : i32 to index
    %get3A_2198 = arith.constant 768 : index
    %get3A_2199 = tpu.vector_load %arg10[%get3A_2197, %get3A_2198] {strides = array<i32>} : memref<10x1024xf32, #tpu.memory_space<vmem>>, vector<16xf32>,
    %add3A_2200 = arith.addf %add3A_2195, %get3A_2199 : vector<16xf32>
    %get3A_2201 = arith.constant 6 : i32
    %get3A_2202 = arith.index_cast %get3A_2201 : i32 to index
    %get3A_2203 = arith.constant 784 : index
    %get3A_2204 = tpu.vector_load %arg10[%get3A_2202, %get3A_2203] {strides = array<i32>} : memref<10x1024xf32, #tpu.memory_space<vmem>>, vector<16xf32>,
    %add3A_2205 = arith.addf %add3A_2200, %get3A_2204 : vector<16xf32>
    %get3A_2206 = arith.constant 6 : i32
    %get3A_2207 = arith.index_cast %get3A_2206 : i32 to index
    %get3A_2208 = arith.constant 800 : index
    %get3A_2209 = tpu.vector_load %arg10[%get3A_2207, %get3A_2208] {strides = array<i32>} : memref<10x1024xf32, #tpu.memory_space<vmem>>, vector<16xf32>,
    %add3A_2210 = arith.addf %add3A_2205, %get3A_2209 : vector<16xf32>
    %get3A_2211 = arith.constant 6 : i32
    %get3A_2212 = arith.index_cast %get3A_2211 : i32 to index
    %get3A_2213 = arith.constant 816 : index
    %get3A_2214 = tpu.vector_load %arg10[%get3A_2212, %get3A_2213] {strides = array<i32>} : memref<10x1024xf32, #tpu.memory_space<vmem>>, vector<16xf32>,
    %add3A_2215 = arith.addf %add3A_2210, %get3A_2214 : vector<16xf32>
    %get3A_2216 = arith.constant 6 : i32
    %get3A_2217 = arith.index_cast %get3A_2216 : i32 to index
    %get3A_2218 = arith.constant 832 : index
    %get3A_2219 = tpu.vector_load %arg10[%get3A_2217, %get3A_2218] {strides = array<i32>} : memref<10x1024xf32, #tpu.memory_space<vmem>>, vector<16xf32>,
    %add3A_2220 = arith.addf %add3A_2215, %get3A_2219 : vector<16xf32>
    %get3A_2221 = arith.constant 6 : i32
    %get3A_2222 = arith.index_cast %get3A_2221 : i32 to index
    %get3A_2223 = arith.constant 848 : index
    %get3A_2224 = tpu.vector_load %arg10[%get3A_2222, %get3A_2223] {strides = array<i32>} : memref<10x1024xf32, #tpu.memory_space<vmem>>, vector<16xf32>,
    %add3A_2225 = arith.addf %add3A_2220, %get3A_2224 : vector<16xf32>
    %get3A_2226 = arith.constant 6 : i32
    %get3A_2227 = arith.index_cast %get3A_2226 : i32 to index
    %get3A_2228 = arith.constant 864 : index
    %get3A_2229 = tpu.vector_load %arg10[%get3A_2227, %get3A_2228] {strides = array<i32>} : memref<10x1024xf32, #tpu.memory_space<vmem>>, vector<16xf32>,
    %add3A_2230 = arith.addf %add3A_2225, %get3A_2229 : vector<16xf32>
    %get3A_2231 = arith.constant 6 : i32
    %get3A_2232 = arith.index_cast %get3A_2231 : i32 to index
    %get3A_2233 = arith.constant 880 : index
    %get3A_2234 = tpu.vector_load %arg10[%get3A_2232, %get3A_2233] {strides = array<i32>} : memref<10x1024xf32, #tpu.memory_space<vmem>>, vector<16xf32>,
    %add3A_2235 = arith.addf %add3A_2230, %get3A_2234 : vector<16xf32>
    %get3A_2236 = arith.constant 6 : i32
    %get3A_2237 = arith.index_cast %get3A_2236 : i32 to index
    %get3A_2238 = arith.constant 896 : index
    %get3A_2239 = tpu.vector_load %arg10[%get3A_2237, %get3A_2238] {strides = array<i32>} : memref<10x1024xf32, #tpu.memory_space<vmem>>, vector<16xf32>,
    %add3A_2240 = arith.addf %add3A_2235, %get3A_2239 : vector<16xf32>
    %get3A_2241 = arith.constant 6 : i32
    %get3A_2242 = arith.index_cast %get3A_2241 : i32 to index
    %get3A_2243 = arith.constant 912 : index
    %get3A_2244 = tpu.vector_load %arg10[%get3A_2242, %get3A_2243] {strides = array<i32>} : memref<10x1024xf32, #tpu.memory_space<vmem>>, vector<16xf32>,
    %add3A_2245 = arith.addf %add3A_2240, %get3A_2244 : vector<16xf32>
    %get3A_2246 = arith.constant 6 : i32
    %get3A_2247 = arith.index_cast %get3A_2246 : i32 to index
    %get3A_2248 = arith.constant 928 : index
    %get3A_2249 = tpu.vector_load %arg10[%get3A_2247, %get3A_2248] {strides = array<i32>} : memref<10x1024xf32, #tpu.memory_space<vmem>>, vector<16xf32>,
    %add3A_2250 = arith.addf %add3A_2245, %get3A_2249 : vector<16xf32>
    %get3A_2251 = arith.constant 6 : i32
    %get3A_2252 = arith.index_cast %get3A_2251 : i32 to index
    %get3A_2253 = arith.constant 944 : index
    %get3A_2254 = tpu.vector_load %arg10[%get3A_2252, %get3A_2253] {strides = array<i32>} : memref<10x1024xf32, #tpu.memory_space<vmem>>, vector<16xf32>,
    %add3A_2255 = arith.addf %add3A_2250, %get3A_2254 : vector<16xf32>
    %get3A_2256 = arith.constant 6 : i32
    %get3A_2257 = arith.index_cast %get3A_2256 : i32 to index
    %get3A_2258 = arith.constant 960 : index
    %get3A_2259 = tpu.vector_load %arg10[%get3A_2257, %get3A_2258] {strides = array<i32>} : memref<10x1024xf32, #tpu.memory_space<vmem>>, vector<16xf32>,
    %add3A_2260 = arith.addf %add3A_2255, %get3A_2259 : vector<16xf32>
    %get3A_2261 = arith.constant 6 : i32
    %get3A_2262 = arith.index_cast %get3A_2261 : i32 to index
    %get3A_2263 = arith.constant 976 : index
    %get3A_2264 = tpu.vector_load %arg10[%get3A_2262, %get3A_2263] {strides = array<i32>} : memref<10x1024xf32, #tpu.memory_space<vmem>>, vector<16xf32>,
    %add3A_2265 = arith.addf %add3A_2260, %get3A_2264 : vector<16xf32>
    %get3A_2266 = arith.constant 6 : i32
    %get3A_2267 = arith.index_cast %get3A_2266 : i32 to index
    %get3A_2268 = arith.constant 992 : index
    %get3A_2269 = tpu.vector_load %arg10[%get3A_2267, %get3A_2268] {strides = array<i32>} : memref<10x1024xf32, #tpu.memory_space<vmem>>, vector<16xf32>,
    %add3A_2270 = arith.addf %add3A_2265, %get3A_2269 : vector<16xf32>
    %get3A_2271 = arith.constant 6 : i32
    %get3A_2272 = arith.index_cast %get3A_2271 : i32 to index
    %get3A_2273 = arith.constant 1008 : index
    %get3A_2274 = tpu.vector_load %arg10[%get3A_2272, %get3A_2273] {strides = array<i32>} : memref<10x1024xf32, #tpu.memory_space<vmem>>, vector<16xf32>,
    %add3A_2275 = arith.addf %add3A_2270, %get3A_2274 : vector<16xf32>
    %reduce_sum3A_2276 = arith.constant true
    %reduce_sum3A_2277 = vector.broadcast %reduce_sum3A_2276 : i1 to vector<16xi1>
    %reduce_sum3A_2278 = tpu.scan <sum>, %add3A_2275 masked %reduce_sum3A_2277 : vector<16xf32>, vector<16xi1> -> vector<16xf32>
    %reduce_sum3A_2279 = vector.extract %reduce_sum3A_2278[15] : f32 from vector<16xf32>
    %broadcast_in_dim3A_2280 = arith.constant 0.000000e+00 : f32
    %broadcast_in_dim3A_2281 = vector.broadcast %broadcast_in_dim3A_2280 : f32 to vector<16xf32>
    %get3A_2282 = arith.constant 7 : i32
    %get3A_2283 = arith.index_cast %get3A_2282 : i32 to index
    %get3A_2284 = arith.constant 0 : index
    %get3A_2285 = tpu.vector_load %arg10[%get3A_2283, %get3A_2284] {strides = array<i32>} : memref<10x1024xf32, #tpu.memory_space<vmem>>, vector<16xf32>,
    %add3A_2286 = arith.addf %broadcast_in_dim3A_2281, %get3A_2285 : vector<16xf32>
    %get3A_2287 = arith.constant 7 : i32
    %get3A_2288 = arith.index_cast %get3A_2287 : i32 to index
    %get3A_2289 = arith.constant 16 : index
    %get3A_2290 = tpu.vector_load %arg10[%get3A_2288, %get3A_2289] {strides = array<i32>} : memref<10x1024xf32, #tpu.memory_space<vmem>>, vector<16xf32>,
    %add3A_2291 = arith.addf %add3A_2286, %get3A_2290 : vector<16xf32>
    %get3A_2292 = arith.constant 7 : i32
    %get3A_2293 = arith.index_cast %get3A_2292 : i32 to index
    %get3A_2294 = arith.constant 32 : index
    %get3A_2295 = tpu.vector_load %arg10[%get3A_2293, %get3A_2294] {strides = array<i32>} : memref<10x1024xf32, #tpu.memory_space<vmem>>, vector<16xf32>,
    %add3A_2296 = arith.addf %add3A_2291, %get3A_2295 : vector<16xf32>
    %get3A_2297 = arith.constant 7 : i32
    %get3A_2298 = arith.index_cast %get3A_2297 : i32 to index
    %get3A_2299 = arith.constant 48 : index
    %get3A_2300 = tpu.vector_load %arg10[%get3A_2298, %get3A_2299] {strides = array<i32>} : memref<10x1024xf32, #tpu.memory_space<vmem>>, vector<16xf32>,
    %add3A_2301 = arith.addf %add3A_2296, %get3A_2300 : vector<16xf32>
    %get3A_2302 = arith.constant 7 : i32
    %get3A_2303 = arith.index_cast %get3A_2302 : i32 to index
    %get3A_2304 = arith.constant 64 : index
    %get3A_2305 = tpu.vector_load %arg10[%get3A_2303, %get3A_2304] {strides = array<i32>} : memref<10x1024xf32, #tpu.memory_space<vmem>>, vector<16xf32>,
    %add3A_2306 = arith.addf %add3A_2301, %get3A_2305 : vector<16xf32>
    %get3A_2307 = arith.constant 7 : i32
    %get3A_2308 = arith.index_cast %get3A_2307 : i32 to index
    %get3A_2309 = arith.constant 80 : index
    %get3A_2310 = tpu.vector_load %arg10[%get3A_2308, %get3A_2309] {strides = array<i32>} : memref<10x1024xf32, #tpu.memory_space<vmem>>, vector<16xf32>,
    %add3A_2311 = arith.addf %add3A_2306, %get3A_2310 : vector<16xf32>
    %get3A_2312 = arith.constant 7 : i32
    %get3A_2313 = arith.index_cast %get3A_2312 : i32 to index
    %get3A_2314 = arith.constant 96 : index
    %get3A_2315 = tpu.vector_load %arg10[%get3A_2313, %get3A_2314] {strides = array<i32>} : memref<10x1024xf32, #tpu.memory_space<vmem>>, vector<16xf32>,
    %add3A_2316 = arith.addf %add3A_2311, %get3A_2315 : vector<16xf32>
    %get3A_2317 = arith.constant 7 : i32
    %get3A_2318 = arith.index_cast %get3A_2317 : i32 to index
    %get3A_2319 = arith.constant 112 : index
    %get3A_2320 = tpu.vector_load %arg10[%get3A_2318, %get3A_2319] {strides = array<i32>} : memref<10x1024xf32, #tpu.memory_space<vmem>>, vector<16xf32>,
    %add3A_2321 = arith.addf %add3A_2316, %get3A_2320 : vector<16xf32>
    %get3A_2322 = arith.constant 7 : i32
    %get3A_2323 = arith.index_cast %get3A_2322 : i32 to index
    %get3A_2324 = arith.constant 128 : index
    %get3A_2325 = tpu.vector_load %arg10[%get3A_2323, %get3A_2324] {strides = array<i32>} : memref<10x1024xf32, #tpu.memory_space<vmem>>, vector<16xf32>,
    %add3A_2326 = arith.addf %add3A_2321, %get3A_2325 : vector<16xf32>
    %get3A_2327 = arith.constant 7 : i32
    %get3A_2328 = arith.index_cast %get3A_2327 : i32 to index
    %get3A_2329 = arith.constant 144 : index
    %get3A_2330 = tpu.vector_load %arg10[%get3A_2328, %get3A_2329] {strides = array<i32>} : memref<10x1024xf32, #tpu.memory_space<vmem>>, vector<16xf32>,
    %add3A_2331 = arith.addf %add3A_2326, %get3A_2330 : vector<16xf32>
    %get3A_2332 = arith.constant 7 : i32
    %get3A_2333 = arith.index_cast %get3A_2332 : i32 to index
    %get3A_2334 = arith.constant 160 : index
    %get3A_2335 = tpu.vector_load %arg10[%get3A_2333, %get3A_2334] {strides = array<i32>} : memref<10x1024xf32, #tpu.memory_space<vmem>>, vector<16xf32>,
    %add3A_2336 = arith.addf %add3A_2331, %get3A_2335 : vector<16xf32>
    %get3A_2337 = arith.constant 7 : i32
    %get3A_2338 = arith.index_cast %get3A_2337 : i32 to index
    %get3A_2339 = arith.constant 176 : index
    %get3A_2340 = tpu.vector_load %arg10[%get3A_2338, %get3A_2339] {strides = array<i32>} : memref<10x1024xf32, #tpu.memory_space<vmem>>, vector<16xf32>,
    %add3A_2341 = arith.addf %add3A_2336, %get3A_2340 : vector<16xf32>
    %get3A_2342 = arith.constant 7 : i32
    %get3A_2343 = arith.index_cast %get3A_2342 : i32 to index
    %get3A_2344 = arith.constant 192 : index
    %get3A_2345 = tpu.vector_load %arg10[%get3A_2343, %get3A_2344] {strides = array<i32>} : memref<10x1024xf32, #tpu.memory_space<vmem>>, vector<16xf32>,
    %add3A_2346 = arith.addf %add3A_2341, %get3A_2345 : vector<16xf32>
    %get3A_2347 = arith.constant 7 : i32
    %get3A_2348 = arith.index_cast %get3A_2347 : i32 to index
    %get3A_2349 = arith.constant 208 : index
    %get3A_2350 = tpu.vector_load %arg10[%get3A_2348, %get3A_2349] {strides = array<i32>} : memref<10x1024xf32, #tpu.memory_space<vmem>>, vector<16xf32>,
    %add3A_2351 = arith.addf %add3A_2346, %get3A_2350 : vector<16xf32>
    %get3A_2352 = arith.constant 7 : i32
    %get3A_2353 = arith.index_cast %get3A_2352 : i32 to index
    %get3A_2354 = arith.constant 224 : index
    %get3A_2355 = tpu.vector_load %arg10[%get3A_2353, %get3A_2354] {strides = array<i32>} : memref<10x1024xf32, #tpu.memory_space<vmem>>, vector<16xf32>,
    %add3A_2356 = arith.addf %add3A_2351, %get3A_2355 : vector<16xf32>
    %get3A_2357 = arith.constant 7 : i32
    %get3A_2358 = arith.index_cast %get3A_2357 : i32 to index
    %get3A_2359 = arith.constant 240 : index
    %get3A_2360 = tpu.vector_load %arg10[%get3A_2358, %get3A_2359] {strides = array<i32>} : memref<10x1024xf32, #tpu.memory_space<vmem>>, vector<16xf32>,
    %add3A_2361 = arith.addf %add3A_2356, %get3A_2360 : vector<16xf32>
    %get3A_2362 = arith.constant 7 : i32
    %get3A_2363 = arith.index_cast %get3A_2362 : i32 to index
    %get3A_2364 = arith.constant 256 : index
    %get3A_2365 = tpu.vector_load %arg10[%get3A_2363, %get3A_2364] {strides = array<i32>} : memref<10x1024xf32, #tpu.memory_space<vmem>>, vector<16xf32>,
    %add3A_2366 = arith.addf %add3A_2361, %get3A_2365 : vector<16xf32>
    %get3A_2367 = arith.constant 7 : i32
    %get3A_2368 = arith.index_cast %get3A_2367 : i32 to index
    %get3A_2369 = arith.constant 272 : index
    %get3A_2370 = tpu.vector_load %arg10[%get3A_2368, %get3A_2369] {strides = array<i32>} : memref<10x1024xf32, #tpu.memory_space<vmem>>, vector<16xf32>,
    %add3A_2371 = arith.addf %add3A_2366, %get3A_2370 : vector<16xf32>
    %get3A_2372 = arith.constant 7 : i32
    %get3A_2373 = arith.index_cast %get3A_2372 : i32 to index
    %get3A_2374 = arith.constant 288 : index
    %get3A_2375 = tpu.vector_load %arg10[%get3A_2373, %get3A_2374] {strides = array<i32>} : memref<10x1024xf32, #tpu.memory_space<vmem>>, vector<16xf32>,
    %add3A_2376 = arith.addf %add3A_2371, %get3A_2375 : vector<16xf32>
    %get3A_2377 = arith.constant 7 : i32
    %get3A_2378 = arith.index_cast %get3A_2377 : i32 to index
    %get3A_2379 = arith.constant 304 : index
    %get3A_2380 = tpu.vector_load %arg10[%get3A_2378, %get3A_2379] {strides = array<i32>} : memref<10x1024xf32, #tpu.memory_space<vmem>>, vector<16xf32>,
    %add3A_2381 = arith.addf %add3A_2376, %get3A_2380 : vector<16xf32>
    %get3A_2382 = arith.constant 7 : i32
    %get3A_2383 = arith.index_cast %get3A_2382 : i32 to index
    %get3A_2384 = arith.constant 320 : index
    %get3A_2385 = tpu.vector_load %arg10[%get3A_2383, %get3A_2384] {strides = array<i32>} : memref<10x1024xf32, #tpu.memory_space<vmem>>, vector<16xf32>,
    %add3A_2386 = arith.addf %add3A_2381, %get3A_2385 : vector<16xf32>
    %get3A_2387 = arith.constant 7 : i32
    %get3A_2388 = arith.index_cast %get3A_2387 : i32 to index
    %get3A_2389 = arith.constant 336 : index
    %get3A_2390 = tpu.vector_load %arg10[%get3A_2388, %get3A_2389] {strides = array<i32>} : memref<10x1024xf32, #tpu.memory_space<vmem>>, vector<16xf32>,
    %add3A_2391 = arith.addf %add3A_2386, %get3A_2390 : vector<16xf32>
    %get3A_2392 = arith.constant 7 : i32
    %get3A_2393 = arith.index_cast %get3A_2392 : i32 to index
    %get3A_2394 = arith.constant 352 : index
    %get3A_2395 = tpu.vector_load %arg10[%get3A_2393, %get3A_2394] {strides = array<i32>} : memref<10x1024xf32, #tpu.memory_space<vmem>>, vector<16xf32>,
    %add3A_2396 = arith.addf %add3A_2391, %get3A_2395 : vector<16xf32>
    %get3A_2397 = arith.constant 7 : i32
    %get3A_2398 = arith.index_cast %get3A_2397 : i32 to index
    %get3A_2399 = arith.constant 368 : index
    %get3A_2400 = tpu.vector_load %arg10[%get3A_2398, %get3A_2399] {strides = array<i32>} : memref<10x1024xf32, #tpu.memory_space<vmem>>, vector<16xf32>,
    %add3A_2401 = arith.addf %add3A_2396, %get3A_2400 : vector<16xf32>
    %get3A_2402 = arith.constant 7 : i32
    %get3A_2403 = arith.index_cast %get3A_2402 : i32 to index
    %get3A_2404 = arith.constant 384 : index
    %get3A_2405 = tpu.vector_load %arg10[%get3A_2403, %get3A_2404] {strides = array<i32>} : memref<10x1024xf32, #tpu.memory_space<vmem>>, vector<16xf32>,
    %add3A_2406 = arith.addf %add3A_2401, %get3A_2405 : vector<16xf32>
    %get3A_2407 = arith.constant 7 : i32
    %get3A_2408 = arith.index_cast %get3A_2407 : i32 to index
    %get3A_2409 = arith.constant 400 : index
    %get3A_2410 = tpu.vector_load %arg10[%get3A_2408, %get3A_2409] {strides = array<i32>} : memref<10x1024xf32, #tpu.memory_space<vmem>>, vector<16xf32>,
    %add3A_2411 = arith.addf %add3A_2406, %get3A_2410 : vector<16xf32>
    %get3A_2412 = arith.constant 7 : i32
    %get3A_2413 = arith.index_cast %get3A_2412 : i32 to index
    %get3A_2414 = arith.constant 416 : index
    %get3A_2415 = tpu.vector_load %arg10[%get3A_2413, %get3A_2414] {strides = array<i32>} : memref<10x1024xf32, #tpu.memory_space<vmem>>, vector<16xf32>,
    %add3A_2416 = arith.addf %add3A_2411, %get3A_2415 : vector<16xf32>
    %get3A_2417 = arith.constant 7 : i32
    %get3A_2418 = arith.index_cast %get3A_2417 : i32 to index
    %get3A_2419 = arith.constant 432 : index
    %get3A_2420 = tpu.vector_load %arg10[%get3A_2418, %get3A_2419] {strides = array<i32>} : memref<10x1024xf32, #tpu.memory_space<vmem>>, vector<16xf32>,
    %add3A_2421 = arith.addf %add3A_2416, %get3A_2420 : vector<16xf32>
    %get3A_2422 = arith.constant 7 : i32
    %get3A_2423 = arith.index_cast %get3A_2422 : i32 to index
    %get3A_2424 = arith.constant 448 : index
    %get3A_2425 = tpu.vector_load %arg10[%get3A_2423, %get3A_2424] {strides = array<i32>} : memref<10x1024xf32, #tpu.memory_space<vmem>>, vector<16xf32>,
    %add3A_2426 = arith.addf %add3A_2421, %get3A_2425 : vector<16xf32>
    %get3A_2427 = arith.constant 7 : i32
    %get3A_2428 = arith.index_cast %get3A_2427 : i32 to index
    %get3A_2429 = arith.constant 464 : index
    %get3A_2430 = tpu.vector_load %arg10[%get3A_2428, %get3A_2429] {strides = array<i32>} : memref<10x1024xf32, #tpu.memory_space<vmem>>, vector<16xf32>,
    %add3A_2431 = arith.addf %add3A_2426, %get3A_2430 : vector<16xf32>
    %get3A_2432 = arith.constant 7 : i32
    %get3A_2433 = arith.index_cast %get3A_2432 : i32 to index
    %get3A_2434 = arith.constant 480 : index
    %get3A_2435 = tpu.vector_load %arg10[%get3A_2433, %get3A_2434] {strides = array<i32>} : memref<10x1024xf32, #tpu.memory_space<vmem>>, vector<16xf32>,
    %add3A_2436 = arith.addf %add3A_2431, %get3A_2435 : vector<16xf32>
    %get3A_2437 = arith.constant 7 : i32
    %get3A_2438 = arith.index_cast %get3A_2437 : i32 to index
    %get3A_2439 = arith.constant 496 : index
    %get3A_2440 = tpu.vector_load %arg10[%get3A_2438, %get3A_2439] {strides = array<i32>} : memref<10x1024xf32, #tpu.memory_space<vmem>>, vector<16xf32>,
    %add3A_2441 = arith.addf %add3A_2436, %get3A_2440 : vector<16xf32>
    %get3A_2442 = arith.constant 7 : i32
    %get3A_2443 = arith.index_cast %get3A_2442 : i32 to index
    %get3A_2444 = arith.constant 512 : index
    %get3A_2445 = tpu.vector_load %arg10[%get3A_2443, %get3A_2444] {strides = array<i32>} : memref<10x1024xf32, #tpu.memory_space<vmem>>, vector<16xf32>,
    %add3A_2446 = arith.addf %add3A_2441, %get3A_2445 : vector<16xf32>
    %get3A_2447 = arith.constant 7 : i32
    %get3A_2448 = arith.index_cast %get3A_2447 : i32 to index
    %get3A_2449 = arith.constant 528 : index
    %get3A_2450 = tpu.vector_load %arg10[%get3A_2448, %get3A_2449] {strides = array<i32>} : memref<10x1024xf32, #tpu.memory_space<vmem>>, vector<16xf32>,
    %add3A_2451 = arith.addf %add3A_2446, %get3A_2450 : vector<16xf32>
    %get3A_2452 = arith.constant 7 : i32
    %get3A_2453 = arith.index_cast %get3A_2452 : i32 to index
    %get3A_2454 = arith.constant 544 : index
    %get3A_2455 = tpu.vector_load %arg10[%get3A_2453, %get3A_2454] {strides = array<i32>} : memref<10x1024xf32, #tpu.memory_space<vmem>>, vector<16xf32>,
    %add3A_2456 = arith.addf %add3A_2451, %get3A_2455 : vector<16xf32>
    %get3A_2457 = arith.constant 7 : i32
    %get3A_2458 = arith.index_cast %get3A_2457 : i32 to index
    %get3A_2459 = arith.constant 560 : index
    %get3A_2460 = tpu.vector_load %arg10[%get3A_2458, %get3A_2459] {strides = array<i32>} : memref<10x1024xf32, #tpu.memory_space<vmem>>, vector<16xf32>,
    %add3A_2461 = arith.addf %add3A_2456, %get3A_2460 : vector<16xf32>
    %get3A_2462 = arith.constant 7 : i32
    %get3A_2463 = arith.index_cast %get3A_2462 : i32 to index
    %get3A_2464 = arith.constant 576 : index
    %get3A_2465 = tpu.vector_load %arg10[%get3A_2463, %get3A_2464] {strides = array<i32>} : memref<10x1024xf32, #tpu.memory_space<vmem>>, vector<16xf32>,
    %add3A_2466 = arith.addf %add3A_2461, %get3A_2465 : vector<16xf32>
    %get3A_2467 = arith.constant 7 : i32
    %get3A_2468 = arith.index_cast %get3A_2467 : i32 to index
    %get3A_2469 = arith.constant 592 : index
    %get3A_2470 = tpu.vector_load %arg10[%get3A_2468, %get3A_2469] {strides = array<i32>} : memref<10x1024xf32, #tpu.memory_space<vmem>>, vector<16xf32>,
    %add3A_2471 = arith.addf %add3A_2466, %get3A_2470 : vector<16xf32>
    %get3A_2472 = arith.constant 7 : i32
    %get3A_2473 = arith.index_cast %get3A_2472 : i32 to index
    %get3A_2474 = arith.constant 608 : index
    %get3A_2475 = tpu.vector_load %arg10[%get3A_2473, %get3A_2474] {strides = array<i32>} : memref<10x1024xf32, #tpu.memory_space<vmem>>, vector<16xf32>,
    %add3A_2476 = arith.addf %add3A_2471, %get3A_2475 : vector<16xf32>
    %get3A_2477 = arith.constant 7 : i32
    %get3A_2478 = arith.index_cast %get3A_2477 : i32 to index
    %get3A_2479 = arith.constant 624 : index
    %get3A_2480 = tpu.vector_load %arg10[%get3A_2478, %get3A_2479] {strides = array<i32>} : memref<10x1024xf32, #tpu.memory_space<vmem>>, vector<16xf32>,
    %add3A_2481 = arith.addf %add3A_2476, %get3A_2480 : vector<16xf32>
    %get3A_2482 = arith.constant 7 : i32
    %get3A_2483 = arith.index_cast %get3A_2482 : i32 to index
    %get3A_2484 = arith.constant 640 : index
    %get3A_2485 = tpu.vector_load %arg10[%get3A_2483, %get3A_2484] {strides = array<i32>} : memref<10x1024xf32, #tpu.memory_space<vmem>>, vector<16xf32>,
    %add3A_2486 = arith.addf %add3A_2481, %get3A_2485 : vector<16xf32>
    %get3A_2487 = arith.constant 7 : i32
    %get3A_2488 = arith.index_cast %get3A_2487 : i32 to index
    %get3A_2489 = arith.constant 656 : index
    %get3A_2490 = tpu.vector_load %arg10[%get3A_2488, %get3A_2489] {strides = array<i32>} : memref<10x1024xf32, #tpu.memory_space<vmem>>, vector<16xf32>,
    %add3A_2491 = arith.addf %add3A_2486, %get3A_2490 : vector<16xf32>
    %get3A_2492 = arith.constant 7 : i32
    %get3A_2493 = arith.index_cast %get3A_2492 : i32 to index
    %get3A_2494 = arith.constant 672 : index
    %get3A_2495 = tpu.vector_load %arg10[%get3A_2493, %get3A_2494] {strides = array<i32>} : memref<10x1024xf32, #tpu.memory_space<vmem>>, vector<16xf32>,
    %add3A_2496 = arith.addf %add3A_2491, %get3A_2495 : vector<16xf32>
    %get3A_2497 = arith.constant 7 : i32
    %get3A_2498 = arith.index_cast %get3A_2497 : i32 to index
    %get3A_2499 = arith.constant 688 : index
    %get3A_2500 = tpu.vector_load %arg10[%get3A_2498, %get3A_2499] {strides = array<i32>} : memref<10x1024xf32, #tpu.memory_space<vmem>>, vector<16xf32>,
    %add3A_2501 = arith.addf %add3A_2496, %get3A_2500 : vector<16xf32>
    %get3A_2502 = arith.constant 7 : i32
    %get3A_2503 = arith.index_cast %get3A_2502 : i32 to index
    %get3A_2504 = arith.constant 704 : index
    %get3A_2505 = tpu.vector_load %arg10[%get3A_2503, %get3A_2504] {strides = array<i32>} : memref<10x1024xf32, #tpu.memory_space<vmem>>, vector<16xf32>,
    %add3A_2506 = arith.addf %add3A_2501, %get3A_2505 : vector<16xf32>
    %get3A_2507 = arith.constant 7 : i32
    %get3A_2508 = arith.index_cast %get3A_2507 : i32 to index
    %get3A_2509 = arith.constant 720 : index
    %get3A_2510 = tpu.vector_load %arg10[%get3A_2508, %get3A_2509] {strides = array<i32>} : memref<10x1024xf32, #tpu.memory_space<vmem>>, vector<16xf32>,
    %add3A_2511 = arith.addf %add3A_2506, %get3A_2510 : vector<16xf32>
    %get3A_2512 = arith.constant 7 : i32
    %get3A_2513 = arith.index_cast %get3A_2512 : i32 to index
    %get3A_2514 = arith.constant 736 : index
    %get3A_2515 = tpu.vector_load %arg10[%get3A_2513, %get3A_2514] {strides = array<i32>} : memref<10x1024xf32, #tpu.memory_space<vmem>>, vector<16xf32>,
    %add3A_2516 = arith.addf %add3A_2511, %get3A_2515 : vector<16xf32>
    %get3A_2517 = arith.constant 7 : i32
    %get3A_2518 = arith.index_cast %get3A_2517 : i32 to index
    %get3A_2519 = arith.constant 752 : index
    %get3A_2520 = tpu.vector_load %arg10[%get3A_2518, %get3A_2519] {strides = array<i32>} : memref<10x1024xf32, #tpu.memory_space<vmem>>, vector<16xf32>,
    %add3A_2521 = arith.addf %add3A_2516, %get3A_2520 : vector<16xf32>
    %get3A_2522 = arith.constant 7 : i32
    %get3A_2523 = arith.index_cast %get3A_2522 : i32 to index
    %get3A_2524 = arith.constant 768 : index
    %get3A_2525 = tpu.vector_load %arg10[%get3A_2523, %get3A_2524] {strides = array<i32>} : memref<10x1024xf32, #tpu.memory_space<vmem>>, vector<16xf32>,
    %add3A_2526 = arith.addf %add3A_2521, %get3A_2525 : vector<16xf32>
    %get3A_2527 = arith.constant 7 : i32
    %get3A_2528 = arith.index_cast %get3A_2527 : i32 to index
    %get3A_2529 = arith.constant 784 : index
    %get3A_2530 = tpu.vector_load %arg10[%get3A_2528, %get3A_2529] {strides = array<i32>} : memref<10x1024xf32, #tpu.memory_space<vmem>>, vector<16xf32>,
    %add3A_2531 = arith.addf %add3A_2526, %get3A_2530 : vector<16xf32>
    %get3A_2532 = arith.constant 7 : i32
    %get3A_2533 = arith.index_cast %get3A_2532 : i32 to index
    %get3A_2534 = arith.constant 800 : index
    %get3A_2535 = tpu.vector_load %arg10[%get3A_2533, %get3A_2534] {strides = array<i32>} : memref<10x1024xf32, #tpu.memory_space<vmem>>, vector<16xf32>,
    %add3A_2536 = arith.addf %add3A_2531, %get3A_2535 : vector<16xf32>
    %get3A_2537 = arith.constant 7 : i32
    %get3A_2538 = arith.index_cast %get3A_2537 : i32 to index
    %get3A_2539 = arith.constant 816 : index
    %get3A_2540 = tpu.vector_load %arg10[%get3A_2538, %get3A_2539] {strides = array<i32>} : memref<10x1024xf32, #tpu.memory_space<vmem>>, vector<16xf32>,
    %add3A_2541 = arith.addf %add3A_2536, %get3A_2540 : vector<16xf32>
    %get3A_2542 = arith.constant 7 : i32
    %get3A_2543 = arith.index_cast %get3A_2542 : i32 to index
    %get3A_2544 = arith.constant 832 : index
    %get3A_2545 = tpu.vector_load %arg10[%get3A_2543, %get3A_2544] {strides = array<i32>} : memref<10x1024xf32, #tpu.memory_space<vmem>>, vector<16xf32>,
    %add3A_2546 = arith.addf %add3A_2541, %get3A_2545 : vector<16xf32>
    %get3A_2547 = arith.constant 7 : i32
    %get3A_2548 = arith.index_cast %get3A_2547 : i32 to index
    %get3A_2549 = arith.constant 848 : index
    %get3A_2550 = tpu.vector_load %arg10[%get3A_2548, %get3A_2549] {strides = array<i32>} : memref<10x1024xf32, #tpu.memory_space<vmem>>, vector<16xf32>,
    %add3A_2551 = arith.addf %add3A_2546, %get3A_2550 : vector<16xf32>
    %get3A_2552 = arith.constant 7 : i32
    %get3A_2553 = arith.index_cast %get3A_2552 : i32 to index
    %get3A_2554 = arith.constant 864 : index
    %get3A_2555 = tpu.vector_load %arg10[%get3A_2553, %get3A_2554] {strides = array<i32>} : memref<10x1024xf32, #tpu.memory_space<vmem>>, vector<16xf32>,
    %add3A_2556 = arith.addf %add3A_2551, %get3A_2555 : vector<16xf32>
    %get3A_2557 = arith.constant 7 : i32
    %get3A_2558 = arith.index_cast %get3A_2557 : i32 to index
    %get3A_2559 = arith.constant 880 : index
    %get3A_2560 = tpu.vector_load %arg10[%get3A_2558, %get3A_2559] {strides = array<i32>} : memref<10x1024xf32, #tpu.memory_space<vmem>>, vector<16xf32>,
    %add3A_2561 = arith.addf %add3A_2556, %get3A_2560 : vector<16xf32>
    %get3A_2562 = arith.constant 7 : i32
    %get3A_2563 = arith.index_cast %get3A_2562 : i32 to index
    %get3A_2564 = arith.constant 896 : index
    %get3A_2565 = tpu.vector_load %arg10[%get3A_2563, %get3A_2564] {strides = array<i32>} : memref<10x1024xf32, #tpu.memory_space<vmem>>, vector<16xf32>,
    %add3A_2566 = arith.addf %add3A_2561, %get3A_2565 : vector<16xf32>
    %get3A_2567 = arith.constant 7 : i32
    %get3A_2568 = arith.index_cast %get3A_2567 : i32 to index
    %get3A_2569 = arith.constant 912 : index
    %get3A_2570 = tpu.vector_load %arg10[%get3A_2568, %get3A_2569] {strides = array<i32>} : memref<10x1024xf32, #tpu.memory_space<vmem>>, vector<16xf32>,
    %add3A_2571 = arith.addf %add3A_2566, %get3A_2570 : vector<16xf32>
    %get3A_2572 = arith.constant 7 : i32
    %get3A_2573 = arith.index_cast %get3A_2572 : i32 to index
    %get3A_2574 = arith.constant 928 : index
    %get3A_2575 = tpu.vector_load %arg10[%get3A_2573, %get3A_2574] {strides = array<i32>} : memref<10x1024xf32, #tpu.memory_space<vmem>>, vector<16xf32>,
    %add3A_2576 = arith.addf %add3A_2571, %get3A_2575 : vector<16xf32>
    %get3A_2577 = arith.constant 7 : i32
    %get3A_2578 = arith.index_cast %get3A_2577 : i32 to index
    %get3A_2579 = arith.constant 944 : index
    %get3A_2580 = tpu.vector_load %arg10[%get3A_2578, %get3A_2579] {strides = array<i32>} : memref<10x1024xf32, #tpu.memory_space<vmem>>, vector<16xf32>,
    %add3A_2581 = arith.addf %add3A_2576, %get3A_2580 : vector<16xf32>
    %get3A_2582 = arith.constant 7 : i32
    %get3A_2583 = arith.index_cast %get3A_2582 : i32 to index
    %get3A_2584 = arith.constant 960 : index
    %get3A_2585 = tpu.vector_load %arg10[%get3A_2583, %get3A_2584] {strides = array<i32>} : memref<10x1024xf32, #tpu.memory_space<vmem>>, vector<16xf32>,
    %add3A_2586 = arith.addf %add3A_2581, %get3A_2585 : vector<16xf32>
    %get3A_2587 = arith.constant 7 : i32
    %get3A_2588 = arith.index_cast %get3A_2587 : i32 to index
    %get3A_2589 = arith.constant 976 : index
    %get3A_2590 = tpu.vector_load %arg10[%get3A_2588, %get3A_2589] {strides = array<i32>} : memref<10x1024xf32, #tpu.memory_space<vmem>>, vector<16xf32>,
    %add3A_2591 = arith.addf %add3A_2586, %get3A_2590 : vector<16xf32>
    %get3A_2592 = arith.constant 7 : i32
    %get3A_2593 = arith.index_cast %get3A_2592 : i32 to index
    %get3A_2594 = arith.constant 992 : index
    %get3A_2595 = tpu.vector_load %arg10[%get3A_2593, %get3A_2594] {strides = array<i32>} : memref<10x1024xf32, #tpu.memory_space<vmem>>, vector<16xf32>,
    %add3A_2596 = arith.addf %add3A_2591, %get3A_2595 : vector<16xf32>
    %get3A_2597 = arith.constant 7 : i32
    %get3A_2598 = arith.index_cast %get3A_2597 : i32 to index
    %get3A_2599 = arith.constant 1008 : index
    %get3A_2600 = tpu.vector_load %arg10[%get3A_2598, %get3A_2599] {strides = array<i32>} : memref<10x1024xf32, #tpu.memory_space<vmem>>, vector<16xf32>,
    %add3A_2601 = arith.addf %add3A_2596, %get3A_2600 : vector<16xf32>
    %reduce_sum3A_2602 = arith.constant true
    %reduce_sum3A_2603 = vector.broadcast %reduce_sum3A_2602 : i1 to vector<16xi1>
    %reduce_sum3A_2604 = tpu.scan <sum>, %add3A_2601 masked %reduce_sum3A_2603 : vector<16xf32>, vector<16xi1> -> vector<16xf32>
    %reduce_sum3A_2605 = vector.extract %reduce_sum3A_2604[15] : f32 from vector<16xf32>
    %broadcast_in_dim3A_2606 = arith.constant 0.000000e+00 : f32
    %broadcast_in_dim3A_2607 = vector.broadcast %broadcast_in_dim3A_2606 : f32 to vector<16xf32>
    %get3A_2608 = arith.constant 8 : i32
    %get3A_2609 = arith.index_cast %get3A_2608 : i32 to index
    %get3A_2610 = arith.constant 0 : index
    %get3A_2611 = tpu.vector_load %arg10[%get3A_2609, %get3A_2610] {strides = array<i32>} : memref<10x1024xf32, #tpu.memory_space<vmem>>, vector<16xf32>,
    %add3A_2612 = arith.addf %broadcast_in_dim3A_2607, %get3A_2611 : vector<16xf32>
    %get3A_2613 = arith.constant 8 : i32
    %get3A_2614 = arith.index_cast %get3A_2613 : i32 to index
    %get3A_2615 = arith.constant 16 : index
    %get3A_2616 = tpu.vector_load %arg10[%get3A_2614, %get3A_2615] {strides = array<i32>} : memref<10x1024xf32, #tpu.memory_space<vmem>>, vector<16xf32>,
    %add3A_2617 = arith.addf %add3A_2612, %get3A_2616 : vector<16xf32>
    %get3A_2618 = arith.constant 8 : i32
    %get3A_2619 = arith.index_cast %get3A_2618 : i32 to index
    %get3A_2620 = arith.constant 32 : index
    %get3A_2621 = tpu.vector_load %arg10[%get3A_2619, %get3A_2620] {strides = array<i32>} : memref<10x1024xf32, #tpu.memory_space<vmem>>, vector<16xf32>,
    %add3A_2622 = arith.addf %add3A_2617, %get3A_2621 : vector<16xf32>
    %get3A_2623 = arith.constant 8 : i32
    %get3A_2624 = arith.index_cast %get3A_2623 : i32 to index
    %get3A_2625 = arith.constant 48 : index
    %get3A_2626 = tpu.vector_load %arg10[%get3A_2624, %get3A_2625] {strides = array<i32>} : memref<10x1024xf32, #tpu.memory_space<vmem>>, vector<16xf32>,
    %add3A_2627 = arith.addf %add3A_2622, %get3A_2626 : vector<16xf32>
    %get3A_2628 = arith.constant 8 : i32
    %get3A_2629 = arith.index_cast %get3A_2628 : i32 to index
    %get3A_2630 = arith.constant 64 : index
    %get3A_2631 = tpu.vector_load %arg10[%get3A_2629, %get3A_2630] {strides = array<i32>} : memref<10x1024xf32, #tpu.memory_space<vmem>>, vector<16xf32>,
    %add3A_2632 = arith.addf %add3A_2627, %get3A_2631 : vector<16xf32>
    %get3A_2633 = arith.constant 8 : i32
    %get3A_2634 = arith.index_cast %get3A_2633 : i32 to index
    %get3A_2635 = arith.constant 80 : index
    %get3A_2636 = tpu.vector_load %arg10[%get3A_2634, %get3A_2635] {strides = array<i32>} : memref<10x1024xf32, #tpu.memory_space<vmem>>, vector<16xf32>,
    %add3A_2637 = arith.addf %add3A_2632, %get3A_2636 : vector<16xf32>
    %get3A_2638 = arith.constant 8 : i32
    %get3A_2639 = arith.index_cast %get3A_2638 : i32 to index
    %get3A_2640 = arith.constant 96 : index
    %get3A_2641 = tpu.vector_load %arg10[%get3A_2639, %get3A_2640] {strides = array<i32>} : memref<10x1024xf32, #tpu.memory_space<vmem>>, vector<16xf32>,
    %add3A_2642 = arith.addf %add3A_2637, %get3A_2641 : vector<16xf32>
    %get3A_2643 = arith.constant 8 : i32
    %get3A_2644 = arith.index_cast %get3A_2643 : i32 to index
    %get3A_2645 = arith.constant 112 : index
    %get3A_2646 = tpu.vector_load %arg10[%get3A_2644, %get3A_2645] {strides = array<i32>} : memref<10x1024xf32, #tpu.memory_space<vmem>>, vector<16xf32>,
    %add3A_2647 = arith.addf %add3A_2642, %get3A_2646 : vector<16xf32>
    %get3A_2648 = arith.constant 8 : i32
    %get3A_2649 = arith.index_cast %get3A_2648 : i32 to index
    %get3A_2650 = arith.constant 128 : index
    %get3A_2651 = tpu.vector_load %arg10[%get3A_2649, %get3A_2650] {strides = array<i32>} : memref<10x1024xf32, #tpu.memory_space<vmem>>, vector<16xf32>,
    %add3A_2652 = arith.addf %add3A_2647, %get3A_2651 : vector<16xf32>
    %get3A_2653 = arith.constant 8 : i32
    %get3A_2654 = arith.index_cast %get3A_2653 : i32 to index
    %get3A_2655 = arith.constant 144 : index
    %get3A_2656 = tpu.vector_load %arg10[%get3A_2654, %get3A_2655] {strides = array<i32>} : memref<10x1024xf32, #tpu.memory_space<vmem>>, vector<16xf32>,
    %add3A_2657 = arith.addf %add3A_2652, %get3A_2656 : vector<16xf32>
    %get3A_2658 = arith.constant 8 : i32
    %get3A_2659 = arith.index_cast %get3A_2658 : i32 to index
    %get3A_2660 = arith.constant 160 : index
    %get3A_2661 = tpu.vector_load %arg10[%get3A_2659, %get3A_2660] {strides = array<i32>} : memref<10x1024xf32, #tpu.memory_space<vmem>>, vector<16xf32>,
    %add3A_2662 = arith.addf %add3A_2657, %get3A_2661 : vector<16xf32>
    %get3A_2663 = arith.constant 8 : i32
    %get3A_2664 = arith.index_cast %get3A_2663 : i32 to index
    %get3A_2665 = arith.constant 176 : index
    %get3A_2666 = tpu.vector_load %arg10[%get3A_2664, %get3A_2665] {strides = array<i32>} : memref<10x1024xf32, #tpu.memory_space<vmem>>, vector<16xf32>,
    %add3A_2667 = arith.addf %add3A_2662, %get3A_2666 : vector<16xf32>
    %get3A_2668 = arith.constant 8 : i32
    %get3A_2669 = arith.index_cast %get3A_2668 : i32 to index
    %get3A_2670 = arith.constant 192 : index
    %get3A_2671 = tpu.vector_load %arg10[%get3A_2669, %get3A_2670] {strides = array<i32>} : memref<10x1024xf32, #tpu.memory_space<vmem>>, vector<16xf32>,
    %add3A_2672 = arith.addf %add3A_2667, %get3A_2671 : vector<16xf32>
    %get3A_2673 = arith.constant 8 : i32
    %get3A_2674 = arith.index_cast %get3A_2673 : i32 to index
    %get3A_2675 = arith.constant 208 : index
    %get3A_2676 = tpu.vector_load %arg10[%get3A_2674, %get3A_2675] {strides = array<i32>} : memref<10x1024xf32, #tpu.memory_space<vmem>>, vector<16xf32>,
    %add3A_2677 = arith.addf %add3A_2672, %get3A_2676 : vector<16xf32>
    %get3A_2678 = arith.constant 8 : i32
    %get3A_2679 = arith.index_cast %get3A_2678 : i32 to index
    %get3A_2680 = arith.constant 224 : index
    %get3A_2681 = tpu.vector_load %arg10[%get3A_2679, %get3A_2680] {strides = array<i32>} : memref<10x1024xf32, #tpu.memory_space<vmem>>, vector<16xf32>,
    %add3A_2682 = arith.addf %add3A_2677, %get3A_2681 : vector<16xf32>
    %get3A_2683 = arith.constant 8 : i32
    %get3A_2684 = arith.index_cast %get3A_2683 : i32 to index
    %get3A_2685 = arith.constant 240 : index
    %get3A_2686 = tpu.vector_load %arg10[%get3A_2684, %get3A_2685] {strides = array<i32>} : memref<10x1024xf32, #tpu.memory_space<vmem>>, vector<16xf32>,
    %add3A_2687 = arith.addf %add3A_2682, %get3A_2686 : vector<16xf32>
    %get3A_2688 = arith.constant 8 : i32
    %get3A_2689 = arith.index_cast %get3A_2688 : i32 to index
    %get3A_2690 = arith.constant 256 : index
    %get3A_2691 = tpu.vector_load %arg10[%get3A_2689, %get3A_2690] {strides = array<i32>} : memref<10x1024xf32, #tpu.memory_space<vmem>>, vector<16xf32>,
    %add3A_2692 = arith.addf %add3A_2687, %get3A_2691 : vector<16xf32>
    %get3A_2693 = arith.constant 8 : i32
    %get3A_2694 = arith.index_cast %get3A_2693 : i32 to index
    %get3A_2695 = arith.constant 272 : index
    %get3A_2696 = tpu.vector_load %arg10[%get3A_2694, %get3A_2695] {strides = array<i32>} : memref<10x1024xf32, #tpu.memory_space<vmem>>, vector<16xf32>,
    %add3A_2697 = arith.addf %add3A_2692, %get3A_2696 : vector<16xf32>
    %get3A_2698 = arith.constant 8 : i32
    %get3A_2699 = arith.index_cast %get3A_2698 : i32 to index
    %get3A_2700 = arith.constant 288 : index
    %get3A_2701 = tpu.vector_load %arg10[%get3A_2699, %get3A_2700] {strides = array<i32>} : memref<10x1024xf32, #tpu.memory_space<vmem>>, vector<16xf32>,
    %add3A_2702 = arith.addf %add3A_2697, %get3A_2701 : vector<16xf32>
    %get3A_2703 = arith.constant 8 : i32
    %get3A_2704 = arith.index_cast %get3A_2703 : i32 to index
    %get3A_2705 = arith.constant 304 : index
    %get3A_2706 = tpu.vector_load %arg10[%get3A_2704, %get3A_2705] {strides = array<i32>} : memref<10x1024xf32, #tpu.memory_space<vmem>>, vector<16xf32>,
    %add3A_2707 = arith.addf %add3A_2702, %get3A_2706 : vector<16xf32>
    %get3A_2708 = arith.constant 8 : i32
    %get3A_2709 = arith.index_cast %get3A_2708 : i32 to index
    %get3A_2710 = arith.constant 320 : index
    %get3A_2711 = tpu.vector_load %arg10[%get3A_2709, %get3A_2710] {strides = array<i32>} : memref<10x1024xf32, #tpu.memory_space<vmem>>, vector<16xf32>,
    %add3A_2712 = arith.addf %add3A_2707, %get3A_2711 : vector<16xf32>
    %get3A_2713 = arith.constant 8 : i32
    %get3A_2714 = arith.index_cast %get3A_2713 : i32 to index
    %get3A_2715 = arith.constant 336 : index
    %get3A_2716 = tpu.vector_load %arg10[%get3A_2714, %get3A_2715] {strides = array<i32>} : memref<10x1024xf32, #tpu.memory_space<vmem>>, vector<16xf32>,
    %add3A_2717 = arith.addf %add3A_2712, %get3A_2716 : vector<16xf32>
    %get3A_2718 = arith.constant 8 : i32
    %get3A_2719 = arith.index_cast %get3A_2718 : i32 to index
    %get3A_2720 = arith.constant 352 : index
    %get3A_2721 = tpu.vector_load %arg10[%get3A_2719, %get3A_2720] {strides = array<i32>} : memref<10x1024xf32, #tpu.memory_space<vmem>>, vector<16xf32>,
    %add3A_2722 = arith.addf %add3A_2717, %get3A_2721 : vector<16xf32>
    %get3A_2723 = arith.constant 8 : i32
    %get3A_2724 = arith.index_cast %get3A_2723 : i32 to index
    %get3A_2725 = arith.constant 368 : index
    %get3A_2726 = tpu.vector_load %arg10[%get3A_2724, %get3A_2725] {strides = array<i32>} : memref<10x1024xf32, #tpu.memory_space<vmem>>, vector<16xf32>,
    %add3A_2727 = arith.addf %add3A_2722, %get3A_2726 : vector<16xf32>
    %get3A_2728 = arith.constant 8 : i32
    %get3A_2729 = arith.index_cast %get3A_2728 : i32 to index
    %get3A_2730 = arith.constant 384 : index
    %get3A_2731 = tpu.vector_load %arg10[%get3A_2729, %get3A_2730] {strides = array<i32>} : memref<10x1024xf32, #tpu.memory_space<vmem>>, vector<16xf32>,
    %add3A_2732 = arith.addf %add3A_2727, %get3A_2731 : vector<16xf32>
    %get3A_2733 = arith.constant 8 : i32
    %get3A_2734 = arith.index_cast %get3A_2733 : i32 to index
    %get3A_2735 = arith.constant 400 : index
    %get3A_2736 = tpu.vector_load %arg10[%get3A_2734, %get3A_2735] {strides = array<i32>} : memref<10x1024xf32, #tpu.memory_space<vmem>>, vector<16xf32>,
    %add3A_2737 = arith.addf %add3A_2732, %get3A_2736 : vector<16xf32>
    %get3A_2738 = arith.constant 8 : i32
    %get3A_2739 = arith.index_cast %get3A_2738 : i32 to index
    %get3A_2740 = arith.constant 416 : index
    %get3A_2741 = tpu.vector_load %arg10[%get3A_2739, %get3A_2740] {strides = array<i32>} : memref<10x1024xf32, #tpu.memory_space<vmem>>, vector<16xf32>,
    %add3A_2742 = arith.addf %add3A_2737, %get3A_2741 : vector<16xf32>
    %get3A_2743 = arith.constant 8 : i32
    %get3A_2744 = arith.index_cast %get3A_2743 : i32 to index
    %get3A_2745 = arith.constant 432 : index
    %get3A_2746 = tpu.vector_load %arg10[%get3A_2744, %get3A_2745] {strides = array<i32>} : memref<10x1024xf32, #tpu.memory_space<vmem>>, vector<16xf32>,
    %add3A_2747 = arith.addf %add3A_2742, %get3A_2746 : vector<16xf32>
    %get3A_2748 = arith.constant 8 : i32
    %get3A_2749 = arith.index_cast %get3A_2748 : i32 to index
    %get3A_2750 = arith.constant 448 : index
    %get3A_2751 = tpu.vector_load %arg10[%get3A_2749, %get3A_2750] {strides = array<i32>} : memref<10x1024xf32, #tpu.memory_space<vmem>>, vector<16xf32>,
    %add3A_2752 = arith.addf %add3A_2747, %get3A_2751 : vector<16xf32>
    %get3A_2753 = arith.constant 8 : i32
    %get3A_2754 = arith.index_cast %get3A_2753 : i32 to index
    %get3A_2755 = arith.constant 464 : index
    %get3A_2756 = tpu.vector_load %arg10[%get3A_2754, %get3A_2755] {strides = array<i32>} : memref<10x1024xf32, #tpu.memory_space<vmem>>, vector<16xf32>,
    %add3A_2757 = arith.addf %add3A_2752, %get3A_2756 : vector<16xf32>
    %get3A_2758 = arith.constant 8 : i32
    %get3A_2759 = arith.index_cast %get3A_2758 : i32 to index
    %get3A_2760 = arith.constant 480 : index
    %get3A_2761 = tpu.vector_load %arg10[%get3A_2759, %get3A_2760] {strides = array<i32>} : memref<10x1024xf32, #tpu.memory_space<vmem>>, vector<16xf32>,
    %add3A_2762 = arith.addf %add3A_2757, %get3A_2761 : vector<16xf32>
    %get3A_2763 = arith.constant 8 : i32
    %get3A_2764 = arith.index_cast %get3A_2763 : i32 to index
    %get3A_2765 = arith.constant 496 : index
    %get3A_2766 = tpu.vector_load %arg10[%get3A_2764, %get3A_2765] {strides = array<i32>} : memref<10x1024xf32, #tpu.memory_space<vmem>>, vector<16xf32>,
    %add3A_2767 = arith.addf %add3A_2762, %get3A_2766 : vector<16xf32>
    %get3A_2768 = arith.constant 8 : i32
    %get3A_2769 = arith.index_cast %get3A_2768 : i32 to index
    %get3A_2770 = arith.constant 512 : index
    %get3A_2771 = tpu.vector_load %arg10[%get3A_2769, %get3A_2770] {strides = array<i32>} : memref<10x1024xf32, #tpu.memory_space<vmem>>, vector<16xf32>,
    %add3A_2772 = arith.addf %add3A_2767, %get3A_2771 : vector<16xf32>
    %get3A_2773 = arith.constant 8 : i32
    %get3A_2774 = arith.index_cast %get3A_2773 : i32 to index
    %get3A_2775 = arith.constant 528 : index
    %get3A_2776 = tpu.vector_load %arg10[%get3A_2774, %get3A_2775] {strides = array<i32>} : memref<10x1024xf32, #tpu.memory_space<vmem>>, vector<16xf32>,
    %add3A_2777 = arith.addf %add3A_2772, %get3A_2776 : vector<16xf32>
    %get3A_2778 = arith.constant 8 : i32
    %get3A_2779 = arith.index_cast %get3A_2778 : i32 to index
    %get3A_2780 = arith.constant 544 : index
    %get3A_2781 = tpu.vector_load %arg10[%get3A_2779, %get3A_2780] {strides = array<i32>} : memref<10x1024xf32, #tpu.memory_space<vmem>>, vector<16xf32>,
    %add3A_2782 = arith.addf %add3A_2777, %get3A_2781 : vector<16xf32>
    %get3A_2783 = arith.constant 8 : i32
    %get3A_2784 = arith.index_cast %get3A_2783 : i32 to index
    %get3A_2785 = arith.constant 560 : index
    %get3A_2786 = tpu.vector_load %arg10[%get3A_2784, %get3A_2785] {strides = array<i32>} : memref<10x1024xf32, #tpu.memory_space<vmem>>, vector<16xf32>,
    %add3A_2787 = arith.addf %add3A_2782, %get3A_2786 : vector<16xf32>
    %get3A_2788 = arith.constant 8 : i32
    %get3A_2789 = arith.index_cast %get3A_2788 : i32 to index
    %get3A_2790 = arith.constant 576 : index
    %get3A_2791 = tpu.vector_load %arg10[%get3A_2789, %get3A_2790] {strides = array<i32>} : memref<10x1024xf32, #tpu.memory_space<vmem>>, vector<16xf32>,
    %add3A_2792 = arith.addf %add3A_2787, %get3A_2791 : vector<16xf32>
    %get3A_2793 = arith.constant 8 : i32
    %get3A_2794 = arith.index_cast %get3A_2793 : i32 to index
    %get3A_2795 = arith.constant 592 : index
    %get3A_2796 = tpu.vector_load %arg10[%get3A_2794, %get3A_2795] {strides = array<i32>} : memref<10x1024xf32, #tpu.memory_space<vmem>>, vector<16xf32>,
    %add3A_2797 = arith.addf %add3A_2792, %get3A_2796 : vector<16xf32>
    %get3A_2798 = arith.constant 8 : i32
    %get3A_2799 = arith.index_cast %get3A_2798 : i32 to index
    %get3A_2800 = arith.constant 608 : index
    %get3A_2801 = tpu.vector_load %arg10[%get3A_2799, %get3A_2800] {strides = array<i32>} : memref<10x1024xf32, #tpu.memory_space<vmem>>, vector<16xf32>,
    %add3A_2802 = arith.addf %add3A_2797, %get3A_2801 : vector<16xf32>
    %get3A_2803 = arith.constant 8 : i32
    %get3A_2804 = arith.index_cast %get3A_2803 : i32 to index
    %get3A_2805 = arith.constant 624 : index
    %get3A_2806 = tpu.vector_load %arg10[%get3A_2804, %get3A_2805] {strides = array<i32>} : memref<10x1024xf32, #tpu.memory_space<vmem>>, vector<16xf32>,
    %add3A_2807 = arith.addf %add3A_2802, %get3A_2806 : vector<16xf32>
    %get3A_2808 = arith.constant 8 : i32
    %get3A_2809 = arith.index_cast %get3A_2808 : i32 to index
    %get3A_2810 = arith.constant 640 : index
    %get3A_2811 = tpu.vector_load %arg10[%get3A_2809, %get3A_2810] {strides = array<i32>} : memref<10x1024xf32, #tpu.memory_space<vmem>>, vector<16xf32>,
    %add3A_2812 = arith.addf %add3A_2807, %get3A_2811 : vector<16xf32>
    %get3A_2813 = arith.constant 8 : i32
    %get3A_2814 = arith.index_cast %get3A_2813 : i32 to index
    %get3A_2815 = arith.constant 656 : index
    %get3A_2816 = tpu.vector_load %arg10[%get3A_2814, %get3A_2815] {strides = array<i32>} : memref<10x1024xf32, #tpu.memory_space<vmem>>, vector<16xf32>,
    %add3A_2817 = arith.addf %add3A_2812, %get3A_2816 : vector<16xf32>
    %get3A_2818 = arith.constant 8 : i32
    %get3A_2819 = arith.index_cast %get3A_2818 : i32 to index
    %get3A_2820 = arith.constant 672 : index
    %get3A_2821 = tpu.vector_load %arg10[%get3A_2819, %get3A_2820] {strides = array<i32>} : memref<10x1024xf32, #tpu.memory_space<vmem>>, vector<16xf32>,
    %add3A_2822 = arith.addf %add3A_2817, %get3A_2821 : vector<16xf32>
    %get3A_2823 = arith.constant 8 : i32
    %get3A_2824 = arith.index_cast %get3A_2823 : i32 to index
    %get3A_2825 = arith.constant 688 : index
    %get3A_2826 = tpu.vector_load %arg10[%get3A_2824, %get3A_2825] {strides = array<i32>} : memref<10x1024xf32, #tpu.memory_space<vmem>>, vector<16xf32>,
    %add3A_2827 = arith.addf %add3A_2822, %get3A_2826 : vector<16xf32>
    %get3A_2828 = arith.constant 8 : i32
    %get3A_2829 = arith.index_cast %get3A_2828 : i32 to index
    %get3A_2830 = arith.constant 704 : index
    %get3A_2831 = tpu.vector_load %arg10[%get3A_2829, %get3A_2830] {strides = array<i32>} : memref<10x1024xf32, #tpu.memory_space<vmem>>, vector<16xf32>,
    %add3A_2832 = arith.addf %add3A_2827, %get3A_2831 : vector<16xf32>
    %get3A_2833 = arith.constant 8 : i32
    %get3A_2834 = arith.index_cast %get3A_2833 : i32 to index
    %get3A_2835 = arith.constant 720 : index
    %get3A_2836 = tpu.vector_load %arg10[%get3A_2834, %get3A_2835] {strides = array<i32>} : memref<10x1024xf32, #tpu.memory_space<vmem>>, vector<16xf32>,
    %add3A_2837 = arith.addf %add3A_2832, %get3A_2836 : vector<16xf32>
    %get3A_2838 = arith.constant 8 : i32
    %get3A_2839 = arith.index_cast %get3A_2838 : i32 to index
    %get3A_2840 = arith.constant 736 : index
    %get3A_2841 = tpu.vector_load %arg10[%get3A_2839, %get3A_2840] {strides = array<i32>} : memref<10x1024xf32, #tpu.memory_space<vmem>>, vector<16xf32>,
    %add3A_2842 = arith.addf %add3A_2837, %get3A_2841 : vector<16xf32>
    %get3A_2843 = arith.constant 8 : i32
    %get3A_2844 = arith.index_cast %get3A_2843 : i32 to index
    %get3A_2845 = arith.constant 752 : index
    %get3A_2846 = tpu.vector_load %arg10[%get3A_2844, %get3A_2845] {strides = array<i32>} : memref<10x1024xf32, #tpu.memory_space<vmem>>, vector<16xf32>,
    %add3A_2847 = arith.addf %add3A_2842, %get3A_2846 : vector<16xf32>
    %get3A_2848 = arith.constant 8 : i32
    %get3A_2849 = arith.index_cast %get3A_2848 : i32 to index
    %get3A_2850 = arith.constant 768 : index
    %get3A_2851 = tpu.vector_load %arg10[%get3A_2849, %get3A_2850] {strides = array<i32>} : memref<10x1024xf32, #tpu.memory_space<vmem>>, vector<16xf32>,
    %add3A_2852 = arith.addf %add3A_2847, %get3A_2851 : vector<16xf32>
    %get3A_2853 = arith.constant 8 : i32
    %get3A_2854 = arith.index_cast %get3A_2853 : i32 to index
    %get3A_2855 = arith.constant 784 : index
    %get3A_2856 = tpu.vector_load %arg10[%get3A_2854, %get3A_2855] {strides = array<i32>} : memref<10x1024xf32, #tpu.memory_space<vmem>>, vector<16xf32>,
    %add3A_2857 = arith.addf %add3A_2852, %get3A_2856 : vector<16xf32>
    %get3A_2858 = arith.constant 8 : i32
    %get3A_2859 = arith.index_cast %get3A_2858 : i32 to index
    %get3A_2860 = arith.constant 800 : index
    %get3A_2861 = tpu.vector_load %arg10[%get3A_2859, %get3A_2860] {strides = array<i32>} : memref<10x1024xf32, #tpu.memory_space<vmem>>, vector<16xf32>,
    %add3A_2862 = arith.addf %add3A_2857, %get3A_2861 : vector<16xf32>
    %get3A_2863 = arith.constant 8 : i32
    %get3A_2864 = arith.index_cast %get3A_2863 : i32 to index
    %get3A_2865 = arith.constant 816 : index
    %get3A_2866 = tpu.vector_load %arg10[%get3A_2864, %get3A_2865] {strides = array<i32>} : memref<10x1024xf32, #tpu.memory_space<vmem>>, vector<16xf32>,
    %add3A_2867 = arith.addf %add3A_2862, %get3A_2866 : vector<16xf32>
    %get3A_2868 = arith.constant 8 : i32
    %get3A_2869 = arith.index_cast %get3A_2868 : i32 to index
    %get3A_2870 = arith.constant 832 : index
    %get3A_2871 = tpu.vector_load %arg10[%get3A_2869, %get3A_2870] {strides = array<i32>} : memref<10x1024xf32, #tpu.memory_space<vmem>>, vector<16xf32>,
    %add3A_2872 = arith.addf %add3A_2867, %get3A_2871 : vector<16xf32>
    %get3A_2873 = arith.constant 8 : i32
    %get3A_2874 = arith.index_cast %get3A_2873 : i32 to index
    %get3A_2875 = arith.constant 848 : index
    %get3A_2876 = tpu.vector_load %arg10[%get3A_2874, %get3A_2875] {strides = array<i32>} : memref<10x1024xf32, #tpu.memory_space<vmem>>, vector<16xf32>,
    %add3A_2877 = arith.addf %add3A_2872, %get3A_2876 : vector<16xf32>
    %get3A_2878 = arith.constant 8 : i32
    %get3A_2879 = arith.index_cast %get3A_2878 : i32 to index
    %get3A_2880 = arith.constant 864 : index
    %get3A_2881 = tpu.vector_load %arg10[%get3A_2879, %get3A_2880] {strides = array<i32>} : memref<10x1024xf32, #tpu.memory_space<vmem>>, vector<16xf32>,
    %add3A_2882 = arith.addf %add3A_2877, %get3A_2881 : vector<16xf32>
    %get3A_2883 = arith.constant 8 : i32
    %get3A_2884 = arith.index_cast %get3A_2883 : i32 to index
    %get3A_2885 = arith.constant 880 : index
    %get3A_2886 = tpu.vector_load %arg10[%get3A_2884, %get3A_2885] {strides = array<i32>} : memref<10x1024xf32, #tpu.memory_space<vmem>>, vector<16xf32>,
    %add3A_2887 = arith.addf %add3A_2882, %get3A_2886 : vector<16xf32>
    %get3A_2888 = arith.constant 8 : i32
    %get3A_2889 = arith.index_cast %get3A_2888 : i32 to index
    %get3A_2890 = arith.constant 896 : index
    %get3A_2891 = tpu.vector_load %arg10[%get3A_2889, %get3A_2890] {strides = array<i32>} : memref<10x1024xf32, #tpu.memory_space<vmem>>, vector<16xf32>,
    %add3A_2892 = arith.addf %add3A_2887, %get3A_2891 : vector<16xf32>
    %get3A_2893 = arith.constant 8 : i32
    %get3A_2894 = arith.index_cast %get3A_2893 : i32 to index
    %get3A_2895 = arith.constant 912 : index
    %get3A_2896 = tpu.vector_load %arg10[%get3A_2894, %get3A_2895] {strides = array<i32>} : memref<10x1024xf32, #tpu.memory_space<vmem>>, vector<16xf32>,
    %add3A_2897 = arith.addf %add3A_2892, %get3A_2896 : vector<16xf32>
    %get3A_2898 = arith.constant 8 : i32
    %get3A_2899 = arith.index_cast %get3A_2898 : i32 to index
    %get3A_2900 = arith.constant 928 : index
    %get3A_2901 = tpu.vector_load %arg10[%get3A_2899, %get3A_2900] {strides = array<i32>} : memref<10x1024xf32, #tpu.memory_space<vmem>>, vector<16xf32>,
    %add3A_2902 = arith.addf %add3A_2897, %get3A_2901 : vector<16xf32>
    %get3A_2903 = arith.constant 8 : i32
    %get3A_2904 = arith.index_cast %get3A_2903 : i32 to index
    %get3A_2905 = arith.constant 944 : index
    %get3A_2906 = tpu.vector_load %arg10[%get3A_2904, %get3A_2905] {strides = array<i32>} : memref<10x1024xf32, #tpu.memory_space<vmem>>, vector<16xf32>,
    %add3A_2907 = arith.addf %add3A_2902, %get3A_2906 : vector<16xf32>
    %get3A_2908 = arith.constant 8 : i32
    %get3A_2909 = arith.index_cast %get3A_2908 : i32 to index
    %get3A_2910 = arith.constant 960 : index
    %get3A_2911 = tpu.vector_load %arg10[%get3A_2909, %get3A_2910] {strides = array<i32>} : memref<10x1024xf32, #tpu.memory_space<vmem>>, vector<16xf32>,
    %add3A_2912 = arith.addf %add3A_2907, %get3A_2911 : vector<16xf32>
    %get3A_2913 = arith.constant 8 : i32
    %get3A_2914 = arith.index_cast %get3A_2913 : i32 to index
    %get3A_2915 = arith.constant 976 : index
    %get3A_2916 = tpu.vector_load %arg10[%get3A_2914, %get3A_2915] {strides = array<i32>} : memref<10x1024xf32, #tpu.memory_space<vmem>>, vector<16xf32>,
    %add3A_2917 = arith.addf %add3A_2912, %get3A_2916 : vector<16xf32>
    %get3A_2918 = arith.constant 8 : i32
    %get3A_2919 = arith.index_cast %get3A_2918 : i32 to index
    %get3A_2920 = arith.constant 992 : index
    %get3A_2921 = tpu.vector_load %arg10[%get3A_2919, %get3A_2920] {strides = array<i32>} : memref<10x1024xf32, #tpu.memory_space<vmem>>, vector<16xf32>,
    %add3A_2922 = arith.addf %add3A_2917, %get3A_2921 : vector<16xf32>
    %get3A_2923 = arith.constant 8 : i32
    %get3A_2924 = arith.index_cast %get3A_2923 : i32 to index
    %get3A_2925 = arith.constant 1008 : index
    %get3A_2926 = tpu.vector_load %arg10[%get3A_2924, %get3A_2925] {strides = array<i32>} : memref<10x1024xf32, #tpu.memory_space<vmem>>, vector<16xf32>,
    %add3A_2927 = arith.addf %add3A_2922, %get3A_2926 : vector<16xf32>
    %reduce_sum3A_2928 = arith.constant true
    %reduce_sum3A_2929 = vector.broadcast %reduce_sum3A_2928 : i1 to vector<16xi1>
    %reduce_sum3A_2930 = tpu.scan <sum>, %add3A_2927 masked %reduce_sum3A_2929 : vector<16xf32>, vector<16xi1> -> vector<16xf32>
    %reduce_sum3A_2931 = vector.extract %reduce_sum3A_2930[15] : f32 from vector<16xf32>
    %broadcast_in_dim3A_2932 = arith.constant 0.000000e+00 : f32
    %broadcast_in_dim3A_2933 = vector.broadcast %broadcast_in_dim3A_2932 : f32 to vector<16xf32>
    %get3A_2934 = arith.constant 9 : i32
    %get3A_2935 = arith.index_cast %get3A_2934 : i32 to index
    %get3A_2936 = arith.constant 0 : index
    %get3A_2937 = tpu.vector_load %arg10[%get3A_2935, %get3A_2936] {strides = array<i32>} : memref<10x1024xf32, #tpu.memory_space<vmem>>, vector<16xf32>,
    %add3A_2938 = arith.addf %broadcast_in_dim3A_2933, %get3A_2937 : vector<16xf32>
    %get3A_2939 = arith.constant 9 : i32
    %get3A_2940 = arith.index_cast %get3A_2939 : i32 to index
    %get3A_2941 = arith.constant 16 : index
    %get3A_2942 = tpu.vector_load %arg10[%get3A_2940, %get3A_2941] {strides = array<i32>} : memref<10x1024xf32, #tpu.memory_space<vmem>>, vector<16xf32>,
    %add3A_2943 = arith.addf %add3A_2938, %get3A_2942 : vector<16xf32>
    %get3A_2944 = arith.constant 9 : i32
    %get3A_2945 = arith.index_cast %get3A_2944 : i32 to index
    %get3A_2946 = arith.constant 32 : index
    %get3A_2947 = tpu.vector_load %arg10[%get3A_2945, %get3A_2946] {strides = array<i32>} : memref<10x1024xf32, #tpu.memory_space<vmem>>, vector<16xf32>,
    %add3A_2948 = arith.addf %add3A_2943, %get3A_2947 : vector<16xf32>
    %get3A_2949 = arith.constant 9 : i32
    %get3A_2950 = arith.index_cast %get3A_2949 : i32 to index
    %get3A_2951 = arith.constant 48 : index
    %get3A_2952 = tpu.vector_load %arg10[%get3A_2950, %get3A_2951] {strides = array<i32>} : memref<10x1024xf32, #tpu.memory_space<vmem>>, vector<16xf32>,
    %add3A_2953 = arith.addf %add3A_2948, %get3A_2952 : vector<16xf32>
    %get3A_2954 = arith.constant 9 : i32
    %get3A_2955 = arith.index_cast %get3A_2954 : i32 to index
    %get3A_2956 = arith.constant 64 : index
    %get3A_2957 = tpu.vector_load %arg10[%get3A_2955, %get3A_2956] {strides = array<i32>} : memref<10x1024xf32, #tpu.memory_space<vmem>>, vector<16xf32>,
    %add3A_2958 = arith.addf %add3A_2953, %get3A_2957 : vector<16xf32>
    %get3A_2959 = arith.constant 9 : i32
    %get3A_2960 = arith.index_cast %get3A_2959 : i32 to index
    %get3A_2961 = arith.constant 80 : index
    %get3A_2962 = tpu.vector_load %arg10[%get3A_2960, %get3A_2961] {strides = array<i32>} : memref<10x1024xf32, #tpu.memory_space<vmem>>, vector<16xf32>,
    %add3A_2963 = arith.addf %add3A_2958, %get3A_2962 : vector<16xf32>
    %get3A_2964 = arith.constant 9 : i32
    %get3A_2965 = arith.index_cast %get3A_2964 : i32 to index
    %get3A_2966 = arith.constant 96 : index
    %get3A_2967 = tpu.vector_load %arg10[%get3A_2965, %get3A_2966] {strides = array<i32>} : memref<10x1024xf32, #tpu.memory_space<vmem>>, vector<16xf32>,
    %add3A_2968 = arith.addf %add3A_2963, %get3A_2967 : vector<16xf32>
    %get3A_2969 = arith.constant 9 : i32
    %get3A_2970 = arith.index_cast %get3A_2969 : i32 to index
    %get3A_2971 = arith.constant 112 : index
    %get3A_2972 = tpu.vector_load %arg10[%get3A_2970, %get3A_2971] {strides = array<i32>} : memref<10x1024xf32, #tpu.memory_space<vmem>>, vector<16xf32>,
    %add3A_2973 = arith.addf %add3A_2968, %get3A_2972 : vector<16xf32>
    %get3A_2974 = arith.constant 9 : i32
    %get3A_2975 = arith.index_cast %get3A_2974 : i32 to index
    %get3A_2976 = arith.constant 128 : index
    %get3A_2977 = tpu.vector_load %arg10[%get3A_2975, %get3A_2976] {strides = array<i32>} : memref<10x1024xf32, #tpu.memory_space<vmem>>, vector<16xf32>,
    %add3A_2978 = arith.addf %add3A_2973, %get3A_2977 : vector<16xf32>
    %get3A_2979 = arith.constant 9 : i32
    %get3A_2980 = arith.index_cast %get3A_2979 : i32 to index
    %get3A_2981 = arith.constant 144 : index
    %get3A_2982 = tpu.vector_load %arg10[%get3A_2980, %get3A_2981] {strides = array<i32>} : memref<10x1024xf32, #tpu.memory_space<vmem>>, vector<16xf32>,
    %add3A_2983 = arith.addf %add3A_2978, %get3A_2982 : vector<16xf32>
    %get3A_2984 = arith.constant 9 : i32
    %get3A_2985 = arith.index_cast %get3A_2984 : i32 to index
    %get3A_2986 = arith.constant 160 : index
    %get3A_2987 = tpu.vector_load %arg10[%get3A_2985, %get3A_2986] {strides = array<i32>} : memref<10x1024xf32, #tpu.memory_space<vmem>>, vector<16xf32>,
    %add3A_2988 = arith.addf %add3A_2983, %get3A_2987 : vector<16xf32>
    %get3A_2989 = arith.constant 9 : i32
    %get3A_2990 = arith.index_cast %get3A_2989 : i32 to index
    %get3A_2991 = arith.constant 176 : index
    %get3A_2992 = tpu.vector_load %arg10[%get3A_2990, %get3A_2991] {strides = array<i32>} : memref<10x1024xf32, #tpu.memory_space<vmem>>, vector<16xf32>,
    %add3A_2993 = arith.addf %add3A_2988, %get3A_2992 : vector<16xf32>
    %get3A_2994 = arith.constant 9 : i32
    %get3A_2995 = arith.index_cast %get3A_2994 : i32 to index
    %get3A_2996 = arith.constant 192 : index
    %get3A_2997 = tpu.vector_load %arg10[%get3A_2995, %get3A_2996] {strides = array<i32>} : memref<10x1024xf32, #tpu.memory_space<vmem>>, vector<16xf32>,
    %add3A_2998 = arith.addf %add3A_2993, %get3A_2997 : vector<16xf32>
    %get3A_2999 = arith.constant 9 : i32
    %get3A_3000 = arith.index_cast %get3A_2999 : i32 to index
    %get3A_3001 = arith.constant 208 : index
    %get3A_3002 = tpu.vector_load %arg10[%get3A_3000, %get3A_3001] {strides = array<i32>} : memref<10x1024xf32, #tpu.memory_space<vmem>>, vector<16xf32>,
    %add3A_3003 = arith.addf %add3A_2998, %get3A_3002 : vector<16xf32>
    %get3A_3004 = arith.constant 9 : i32
    %get3A_3005 = arith.index_cast %get3A_3004 : i32 to index
    %get3A_3006 = arith.constant 224 : index
    %get3A_3007 = tpu.vector_load %arg10[%get3A_3005, %get3A_3006] {strides = array<i32>} : memref<10x1024xf32, #tpu.memory_space<vmem>>, vector<16xf32>,
    %add3A_3008 = arith.addf %add3A_3003, %get3A_3007 : vector<16xf32>
    %get3A_3009 = arith.constant 9 : i32
    %get3A_3010 = arith.index_cast %get3A_3009 : i32 to index
    %get3A_3011 = arith.constant 240 : index
    %get3A_3012 = tpu.vector_load %arg10[%get3A_3010, %get3A_3011] {strides = array<i32>} : memref<10x1024xf32, #tpu.memory_space<vmem>>, vector<16xf32>,
    %add3A_3013 = arith.addf %add3A_3008, %get3A_3012 : vector<16xf32>
    %get3A_3014 = arith.constant 9 : i32
    %get3A_3015 = arith.index_cast %get3A_3014 : i32 to index
    %get3A_3016 = arith.constant 256 : index
    %get3A_3017 = tpu.vector_load %arg10[%get3A_3015, %get3A_3016] {strides = array<i32>} : memref<10x1024xf32, #tpu.memory_space<vmem>>, vector<16xf32>,
    %add3A_3018 = arith.addf %add3A_3013, %get3A_3017 : vector<16xf32>
    %get3A_3019 = arith.constant 9 : i32
    %get3A_3020 = arith.index_cast %get3A_3019 : i32 to index
    %get3A_3021 = arith.constant 272 : index
    %get3A_3022 = tpu.vector_load %arg10[%get3A_3020, %get3A_3021] {strides = array<i32>} : memref<10x1024xf32, #tpu.memory_space<vmem>>, vector<16xf32>,
    %add3A_3023 = arith.addf %add3A_3018, %get3A_3022 : vector<16xf32>
    %get3A_3024 = arith.constant 9 : i32
    %get3A_3025 = arith.index_cast %get3A_3024 : i32 to index
    %get3A_3026 = arith.constant 288 : index
    %get3A_3027 = tpu.vector_load %arg10[%get3A_3025, %get3A_3026] {strides = array<i32>} : memref<10x1024xf32, #tpu.memory_space<vmem>>, vector<16xf32>,
    %add3A_3028 = arith.addf %add3A_3023, %get3A_3027 : vector<16xf32>
    %get3A_3029 = arith.constant 9 : i32
    %get3A_3030 = arith.index_cast %get3A_3029 : i32 to index
    %get3A_3031 = arith.constant 304 : index
    %get3A_3032 = tpu.vector_load %arg10[%get3A_3030, %get3A_3031] {strides = array<i32>} : memref<10x1024xf32, #tpu.memory_space<vmem>>, vector<16xf32>,
    %add3A_3033 = arith.addf %add3A_3028, %get3A_3032 : vector<16xf32>
    %get3A_3034 = arith.constant 9 : i32
    %get3A_3035 = arith.index_cast %get3A_3034 : i32 to index
    %get3A_3036 = arith.constant 320 : index
    %get3A_3037 = tpu.vector_load %arg10[%get3A_3035, %get3A_3036] {strides = array<i32>} : memref<10x1024xf32, #tpu.memory_space<vmem>>, vector<16xf32>,
    %add3A_3038 = arith.addf %add3A_3033, %get3A_3037 : vector<16xf32>
    %get3A_3039 = arith.constant 9 : i32
    %get3A_3040 = arith.index_cast %get3A_3039 : i32 to index
    %get3A_3041 = arith.constant 336 : index
    %get3A_3042 = tpu.vector_load %arg10[%get3A_3040, %get3A_3041] {strides = array<i32>} : memref<10x1024xf32, #tpu.memory_space<vmem>>, vector<16xf32>,
    %add3A_3043 = arith.addf %add3A_3038, %get3A_3042 : vector<16xf32>
    %get3A_3044 = arith.constant 9 : i32
    %get3A_3045 = arith.index_cast %get3A_3044 : i32 to index
    %get3A_3046 = arith.constant 352 : index
    %get3A_3047 = tpu.vector_load %arg10[%get3A_3045, %get3A_3046] {strides = array<i32>} : memref<10x1024xf32, #tpu.memory_space<vmem>>, vector<16xf32>,
    %add3A_3048 = arith.addf %add3A_3043, %get3A_3047 : vector<16xf32>
    %get3A_3049 = arith.constant 9 : i32
    %get3A_3050 = arith.index_cast %get3A_3049 : i32 to index
    %get3A_3051 = arith.constant 368 : index
    %get3A_3052 = tpu.vector_load %arg10[%get3A_3050, %get3A_3051] {strides = array<i32>} : memref<10x1024xf32, #tpu.memory_space<vmem>>, vector<16xf32>,
    %add3A_3053 = arith.addf %add3A_3048, %get3A_3052 : vector<16xf32>
    %get3A_3054 = arith.constant 9 : i32
    %get3A_3055 = arith.index_cast %get3A_3054 : i32 to index
    %get3A_3056 = arith.constant 384 : index
    %get3A_3057 = tpu.vector_load %arg10[%get3A_3055, %get3A_3056] {strides = array<i32>} : memref<10x1024xf32, #tpu.memory_space<vmem>>, vector<16xf32>,
    %add3A_3058 = arith.addf %add3A_3053, %get3A_3057 : vector<16xf32>
    %get3A_3059 = arith.constant 9 : i32
    %get3A_3060 = arith.index_cast %get3A_3059 : i32 to index
    %get3A_3061 = arith.constant 400 : index
    %get3A_3062 = tpu.vector_load %arg10[%get3A_3060, %get3A_3061] {strides = array<i32>} : memref<10x1024xf32, #tpu.memory_space<vmem>>, vector<16xf32>,
    %add3A_3063 = arith.addf %add3A_3058, %get3A_3062 : vector<16xf32>
    %get3A_3064 = arith.constant 9 : i32
    %get3A_3065 = arith.index_cast %get3A_3064 : i32 to index
    %get3A_3066 = arith.constant 416 : index
    %get3A_3067 = tpu.vector_load %arg10[%get3A_3065, %get3A_3066] {strides = array<i32>} : memref<10x1024xf32, #tpu.memory_space<vmem>>, vector<16xf32>,
    %add3A_3068 = arith.addf %add3A_3063, %get3A_3067 : vector<16xf32>
    %get3A_3069 = arith.constant 9 : i32
    %get3A_3070 = arith.index_cast %get3A_3069 : i32 to index
    %get3A_3071 = arith.constant 432 : index
    %get3A_3072 = tpu.vector_load %arg10[%get3A_3070, %get3A_3071] {strides = array<i32>} : memref<10x1024xf32, #tpu.memory_space<vmem>>, vector<16xf32>,
    %add3A_3073 = arith.addf %add3A_3068, %get3A_3072 : vector<16xf32>
    %get3A_3074 = arith.constant 9 : i32
    %get3A_3075 = arith.index_cast %get3A_3074 : i32 to index
    %get3A_3076 = arith.constant 448 : index
    %get3A_3077 = tpu.vector_load %arg10[%get3A_3075, %get3A_3076] {strides = array<i32>} : memref<10x1024xf32, #tpu.memory_space<vmem>>, vector<16xf32>,
    %add3A_3078 = arith.addf %add3A_3073, %get3A_3077 : vector<16xf32>
    %get3A_3079 = arith.constant 9 : i32
    %get3A_3080 = arith.index_cast %get3A_3079 : i32 to index
    %get3A_3081 = arith.constant 464 : index
    %get3A_3082 = tpu.vector_load %arg10[%get3A_3080, %get3A_3081] {strides = array<i32>} : memref<10x1024xf32, #tpu.memory_space<vmem>>, vector<16xf32>,
    %add3A_3083 = arith.addf %add3A_3078, %get3A_3082 : vector<16xf32>
    %get3A_3084 = arith.constant 9 : i32
    %get3A_3085 = arith.index_cast %get3A_3084 : i32 to index
    %get3A_3086 = arith.constant 480 : index
    %get3A_3087 = tpu.vector_load %arg10[%get3A_3085, %get3A_3086] {strides = array<i32>} : memref<10x1024xf32, #tpu.memory_space<vmem>>, vector<16xf32>,
    %add3A_3088 = arith.addf %add3A_3083, %get3A_3087 : vector<16xf32>
    %get3A_3089 = arith.constant 9 : i32
    %get3A_3090 = arith.index_cast %get3A_3089 : i32 to index
    %get3A_3091 = arith.constant 496 : index
    %get3A_3092 = tpu.vector_load %arg10[%get3A_3090, %get3A_3091] {strides = array<i32>} : memref<10x1024xf32, #tpu.memory_space<vmem>>, vector<16xf32>,
    %add3A_3093 = arith.addf %add3A_3088, %get3A_3092 : vector<16xf32>
    %get3A_3094 = arith.constant 9 : i32
    %get3A_3095 = arith.index_cast %get3A_3094 : i32 to index
    %get3A_3096 = arith.constant 512 : index
    %get3A_3097 = tpu.vector_load %arg10[%get3A_3095, %get3A_3096] {strides = array<i32>} : memref<10x1024xf32, #tpu.memory_space<vmem>>, vector<16xf32>,
    %add3A_3098 = arith.addf %add3A_3093, %get3A_3097 : vector<16xf32>
    %get3A_3099 = arith.constant 9 : i32
    %get3A_3100 = arith.index_cast %get3A_3099 : i32 to index
    %get3A_3101 = arith.constant 528 : index
    %get3A_3102 = tpu.vector_load %arg10[%get3A_3100, %get3A_3101] {strides = array<i32>} : memref<10x1024xf32, #tpu.memory_space<vmem>>, vector<16xf32>,
    %add3A_3103 = arith.addf %add3A_3098, %get3A_3102 : vector<16xf32>
    %get3A_3104 = arith.constant 9 : i32
    %get3A_3105 = arith.index_cast %get3A_3104 : i32 to index
    %get3A_3106 = arith.constant 544 : index
    %get3A_3107 = tpu.vector_load %arg10[%get3A_3105, %get3A_3106] {strides = array<i32>} : memref<10x1024xf32, #tpu.memory_space<vmem>>, vector<16xf32>,
    %add3A_3108 = arith.addf %add3A_3103, %get3A_3107 : vector<16xf32>
    %get3A_3109 = arith.constant 9 : i32
    %get3A_3110 = arith.index_cast %get3A_3109 : i32 to index
    %get3A_3111 = arith.constant 560 : index
    %get3A_3112 = tpu.vector_load %arg10[%get3A_3110, %get3A_3111] {strides = array<i32>} : memref<10x1024xf32, #tpu.memory_space<vmem>>, vector<16xf32>,
    %add3A_3113 = arith.addf %add3A_3108, %get3A_3112 : vector<16xf32>
    %get3A_3114 = arith.constant 9 : i32
    %get3A_3115 = arith.index_cast %get3A_3114 : i32 to index
    %get3A_3116 = arith.constant 576 : index
    %get3A_3117 = tpu.vector_load %arg10[%get3A_3115, %get3A_3116] {strides = array<i32>} : memref<10x1024xf32, #tpu.memory_space<vmem>>, vector<16xf32>,
    %add3A_3118 = arith.addf %add3A_3113, %get3A_3117 : vector<16xf32>
    %get3A_3119 = arith.constant 9 : i32
    %get3A_3120 = arith.index_cast %get3A_3119 : i32 to index
    %get3A_3121 = arith.constant 592 : index
    %get3A_3122 = tpu.vector_load %arg10[%get3A_3120, %get3A_3121] {strides = array<i32>} : memref<10x1024xf32, #tpu.memory_space<vmem>>, vector<16xf32>,
    %add3A_3123 = arith.addf %add3A_3118, %get3A_3122 : vector<16xf32>
    %get3A_3124 = arith.constant 9 : i32
    %get3A_3125 = arith.index_cast %get3A_3124 : i32 to index
    %get3A_3126 = arith.constant 608 : index
    %get3A_3127 = tpu.vector_load %arg10[%get3A_3125, %get3A_3126] {strides = array<i32>} : memref<10x1024xf32, #tpu.memory_space<vmem>>, vector<16xf32>,
    %add3A_3128 = arith.addf %add3A_3123, %get3A_3127 : vector<16xf32>
    %get3A_3129 = arith.constant 9 : i32
    %get3A_3130 = arith.index_cast %get3A_3129 : i32 to index
    %get3A_3131 = arith.constant 624 : index
    %get3A_3132 = tpu.vector_load %arg10[%get3A_3130, %get3A_3131] {strides = array<i32>} : memref<10x1024xf32, #tpu.memory_space<vmem>>, vector<16xf32>,
    %add3A_3133 = arith.addf %add3A_3128, %get3A_3132 : vector<16xf32>
    %get3A_3134 = arith.constant 9 : i32
    %get3A_3135 = arith.index_cast %get3A_3134 : i32 to index
    %get3A_3136 = arith.constant 640 : index
    %get3A_3137 = tpu.vector_load %arg10[%get3A_3135, %get3A_3136] {strides = array<i32>} : memref<10x1024xf32, #tpu.memory_space<vmem>>, vector<16xf32>,
    %add3A_3138 = arith.addf %add3A_3133, %get3A_3137 : vector<16xf32>
    %get3A_3139 = arith.constant 9 : i32
    %get3A_3140 = arith.index_cast %get3A_3139 : i32 to index
    %get3A_3141 = arith.constant 656 : index
    %get3A_3142 = tpu.vector_load %arg10[%get3A_3140, %get3A_3141] {strides = array<i32>} : memref<10x1024xf32, #tpu.memory_space<vmem>>, vector<16xf32>,
    %add3A_3143 = arith.addf %add3A_3138, %get3A_3142 : vector<16xf32>
    %get3A_3144 = arith.constant 9 : i32
    %get3A_3145 = arith.index_cast %get3A_3144 : i32 to index
    %get3A_3146 = arith.constant 672 : index
    %get3A_3147 = tpu.vector_load %arg10[%get3A_3145, %get3A_3146] {strides = array<i32>} : memref<10x1024xf32, #tpu.memory_space<vmem>>, vector<16xf32>,
    %add3A_3148 = arith.addf %add3A_3143, %get3A_3147 : vector<16xf32>
    %get3A_3149 = arith.constant 9 : i32
    %get3A_3150 = arith.index_cast %get3A_3149 : i32 to index
    %get3A_3151 = arith.constant 688 : index
    %get3A_3152 = tpu.vector_load %arg10[%get3A_3150, %get3A_3151] {strides = array<i32>} : memref<10x1024xf32, #tpu.memory_space<vmem>>, vector<16xf32>,
    %add3A_3153 = arith.addf %add3A_3148, %get3A_3152 : vector<16xf32>
    %get3A_3154 = arith.constant 9 : i32
    %get3A_3155 = arith.index_cast %get3A_3154 : i32 to index
    %get3A_3156 = arith.constant 704 : index
    %get3A_3157 = tpu.vector_load %arg10[%get3A_3155, %get3A_3156] {strides = array<i32>} : memref<10x1024xf32, #tpu.memory_space<vmem>>, vector<16xf32>,
    %add3A_3158 = arith.addf %add3A_3153, %get3A_3157 : vector<16xf32>
    %get3A_3159 = arith.constant 9 : i32
    %get3A_3160 = arith.index_cast %get3A_3159 : i32 to index
    %get3A_3161 = arith.constant 720 : index
    %get3A_3162 = tpu.vector_load %arg10[%get3A_3160, %get3A_3161] {strides = array<i32>} : memref<10x1024xf32, #tpu.memory_space<vmem>>, vector<16xf32>,
    %add3A_3163 = arith.addf %add3A_3158, %get3A_3162 : vector<16xf32>
    %get3A_3164 = arith.constant 9 : i32
    %get3A_3165 = arith.index_cast %get3A_3164 : i32 to index
    %get3A_3166 = arith.constant 736 : index
    %get3A_3167 = tpu.vector_load %arg10[%get3A_3165, %get3A_3166] {strides = array<i32>} : memref<10x1024xf32, #tpu.memory_space<vmem>>, vector<16xf32>,
    %add3A_3168 = arith.addf %add3A_3163, %get3A_3167 : vector<16xf32>
    %get3A_3169 = arith.constant 9 : i32
    %get3A_3170 = arith.index_cast %get3A_3169 : i32 to index
    %get3A_3171 = arith.constant 752 : index
    %get3A_3172 = tpu.vector_load %arg10[%get3A_3170, %get3A_3171] {strides = array<i32>} : memref<10x1024xf32, #tpu.memory_space<vmem>>, vector<16xf32>,
    %add3A_3173 = arith.addf %add3A_3168, %get3A_3172 : vector<16xf32>
    %get3A_3174 = arith.constant 9 : i32
    %get3A_3175 = arith.index_cast %get3A_3174 : i32 to index
    %get3A_3176 = arith.constant 768 : index
    %get3A_3177 = tpu.vector_load %arg10[%get3A_3175, %get3A_3176] {strides = array<i32>} : memref<10x1024xf32, #tpu.memory_space<vmem>>, vector<16xf32>,
    %add3A_3178 = arith.addf %add3A_3173, %get3A_3177 : vector<16xf32>
    %get3A_3179 = arith.constant 9 : i32
    %get3A_3180 = arith.index_cast %get3A_3179 : i32 to index
    %get3A_3181 = arith.constant 784 : index
    %get3A_3182 = tpu.vector_load %arg10[%get3A_3180, %get3A_3181] {strides = array<i32>} : memref<10x1024xf32, #tpu.memory_space<vmem>>, vector<16xf32>,
    %add3A_3183 = arith.addf %add3A_3178, %get3A_3182 : vector<16xf32>
    %get3A_3184 = arith.constant 9 : i32
    %get3A_3185 = arith.index_cast %get3A_3184 : i32 to index
    %get3A_3186 = arith.constant 800 : index
    %get3A_3187 = tpu.vector_load %arg10[%get3A_3185, %get3A_3186] {strides = array<i32>} : memref<10x1024xf32, #tpu.memory_space<vmem>>, vector<16xf32>,
    %add3A_3188 = arith.addf %add3A_3183, %get3A_3187 : vector<16xf32>
    %get3A_3189 = arith.constant 9 : i32
    %get3A_3190 = arith.index_cast %get3A_3189 : i32 to index
    %get3A_3191 = arith.constant 816 : index
    %get3A_3192 = tpu.vector_load %arg10[%get3A_3190, %get3A_3191] {strides = array<i32>} : memref<10x1024xf32, #tpu.memory_space<vmem>>, vector<16xf32>,
    %add3A_3193 = arith.addf %add3A_3188, %get3A_3192 : vector<16xf32>
    %get3A_3194 = arith.constant 9 : i32
    %get3A_3195 = arith.index_cast %get3A_3194 : i32 to index
    %get3A_3196 = arith.constant 832 : index
    %get3A_3197 = tpu.vector_load %arg10[%get3A_3195, %get3A_3196] {strides = array<i32>} : memref<10x1024xf32, #tpu.memory_space<vmem>>, vector<16xf32>,
    %add3A_3198 = arith.addf %add3A_3193, %get3A_3197 : vector<16xf32>
    %get3A_3199 = arith.constant 9 : i32
    %get3A_3200 = arith.index_cast %get3A_3199 : i32 to index
    %get3A_3201 = arith.constant 848 : index
    %get3A_3202 = tpu.vector_load %arg10[%get3A_3200, %get3A_3201] {strides = array<i32>} : memref<10x1024xf32, #tpu.memory_space<vmem>>, vector<16xf32>,
    %add3A_3203 = arith.addf %add3A_3198, %get3A_3202 : vector<16xf32>
    %get3A_3204 = arith.constant 9 : i32
    %get3A_3205 = arith.index_cast %get3A_3204 : i32 to index
    %get3A_3206 = arith.constant 864 : index
    %get3A_3207 = tpu.vector_load %arg10[%get3A_3205, %get3A_3206] {strides = array<i32>} : memref<10x1024xf32, #tpu.memory_space<vmem>>, vector<16xf32>,
    %add3A_3208 = arith.addf %add3A_3203, %get3A_3207 : vector<16xf32>
    %get3A_3209 = arith.constant 9 : i32
    %get3A_3210 = arith.index_cast %get3A_3209 : i32 to index
    %get3A_3211 = arith.constant 880 : index
    %get3A_3212 = tpu.vector_load %arg10[%get3A_3210, %get3A_3211] {strides = array<i32>} : memref<10x1024xf32, #tpu.memory_space<vmem>>, vector<16xf32>,
    %add3A_3213 = arith.addf %add3A_3208, %get3A_3212 : vector<16xf32>
    %get3A_3214 = arith.constant 9 : i32
    %get3A_3215 = arith.index_cast %get3A_3214 : i32 to index
    %get3A_3216 = arith.constant 896 : index
    %get3A_3217 = tpu.vector_load %arg10[%get3A_3215, %get3A_3216] {strides = array<i32>} : memref<10x1024xf32, #tpu.memory_space<vmem>>, vector<16xf32>,
    %add3A_3218 = arith.addf %add3A_3213, %get3A_3217 : vector<16xf32>
    %get3A_3219 = arith.constant 9 : i32
    %get3A_3220 = arith.index_cast %get3A_3219 : i32 to index
    %get3A_3221 = arith.constant 912 : index
    %get3A_3222 = tpu.vector_load %arg10[%get3A_3220, %get3A_3221] {strides = array<i32>} : memref<10x1024xf32, #tpu.memory_space<vmem>>, vector<16xf32>,
    %add3A_3223 = arith.addf %add3A_3218, %get3A_3222 : vector<16xf32>
    %get3A_3224 = arith.constant 9 : i32
    %get3A_3225 = arith.index_cast %get3A_3224 : i32 to index
    %get3A_3226 = arith.constant 928 : index
    %get3A_3227 = tpu.vector_load %arg10[%get3A_3225, %get3A_3226] {strides = array<i32>} : memref<10x1024xf32, #tpu.memory_space<vmem>>, vector<16xf32>,
    %add3A_3228 = arith.addf %add3A_3223, %get3A_3227 : vector<16xf32>
    %get3A_3229 = arith.constant 9 : i32
    %get3A_3230 = arith.index_cast %get3A_3229 : i32 to index
    %get3A_3231 = arith.constant 944 : index
    %get3A_3232 = tpu.vector_load %arg10[%get3A_3230, %get3A_3231] {strides = array<i32>} : memref<10x1024xf32, #tpu.memory_space<vmem>>, vector<16xf32>,
    %add3A_3233 = arith.addf %add3A_3228, %get3A_3232 : vector<16xf32>
    %get3A_3234 = arith.constant 9 : i32
    %get3A_3235 = arith.index_cast %get3A_3234 : i32 to index
    %get3A_3236 = arith.constant 960 : index
    %get3A_3237 = tpu.vector_load %arg10[%get3A_3235, %get3A_3236] {strides = array<i32>} : memref<10x1024xf32, #tpu.memory_space<vmem>>, vector<16xf32>,
    %add3A_3238 = arith.addf %add3A_3233, %get3A_3237 : vector<16xf32>
    %get3A_3239 = arith.constant 9 : i32
    %get3A_3240 = arith.index_cast %get3A_3239 : i32 to index
    %get3A_3241 = arith.constant 976 : index
    %get3A_3242 = tpu.vector_load %arg10[%get3A_3240, %get3A_3241] {strides = array<i32>} : memref<10x1024xf32, #tpu.memory_space<vmem>>, vector<16xf32>,
    %add3A_3243 = arith.addf %add3A_3238, %get3A_3242 : vector<16xf32>
    %get3A_3244 = arith.constant 9 : i32
    %get3A_3245 = arith.index_cast %get3A_3244 : i32 to index
    %get3A_3246 = arith.constant 992 : index
    %get3A_3247 = tpu.vector_load %arg10[%get3A_3245, %get3A_3246] {strides = array<i32>} : memref<10x1024xf32, #tpu.memory_space<vmem>>, vector<16xf32>,
    %add3A_3248 = arith.addf %add3A_3243, %get3A_3247 : vector<16xf32>
    %get3A_3249 = arith.constant 9 : i32
    %get3A_3250 = arith.index_cast %get3A_3249 : i32 to index
    %get3A_3251 = arith.constant 1008 : index
    %get3A_3252 = tpu.vector_load %arg10[%get3A_3250, %get3A_3251] {strides = array<i32>} : memref<10x1024xf32, #tpu.memory_space<vmem>>, vector<16xf32>,
    %add3A_3253 = arith.addf %add3A_3248, %get3A_3252 : vector<16xf32>
    %reduce_sum3A_3254 = arith.constant true
    %reduce_sum3A_3255 = vector.broadcast %reduce_sum3A_3254 : i1 to vector<16xi1>
    %reduce_sum3A_3256 = tpu.scan <sum>, %add3A_3253 masked %reduce_sum3A_3255 : vector<16xf32>, vector<16xi1> -> vector<16xf32>
    %reduce_sum3A_3257 = vector.extract %reduce_sum3A_3256[15] : f32 from vector<16xf32>
    %broadcast_in_dim3A_3258 = arith.constant 0.000000e+00 : f32
    %broadcast_in_dim3A_3259 = vector.broadcast %broadcast_in_dim3A_3258 : f32 to vector<16xf32>
    %scan3A = arith.constant 0 : i32
    %scan3A_3260 = arith.constant 0 : i32
    %scan3A_3261 = arith.constant 8 : i32
    %scan3A_3262 = arith.addi %scan3A_3260, %scan3A_3261 : i32
    %scan3A_3263 = arith.constant 1 : i32
    %scan3A_3264 = scf.for %scan3A_3266 = %scan3A_3260 to %scan3A_3262 step %scan3A_3263 iter_args(%scan3A_3267 = %scan3A) -> (i32)  : i32 {
      %mul3A_3268 = arith.constant 128 : i32
      %mul3A_3269 = arith.muli %add3A, %mul3A_3268 : i32
      %mul3A_3270 = arith.constant 16 : i32
      %mul3A_3271 = arith.muli %scan3A_3266, %mul3A_3270 : i32
      %add3A_3272 = arith.addi %mul3A_3269, %mul3A_3271 : i32
      "tpu.region"() ({
        %run_scoped3A = tpu.sem_alloc : memref<!tpu.dma_semaphore, #tpu.memory_space<semaphore_mem>>
        %dma_start3A_3447 = arith.constant 0 : i32
        %dma_start3A_3448 = tpu.memref_slice %arg2[%add3A_3272, %dma_start3A_3447] : memref<16384x10xf32, #tpu.memory_space<hbm>> -> memref<16x10xf32, #tpu.memory_space<hbm>>
        %dma_start3A_3449 = arith.constant 0 : i32
        %dma_start3A_3450 = tpu.memref_slice %arg2[%add3A_3272, %dma_start3A_3449] : memref<16384x10xf32, #tpu.memory_space<hbm>> -> memref<16x10xf32, #tpu.memory_space<hbm>>
        tpu.enqueue_dma source(%dma_start3A_3450 : memref<16x10xf32, #tpu.memory_space<hbm>>) target(%arg8 : memref<16x10xf32, #tpu.memory_space<vmem>>) target_semaphore(%run_scoped3A : memref<!tpu.dma_semaphore, #tpu.memory_space<semaphore_mem>>)
        %dma_wait3A_3451 = arith.constant 0 : i32
        %dma_wait3A_3452 = tpu.memref_slice %arg2[%add3A_3272, %dma_wait3A_3451] : memref<16384x10xf32, #tpu.memory_space<hbm>> -> memref<16x10xf32, #tpu.memory_space<hbm>>
        %dma_wait3A_3453 = arith.constant 0 : i32
        %dma_wait3A_3454 = tpu.memref_slice %arg2[%add3A_3272, %dma_wait3A_3453] : memref<16384x10xf32, #tpu.memory_space<hbm>> -> memref<16x10xf32, #tpu.memory_space<hbm>>
        tpu.wait_dma2 semaphore(%run_scoped3A : memref<!tpu.dma_semaphore, #tpu.memory_space<semaphore_mem>>) src(%dma_wait3A_3454 : memref<16x10xf32, #tpu.memory_space<hbm>>) dst(%arg8 : memref<16x10xf32, #tpu.memory_space<vmem>>)
        tpu.yield
      }) : () -> ()
      "tpu.region"() ({
        %run_scoped3A = tpu.sem_alloc : memref<!tpu.dma_semaphore, #tpu.memory_space<semaphore_mem>>
        %dma_start3A_3447 = arith.constant 0 : i32
        %dma_start3A_3448 = tpu.memref_slice %arg3[%add3A_3272, %dma_start3A_3447] : memref<16384x1000xf32, #tpu.memory_space<hbm>> -> memref<16x1000xf32, #tpu.memory_space<hbm>>
        %dma_start3A_3449 = arith.constant 0 : i32
        %dma_start3A_3450 = tpu.memref_slice %arg3[%add3A_3272, %dma_start3A_3449] : memref<16384x1000xf32, #tpu.memory_space<hbm>> -> memref<16x1000xf32, #tpu.memory_space<hbm>>
        tpu.enqueue_dma source(%dma_start3A_3450 : memref<16x1000xf32, #tpu.memory_space<hbm>>) target(%arg9 : memref<16x1000xf32, #tpu.memory_space<vmem>>) target_semaphore(%run_scoped3A : memref<!tpu.dma_semaphore, #tpu.memory_space<semaphore_mem>>)
        %dma_wait3A_3451 = arith.constant 0 : i32
        %dma_wait3A_3452 = tpu.memref_slice %arg3[%add3A_3272, %dma_wait3A_3451] : memref<16384x1000xf32, #tpu.memory_space<hbm>> -> memref<16x1000xf32, #tpu.memory_space<hbm>>
        %dma_wait3A_3453 = arith.constant 0 : i32
        %dma_wait3A_3454 = tpu.memref_slice %arg3[%add3A_3272, %dma_wait3A_3453] : memref<16384x1000xf32, #tpu.memory_space<hbm>> -> memref<16x1000xf32, #tpu.memory_space<hbm>>
        tpu.wait_dma2 semaphore(%run_scoped3A : memref<!tpu.dma_semaphore, #tpu.memory_space<semaphore_mem>>) src(%dma_wait3A_3454 : memref<16x1000xf32, #tpu.memory_space<hbm>>) dst(%arg9 : memref<16x1000xf32, #tpu.memory_space<vmem>>)
        tpu.yield
      }) : () -> ()
      %broadcast_in_dim3A_3273 = arith.constant 0 : i32
      %broadcast_in_dim3A_3274 = vector.broadcast %broadcast_in_dim3A_3273 : i32 to vector<16xi32>
      %gather3A = tpu.vector_load_idx %arg8[%iota3A, %broadcast_in_dim3A_3274] : memref<16x10xf32, #tpu.memory_space<vmem>>[vector<16xi32>, vector<16xi32>], vector<16xf32>,
      %broadcast_in_dim3A_3275 = arith.constant 0 : i32
      %broadcast_in_dim3A_3276 = vector.broadcast %broadcast_in_dim3A_3275 : i32 to vector<16xi32>
      %broadcast_in_dim3A_3277 = arith.constant 1 : i32
      %broadcast_in_dim3A_3278 = vector.broadcast %broadcast_in_dim3A_3277 : i32 to vector<16xi32>
      %gather3A_3279 = tpu.vector_load_idx %arg8[%iota3A, %broadcast_in_dim3A_3278] : memref<16x10xf32, #tpu.memory_space<vmem>>[vector<16xi32>, vector<16xi32>], vector<16xf32>,
      %gt3A = arith.cmpf ogt, %gather3A_3279, %gather3A : vector<16xf32>
      %select_n3A = arith.select %gt3A, %gather3A_3279, %gather3A : vector<16xi1>, vector<16xf32>
      %jit3A = arith.constant 1 : i32
      %broadcast_in_dim3A_3280 = vector.broadcast %jit3A : i32 to vector<16xi32>
      %select_n3A_3281 = arith.select %gt3A, %broadcast_in_dim3A_3280, %broadcast_in_dim3A_3276 : vector<16xi1>, vector<16xi32>
      %broadcast_in_dim3A_3282 = arith.constant 2 : i32
      %broadcast_in_dim3A_3283 = vector.broadcast %broadcast_in_dim3A_3282 : i32 to vector<16xi32>
      %gather3A_3284 = tpu.vector_load_idx %arg8[%iota3A, %broadcast_in_dim3A_3283] : memref<16x10xf32, #tpu.memory_space<vmem>>[vector<16xi32>, vector<16xi32>], vector<16xf32>,
      %gt3A_3285 = arith.cmpf ogt, %gather3A_3284, %select_n3A : vector<16xf32>
      %select_n3A_3286 = arith.select %gt3A_3285, %gather3A_3284, %select_n3A : vector<16xi1>, vector<16xf32>
      %jit3A_3287 = arith.constant 2 : i32
      %broadcast_in_dim3A_3288 = vector.broadcast %jit3A_3287 : i32 to vector<16xi32>
      %select_n3A_3289 = arith.select %gt3A_3285, %broadcast_in_dim3A_3288, %select_n3A_3281 : vector<16xi1>, vector<16xi32>
      %broadcast_in_dim3A_3290 = arith.constant 3 : i32
      %broadcast_in_dim3A_3291 = vector.broadcast %broadcast_in_dim3A_3290 : i32 to vector<16xi32>
      %gather3A_3292 = tpu.vector_load_idx %arg8[%iota3A, %broadcast_in_dim3A_3291] : memref<16x10xf32, #tpu.memory_space<vmem>>[vector<16xi32>, vector<16xi32>], vector<16xf32>,
      %gt3A_3293 = arith.cmpf ogt, %gather3A_3292, %select_n3A_3286 : vector<16xf32>
      %select_n3A_3294 = arith.select %gt3A_3293, %gather3A_3292, %select_n3A_3286 : vector<16xi1>, vector<16xf32>
      %jit3A_3295 = arith.constant 3 : i32
      %broadcast_in_dim3A_3296 = vector.broadcast %jit3A_3295 : i32 to vector<16xi32>
      %select_n3A_3297 = arith.select %gt3A_3293, %broadcast_in_dim3A_3296, %select_n3A_3289 : vector<16xi1>, vector<16xi32>
      %broadcast_in_dim3A_3298 = arith.constant 4 : i32
      %broadcast_in_dim3A_3299 = vector.broadcast %broadcast_in_dim3A_3298 : i32 to vector<16xi32>
      %gather3A_3300 = tpu.vector_load_idx %arg8[%iota3A, %broadcast_in_dim3A_3299] : memref<16x10xf32, #tpu.memory_space<vmem>>[vector<16xi32>, vector<16xi32>], vector<16xf32>,
      %gt3A_3301 = arith.cmpf ogt, %gather3A_3300, %select_n3A_3294 : vector<16xf32>
      %select_n3A_3302 = arith.select %gt3A_3301, %gather3A_3300, %select_n3A_3294 : vector<16xi1>, vector<16xf32>
      %jit3A_3303 = arith.constant 4 : i32
      %broadcast_in_dim3A_3304 = vector.broadcast %jit3A_3303 : i32 to vector<16xi32>
      %select_n3A_3305 = arith.select %gt3A_3301, %broadcast_in_dim3A_3304, %select_n3A_3297 : vector<16xi1>, vector<16xi32>
      %broadcast_in_dim3A_3306 = arith.constant 5 : i32
      %broadcast_in_dim3A_3307 = vector.broadcast %broadcast_in_dim3A_3306 : i32 to vector<16xi32>
      %gather3A_3308 = tpu.vector_load_idx %arg8[%iota3A, %broadcast_in_dim3A_3307] : memref<16x10xf32, #tpu.memory_space<vmem>>[vector<16xi32>, vector<16xi32>], vector<16xf32>,
      %gt3A_3309 = arith.cmpf ogt, %gather3A_3308, %select_n3A_3302 : vector<16xf32>
      %select_n3A_3310 = arith.select %gt3A_3309, %gather3A_3308, %select_n3A_3302 : vector<16xi1>, vector<16xf32>
      %jit3A_3311 = arith.constant 5 : i32
      %broadcast_in_dim3A_3312 = vector.broadcast %jit3A_3311 : i32 to vector<16xi32>
      %select_n3A_3313 = arith.select %gt3A_3309, %broadcast_in_dim3A_3312, %select_n3A_3305 : vector<16xi1>, vector<16xi32>
      %broadcast_in_dim3A_3314 = arith.constant 6 : i32
      %broadcast_in_dim3A_3315 = vector.broadcast %broadcast_in_dim3A_3314 : i32 to vector<16xi32>
      %gather3A_3316 = tpu.vector_load_idx %arg8[%iota3A, %broadcast_in_dim3A_3315] : memref<16x10xf32, #tpu.memory_space<vmem>>[vector<16xi32>, vector<16xi32>], vector<16xf32>,
      %gt3A_3317 = arith.cmpf ogt, %gather3A_3316, %select_n3A_3310 : vector<16xf32>
      %select_n3A_3318 = arith.select %gt3A_3317, %gather3A_3316, %select_n3A_3310 : vector<16xi1>, vector<16xf32>
      %jit3A_3319 = arith.constant 6 : i32
      %broadcast_in_dim3A_3320 = vector.broadcast %jit3A_3319 : i32 to vector<16xi32>
      %select_n3A_3321 = arith.select %gt3A_3317, %broadcast_in_dim3A_3320, %select_n3A_3313 : vector<16xi1>, vector<16xi32>
      %broadcast_in_dim3A_3322 = arith.constant 7 : i32
      %broadcast_in_dim3A_3323 = vector.broadcast %broadcast_in_dim3A_3322 : i32 to vector<16xi32>
      %gather3A_3324 = tpu.vector_load_idx %arg8[%iota3A, %broadcast_in_dim3A_3323] : memref<16x10xf32, #tpu.memory_space<vmem>>[vector<16xi32>, vector<16xi32>], vector<16xf32>,
      %gt3A_3325 = arith.cmpf ogt, %gather3A_3324, %select_n3A_3318 : vector<16xf32>
      %select_n3A_3326 = arith.select %gt3A_3325, %gather3A_3324, %select_n3A_3318 : vector<16xi1>, vector<16xf32>
      %jit3A_3327 = arith.constant 7 : i32
      %broadcast_in_dim3A_3328 = vector.broadcast %jit3A_3327 : i32 to vector<16xi32>
      %select_n3A_3329 = arith.select %gt3A_3325, %broadcast_in_dim3A_3328, %select_n3A_3321 : vector<16xi1>, vector<16xi32>
      %broadcast_in_dim3A_3330 = arith.constant 8 : i32
      %broadcast_in_dim3A_3331 = vector.broadcast %broadcast_in_dim3A_3330 : i32 to vector<16xi32>
      %gather3A_3332 = tpu.vector_load_idx %arg8[%iota3A, %broadcast_in_dim3A_3331] : memref<16x10xf32, #tpu.memory_space<vmem>>[vector<16xi32>, vector<16xi32>], vector<16xf32>,
      %gt3A_3333 = arith.cmpf ogt, %gather3A_3332, %select_n3A_3326 : vector<16xf32>
      %select_n3A_3334 = arith.select %gt3A_3333, %gather3A_3332, %select_n3A_3326 : vector<16xi1>, vector<16xf32>
      %jit3A_3335 = arith.constant 8 : i32
      %broadcast_in_dim3A_3336 = vector.broadcast %jit3A_3335 : i32 to vector<16xi32>
      %select_n3A_3337 = arith.select %gt3A_3333, %broadcast_in_dim3A_3336, %select_n3A_3329 : vector<16xi1>, vector<16xi32>
      %broadcast_in_dim3A_3338 = arith.constant 9 : i32
      %broadcast_in_dim3A_3339 = vector.broadcast %broadcast_in_dim3A_3338 : i32 to vector<16xi32>
      %gather3A_3340 = tpu.vector_load_idx %arg8[%iota3A, %broadcast_in_dim3A_3339] : memref<16x10xf32, #tpu.memory_space<vmem>>[vector<16xi32>, vector<16xi32>], vector<16xf32>,
      %gt3A_3341 = arith.cmpf ogt, %gather3A_3340, %select_n3A_3334 : vector<16xf32>
      %select_n3A_3342 = arith.select %gt3A_3341, %gather3A_3340, %select_n3A_3334 : vector<16xi1>, vector<16xf32>
      %jit3A_3343 = arith.constant 9 : i32
      %broadcast_in_dim3A_3344 = vector.broadcast %jit3A_3343 : i32 to vector<16xi32>
      %select_n3A_3345 = arith.select %gt3A_3341, %broadcast_in_dim3A_3344, %select_n3A_3337 : vector<16xi1>, vector<16xi32>
      %eq3A = arith.constant 0 : i32
      %eq3A_3346 = vector.broadcast %eq3A : i32 to vector<16xi32>
      %eq3A_3347 = arith.cmpi eq, %select_n3A_3345, %eq3A_3346 : vector<16xi32>
      %jit3A_3348 = arith.constant 0.000000e+00 : f32
      %broadcast_in_dim3A_3349 = vector.broadcast %reduce_sum3A_323 : f32 to vector<16xf32>
      %broadcast_in_dim3A_3350 = vector.broadcast %jit3A_3348 : f32 to vector<16xf32>
      %select_n3A_3351 = arith.select %eq3A_3347, %broadcast_in_dim3A_3349, %broadcast_in_dim3A_3350 : vector<16xi1>, vector<16xf32>
      %add3A_3352 = arith.addf %broadcast_in_dim3A_3259, %select_n3A_3351 : vector<16xf32>
      %eq3A_3353 = arith.constant 1 : i32
      %eq3A_3354 = vector.broadcast %eq3A_3353 : i32 to vector<16xi32>
      %eq3A_3355 = arith.cmpi eq, %select_n3A_3345, %eq3A_3354 : vector<16xi32>
      %jit3A_3356 = arith.constant 0.000000e+00 : f32
      %broadcast_in_dim3A_3357 = vector.broadcast %reduce_sum3A_649 : f32 to vector<16xf32>
      %broadcast_in_dim3A_3358 = vector.broadcast %jit3A_3356 : f32 to vector<16xf32>
      %select_n3A_3359 = arith.select %eq3A_3355, %broadcast_in_dim3A_3357, %broadcast_in_dim3A_3358 : vector<16xi1>, vector<16xf32>
      %add3A_3360 = arith.addf %add3A_3352, %select_n3A_3359 : vector<16xf32>
      %eq3A_3361 = arith.constant 2 : i32
      %eq3A_3362 = vector.broadcast %eq3A_3361 : i32 to vector<16xi32>
      %eq3A_3363 = arith.cmpi eq, %select_n3A_3345, %eq3A_3362 : vector<16xi32>
      %jit3A_3364 = arith.constant 0.000000e+00 : f32
      %broadcast_in_dim3A_3365 = vector.broadcast %reduce_sum3A_975 : f32 to vector<16xf32>
      %broadcast_in_dim3A_3366 = vector.broadcast %jit3A_3364 : f32 to vector<16xf32>
      %select_n3A_3367 = arith.select %eq3A_3363, %broadcast_in_dim3A_3365, %broadcast_in_dim3A_3366 : vector<16xi1>, vector<16xf32>
      %add3A_3368 = arith.addf %add3A_3360, %select_n3A_3367 : vector<16xf32>
      %eq3A_3369 = arith.constant 3 : i32
      %eq3A_3370 = vector.broadcast %eq3A_3369 : i32 to vector<16xi32>
      %eq3A_3371 = arith.cmpi eq, %select_n3A_3345, %eq3A_3370 : vector<16xi32>
      %jit3A_3372 = arith.constant 0.000000e+00 : f32
      %broadcast_in_dim3A_3373 = vector.broadcast %reduce_sum3A_1301 : f32 to vector<16xf32>
      %broadcast_in_dim3A_3374 = vector.broadcast %jit3A_3372 : f32 to vector<16xf32>
      %select_n3A_3375 = arith.select %eq3A_3371, %broadcast_in_dim3A_3373, %broadcast_in_dim3A_3374 : vector<16xi1>, vector<16xf32>
      %add3A_3376 = arith.addf %add3A_3368, %select_n3A_3375 : vector<16xf32>
      %eq3A_3377 = arith.constant 4 : i32
      %eq3A_3378 = vector.broadcast %eq3A_3377 : i32 to vector<16xi32>
      %eq3A_3379 = arith.cmpi eq, %select_n3A_3345, %eq3A_3378 : vector<16xi32>
      %jit3A_3380 = arith.constant 0.000000e+00 : f32
      %broadcast_in_dim3A_3381 = vector.broadcast %reduce_sum3A_1627 : f32 to vector<16xf32>
      %broadcast_in_dim3A_3382 = vector.broadcast %jit3A_3380 : f32 to vector<16xf32>
      %select_n3A_3383 = arith.select %eq3A_3379, %broadcast_in_dim3A_3381, %broadcast_in_dim3A_3382 : vector<16xi1>, vector<16xf32>
      %add3A_3384 = arith.addf %add3A_3376, %select_n3A_3383 : vector<16xf32>
      %eq3A_3385 = arith.constant 5 : i32
      %eq3A_3386 = vector.broadcast %eq3A_3385 : i32 to vector<16xi32>
      %eq3A_3387 = arith.cmpi eq, %select_n3A_3345, %eq3A_3386 : vector<16xi32>
      %jit3A_3388 = arith.constant 0.000000e+00 : f32
      %broadcast_in_dim3A_3389 = vector.broadcast %reduce_sum3A_1953 : f32 to vector<16xf32>
      %broadcast_in_dim3A_3390 = vector.broadcast %jit3A_3388 : f32 to vector<16xf32>
      %select_n3A_3391 = arith.select %eq3A_3387, %broadcast_in_dim3A_3389, %broadcast_in_dim3A_3390 : vector<16xi1>, vector<16xf32>
      %add3A_3392 = arith.addf %add3A_3384, %select_n3A_3391 : vector<16xf32>
      %eq3A_3393 = arith.constant 6 : i32
      %eq3A_3394 = vector.broadcast %eq3A_3393 : i32 to vector<16xi32>
      %eq3A_3395 = arith.cmpi eq, %select_n3A_3345, %eq3A_3394 : vector<16xi32>
      %jit3A_3396 = arith.constant 0.000000e+00 : f32
      %broadcast_in_dim3A_3397 = vector.broadcast %reduce_sum3A_2279 : f32 to vector<16xf32>
      %broadcast_in_dim3A_3398 = vector.broadcast %jit3A_3396 : f32 to vector<16xf32>
      %select_n3A_3399 = arith.select %eq3A_3395, %broadcast_in_dim3A_3397, %broadcast_in_dim3A_3398 : vector<16xi1>, vector<16xf32>
      %add3A_3400 = arith.addf %add3A_3392, %select_n3A_3399 : vector<16xf32>
      %eq3A_3401 = arith.constant 7 : i32
      %eq3A_3402 = vector.broadcast %eq3A_3401 : i32 to vector<16xi32>
      %eq3A_3403 = arith.cmpi eq, %select_n3A_3345, %eq3A_3402 : vector<16xi32>
      %jit3A_3404 = arith.constant 0.000000e+00 : f32
      %broadcast_in_dim3A_3405 = vector.broadcast %reduce_sum3A_2605 : f32 to vector<16xf32>
      %broadcast_in_dim3A_3406 = vector.broadcast %jit3A_3404 : f32 to vector<16xf32>
      %select_n3A_3407 = arith.select %eq3A_3403, %broadcast_in_dim3A_3405, %broadcast_in_dim3A_3406 : vector<16xi1>, vector<16xf32>
      %add3A_3408 = arith.addf %add3A_3400, %select_n3A_3407 : vector<16xf32>
      %eq3A_3409 = arith.constant 8 : i32
      %eq3A_3410 = vector.broadcast %eq3A_3409 : i32 to vector<16xi32>
      %eq3A_3411 = arith.cmpi eq, %select_n3A_3345, %eq3A_3410 : vector<16xi32>
      %jit3A_3412 = arith.constant 0.000000e+00 : f32
      %broadcast_in_dim3A_3413 = vector.broadcast %reduce_sum3A_2931 : f32 to vector<16xf32>
      %broadcast_in_dim3A_3414 = vector.broadcast %jit3A_3412 : f32 to vector<16xf32>
      %select_n3A_3415 = arith.select %eq3A_3411, %broadcast_in_dim3A_3413, %broadcast_in_dim3A_3414 : vector<16xi1>, vector<16xf32>
      %add3A_3416 = arith.addf %add3A_3408, %select_n3A_3415 : vector<16xf32>
      %eq3A_3417 = arith.constant 9 : i32
      %eq3A_3418 = vector.broadcast %eq3A_3417 : i32 to vector<16xi32>
      %eq3A_3419 = arith.cmpi eq, %select_n3A_3345, %eq3A_3418 : vector<16xi32>
      %jit3A_3420 = arith.constant 0.000000e+00 : f32
      %broadcast_in_dim3A_3421 = vector.broadcast %reduce_sum3A_3257 : f32 to vector<16xf32>
      %broadcast_in_dim3A_3422 = vector.broadcast %jit3A_3420 : f32 to vector<16xf32>
      %select_n3A_3423 = arith.select %eq3A_3419, %broadcast_in_dim3A_3421, %broadcast_in_dim3A_3422 : vector<16xi1>, vector<16xf32>
      %add3A_3424 = arith.addf %add3A_3416, %select_n3A_3423 : vector<16xf32>
      %dma_start3A = arith.constant 0 : i32
      %dma_start3A_3425 = arith.constant 0 : i32
      %dma_start3A_3426 = tpu.memref_slice %arg4[%dma_start3A, %dma_start3A_3425] : memref<10x1024xf32, #tpu.memory_space<hbm>> -> memref<10x1024xf32, #tpu.memory_space<hbm>>
      tpu.enqueue_indirect_dma source(%dma_start3A_3426 : memref<10x1024xf32, #tpu.memory_space<hbm>>) target(%arg11 : memref<16x1024xf32, #tpu.memory_space<vmem>>) offsets(%select_n3A_3345 : vector<16xi32>) semaphore(%arg12 : memref<!tpu.dma_semaphore, #tpu.memory_space<semaphore_mem>>)
      %dma_wait3A = arith.constant 0 : i32
      %dma_wait3A_3427 = arith.constant 0 : i32
      %dma_wait3A_3428 = tpu.memref_slice %arg4[%dma_wait3A, %dma_wait3A_3427] : memref<10x1024xf32, #tpu.memory_space<hbm>> -> memref<10x1024xf32, #tpu.memory_space<hbm>>
      tpu.wait_indirect_dma semaphore(%arg12 : memref<!tpu.dma_semaphore, #tpu.memory_space<semaphore_mem>>) src(%dma_wait3A_3428 : memref<10x1024xf32, #tpu.memory_space<hbm>>) dst(%arg11 : memref<16x1024xf32, #tpu.memory_space<vmem>>)
      %scan3A_3429 = arith.constant 0 : i32
      %scan3A_3430 = arith.constant 16 : i32
      %scan3A_3431 = arith.addi %scan3A_3429, %scan3A_3430 : i32
      %scan3A_3432 = arith.constant 1 : i32
      %scan3A_3433:2 = scf.for %scan3A_3447 = %scan3A_3429 to %scan3A_3431 step %scan3A_3432 iter_args(%scan3A_3448 = %broadcast_in_dim3A_3259, %scan3A_3449 = %broadcast_in_dim3A_3259) -> (vector<16xf32>, vector<16xf32>)  : i32 {
        %get3A_3450 = arith.index_cast %scan3A_3447 : i32 to index
        %get3A_3451 = arith.constant 0 : index
        %get3A_3452 = tpu.vector_load %arg9[%get3A_3450, %get3A_3451] {strides = array<i32>} : memref<16x1000xf32, #tpu.memory_space<vmem>>, vector<16xf32>,
        %get3A_3453 = arith.index_cast %scan3A_3447 : i32 to index
        %get3A_3454 = arith.constant 0 : index
        %get3A_3455 = tpu.vector_load %arg11[%get3A_3453, %get3A_3454] {strides = array<i32>} : memref<16x1024xf32, #tpu.memory_space<vmem>>, vector<16xf32>,
        %exp3A = math.exp %get3A_3452 : vector<16xf32>
        %add3A_3456 = arith.addf %broadcast_in_dim3A_3259, %exp3A : vector<16xf32>
        %mul3A_3457 = arith.mulf %get3A_3455, %get3A_3452 : vector<16xf32>
        %add3A_3458 = arith.addf %broadcast_in_dim3A_3259, %mul3A_3457 : vector<16xf32>
        %get3A_3459 = arith.index_cast %scan3A_3447 : i32 to index
        %get3A_3460 = arith.constant 16 : index
        %get3A_3461 = tpu.vector_load %arg9[%get3A_3459, %get3A_3460] {strides = array<i32>} : memref<16x1000xf32, #tpu.memory_space<vmem>>, vector<16xf32>,
        %get3A_3462 = arith.index_cast %scan3A_3447 : i32 to index
        %get3A_3463 = arith.constant 16 : index
        %get3A_3464 = tpu.vector_load %arg11[%get3A_3462, %get3A_3463] {strides = array<i32>} : memref<16x1024xf32, #tpu.memory_space<vmem>>, vector<16xf32>,
        %exp3A_3465 = math.exp %get3A_3461 : vector<16xf32>
        %add3A_3466 = arith.addf %broadcast_in_dim3A_3259, %exp3A_3465 : vector<16xf32>
        %mul3A_3467 = arith.mulf %get3A_3464, %get3A_3461 : vector<16xf32>
        %add3A_3468 = arith.addf %broadcast_in_dim3A_3259, %mul3A_3467 : vector<16xf32>
        %get3A_3469 = arith.index_cast %scan3A_3447 : i32 to index
        %get3A_3470 = arith.constant 32 : index
        %get3A_3471 = tpu.vector_load %arg9[%get3A_3469, %get3A_3470] {strides = array<i32>} : memref<16x1000xf32, #tpu.memory_space<vmem>>, vector<16xf32>,
        %get3A_3472 = arith.index_cast %scan3A_3447 : i32 to index
        %get3A_3473 = arith.constant 32 : index
        %get3A_3474 = tpu.vector_load %arg11[%get3A_3472, %get3A_3473] {strides = array<i32>} : memref<16x1024xf32, #tpu.memory_space<vmem>>, vector<16xf32>,
        %exp3A_3475 = math.exp %get3A_3471 : vector<16xf32>
        %add3A_3476 = arith.addf %add3A_3456, %exp3A_3475 : vector<16xf32>
        %mul3A_3477 = arith.mulf %get3A_3474, %get3A_3471 : vector<16xf32>
        %add3A_3478 = arith.addf %add3A_3458, %mul3A_3477 : vector<16xf32>
        %get3A_3479 = arith.index_cast %scan3A_3447 : i32 to index
        %get3A_3480 = arith.constant 48 : index
        %get3A_3481 = tpu.vector_load %arg9[%get3A_3479, %get3A_3480] {strides = array<i32>} : memref<16x1000xf32, #tpu.memory_space<vmem>>, vector<16xf32>,
        %get3A_3482 = arith.index_cast %scan3A_3447 : i32 to index
        %get3A_3483 = arith.constant 48 : index
        %get3A_3484 = tpu.vector_load %arg11[%get3A_3482, %get3A_3483] {strides = array<i32>} : memref<16x1024xf32, #tpu.memory_space<vmem>>, vector<16xf32>,
        %exp3A_3485 = math.exp %get3A_3481 : vector<16xf32>
        %add3A_3486 = arith.addf %add3A_3466, %exp3A_3485 : vector<16xf32>
        %mul3A_3487 = arith.mulf %get3A_3484, %get3A_3481 : vector<16xf32>
        %add3A_3488 = arith.addf %add3A_3468, %mul3A_3487 : vector<16xf32>
        %get3A_3489 = arith.index_cast %scan3A_3447 : i32 to index
        %get3A_3490 = arith.constant 64 : index
        %get3A_3491 = tpu.vector_load %arg9[%get3A_3489, %get3A_3490] {strides = array<i32>} : memref<16x1000xf32, #tpu.memory_space<vmem>>, vector<16xf32>,
        %get3A_3492 = arith.index_cast %scan3A_3447 : i32 to index
        %get3A_3493 = arith.constant 64 : index
        %get3A_3494 = tpu.vector_load %arg11[%get3A_3492, %get3A_3493] {strides = array<i32>} : memref<16x1024xf32, #tpu.memory_space<vmem>>, vector<16xf32>,
        %exp3A_3495 = math.exp %get3A_3491 : vector<16xf32>
        %add3A_3496 = arith.addf %add3A_3476, %exp3A_3495 : vector<16xf32>
        %mul3A_3497 = arith.mulf %get3A_3494, %get3A_3491 : vector<16xf32>
        %add3A_3498 = arith.addf %add3A_3478, %mul3A_3497 : vector<16xf32>
        %get3A_3499 = arith.index_cast %scan3A_3447 : i32 to index
        %get3A_3500 = arith.constant 80 : index
        %get3A_3501 = tpu.vector_load %arg9[%get3A_3499, %get3A_3500] {strides = array<i32>} : memref<16x1000xf32, #tpu.memory_space<vmem>>, vector<16xf32>,
        %get3A_3502 = arith.index_cast %scan3A_3447 : i32 to index
        %get3A_3503 = arith.constant 80 : index
        %get3A_3504 = tpu.vector_load %arg11[%get3A_3502, %get3A_3503] {strides = array<i32>} : memref<16x1024xf32, #tpu.memory_space<vmem>>, vector<16xf32>,
        %exp3A_3505 = math.exp %get3A_3501 : vector<16xf32>
        %add3A_3506 = arith.addf %add3A_3486, %exp3A_3505 : vector<16xf32>
        %mul3A_3507 = arith.mulf %get3A_3504, %get3A_3501 : vector<16xf32>
        %add3A_3508 = arith.addf %add3A_3488, %mul3A_3507 : vector<16xf32>
        %get3A_3509 = arith.index_cast %scan3A_3447 : i32 to index
        %get3A_3510 = arith.constant 96 : index
        %get3A_3511 = tpu.vector_load %arg9[%get3A_3509, %get3A_3510] {strides = array<i32>} : memref<16x1000xf32, #tpu.memory_space<vmem>>, vector<16xf32>,
        %get3A_3512 = arith.index_cast %scan3A_3447 : i32 to index
        %get3A_3513 = arith.constant 96 : index
        %get3A_3514 = tpu.vector_load %arg11[%get3A_3512, %get3A_3513] {strides = array<i32>} : memref<16x1024xf32, #tpu.memory_space<vmem>>, vector<16xf32>,
        %exp3A_3515 = math.exp %get3A_3511 : vector<16xf32>
        %add3A_3516 = arith.addf %add3A_3496, %exp3A_3515 : vector<16xf32>
        %mul3A_3517 = arith.mulf %get3A_3514, %get3A_3511 : vector<16xf32>
        %add3A_3518 = arith.addf %add3A_3498, %mul3A_3517 : vector<16xf32>
        %get3A_3519 = arith.index_cast %scan3A_3447 : i32 to index
        %get3A_3520 = arith.constant 112 : index
        %get3A_3521 = tpu.vector_load %arg9[%get3A_3519, %get3A_3520] {strides = array<i32>} : memref<16x1000xf32, #tpu.memory_space<vmem>>, vector<16xf32>,
        %get3A_3522 = arith.index_cast %scan3A_3447 : i32 to index
        %get3A_3523 = arith.constant 112 : index
        %get3A_3524 = tpu.vector_load %arg11[%get3A_3522, %get3A_3523] {strides = array<i32>} : memref<16x1024xf32, #tpu.memory_space<vmem>>, vector<16xf32>,
        %exp3A_3525 = math.exp %get3A_3521 : vector<16xf32>
        %add3A_3526 = arith.addf %add3A_3506, %exp3A_3525 : vector<16xf32>
        %mul3A_3527 = arith.mulf %get3A_3524, %get3A_3521 : vector<16xf32>
        %add3A_3528 = arith.addf %add3A_3508, %mul3A_3527 : vector<16xf32>
        %get3A_3529 = arith.index_cast %scan3A_3447 : i32 to index
        %get3A_3530 = arith.constant 128 : index
        %get3A_3531 = tpu.vector_load %arg9[%get3A_3529, %get3A_3530] {strides = array<i32>} : memref<16x1000xf32, #tpu.memory_space<vmem>>, vector<16xf32>,
        %get3A_3532 = arith.index_cast %scan3A_3447 : i32 to index
        %get3A_3533 = arith.constant 128 : index
        %get3A_3534 = tpu.vector_load %arg11[%get3A_3532, %get3A_3533] {strides = array<i32>} : memref<16x1024xf32, #tpu.memory_space<vmem>>, vector<16xf32>,
        %exp3A_3535 = math.exp %get3A_3531 : vector<16xf32>
        %add3A_3536 = arith.addf %add3A_3516, %exp3A_3535 : vector<16xf32>
        %mul3A_3537 = arith.mulf %get3A_3534, %get3A_3531 : vector<16xf32>
        %add3A_3538 = arith.addf %add3A_3518, %mul3A_3537 : vector<16xf32>
        %get3A_3539 = arith.index_cast %scan3A_3447 : i32 to index
        %get3A_3540 = arith.constant 144 : index
        %get3A_3541 = tpu.vector_load %arg9[%get3A_3539, %get3A_3540] {strides = array<i32>} : memref<16x1000xf32, #tpu.memory_space<vmem>>, vector<16xf32>,
        %get3A_3542 = arith.index_cast %scan3A_3447 : i32 to index
        %get3A_3543 = arith.constant 144 : index
        %get3A_3544 = tpu.vector_load %arg11[%get3A_3542, %get3A_3543] {strides = array<i32>} : memref<16x1024xf32, #tpu.memory_space<vmem>>, vector<16xf32>,
        %exp3A_3545 = math.exp %get3A_3541 : vector<16xf32>
        %add3A_3546 = arith.addf %add3A_3526, %exp3A_3545 : vector<16xf32>
        %mul3A_3547 = arith.mulf %get3A_3544, %get3A_3541 : vector<16xf32>
        %add3A_3548 = arith.addf %add3A_3528, %mul3A_3547 : vector<16xf32>
        %get3A_3549 = arith.index_cast %scan3A_3447 : i32 to index
        %get3A_3550 = arith.constant 160 : index
        %get3A_3551 = tpu.vector_load %arg9[%get3A_3549, %get3A_3550] {strides = array<i32>} : memref<16x1000xf32, #tpu.memory_space<vmem>>, vector<16xf32>,
        %get3A_3552 = arith.index_cast %scan3A_3447 : i32 to index
        %get3A_3553 = arith.constant 160 : index
        %get3A_3554 = tpu.vector_load %arg11[%get3A_3552, %get3A_3553] {strides = array<i32>} : memref<16x1024xf32, #tpu.memory_space<vmem>>, vector<16xf32>,
        %exp3A_3555 = math.exp %get3A_3551 : vector<16xf32>
        %add3A_3556 = arith.addf %add3A_3536, %exp3A_3555 : vector<16xf32>
        %mul3A_3557 = arith.mulf %get3A_3554, %get3A_3551 : vector<16xf32>
        %add3A_3558 = arith.addf %add3A_3538, %mul3A_3557 : vector<16xf32>
        %get3A_3559 = arith.index_cast %scan3A_3447 : i32 to index
        %get3A_3560 = arith.constant 176 : index
        %get3A_3561 = tpu.vector_load %arg9[%get3A_3559, %get3A_3560] {strides = array<i32>} : memref<16x1000xf32, #tpu.memory_space<vmem>>, vector<16xf32>,
        %get3A_3562 = arith.index_cast %scan3A_3447 : i32 to index
        %get3A_3563 = arith.constant 176 : index
        %get3A_3564 = tpu.vector_load %arg11[%get3A_3562, %get3A_3563] {strides = array<i32>} : memref<16x1024xf32, #tpu.memory_space<vmem>>, vector<16xf32>,
        %exp3A_3565 = math.exp %get3A_3561 : vector<16xf32>
        %add3A_3566 = arith.addf %add3A_3546, %exp3A_3565 : vector<16xf32>
        %mul3A_3567 = arith.mulf %get3A_3564, %get3A_3561 : vector<16xf32>
        %add3A_3568 = arith.addf %add3A_3548, %mul3A_3567 : vector<16xf32>
        %get3A_3569 = arith.index_cast %scan3A_3447 : i32 to index
        %get3A_3570 = arith.constant 192 : index
        %get3A_3571 = tpu.vector_load %arg9[%get3A_3569, %get3A_3570] {strides = array<i32>} : memref<16x1000xf32, #tpu.memory_space<vmem>>, vector<16xf32>,
        %get3A_3572 = arith.index_cast %scan3A_3447 : i32 to index
        %get3A_3573 = arith.constant 192 : index
        %get3A_3574 = tpu.vector_load %arg11[%get3A_3572, %get3A_3573] {strides = array<i32>} : memref<16x1024xf32, #tpu.memory_space<vmem>>, vector<16xf32>,
        %exp3A_3575 = math.exp %get3A_3571 : vector<16xf32>
        %add3A_3576 = arith.addf %add3A_3556, %exp3A_3575 : vector<16xf32>
        %mul3A_3577 = arith.mulf %get3A_3574, %get3A_3571 : vector<16xf32>
        %add3A_3578 = arith.addf %add3A_3558, %mul3A_3577 : vector<16xf32>
        %get3A_3579 = arith.index_cast %scan3A_3447 : i32 to index
        %get3A_3580 = arith.constant 208 : index
        %get3A_3581 = tpu.vector_load %arg9[%get3A_3579, %get3A_3580] {strides = array<i32>} : memref<16x1000xf32, #tpu.memory_space<vmem>>, vector<16xf32>,
        %get3A_3582 = arith.index_cast %scan3A_3447 : i32 to index
        %get3A_3583 = arith.constant 208 : index
        %get3A_3584 = tpu.vector_load %arg11[%get3A_3582, %get3A_3583] {strides = array<i32>} : memref<16x1024xf32, #tpu.memory_space<vmem>>, vector<16xf32>,
        %exp3A_3585 = math.exp %get3A_3581 : vector<16xf32>
        %add3A_3586 = arith.addf %add3A_3566, %exp3A_3585 : vector<16xf32>
        %mul3A_3587 = arith.mulf %get3A_3584, %get3A_3581 : vector<16xf32>
        %add3A_3588 = arith.addf %add3A_3568, %mul3A_3587 : vector<16xf32>
        %get3A_3589 = arith.index_cast %scan3A_3447 : i32 to index
        %get3A_3590 = arith.constant 224 : index
        %get3A_3591 = tpu.vector_load %arg9[%get3A_3589, %get3A_3590] {strides = array<i32>} : memref<16x1000xf32, #tpu.memory_space<vmem>>, vector<16xf32>,
        %get3A_3592 = arith.index_cast %scan3A_3447 : i32 to index
        %get3A_3593 = arith.constant 224 : index
        %get3A_3594 = tpu.vector_load %arg11[%get3A_3592, %get3A_3593] {strides = array<i32>} : memref<16x1024xf32, #tpu.memory_space<vmem>>, vector<16xf32>,
        %exp3A_3595 = math.exp %get3A_3591 : vector<16xf32>
        %add3A_3596 = arith.addf %add3A_3576, %exp3A_3595 : vector<16xf32>
        %mul3A_3597 = arith.mulf %get3A_3594, %get3A_3591 : vector<16xf32>
        %add3A_3598 = arith.addf %add3A_3578, %mul3A_3597 : vector<16xf32>
        %get3A_3599 = arith.index_cast %scan3A_3447 : i32 to index
        %get3A_3600 = arith.constant 240 : index
        %get3A_3601 = tpu.vector_load %arg9[%get3A_3599, %get3A_3600] {strides = array<i32>} : memref<16x1000xf32, #tpu.memory_space<vmem>>, vector<16xf32>,
        %get3A_3602 = arith.index_cast %scan3A_3447 : i32 to index
        %get3A_3603 = arith.constant 240 : index
        %get3A_3604 = tpu.vector_load %arg11[%get3A_3602, %get3A_3603] {strides = array<i32>} : memref<16x1024xf32, #tpu.memory_space<vmem>>, vector<16xf32>,
        %exp3A_3605 = math.exp %get3A_3601 : vector<16xf32>
        %add3A_3606 = arith.addf %add3A_3586, %exp3A_3605 : vector<16xf32>
        %mul3A_3607 = arith.mulf %get3A_3604, %get3A_3601 : vector<16xf32>
        %add3A_3608 = arith.addf %add3A_3588, %mul3A_3607 : vector<16xf32>
        %get3A_3609 = arith.index_cast %scan3A_3447 : i32 to index
        %get3A_3610 = arith.constant 256 : index
        %get3A_3611 = tpu.vector_load %arg9[%get3A_3609, %get3A_3610] {strides = array<i32>} : memref<16x1000xf32, #tpu.memory_space<vmem>>, vector<16xf32>,
        %get3A_3612 = arith.index_cast %scan3A_3447 : i32 to index
        %get3A_3613 = arith.constant 256 : index
        %get3A_3614 = tpu.vector_load %arg11[%get3A_3612, %get3A_3613] {strides = array<i32>} : memref<16x1024xf32, #tpu.memory_space<vmem>>, vector<16xf32>,
        %exp3A_3615 = math.exp %get3A_3611 : vector<16xf32>
        %add3A_3616 = arith.addf %add3A_3596, %exp3A_3615 : vector<16xf32>
        %mul3A_3617 = arith.mulf %get3A_3614, %get3A_3611 : vector<16xf32>
        %add3A_3618 = arith.addf %add3A_3598, %mul3A_3617 : vector<16xf32>
        %get3A_3619 = arith.index_cast %scan3A_3447 : i32 to index
        %get3A_3620 = arith.constant 272 : index
        %get3A_3621 = tpu.vector_load %arg9[%get3A_3619, %get3A_3620] {strides = array<i32>} : memref<16x1000xf32, #tpu.memory_space<vmem>>, vector<16xf32>,
        %get3A_3622 = arith.index_cast %scan3A_3447 : i32 to index
        %get3A_3623 = arith.constant 272 : index
        %get3A_3624 = tpu.vector_load %arg11[%get3A_3622, %get3A_3623] {strides = array<i32>} : memref<16x1024xf32, #tpu.memory_space<vmem>>, vector<16xf32>,
        %exp3A_3625 = math.exp %get3A_3621 : vector<16xf32>
        %add3A_3626 = arith.addf %add3A_3606, %exp3A_3625 : vector<16xf32>
        %mul3A_3627 = arith.mulf %get3A_3624, %get3A_3621 : vector<16xf32>
        %add3A_3628 = arith.addf %add3A_3608, %mul3A_3627 : vector<16xf32>
        %get3A_3629 = arith.index_cast %scan3A_3447 : i32 to index
        %get3A_3630 = arith.constant 288 : index
        %get3A_3631 = tpu.vector_load %arg9[%get3A_3629, %get3A_3630] {strides = array<i32>} : memref<16x1000xf32, #tpu.memory_space<vmem>>, vector<16xf32>,
        %get3A_3632 = arith.index_cast %scan3A_3447 : i32 to index
        %get3A_3633 = arith.constant 288 : index
        %get3A_3634 = tpu.vector_load %arg11[%get3A_3632, %get3A_3633] {strides = array<i32>} : memref<16x1024xf32, #tpu.memory_space<vmem>>, vector<16xf32>,
        %exp3A_3635 = math.exp %get3A_3631 : vector<16xf32>
        %add3A_3636 = arith.addf %add3A_3616, %exp3A_3635 : vector<16xf32>
        %mul3A_3637 = arith.mulf %get3A_3634, %get3A_3631 : vector<16xf32>
        %add3A_3638 = arith.addf %add3A_3618, %mul3A_3637 : vector<16xf32>
        %get3A_3639 = arith.index_cast %scan3A_3447 : i32 to index
        %get3A_3640 = arith.constant 304 : index
        %get3A_3641 = tpu.vector_load %arg9[%get3A_3639, %get3A_3640] {strides = array<i32>} : memref<16x1000xf32, #tpu.memory_space<vmem>>, vector<16xf32>,
        %get3A_3642 = arith.index_cast %scan3A_3447 : i32 to index
        %get3A_3643 = arith.constant 304 : index
        %get3A_3644 = tpu.vector_load %arg11[%get3A_3642, %get3A_3643] {strides = array<i32>} : memref<16x1024xf32, #tpu.memory_space<vmem>>, vector<16xf32>,
        %exp3A_3645 = math.exp %get3A_3641 : vector<16xf32>
        %add3A_3646 = arith.addf %add3A_3626, %exp3A_3645 : vector<16xf32>
        %mul3A_3647 = arith.mulf %get3A_3644, %get3A_3641 : vector<16xf32>
        %add3A_3648 = arith.addf %add3A_3628, %mul3A_3647 : vector<16xf32>
        %get3A_3649 = arith.index_cast %scan3A_3447 : i32 to index
        %get3A_3650 = arith.constant 320 : index
        %get3A_3651 = tpu.vector_load %arg9[%get3A_3649, %get3A_3650] {strides = array<i32>} : memref<16x1000xf32, #tpu.memory_space<vmem>>, vector<16xf32>,
        %get3A_3652 = arith.index_cast %scan3A_3447 : i32 to index
        %get3A_3653 = arith.constant 320 : index
        %get3A_3654 = tpu.vector_load %arg11[%get3A_3652, %get3A_3653] {strides = array<i32>} : memref<16x1024xf32, #tpu.memory_space<vmem>>, vector<16xf32>,
        %exp3A_3655 = math.exp %get3A_3651 : vector<16xf32>
        %add3A_3656 = arith.addf %add3A_3636, %exp3A_3655 : vector<16xf32>
        %mul3A_3657 = arith.mulf %get3A_3654, %get3A_3651 : vector<16xf32>
        %add3A_3658 = arith.addf %add3A_3638, %mul3A_3657 : vector<16xf32>
        %get3A_3659 = arith.index_cast %scan3A_3447 : i32 to index
        %get3A_3660 = arith.constant 336 : index
        %get3A_3661 = tpu.vector_load %arg9[%get3A_3659, %get3A_3660] {strides = array<i32>} : memref<16x1000xf32, #tpu.memory_space<vmem>>, vector<16xf32>,
        %get3A_3662 = arith.index_cast %scan3A_3447 : i32 to index
        %get3A_3663 = arith.constant 336 : index
        %get3A_3664 = tpu.vector_load %arg11[%get3A_3662, %get3A_3663] {strides = array<i32>} : memref<16x1024xf32, #tpu.memory_space<vmem>>, vector<16xf32>,
        %exp3A_3665 = math.exp %get3A_3661 : vector<16xf32>
        %add3A_3666 = arith.addf %add3A_3646, %exp3A_3665 : vector<16xf32>
        %mul3A_3667 = arith.mulf %get3A_3664, %get3A_3661 : vector<16xf32>
        %add3A_3668 = arith.addf %add3A_3648, %mul3A_3667 : vector<16xf32>
        %get3A_3669 = arith.index_cast %scan3A_3447 : i32 to index
        %get3A_3670 = arith.constant 352 : index
        %get3A_3671 = tpu.vector_load %arg9[%get3A_3669, %get3A_3670] {strides = array<i32>} : memref<16x1000xf32, #tpu.memory_space<vmem>>, vector<16xf32>,
        %get3A_3672 = arith.index_cast %scan3A_3447 : i32 to index
        %get3A_3673 = arith.constant 352 : index
        %get3A_3674 = tpu.vector_load %arg11[%get3A_3672, %get3A_3673] {strides = array<i32>} : memref<16x1024xf32, #tpu.memory_space<vmem>>, vector<16xf32>,
        %exp3A_3675 = math.exp %get3A_3671 : vector<16xf32>
        %add3A_3676 = arith.addf %add3A_3656, %exp3A_3675 : vector<16xf32>
        %mul3A_3677 = arith.mulf %get3A_3674, %get3A_3671 : vector<16xf32>
        %add3A_3678 = arith.addf %add3A_3658, %mul3A_3677 : vector<16xf32>
        %get3A_3679 = arith.index_cast %scan3A_3447 : i32 to index
        %get3A_3680 = arith.constant 368 : index
        %get3A_3681 = tpu.vector_load %arg9[%get3A_3679, %get3A_3680] {strides = array<i32>} : memref<16x1000xf32, #tpu.memory_space<vmem>>, vector<16xf32>,
        %get3A_3682 = arith.index_cast %scan3A_3447 : i32 to index
        %get3A_3683 = arith.constant 368 : index
        %get3A_3684 = tpu.vector_load %arg11[%get3A_3682, %get3A_3683] {strides = array<i32>} : memref<16x1024xf32, #tpu.memory_space<vmem>>, vector<16xf32>,
        %exp3A_3685 = math.exp %get3A_3681 : vector<16xf32>
        %add3A_3686 = arith.addf %add3A_3666, %exp3A_3685 : vector<16xf32>
        %mul3A_3687 = arith.mulf %get3A_3684, %get3A_3681 : vector<16xf32>
        %add3A_3688 = arith.addf %add3A_3668, %mul3A_3687 : vector<16xf32>
        %get3A_3689 = arith.index_cast %scan3A_3447 : i32 to index
        %get3A_3690 = arith.constant 384 : index
        %get3A_3691 = tpu.vector_load %arg9[%get3A_3689, %get3A_3690] {strides = array<i32>} : memref<16x1000xf32, #tpu.memory_space<vmem>>, vector<16xf32>,
        %get3A_3692 = arith.index_cast %scan3A_3447 : i32 to index
        %get3A_3693 = arith.constant 384 : index
        %get3A_3694 = tpu.vector_load %arg11[%get3A_3692, %get3A_3693] {strides = array<i32>} : memref<16x1024xf32, #tpu.memory_space<vmem>>, vector<16xf32>,
        %exp3A_3695 = math.exp %get3A_3691 : vector<16xf32>
        %add3A_3696 = arith.addf %add3A_3676, %exp3A_3695 : vector<16xf32>
        %mul3A_3697 = arith.mulf %get3A_3694, %get3A_3691 : vector<16xf32>
        %add3A_3698 = arith.addf %add3A_3678, %mul3A_3697 : vector<16xf32>
        %get3A_3699 = arith.index_cast %scan3A_3447 : i32 to index
        %get3A_3700 = arith.constant 400 : index
        %get3A_3701 = tpu.vector_load %arg9[%get3A_3699, %get3A_3700] {strides = array<i32>} : memref<16x1000xf32, #tpu.memory_space<vmem>>, vector<16xf32>,
        %get3A_3702 = arith.index_cast %scan3A_3447 : i32 to index
        %get3A_3703 = arith.constant 400 : index
        %get3A_3704 = tpu.vector_load %arg11[%get3A_3702, %get3A_3703] {strides = array<i32>} : memref<16x1024xf32, #tpu.memory_space<vmem>>, vector<16xf32>,
        %exp3A_3705 = math.exp %get3A_3701 : vector<16xf32>
        %add3A_3706 = arith.addf %add3A_3686, %exp3A_3705 : vector<16xf32>
        %mul3A_3707 = arith.mulf %get3A_3704, %get3A_3701 : vector<16xf32>
        %add3A_3708 = arith.addf %add3A_3688, %mul3A_3707 : vector<16xf32>
        %get3A_3709 = arith.index_cast %scan3A_3447 : i32 to index
        %get3A_3710 = arith.constant 416 : index
        %get3A_3711 = tpu.vector_load %arg9[%get3A_3709, %get3A_3710] {strides = array<i32>} : memref<16x1000xf32, #tpu.memory_space<vmem>>, vector<16xf32>,
        %get3A_3712 = arith.index_cast %scan3A_3447 : i32 to index
        %get3A_3713 = arith.constant 416 : index
        %get3A_3714 = tpu.vector_load %arg11[%get3A_3712, %get3A_3713] {strides = array<i32>} : memref<16x1024xf32, #tpu.memory_space<vmem>>, vector<16xf32>,
        %exp3A_3715 = math.exp %get3A_3711 : vector<16xf32>
        %add3A_3716 = arith.addf %add3A_3696, %exp3A_3715 : vector<16xf32>
        %mul3A_3717 = arith.mulf %get3A_3714, %get3A_3711 : vector<16xf32>
        %add3A_3718 = arith.addf %add3A_3698, %mul3A_3717 : vector<16xf32>
        %get3A_3719 = arith.index_cast %scan3A_3447 : i32 to index
        %get3A_3720 = arith.constant 432 : index
        %get3A_3721 = tpu.vector_load %arg9[%get3A_3719, %get3A_3720] {strides = array<i32>} : memref<16x1000xf32, #tpu.memory_space<vmem>>, vector<16xf32>,
        %get3A_3722 = arith.index_cast %scan3A_3447 : i32 to index
        %get3A_3723 = arith.constant 432 : index
        %get3A_3724 = tpu.vector_load %arg11[%get3A_3722, %get3A_3723] {strides = array<i32>} : memref<16x1024xf32, #tpu.memory_space<vmem>>, vector<16xf32>,
        %exp3A_3725 = math.exp %get3A_3721 : vector<16xf32>
        %add3A_3726 = arith.addf %add3A_3706, %exp3A_3725 : vector<16xf32>
        %mul3A_3727 = arith.mulf %get3A_3724, %get3A_3721 : vector<16xf32>
        %add3A_3728 = arith.addf %add3A_3708, %mul3A_3727 : vector<16xf32>
        %get3A_3729 = arith.index_cast %scan3A_3447 : i32 to index
        %get3A_3730 = arith.constant 448 : index
        %get3A_3731 = tpu.vector_load %arg9[%get3A_3729, %get3A_3730] {strides = array<i32>} : memref<16x1000xf32, #tpu.memory_space<vmem>>, vector<16xf32>,
        %get3A_3732 = arith.index_cast %scan3A_3447 : i32 to index
        %get3A_3733 = arith.constant 448 : index
        %get3A_3734 = tpu.vector_load %arg11[%get3A_3732, %get3A_3733] {strides = array<i32>} : memref<16x1024xf32, #tpu.memory_space<vmem>>, vector<16xf32>,
        %exp3A_3735 = math.exp %get3A_3731 : vector<16xf32>
        %add3A_3736 = arith.addf %add3A_3716, %exp3A_3735 : vector<16xf32>
        %mul3A_3737 = arith.mulf %get3A_3734, %get3A_3731 : vector<16xf32>
        %add3A_3738 = arith.addf %add3A_3718, %mul3A_3737 : vector<16xf32>
        %get3A_3739 = arith.index_cast %scan3A_3447 : i32 to index
        %get3A_3740 = arith.constant 464 : index
        %get3A_3741 = tpu.vector_load %arg9[%get3A_3739, %get3A_3740] {strides = array<i32>} : memref<16x1000xf32, #tpu.memory_space<vmem>>, vector<16xf32>,
        %get3A_3742 = arith.index_cast %scan3A_3447 : i32 to index
        %get3A_3743 = arith.constant 464 : index
        %get3A_3744 = tpu.vector_load %arg11[%get3A_3742, %get3A_3743] {strides = array<i32>} : memref<16x1024xf32, #tpu.memory_space<vmem>>, vector<16xf32>,
        %exp3A_3745 = math.exp %get3A_3741 : vector<16xf32>
        %add3A_3746 = arith.addf %add3A_3726, %exp3A_3745 : vector<16xf32>
        %mul3A_3747 = arith.mulf %get3A_3744, %get3A_3741 : vector<16xf32>
        %add3A_3748 = arith.addf %add3A_3728, %mul3A_3747 : vector<16xf32>
        %get3A_3749 = arith.index_cast %scan3A_3447 : i32 to index
        %get3A_3750 = arith.constant 480 : index
        %get3A_3751 = tpu.vector_load %arg9[%get3A_3749, %get3A_3750] {strides = array<i32>} : memref<16x1000xf32, #tpu.memory_space<vmem>>, vector<16xf32>,
        %get3A_3752 = arith.index_cast %scan3A_3447 : i32 to index
        %get3A_3753 = arith.constant 480 : index
        %get3A_3754 = tpu.vector_load %arg11[%get3A_3752, %get3A_3753] {strides = array<i32>} : memref<16x1024xf32, #tpu.memory_space<vmem>>, vector<16xf32>,
        %exp3A_3755 = math.exp %get3A_3751 : vector<16xf32>
        %add3A_3756 = arith.addf %add3A_3736, %exp3A_3755 : vector<16xf32>
        %mul3A_3757 = arith.mulf %get3A_3754, %get3A_3751 : vector<16xf32>
        %add3A_3758 = arith.addf %add3A_3738, %mul3A_3757 : vector<16xf32>
        %get3A_3759 = arith.index_cast %scan3A_3447 : i32 to index
        %get3A_3760 = arith.constant 496 : index
        %get3A_3761 = tpu.vector_load %arg9[%get3A_3759, %get3A_3760] {strides = array<i32>} : memref<16x1000xf32, #tpu.memory_space<vmem>>, vector<16xf32>,
        %get3A_3762 = arith.index_cast %scan3A_3447 : i32 to index
        %get3A_3763 = arith.constant 496 : index
        %get3A_3764 = tpu.vector_load %arg11[%get3A_3762, %get3A_3763] {strides = array<i32>} : memref<16x1024xf32, #tpu.memory_space<vmem>>, vector<16xf32>,
        %exp3A_3765 = math.exp %get3A_3761 : vector<16xf32>
        %add3A_3766 = arith.addf %add3A_3746, %exp3A_3765 : vector<16xf32>
        %mul3A_3767 = arith.mulf %get3A_3764, %get3A_3761 : vector<16xf32>
        %add3A_3768 = arith.addf %add3A_3748, %mul3A_3767 : vector<16xf32>
        %get3A_3769 = arith.index_cast %scan3A_3447 : i32 to index
        %get3A_3770 = arith.constant 512 : index
        %get3A_3771 = tpu.vector_load %arg9[%get3A_3769, %get3A_3770] {strides = array<i32>} : memref<16x1000xf32, #tpu.memory_space<vmem>>, vector<16xf32>,
        %get3A_3772 = arith.index_cast %scan3A_3447 : i32 to index
        %get3A_3773 = arith.constant 512 : index
        %get3A_3774 = tpu.vector_load %arg11[%get3A_3772, %get3A_3773] {strides = array<i32>} : memref<16x1024xf32, #tpu.memory_space<vmem>>, vector<16xf32>,
        %exp3A_3775 = math.exp %get3A_3771 : vector<16xf32>
        %add3A_3776 = arith.addf %add3A_3756, %exp3A_3775 : vector<16xf32>
        %mul3A_3777 = arith.mulf %get3A_3774, %get3A_3771 : vector<16xf32>
        %add3A_3778 = arith.addf %add3A_3758, %mul3A_3777 : vector<16xf32>
        %get3A_3779 = arith.index_cast %scan3A_3447 : i32 to index
        %get3A_3780 = arith.constant 528 : index
        %get3A_3781 = tpu.vector_load %arg9[%get3A_3779, %get3A_3780] {strides = array<i32>} : memref<16x1000xf32, #tpu.memory_space<vmem>>, vector<16xf32>,
        %get3A_3782 = arith.index_cast %scan3A_3447 : i32 to index
        %get3A_3783 = arith.constant 528 : index
        %get3A_3784 = tpu.vector_load %arg11[%get3A_3782, %get3A_3783] {strides = array<i32>} : memref<16x1024xf32, #tpu.memory_space<vmem>>, vector<16xf32>,
        %exp3A_3785 = math.exp %get3A_3781 : vector<16xf32>
        %add3A_3786 = arith.addf %add3A_3766, %exp3A_3785 : vector<16xf32>
        %mul3A_3787 = arith.mulf %get3A_3784, %get3A_3781 : vector<16xf32>
        %add3A_3788 = arith.addf %add3A_3768, %mul3A_3787 : vector<16xf32>
        %get3A_3789 = arith.index_cast %scan3A_3447 : i32 to index
        %get3A_3790 = arith.constant 544 : index
        %get3A_3791 = tpu.vector_load %arg9[%get3A_3789, %get3A_3790] {strides = array<i32>} : memref<16x1000xf32, #tpu.memory_space<vmem>>, vector<16xf32>,
        %get3A_3792 = arith.index_cast %scan3A_3447 : i32 to index
        %get3A_3793 = arith.constant 544 : index
        %get3A_3794 = tpu.vector_load %arg11[%get3A_3792, %get3A_3793] {strides = array<i32>} : memref<16x1024xf32, #tpu.memory_space<vmem>>, vector<16xf32>,
        %exp3A_3795 = math.exp %get3A_3791 : vector<16xf32>
        %add3A_3796 = arith.addf %add3A_3776, %exp3A_3795 : vector<16xf32>
        %mul3A_3797 = arith.mulf %get3A_3794, %get3A_3791 : vector<16xf32>
        %add3A_3798 = arith.addf %add3A_3778, %mul3A_3797 : vector<16xf32>
        %get3A_3799 = arith.index_cast %scan3A_3447 : i32 to index
        %get3A_3800 = arith.constant 560 : index
        %get3A_3801 = tpu.vector_load %arg9[%get3A_3799, %get3A_3800] {strides = array<i32>} : memref<16x1000xf32, #tpu.memory_space<vmem>>, vector<16xf32>,
        %get3A_3802 = arith.index_cast %scan3A_3447 : i32 to index
        %get3A_3803 = arith.constant 560 : index
        %get3A_3804 = tpu.vector_load %arg11[%get3A_3802, %get3A_3803] {strides = array<i32>} : memref<16x1024xf32, #tpu.memory_space<vmem>>, vector<16xf32>,
        %exp3A_3805 = math.exp %get3A_3801 : vector<16xf32>
        %add3A_3806 = arith.addf %add3A_3786, %exp3A_3805 : vector<16xf32>
        %mul3A_3807 = arith.mulf %get3A_3804, %get3A_3801 : vector<16xf32>
        %add3A_3808 = arith.addf %add3A_3788, %mul3A_3807 : vector<16xf32>
        %get3A_3809 = arith.index_cast %scan3A_3447 : i32 to index
        %get3A_3810 = arith.constant 576 : index
        %get3A_3811 = tpu.vector_load %arg9[%get3A_3809, %get3A_3810] {strides = array<i32>} : memref<16x1000xf32, #tpu.memory_space<vmem>>, vector<16xf32>,
        %get3A_3812 = arith.index_cast %scan3A_3447 : i32 to index
        %get3A_3813 = arith.constant 576 : index
        %get3A_3814 = tpu.vector_load %arg11[%get3A_3812, %get3A_3813] {strides = array<i32>} : memref<16x1024xf32, #tpu.memory_space<vmem>>, vector<16xf32>,
        %exp3A_3815 = math.exp %get3A_3811 : vector<16xf32>
        %add3A_3816 = arith.addf %add3A_3796, %exp3A_3815 : vector<16xf32>
        %mul3A_3817 = arith.mulf %get3A_3814, %get3A_3811 : vector<16xf32>
        %add3A_3818 = arith.addf %add3A_3798, %mul3A_3817 : vector<16xf32>
        %get3A_3819 = arith.index_cast %scan3A_3447 : i32 to index
        %get3A_3820 = arith.constant 592 : index
        %get3A_3821 = tpu.vector_load %arg9[%get3A_3819, %get3A_3820] {strides = array<i32>} : memref<16x1000xf32, #tpu.memory_space<vmem>>, vector<16xf32>,
        %get3A_3822 = arith.index_cast %scan3A_3447 : i32 to index
        %get3A_3823 = arith.constant 592 : index
        %get3A_3824 = tpu.vector_load %arg11[%get3A_3822, %get3A_3823] {strides = array<i32>} : memref<16x1024xf32, #tpu.memory_space<vmem>>, vector<16xf32>,
        %exp3A_3825 = math.exp %get3A_3821 : vector<16xf32>
        %add3A_3826 = arith.addf %add3A_3806, %exp3A_3825 : vector<16xf32>
        %mul3A_3827 = arith.mulf %get3A_3824, %get3A_3821 : vector<16xf32>
        %add3A_3828 = arith.addf %add3A_3808, %mul3A_3827 : vector<16xf32>
        %get3A_3829 = arith.index_cast %scan3A_3447 : i32 to index
        %get3A_3830 = arith.constant 608 : index
        %get3A_3831 = tpu.vector_load %arg9[%get3A_3829, %get3A_3830] {strides = array<i32>} : memref<16x1000xf32, #tpu.memory_space<vmem>>, vector<16xf32>,
        %get3A_3832 = arith.index_cast %scan3A_3447 : i32 to index
        %get3A_3833 = arith.constant 608 : index
        %get3A_3834 = tpu.vector_load %arg11[%get3A_3832, %get3A_3833] {strides = array<i32>} : memref<16x1024xf32, #tpu.memory_space<vmem>>, vector<16xf32>,
        %exp3A_3835 = math.exp %get3A_3831 : vector<16xf32>
        %add3A_3836 = arith.addf %add3A_3816, %exp3A_3835 : vector<16xf32>
        %mul3A_3837 = arith.mulf %get3A_3834, %get3A_3831 : vector<16xf32>
        %add3A_3838 = arith.addf %add3A_3818, %mul3A_3837 : vector<16xf32>
        %get3A_3839 = arith.index_cast %scan3A_3447 : i32 to index
        %get3A_3840 = arith.constant 624 : index
        %get3A_3841 = tpu.vector_load %arg9[%get3A_3839, %get3A_3840] {strides = array<i32>} : memref<16x1000xf32, #tpu.memory_space<vmem>>, vector<16xf32>,
        %get3A_3842 = arith.index_cast %scan3A_3447 : i32 to index
        %get3A_3843 = arith.constant 624 : index
        %get3A_3844 = tpu.vector_load %arg11[%get3A_3842, %get3A_3843] {strides = array<i32>} : memref<16x1024xf32, #tpu.memory_space<vmem>>, vector<16xf32>,
        %exp3A_3845 = math.exp %get3A_3841 : vector<16xf32>
        %add3A_3846 = arith.addf %add3A_3826, %exp3A_3845 : vector<16xf32>
        %mul3A_3847 = arith.mulf %get3A_3844, %get3A_3841 : vector<16xf32>
        %add3A_3848 = arith.addf %add3A_3828, %mul3A_3847 : vector<16xf32>
        %get3A_3849 = arith.index_cast %scan3A_3447 : i32 to index
        %get3A_3850 = arith.constant 640 : index
        %get3A_3851 = tpu.vector_load %arg9[%get3A_3849, %get3A_3850] {strides = array<i32>} : memref<16x1000xf32, #tpu.memory_space<vmem>>, vector<16xf32>,
        %get3A_3852 = arith.index_cast %scan3A_3447 : i32 to index
        %get3A_3853 = arith.constant 640 : index
        %get3A_3854 = tpu.vector_load %arg11[%get3A_3852, %get3A_3853] {strides = array<i32>} : memref<16x1024xf32, #tpu.memory_space<vmem>>, vector<16xf32>,
        %exp3A_3855 = math.exp %get3A_3851 : vector<16xf32>
        %add3A_3856 = arith.addf %add3A_3836, %exp3A_3855 : vector<16xf32>
        %mul3A_3857 = arith.mulf %get3A_3854, %get3A_3851 : vector<16xf32>
        %add3A_3858 = arith.addf %add3A_3838, %mul3A_3857 : vector<16xf32>
        %get3A_3859 = arith.index_cast %scan3A_3447 : i32 to index
        %get3A_3860 = arith.constant 656 : index
        %get3A_3861 = tpu.vector_load %arg9[%get3A_3859, %get3A_3860] {strides = array<i32>} : memref<16x1000xf32, #tpu.memory_space<vmem>>, vector<16xf32>,
        %get3A_3862 = arith.index_cast %scan3A_3447 : i32 to index
        %get3A_3863 = arith.constant 656 : index
        %get3A_3864 = tpu.vector_load %arg11[%get3A_3862, %get3A_3863] {strides = array<i32>} : memref<16x1024xf32, #tpu.memory_space<vmem>>, vector<16xf32>,
        %exp3A_3865 = math.exp %get3A_3861 : vector<16xf32>
        %add3A_3866 = arith.addf %add3A_3846, %exp3A_3865 : vector<16xf32>
        %mul3A_3867 = arith.mulf %get3A_3864, %get3A_3861 : vector<16xf32>
        %add3A_3868 = arith.addf %add3A_3848, %mul3A_3867 : vector<16xf32>
        %get3A_3869 = arith.index_cast %scan3A_3447 : i32 to index
        %get3A_3870 = arith.constant 672 : index
        %get3A_3871 = tpu.vector_load %arg9[%get3A_3869, %get3A_3870] {strides = array<i32>} : memref<16x1000xf32, #tpu.memory_space<vmem>>, vector<16xf32>,
        %get3A_3872 = arith.index_cast %scan3A_3447 : i32 to index
        %get3A_3873 = arith.constant 672 : index
        %get3A_3874 = tpu.vector_load %arg11[%get3A_3872, %get3A_3873] {strides = array<i32>} : memref<16x1024xf32, #tpu.memory_space<vmem>>, vector<16xf32>,
        %exp3A_3875 = math.exp %get3A_3871 : vector<16xf32>
        %add3A_3876 = arith.addf %add3A_3856, %exp3A_3875 : vector<16xf32>
        %mul3A_3877 = arith.mulf %get3A_3874, %get3A_3871 : vector<16xf32>
        %add3A_3878 = arith.addf %add3A_3858, %mul3A_3877 : vector<16xf32>
        %get3A_3879 = arith.index_cast %scan3A_3447 : i32 to index
        %get3A_3880 = arith.constant 688 : index
        %get3A_3881 = tpu.vector_load %arg9[%get3A_3879, %get3A_3880] {strides = array<i32>} : memref<16x1000xf32, #tpu.memory_space<vmem>>, vector<16xf32>,
        %get3A_3882 = arith.index_cast %scan3A_3447 : i32 to index
        %get3A_3883 = arith.constant 688 : index
        %get3A_3884 = tpu.vector_load %arg11[%get3A_3882, %get3A_3883] {strides = array<i32>} : memref<16x1024xf32, #tpu.memory_space<vmem>>, vector<16xf32>,
        %exp3A_3885 = math.exp %get3A_3881 : vector<16xf32>
        %add3A_3886 = arith.addf %add3A_3866, %exp3A_3885 : vector<16xf32>
        %mul3A_3887 = arith.mulf %get3A_3884, %get3A_3881 : vector<16xf32>
        %add3A_3888 = arith.addf %add3A_3868, %mul3A_3887 : vector<16xf32>
        %get3A_3889 = arith.index_cast %scan3A_3447 : i32 to index
        %get3A_3890 = arith.constant 704 : index
        %get3A_3891 = tpu.vector_load %arg9[%get3A_3889, %get3A_3890] {strides = array<i32>} : memref<16x1000xf32, #tpu.memory_space<vmem>>, vector<16xf32>,
        %get3A_3892 = arith.index_cast %scan3A_3447 : i32 to index
        %get3A_3893 = arith.constant 704 : index
        %get3A_3894 = tpu.vector_load %arg11[%get3A_3892, %get3A_3893] {strides = array<i32>} : memref<16x1024xf32, #tpu.memory_space<vmem>>, vector<16xf32>,
        %exp3A_3895 = math.exp %get3A_3891 : vector<16xf32>
        %add3A_3896 = arith.addf %add3A_3876, %exp3A_3895 : vector<16xf32>
        %mul3A_3897 = arith.mulf %get3A_3894, %get3A_3891 : vector<16xf32>
        %add3A_3898 = arith.addf %add3A_3878, %mul3A_3897 : vector<16xf32>
        %get3A_3899 = arith.index_cast %scan3A_3447 : i32 to index
        %get3A_3900 = arith.constant 720 : index
        %get3A_3901 = tpu.vector_load %arg9[%get3A_3899, %get3A_3900] {strides = array<i32>} : memref<16x1000xf32, #tpu.memory_space<vmem>>, vector<16xf32>,
        %get3A_3902 = arith.index_cast %scan3A_3447 : i32 to index
        %get3A_3903 = arith.constant 720 : index
        %get3A_3904 = tpu.vector_load %arg11[%get3A_3902, %get3A_3903] {strides = array<i32>} : memref<16x1024xf32, #tpu.memory_space<vmem>>, vector<16xf32>,
        %exp3A_3905 = math.exp %get3A_3901 : vector<16xf32>
        %add3A_3906 = arith.addf %add3A_3886, %exp3A_3905 : vector<16xf32>
        %mul3A_3907 = arith.mulf %get3A_3904, %get3A_3901 : vector<16xf32>
        %add3A_3908 = arith.addf %add3A_3888, %mul3A_3907 : vector<16xf32>
        %get3A_3909 = arith.index_cast %scan3A_3447 : i32 to index
        %get3A_3910 = arith.constant 736 : index
        %get3A_3911 = tpu.vector_load %arg9[%get3A_3909, %get3A_3910] {strides = array<i32>} : memref<16x1000xf32, #tpu.memory_space<vmem>>, vector<16xf32>,
        %get3A_3912 = arith.index_cast %scan3A_3447 : i32 to index
        %get3A_3913 = arith.constant 736 : index
        %get3A_3914 = tpu.vector_load %arg11[%get3A_3912, %get3A_3913] {strides = array<i32>} : memref<16x1024xf32, #tpu.memory_space<vmem>>, vector<16xf32>,
        %exp3A_3915 = math.exp %get3A_3911 : vector<16xf32>
        %add3A_3916 = arith.addf %add3A_3896, %exp3A_3915 : vector<16xf32>
        %mul3A_3917 = arith.mulf %get3A_3914, %get3A_3911 : vector<16xf32>
        %add3A_3918 = arith.addf %add3A_3898, %mul3A_3917 : vector<16xf32>
        %get3A_3919 = arith.index_cast %scan3A_3447 : i32 to index
        %get3A_3920 = arith.constant 752 : index
        %get3A_3921 = tpu.vector_load %arg9[%get3A_3919, %get3A_3920] {strides = array<i32>} : memref<16x1000xf32, #tpu.memory_space<vmem>>, vector<16xf32>,
        %get3A_3922 = arith.index_cast %scan3A_3447 : i32 to index
        %get3A_3923 = arith.constant 752 : index
        %get3A_3924 = tpu.vector_load %arg11[%get3A_3922, %get3A_3923] {strides = array<i32>} : memref<16x1024xf32, #tpu.memory_space<vmem>>, vector<16xf32>,
        %exp3A_3925 = math.exp %get3A_3921 : vector<16xf32>
        %add3A_3926 = arith.addf %add3A_3906, %exp3A_3925 : vector<16xf32>
        %mul3A_3927 = arith.mulf %get3A_3924, %get3A_3921 : vector<16xf32>
        %add3A_3928 = arith.addf %add3A_3908, %mul3A_3927 : vector<16xf32>
        %get3A_3929 = arith.index_cast %scan3A_3447 : i32 to index
        %get3A_3930 = arith.constant 768 : index
        %get3A_3931 = tpu.vector_load %arg9[%get3A_3929, %get3A_3930] {strides = array<i32>} : memref<16x1000xf32, #tpu.memory_space<vmem>>, vector<16xf32>,
        %get3A_3932 = arith.index_cast %scan3A_3447 : i32 to index
        %get3A_3933 = arith.constant 768 : index
        %get3A_3934 = tpu.vector_load %arg11[%get3A_3932, %get3A_3933] {strides = array<i32>} : memref<16x1024xf32, #tpu.memory_space<vmem>>, vector<16xf32>,
        %exp3A_3935 = math.exp %get3A_3931 : vector<16xf32>
        %add3A_3936 = arith.addf %add3A_3916, %exp3A_3935 : vector<16xf32>
        %mul3A_3937 = arith.mulf %get3A_3934, %get3A_3931 : vector<16xf32>
        %add3A_3938 = arith.addf %add3A_3918, %mul3A_3937 : vector<16xf32>
        %get3A_3939 = arith.index_cast %scan3A_3447 : i32 to index
        %get3A_3940 = arith.constant 784 : index
        %get3A_3941 = tpu.vector_load %arg9[%get3A_3939, %get3A_3940] {strides = array<i32>} : memref<16x1000xf32, #tpu.memory_space<vmem>>, vector<16xf32>,
        %get3A_3942 = arith.index_cast %scan3A_3447 : i32 to index
        %get3A_3943 = arith.constant 784 : index
        %get3A_3944 = tpu.vector_load %arg11[%get3A_3942, %get3A_3943] {strides = array<i32>} : memref<16x1024xf32, #tpu.memory_space<vmem>>, vector<16xf32>,
        %exp3A_3945 = math.exp %get3A_3941 : vector<16xf32>
        %add3A_3946 = arith.addf %add3A_3926, %exp3A_3945 : vector<16xf32>
        %mul3A_3947 = arith.mulf %get3A_3944, %get3A_3941 : vector<16xf32>
        %add3A_3948 = arith.addf %add3A_3928, %mul3A_3947 : vector<16xf32>
        %get3A_3949 = arith.index_cast %scan3A_3447 : i32 to index
        %get3A_3950 = arith.constant 800 : index
        %get3A_3951 = tpu.vector_load %arg9[%get3A_3949, %get3A_3950] {strides = array<i32>} : memref<16x1000xf32, #tpu.memory_space<vmem>>, vector<16xf32>,
        %get3A_3952 = arith.index_cast %scan3A_3447 : i32 to index
        %get3A_3953 = arith.constant 800 : index
        %get3A_3954 = tpu.vector_load %arg11[%get3A_3952, %get3A_3953] {strides = array<i32>} : memref<16x1024xf32, #tpu.memory_space<vmem>>, vector<16xf32>,
        %exp3A_3955 = math.exp %get3A_3951 : vector<16xf32>
        %add3A_3956 = arith.addf %add3A_3936, %exp3A_3955 : vector<16xf32>
        %mul3A_3957 = arith.mulf %get3A_3954, %get3A_3951 : vector<16xf32>
        %add3A_3958 = arith.addf %add3A_3938, %mul3A_3957 : vector<16xf32>
        %get3A_3959 = arith.index_cast %scan3A_3447 : i32 to index
        %get3A_3960 = arith.constant 816 : index
        %get3A_3961 = tpu.vector_load %arg9[%get3A_3959, %get3A_3960] {strides = array<i32>} : memref<16x1000xf32, #tpu.memory_space<vmem>>, vector<16xf32>,
        %get3A_3962 = arith.index_cast %scan3A_3447 : i32 to index
        %get3A_3963 = arith.constant 816 : index
        %get3A_3964 = tpu.vector_load %arg11[%get3A_3962, %get3A_3963] {strides = array<i32>} : memref<16x1024xf32, #tpu.memory_space<vmem>>, vector<16xf32>,
        %exp3A_3965 = math.exp %get3A_3961 : vector<16xf32>
        %add3A_3966 = arith.addf %add3A_3946, %exp3A_3965 : vector<16xf32>
        %mul3A_3967 = arith.mulf %get3A_3964, %get3A_3961 : vector<16xf32>
        %add3A_3968 = arith.addf %add3A_3948, %mul3A_3967 : vector<16xf32>
        %get3A_3969 = arith.index_cast %scan3A_3447 : i32 to index
        %get3A_3970 = arith.constant 832 : index
        %get3A_3971 = tpu.vector_load %arg9[%get3A_3969, %get3A_3970] {strides = array<i32>} : memref<16x1000xf32, #tpu.memory_space<vmem>>, vector<16xf32>,
        %get3A_3972 = arith.index_cast %scan3A_3447 : i32 to index
        %get3A_3973 = arith.constant 832 : index
        %get3A_3974 = tpu.vector_load %arg11[%get3A_3972, %get3A_3973] {strides = array<i32>} : memref<16x1024xf32, #tpu.memory_space<vmem>>, vector<16xf32>,
        %exp3A_3975 = math.exp %get3A_3971 : vector<16xf32>
        %add3A_3976 = arith.addf %add3A_3956, %exp3A_3975 : vector<16xf32>
        %mul3A_3977 = arith.mulf %get3A_3974, %get3A_3971 : vector<16xf32>
        %add3A_3978 = arith.addf %add3A_3958, %mul3A_3977 : vector<16xf32>
        %get3A_3979 = arith.index_cast %scan3A_3447 : i32 to index
        %get3A_3980 = arith.constant 848 : index
        %get3A_3981 = tpu.vector_load %arg9[%get3A_3979, %get3A_3980] {strides = array<i32>} : memref<16x1000xf32, #tpu.memory_space<vmem>>, vector<16xf32>,
        %get3A_3982 = arith.index_cast %scan3A_3447 : i32 to index
        %get3A_3983 = arith.constant 848 : index
        %get3A_3984 = tpu.vector_load %arg11[%get3A_3982, %get3A_3983] {strides = array<i32>} : memref<16x1024xf32, #tpu.memory_space<vmem>>, vector<16xf32>,
        %exp3A_3985 = math.exp %get3A_3981 : vector<16xf32>
        %add3A_3986 = arith.addf %add3A_3966, %exp3A_3985 : vector<16xf32>
        %mul3A_3987 = arith.mulf %get3A_3984, %get3A_3981 : vector<16xf32>
        %add3A_3988 = arith.addf %add3A_3968, %mul3A_3987 : vector<16xf32>
        %get3A_3989 = arith.index_cast %scan3A_3447 : i32 to index
        %get3A_3990 = arith.constant 864 : index
        %get3A_3991 = tpu.vector_load %arg9[%get3A_3989, %get3A_3990] {strides = array<i32>} : memref<16x1000xf32, #tpu.memory_space<vmem>>, vector<16xf32>,
        %get3A_3992 = arith.index_cast %scan3A_3447 : i32 to index
        %get3A_3993 = arith.constant 864 : index
        %get3A_3994 = tpu.vector_load %arg11[%get3A_3992, %get3A_3993] {strides = array<i32>} : memref<16x1024xf32, #tpu.memory_space<vmem>>, vector<16xf32>,
        %exp3A_3995 = math.exp %get3A_3991 : vector<16xf32>
        %add3A_3996 = arith.addf %add3A_3976, %exp3A_3995 : vector<16xf32>
        %mul3A_3997 = arith.mulf %get3A_3994, %get3A_3991 : vector<16xf32>
        %add3A_3998 = arith.addf %add3A_3978, %mul3A_3997 : vector<16xf32>
        %get3A_3999 = arith.index_cast %scan3A_3447 : i32 to index
        %get3A_4000 = arith.constant 880 : index
        %get3A_4001 = tpu.vector_load %arg9[%get3A_3999, %get3A_4000] {strides = array<i32>} : memref<16x1000xf32, #tpu.memory_space<vmem>>, vector<16xf32>,
        %get3A_4002 = arith.index_cast %scan3A_3447 : i32 to index
        %get3A_4003 = arith.constant 880 : index
        %get3A_4004 = tpu.vector_load %arg11[%get3A_4002, %get3A_4003] {strides = array<i32>} : memref<16x1024xf32, #tpu.memory_space<vmem>>, vector<16xf32>,
        %exp3A_4005 = math.exp %get3A_4001 : vector<16xf32>
        %add3A_4006 = arith.addf %add3A_3986, %exp3A_4005 : vector<16xf32>
        %mul3A_4007 = arith.mulf %get3A_4004, %get3A_4001 : vector<16xf32>
        %add3A_4008 = arith.addf %add3A_3988, %mul3A_4007 : vector<16xf32>
        %get3A_4009 = arith.index_cast %scan3A_3447 : i32 to index
        %get3A_4010 = arith.constant 896 : index
        %get3A_4011 = tpu.vector_load %arg9[%get3A_4009, %get3A_4010] {strides = array<i32>} : memref<16x1000xf32, #tpu.memory_space<vmem>>, vector<16xf32>,
        %get3A_4012 = arith.index_cast %scan3A_3447 : i32 to index
        %get3A_4013 = arith.constant 896 : index
        %get3A_4014 = tpu.vector_load %arg11[%get3A_4012, %get3A_4013] {strides = array<i32>} : memref<16x1024xf32, #tpu.memory_space<vmem>>, vector<16xf32>,
        %exp3A_4015 = math.exp %get3A_4011 : vector<16xf32>
        %add3A_4016 = arith.addf %add3A_3996, %exp3A_4015 : vector<16xf32>
        %mul3A_4017 = arith.mulf %get3A_4014, %get3A_4011 : vector<16xf32>
        %add3A_4018 = arith.addf %add3A_3998, %mul3A_4017 : vector<16xf32>
        %get3A_4019 = arith.index_cast %scan3A_3447 : i32 to index
        %get3A_4020 = arith.constant 912 : index
        %get3A_4021 = tpu.vector_load %arg9[%get3A_4019, %get3A_4020] {strides = array<i32>} : memref<16x1000xf32, #tpu.memory_space<vmem>>, vector<16xf32>,
        %get3A_4022 = arith.index_cast %scan3A_3447 : i32 to index
        %get3A_4023 = arith.constant 912 : index
        %get3A_4024 = tpu.vector_load %arg11[%get3A_4022, %get3A_4023] {strides = array<i32>} : memref<16x1024xf32, #tpu.memory_space<vmem>>, vector<16xf32>,
        %exp3A_4025 = math.exp %get3A_4021 : vector<16xf32>
        %add3A_4026 = arith.addf %add3A_4006, %exp3A_4025 : vector<16xf32>
        %mul3A_4027 = arith.mulf %get3A_4024, %get3A_4021 : vector<16xf32>
        %add3A_4028 = arith.addf %add3A_4008, %mul3A_4027 : vector<16xf32>
        %get3A_4029 = arith.index_cast %scan3A_3447 : i32 to index
        %get3A_4030 = arith.constant 928 : index
        %get3A_4031 = tpu.vector_load %arg9[%get3A_4029, %get3A_4030] {strides = array<i32>} : memref<16x1000xf32, #tpu.memory_space<vmem>>, vector<16xf32>,
        %get3A_4032 = arith.index_cast %scan3A_3447 : i32 to index
        %get3A_4033 = arith.constant 928 : index
        %get3A_4034 = tpu.vector_load %arg11[%get3A_4032, %get3A_4033] {strides = array<i32>} : memref<16x1024xf32, #tpu.memory_space<vmem>>, vector<16xf32>,
        %exp3A_4035 = math.exp %get3A_4031 : vector<16xf32>
        %add3A_4036 = arith.addf %add3A_4016, %exp3A_4035 : vector<16xf32>
        %mul3A_4037 = arith.mulf %get3A_4034, %get3A_4031 : vector<16xf32>
        %add3A_4038 = arith.addf %add3A_4018, %mul3A_4037 : vector<16xf32>
        %get3A_4039 = arith.index_cast %scan3A_3447 : i32 to index
        %get3A_4040 = arith.constant 944 : index
        %get3A_4041 = tpu.vector_load %arg9[%get3A_4039, %get3A_4040] {strides = array<i32>} : memref<16x1000xf32, #tpu.memory_space<vmem>>, vector<16xf32>,
        %get3A_4042 = arith.index_cast %scan3A_3447 : i32 to index
        %get3A_4043 = arith.constant 944 : index
        %get3A_4044 = tpu.vector_load %arg11[%get3A_4042, %get3A_4043] {strides = array<i32>} : memref<16x1024xf32, #tpu.memory_space<vmem>>, vector<16xf32>,
        %exp3A_4045 = math.exp %get3A_4041 : vector<16xf32>
        %add3A_4046 = arith.addf %add3A_4026, %exp3A_4045 : vector<16xf32>
        %mul3A_4047 = arith.mulf %get3A_4044, %get3A_4041 : vector<16xf32>
        %add3A_4048 = arith.addf %add3A_4028, %mul3A_4047 : vector<16xf32>
        %get3A_4049 = arith.index_cast %scan3A_3447 : i32 to index
        %get3A_4050 = arith.constant 960 : index
        %get3A_4051 = tpu.vector_load %arg9[%get3A_4049, %get3A_4050] {strides = array<i32>} : memref<16x1000xf32, #tpu.memory_space<vmem>>, vector<16xf32>,
        %get3A_4052 = arith.index_cast %scan3A_3447 : i32 to index
        %get3A_4053 = arith.constant 960 : index
        %get3A_4054 = tpu.vector_load %arg11[%get3A_4052, %get3A_4053] {strides = array<i32>} : memref<16x1024xf32, #tpu.memory_space<vmem>>, vector<16xf32>,
        %exp3A_4055 = math.exp %get3A_4051 : vector<16xf32>
        %add3A_4056 = arith.addf %add3A_4036, %exp3A_4055 : vector<16xf32>
        %mul3A_4057 = arith.mulf %get3A_4054, %get3A_4051 : vector<16xf32>
        %add3A_4058 = arith.addf %add3A_4038, %mul3A_4057 : vector<16xf32>
        %get3A_4059 = arith.index_cast %scan3A_3447 : i32 to index
        %get3A_4060 = arith.constant 976 : index
        %get3A_4061 = tpu.vector_load %arg9[%get3A_4059, %get3A_4060] {strides = array<i32>} : memref<16x1000xf32, #tpu.memory_space<vmem>>, vector<16xf32>,
        %get3A_4062 = arith.index_cast %scan3A_3447 : i32 to index
        %get3A_4063 = arith.constant 976 : index
        %get3A_4064 = tpu.vector_load %arg11[%get3A_4062, %get3A_4063] {strides = array<i32>} : memref<16x1024xf32, #tpu.memory_space<vmem>>, vector<16xf32>,
        %exp3A_4065 = math.exp %get3A_4061 : vector<16xf32>
        %add3A_4066 = arith.addf %add3A_4046, %exp3A_4065 : vector<16xf32>
        %mul3A_4067 = arith.mulf %get3A_4064, %get3A_4061 : vector<16xf32>
        %add3A_4068 = arith.addf %add3A_4048, %mul3A_4067 : vector<16xf32>
        %get3A_4069 = arith.index_cast %scan3A_3447 : i32 to index
        %get3A_4070 = arith.constant 984 : index
        %get3A_4071 = tpu.vector_load %arg9[%get3A_4069, %get3A_4070] {strides = array<i32>} : memref<16x1000xf32, #tpu.memory_space<vmem>>, vector<16xf32>,
        %get3A_4072 = arith.index_cast %scan3A_3447 : i32 to index
        %get3A_4073 = arith.constant 984 : index
        %get3A_4074 = tpu.vector_load %arg11[%get3A_4072, %get3A_4073] {strides = array<i32>} : memref<16x1024xf32, #tpu.memory_space<vmem>>, vector<16xf32>,
        %ge3A = arith.constant 8 : i32
        %ge3A_4075 = vector.broadcast %ge3A : i32 to vector<16xi32>
        %ge3A_4076 = arith.cmpi sge, %iota3A, %ge3A_4075 : vector<16xi32>
        %exp3A_4077 = math.exp %get3A_4071 : vector<16xf32>
        %jit3A_4078 = arith.constant 0.000000e+00 : f32
        %broadcast_in_dim3A_4079 = vector.broadcast %jit3A_4078 : f32 to vector<16xf32>
        %select_n3A_4080 = arith.select %ge3A_4076, %exp3A_4077, %broadcast_in_dim3A_4079 : vector<16xi1>, vector<16xf32>
        %add3A_4081 = arith.addf %add3A_4056, %select_n3A_4080 : vector<16xf32>
        %mul3A_4082 = arith.mulf %get3A_4074, %get3A_4071 : vector<16xf32>
        %jit3A_4083 = arith.constant 0.000000e+00 : f32
        %broadcast_in_dim3A_4084 = vector.broadcast %jit3A_4083 : f32 to vector<16xf32>
        %select_n3A_4085 = arith.select %ge3A_4076, %mul3A_4082, %broadcast_in_dim3A_4084 : vector<16xi1>, vector<16xf32>
        %add3A_4086 = arith.addf %add3A_4058, %select_n3A_4085 : vector<16xf32>
        %add3A_4087 = arith.addf %add3A_4081, %add3A_4066 : vector<16xf32>
        %reduce_sum3A_4088 = arith.constant true
        %reduce_sum3A_4089 = vector.broadcast %reduce_sum3A_4088 : i1 to vector<16xi1>
        %reduce_sum3A_4090 = tpu.scan <sum>, %add3A_4087 masked %reduce_sum3A_4089 : vector<16xf32>, vector<16xi1> -> vector<16xf32>
        %reduce_sum3A_4091 = vector.extract %reduce_sum3A_4090[15] : f32 from vector<16xf32>
        %add3A_4092 = arith.addf %add3A_4086, %add3A_4068 : vector<16xf32>
        %reduce_sum3A_4093 = arith.constant true
        %reduce_sum3A_4094 = vector.broadcast %reduce_sum3A_4093 : i1 to vector<16xi1>
        %reduce_sum3A_4095 = tpu.scan <sum>, %add3A_4092 masked %reduce_sum3A_4094 : vector<16xf32>, vector<16xi1> -> vector<16xf32>
        %reduce_sum3A_4096 = vector.extract %reduce_sum3A_4095[15] : f32 from vector<16xf32>
        %eq3A_4097 = vector.broadcast %scan3A_3447 : i32 to vector<16xi32>
        %eq3A_4098 = arith.cmpi eq, %iota3A, %eq3A_4097 : vector<16xi32>
        %broadcast_in_dim3A_4099 = vector.broadcast %reduce_sum3A_4091 : f32 to vector<16xf32>
        %select_n3A_4100 = arith.select %eq3A_4098, %broadcast_in_dim3A_4099, %scan3A_3448 : vector<16xi1>, vector<16xf32>
        %eq3A_4101 = vector.broadcast %scan3A_3447 : i32 to vector<16xi32>
        %eq3A_4102 = arith.cmpi eq, %iota3A, %eq3A_4101 : vector<16xi32>
        %broadcast_in_dim3A_4103 = vector.broadcast %reduce_sum3A_4096 : f32 to vector<16xf32>
        %select_n3A_4104 = arith.select %eq3A_4102, %broadcast_in_dim3A_4103, %scan3A_3449 : vector<16xi1>, vector<16xf32>
        scf.yield %select_n3A_4100, %select_n3A_4104 : vector<16xf32>, vector<16xf32>
      }
      %scan3A_3434 = arith.constant 16 : i32
      %swap3A = arith.constant 0 : index
      %swap3A_3435 = tpu.vector_load %arg13[%swap3A] {strides = array<i32>} : memref<16xf32, #tpu.memory_space<vmem>>, vector<16xf32>,
      tpu.vector_store %arg13[%swap3A], %scan3A_3433#0 {strides = array<i32>} : memref<16xf32, #tpu.memory_space<vmem>>, vector<16xf32>,
      %swap3A_3436 = arith.constant 0 : index
      %swap3A_3437 = tpu.vector_load %arg15[%swap3A_3436] {strides = array<i32>} : memref<16xf32, #tpu.memory_space<vmem>>, vector<16xf32>,
      tpu.vector_store %arg15[%swap3A_3436], %scan3A_3433#1 {strides = array<i32>} : memref<16xf32, #tpu.memory_space<vmem>>, vector<16xf32>,
      %swap3A_3438 = arith.constant 0 : index
      %swap3A_3439 = tpu.vector_load %arg14[%swap3A_3438] {strides = array<i32>} : memref<16xf32, #tpu.memory_space<vmem>>, vector<16xf32>,
      tpu.vector_store %arg14[%swap3A_3438], %add3A_3424 {strides = array<i32>} : memref<16xf32, #tpu.memory_space<vmem>>, vector<16xf32>,
      %mul3A_3440 = arith.constant 16 : i32
      %mul3A_3441 = arith.muli %scan3A_3266, %mul3A_3440 : i32
      "tpu.region"() ({
        %run_scoped3A = tpu.sem_alloc : memref<!tpu.dma_semaphore, #tpu.memory_space<semaphore_mem>>
        %dma_start3A_3447 = tpu.memref_slice %arg5[%add3A, %mul3A_3441] : memref<16x128xf32, #tpu.memory_space<hbm>> -> memref<1x16xf32, #tpu.memory_space<hbm>>
        %dma_start3A_3448 = tpu.memref_squeeze %dma_start3A_3447 : memref<1x16xf32, #tpu.memory_space<hbm>> -> memref<16xf32, #tpu.memory_space<hbm>>
        %dma_start3A_3449 = tpu.memref_slice %arg5[%add3A, %mul3A_3441] : memref<16x128xf32, #tpu.memory_space<hbm>> -> memref<1x16xf32, #tpu.memory_space<hbm>>
        %dma_start3A_3450 = tpu.memref_squeeze %dma_start3A_3449 : memref<1x16xf32, #tpu.memory_space<hbm>> -> memref<16xf32, #tpu.memory_space<hbm>>
        tpu.enqueue_dma source(%arg13 : memref<16xf32, #tpu.memory_space<vmem>>) target(%dma_start3A_3450 : memref<16xf32, #tpu.memory_space<hbm>>) target_semaphore(%run_scoped3A : memref<!tpu.dma_semaphore, #tpu.memory_space<semaphore_mem>>)
        %dma_wait3A_3451 = tpu.memref_slice %arg5[%add3A, %mul3A_3441] : memref<16x128xf32, #tpu.memory_space<hbm>> -> memref<1x16xf32, #tpu.memory_space<hbm>>
        %dma_wait3A_3452 = tpu.memref_squeeze %dma_wait3A_3451 : memref<1x16xf32, #tpu.memory_space<hbm>> -> memref<16xf32, #tpu.memory_space<hbm>>
        %dma_wait3A_3453 = tpu.memref_slice %arg5[%add3A, %mul3A_3441] : memref<16x128xf32, #tpu.memory_space<hbm>> -> memref<1x16xf32, #tpu.memory_space<hbm>>
        %dma_wait3A_3454 = tpu.memref_squeeze %dma_wait3A_3453 : memref<1x16xf32, #tpu.memory_space<hbm>> -> memref<16xf32, #tpu.memory_space<hbm>>
        tpu.wait_dma2 semaphore(%run_scoped3A : memref<!tpu.dma_semaphore, #tpu.memory_space<semaphore_mem>>) src(%arg13 : memref<16xf32, #tpu.memory_space<vmem>>) dst(%dma_wait3A_3454 : memref<16xf32, #tpu.memory_space<hbm>>)
        tpu.yield
      }) : () -> ()
      %mul3A_3442 = arith.constant 16 : i32
      %mul3A_3443 = arith.muli %scan3A_3266, %mul3A_3442 : i32
      "tpu.region"() ({
        %run_scoped3A = tpu.sem_alloc : memref<!tpu.dma_semaphore, #tpu.memory_space<semaphore_mem>>
        %dma_start3A_3447 = tpu.memref_slice %arg7[%add3A, %mul3A_3443] : memref<16x128xf32, #tpu.memory_space<hbm>> -> memref<1x16xf32, #tpu.memory_space<hbm>>
        %dma_start3A_3448 = tpu.memref_squeeze %dma_start3A_3447 : memref<1x16xf32, #tpu.memory_space<hbm>> -> memref<16xf32, #tpu.memory_space<hbm>>
        %dma_start3A_3449 = tpu.memref_slice %arg7[%add3A, %mul3A_3443] : memref<16x128xf32, #tpu.memory_space<hbm>> -> memref<1x16xf32, #tpu.memory_space<hbm>>
        %dma_start3A_3450 = tpu.memref_squeeze %dma_start3A_3449 : memref<1x16xf32, #tpu.memory_space<hbm>> -> memref<16xf32, #tpu.memory_space<hbm>>
        tpu.enqueue_dma source(%arg15 : memref<16xf32, #tpu.memory_space<vmem>>) target(%dma_start3A_3450 : memref<16xf32, #tpu.memory_space<hbm>>) target_semaphore(%run_scoped3A : memref<!tpu.dma_semaphore, #tpu.memory_space<semaphore_mem>>)
        %dma_wait3A_3451 = tpu.memref_slice %arg7[%add3A, %mul3A_3443] : memref<16x128xf32, #tpu.memory_space<hbm>> -> memref<1x16xf32, #tpu.memory_space<hbm>>
        %dma_wait3A_3452 = tpu.memref_squeeze %dma_wait3A_3451 : memref<1x16xf32, #tpu.memory_space<hbm>> -> memref<16xf32, #tpu.memory_space<hbm>>
        %dma_wait3A_3453 = tpu.memref_slice %arg7[%add3A, %mul3A_3443] : memref<16x128xf32, #tpu.memory_space<hbm>> -> memref<1x16xf32, #tpu.memory_space<hbm>>
        %dma_wait3A_3454 = tpu.memref_squeeze %dma_wait3A_3453 : memref<1x16xf32, #tpu.memory_space<hbm>> -> memref<16xf32, #tpu.memory_space<hbm>>
        tpu.wait_dma2 semaphore(%run_scoped3A : memref<!tpu.dma_semaphore, #tpu.memory_space<semaphore_mem>>) src(%arg15 : memref<16xf32, #tpu.memory_space<vmem>>) dst(%dma_wait3A_3454 : memref<16xf32, #tpu.memory_space<hbm>>)
        tpu.yield
      }) : () -> ()
      %mul3A_3444 = arith.constant 16 : i32
      %mul3A_3445 = arith.muli %scan3A_3266, %mul3A_3444 : i32
      "tpu.region"() ({
        %run_scoped3A = tpu.sem_alloc : memref<!tpu.dma_semaphore, #tpu.memory_space<semaphore_mem>>
        %dma_start3A_3447 = tpu.memref_slice %arg6[%add3A, %mul3A_3445] : memref<16x128xf32, #tpu.memory_space<hbm>> -> memref<1x16xf32, #tpu.memory_space<hbm>>
        %dma_start3A_3448 = tpu.memref_squeeze %dma_start3A_3447 : memref<1x16xf32, #tpu.memory_space<hbm>> -> memref<16xf32, #tpu.memory_space<hbm>>
        %dma_start3A_3449 = tpu.memref_slice %arg6[%add3A, %mul3A_3445] : memref<16x128xf32, #tpu.memory_space<hbm>> -> memref<1x16xf32, #tpu.memory_space<hbm>>
        %dma_start3A_3450 = tpu.memref_squeeze %dma_start3A_3449 : memref<1x16xf32, #tpu.memory_space<hbm>> -> memref<16xf32, #tpu.memory_space<hbm>>
        tpu.enqueue_dma source(%arg14 : memref<16xf32, #tpu.memory_space<vmem>>) target(%dma_start3A_3450 : memref<16xf32, #tpu.memory_space<hbm>>) target_semaphore(%run_scoped3A : memref<!tpu.dma_semaphore, #tpu.memory_space<semaphore_mem>>)
        %dma_wait3A_3451 = tpu.memref_slice %arg6[%add3A, %mul3A_3445] : memref<16x128xf32, #tpu.memory_space<hbm>> -> memref<1x16xf32, #tpu.memory_space<hbm>>
        %dma_wait3A_3452 = tpu.memref_squeeze %dma_wait3A_3451 : memref<1x16xf32, #tpu.memory_space<hbm>> -> memref<16xf32, #tpu.memory_space<hbm>>
        %dma_wait3A_3453 = tpu.memref_slice %arg6[%add3A, %mul3A_3445] : memref<16x128xf32, #tpu.memory_space<hbm>> -> memref<1x16xf32, #tpu.memory_space<hbm>>
        %dma_wait3A_3454 = tpu.memref_squeeze %dma_wait3A_3453 : memref<1x16xf32, #tpu.memory_space<hbm>> -> memref<16xf32, #tpu.memory_space<hbm>>
        tpu.wait_dma2 semaphore(%run_scoped3A : memref<!tpu.dma_semaphore, #tpu.memory_space<semaphore_mem>>) src(%arg14 : memref<16xf32, #tpu.memory_space<vmem>>) dst(%dma_wait3A_3454 : memref<16xf32, #tpu.memory_space<hbm>>)
        tpu.yield
      }) : () -> ()
      %scan3A_3446 = arith.constant 0 : i32
      scf.yield %scan3A_3446 : i32
    }
    %scan3A_3265 = arith.constant 8 : i32
    return
  }
}

module attributes {stable_mosaic.version = 14 : i64} {
  func.func @_combine_body(%arg0: memref<1x1xf32, #tpu.memory_space<vmem>>, %arg1: memref<16x128xf32, #tpu.memory_space<vmem>>, %arg2: memref<16x128xf32, #tpu.memory_space<vmem>>, %arg3: memref<16x128xf32, #tpu.memory_space<vmem>>, %arg4: memref<1x1xf32, #tpu.memory_space<vmem>>) attributes {dimension_semantics = [], scalar_prefetch = 0 : i64, scratch_operands = 0 : i64, tpu.core_type = #tpu.core_type<tc>} {
    %get3A = arith.constant 0 : index
    %get3A_0 = arith.constant 0 : index
    %get3A_1 = vector.load %arg1[%get3A, %get3A_0] : memref<16x128xf32, #tpu.memory_space<vmem>>, vector<16x128xf32>
    %get3A_2 = arith.constant 0 : index
    %get3A_3 = arith.constant 0 : index
    %get3A_4 = vector.load %arg2[%get3A_2, %get3A_3] : memref<16x128xf32, #tpu.memory_space<vmem>>, vector<16x128xf32>
    %log3A = math.log %get3A_1 : vector<16x128xf32>
    %mul3A = arith.mulf %get3A_4, %log3A : vector<16x128xf32>
    %reduce_sum3A = vector.shape_cast %mul3A : vector<16x128xf32> to vector<1x16x128xf32>
    %reduce_sum3A_5 = arith.constant dense<0.000000e+00> : vector<1xf32>
    %reduce_sum3A_6 = vector.multi_reduction <add>, %reduce_sum3A, %reduce_sum3A_5 [1, 2] : vector<1x16x128xf32> to vector<1xf32>
    %reduce_sum3A_7 = vector.shape_cast %reduce_sum3A_6 : vector<1xf32> to vector<1x1x1xf32>
    %reduce_sum3A_8 = vector.extract %reduce_sum3A_7[0, 0, 0] : f32 from vector<1x1x1xf32>
    %get3A_9 = arith.constant 0 : index
    %get3A_10 = arith.constant 0 : index
    %get3A_11 = vector.load %arg3[%get3A_9, %get3A_10] : memref<16x128xf32, #tpu.memory_space<vmem>>, vector<16x128xf32>
    %reduce_sum3A_12 = vector.shape_cast %get3A_11 : vector<16x128xf32> to vector<1x16x128xf32>
    %reduce_sum3A_13 = arith.constant dense<0.000000e+00> : vector<1xf32>
    %reduce_sum3A_14 = vector.multi_reduction <add>, %reduce_sum3A_12, %reduce_sum3A_13 [1, 2] : vector<1x16x128xf32> to vector<1xf32>
    %reduce_sum3A_15 = vector.shape_cast %reduce_sum3A_14 : vector<1xf32> to vector<1x1x1xf32>
    %reduce_sum3A_16 = vector.extract %reduce_sum3A_15[0, 0, 0] : f32 from vector<1x1x1xf32>
    %sub3A = arith.subf %reduce_sum3A_8, %reduce_sum3A_16 : f32
    %get3A_17 = arith.constant 0 : index
    %get3A_18 = arith.constant 0 : index
    %get3A_19 = vector.load %arg0[%get3A_17, %get3A_18] : memref<1x1xf32, #tpu.memory_space<vmem>>, vector<1x1xf32>
    %mul3A_20 = arith.constant 6.10351563E-5 : f32
    %mul3A_21 = arith.mulf %sub3A, %mul3A_20 : f32
    %reshape3A = vector.broadcast %mul3A_21 : f32 to vector<1x1xf32>
    %add3A = arith.addf %get3A_19, %reshape3A : vector<1x1xf32>
    %swap3A = arith.constant 0 : index
    %swap3A_22 = arith.constant 0 : index
    %swap3A_23 = vector.load %arg4[%swap3A, %swap3A_22] : memref<1x1xf32, #tpu.memory_space<vmem>>, vector<1x1xf32>
    tpu.vector_store %arg4[%swap3A, %swap3A_22], %add3A {strides = array<i32>} : memref<1x1xf32, #tpu.memory_space<vmem>>, vector<1x1xf32>,
    return
  }
}

module attributes {stable_mosaic.version = 14 : i64} {
  func.func @_tc_body(%arg0: i32, %arg1: memref<10x2048xf32, #tpu.memory_space<vmem>>, %arg2: memref<2048x1000xf32, #tpu.memory_space<vmem>>, %arg3: memref<10x1000xf32, #tpu.memory_space<vmem>>, %arg4: memref<1x1xf32, #tpu.memory_space<vmem>>) attributes {dimension_semantics = [#tpu.dimension_semantics<arbitrary>], iteration_bounds = array<i64: 7>, scalar_prefetch = 0 : i64, scratch_operands = 0 : i64, tpu.core_type = #tpu.core_type<tc>, window_params = [{transform_indices = @transform_0, window_bounds = array<i64: 10, 2048>}, {transform_indices = @transform_1, window_bounds = array<i64: 2048, 1000>}, {pipeline_mode = #tpu.pipeline_mode<synchronous>, transform_indices = @transform_2, window_bounds = array<i64: 10, 1000>}, {pipeline_mode = #tpu.pipeline_mode<synchronous>, transform_indices = @transform_3, window_bounds = array<i64: 1, 1>}]} {
    %get3A = arith.constant 0 : index
    %get3A_0 = arith.constant 0 : index
    %get3A_1 = vector.load %arg1[%get3A, %get3A_0] : memref<10x2048xf32, #tpu.memory_space<vmem>>, vector<10x2048xf32>
    %get3A_2 = arith.constant 0 : index
    %get3A_3 = arith.constant 0 : index
    %get3A_4 = vector.load %arg2[%get3A_2, %get3A_3] : memref<2048x1000xf32, #tpu.memory_space<vmem>>, vector<2048x1000xf32>
    %get3A_5 = arith.constant 0 : index
    %get3A_6 = arith.constant 0 : index
    %get3A_7 = vector.load %arg3[%get3A_5, %get3A_6] : memref<10x1000xf32, #tpu.memory_space<vmem>>, vector<10x1000xf32>
    %exp3A = math.exp %get3A_4 : vector<2048x1000xf32>
    %broadcast_in_dim3A = arith.constant 1.000000e+00 : f32
    %broadcast_in_dim3A_8 = vector.broadcast %broadcast_in_dim3A : f32 to vector<1x1000xf32>
    %dot_general3A = arith.constant dense<0.000000e+00> : vector<1x2048xf32>
    %dot_general3A_9 = tpu.matmul %broadcast_in_dim3A_8, %exp3A, %dot_general3A {dimension_numbers = #tpu.dot_dimension_numbers<[1], [1], [0], [0], [0, 0, 1, 0], [], []>, transpose_lhs_hint = false} : vector<1x1000xf32>, vector<2048x1000xf32>, vector<1x2048xf32> -> vector<1x2048xf32>
    %log3A = math.log %dot_general3A_9 : vector<1x2048xf32>
    %reduce_max3A = arith.constant dense<0xFF800000> : vector<2048xf32>
    %reduce_max3A_10 = vector.multi_reduction <maximumf>, %get3A_1, %reduce_max3A [0] : vector<10x2048xf32> to vector<2048xf32>
    %broadcast_in_dim3A_11 = vector.shape_cast %reduce_max3A_10 : vector<2048xf32> to vector<1x2048xf32>
    %iota3A = tpu.iota {dimensions = array<i32: 0>} : vector<10x2048xi32>
    %eq3A = vector.broadcast %broadcast_in_dim3A_11 : vector<1x2048xf32> to vector<10x2048xf32>
    %eq3A_12 = arith.cmpf oeq, %get3A_1, %eq3A : vector<10x2048xf32>
    %jit3A = arith.constant 10 : i32
    %broadcast_in_dim3A_13 = vector.broadcast %jit3A : i32 to vector<10x2048xi32>
    %select_n3A = arith.select %eq3A_12, %iota3A, %broadcast_in_dim3A_13 : vector<10x2048xi1>, vector<10x2048xi32>
    %reduce_min3A = arith.constant dense<2147483647> : vector<2048xi32>
    %reduce_min3A_14 = vector.multi_reduction <minsi>, %select_n3A, %reduce_min3A [0] : vector<10x2048xi32> to vector<2048xi32>
    %broadcast_in_dim3A_15 = vector.shape_cast %reduce_min3A_14 : vector<2048xi32> to vector<1x2048xi32>
    %eq3A_16 = vector.broadcast %broadcast_in_dim3A_15 : vector<1x2048xi32> to vector<10x2048xi32>
    %eq3A_17 = arith.cmpi eq, %iota3A, %eq3A_16 : vector<10x2048xi32>
    %convert_element_type3A = arith.extui %eq3A_17 : vector<10x2048xi1> to vector<10x2048xi32>
    %convert_element_type3A_18 = arith.sitofp %convert_element_type3A : vector<10x2048xi32> to vector<10x2048xf32>
    %dot_general3A_19 = arith.constant dense<0.000000e+00> : vector<10x2048xf32>
    %dot_general3A_20 = tpu.matmul %get3A_7, %get3A_4, %dot_general3A_19 {dimension_numbers = #tpu.dot_dimension_numbers<[1], [1], [0], [0], [0, 0, 1, 0], [], []>, transpose_lhs_hint = false} : vector<10x1000xf32>, vector<2048x1000xf32>, vector<10x2048xf32> -> vector<10x2048xf32>
    %mul3A = arith.mulf %convert_element_type3A_18, %dot_general3A_20 : vector<10x2048xf32>
    %reduce_sum3A = vector.shape_cast %mul3A : vector<10x2048xf32> to vector<1x10x2048xf32>
    %reduce_sum3A_21 = arith.constant dense<0.000000e+00> : vector<1xf32>
    %reduce_sum3A_22 = vector.multi_reduction <add>, %reduce_sum3A, %reduce_sum3A_21 [1, 2] : vector<1x10x2048xf32> to vector<1xf32>
    %reduce_sum3A_23 = vector.shape_cast %reduce_sum3A_22 : vector<1xf32> to vector<1x1x1xf32>
    %reduce_sum3A_24 = vector.extract %reduce_sum3A_23[0, 0, 0] : f32 from vector<1x1x1xf32>
    %reduce_sum3A_25 = arith.constant dense<0.000000e+00> : vector<10xf32>
    %reduce_sum3A_26 = vector.multi_reduction <add>, %get3A_7, %reduce_sum3A_25 [1] : vector<10x1000xf32> to vector<10xf32>
    %broadcast_in_dim3A_27 = vector.shape_cast %reduce_sum3A_26 : vector<10xf32> to vector<10x1xf32>
    %mul3A_28 = vector.broadcast %broadcast_in_dim3A_27 : vector<10x1xf32> to vector<10x2048xf32>
    %mul3A_29 = arith.mulf %convert_element_type3A_18, %mul3A_28 : vector<10x2048xf32>
    %reduce_sum3A_30 = arith.constant dense<0.000000e+00> : vector<2048xf32>
    %reduce_sum3A_31 = vector.multi_reduction <add>, %mul3A_29, %reduce_sum3A_30 [0] : vector<10x2048xf32> to vector<2048xf32>
    %broadcast_in_dim3A_32 = vector.shape_cast %reduce_sum3A_31 : vector<2048xf32> to vector<1x2048xf32>
    %mul3A_33 = arith.mulf %broadcast_in_dim3A_32, %log3A : vector<1x2048xf32>
    %reduce_sum3A_34 = vector.shape_cast %mul3A_33 : vector<1x2048xf32> to vector<1x1x2048xf32>
    %reduce_sum3A_35 = arith.constant dense<0.000000e+00> : vector<1xf32>
    %reduce_sum3A_36 = vector.multi_reduction <add>, %reduce_sum3A_34, %reduce_sum3A_35 [1, 2] : vector<1x1x2048xf32> to vector<1xf32>
    %reduce_sum3A_37 = vector.shape_cast %reduce_sum3A_36 : vector<1xf32> to vector<1x1x1xf32>
    %reduce_sum3A_38 = vector.extract %reduce_sum3A_37[0, 0, 0] : f32 from vector<1x1x1xf32>
    %sub3A = arith.subf %reduce_sum3A_38, %reduce_sum3A_24 : f32
    %mul3A_39 = arith.constant 6.10351563E-5 : f32
    %mul3A_40 = arith.mulf %sub3A, %mul3A_39 : f32
    %eq3A_41 = arith.constant 0 : i32
    %eq3A_42 = arith.cmpi eq, %arg0, %eq3A_41 : i32
    %convert_element_type3A_43 = arith.extui %eq3A_42 : i1 to i32
    %cond3A = arith.constant 0 : i32
    %cond3A_44 = arith.cmpi ne, %convert_element_type3A_43, %cond3A : i32
    scf.if %cond3A_44 {
      %broadcast_in_dim3A_50 = arith.constant 0.000000e+00 : f32
      %broadcast_in_dim3A_51 = vector.broadcast %broadcast_in_dim3A_50 : f32 to vector<1x1xf32>
      %swap3A_52 = arith.constant 0 : index
      %swap3A_53 = arith.constant 0 : index
      %swap3A_54 = vector.load %arg4[%swap3A_52, %swap3A_53] : memref<1x1xf32, #tpu.memory_space<vmem>>, vector<1x1xf32>
      tpu.vector_store %arg4[%swap3A_52, %swap3A_53], %broadcast_in_dim3A_51 {strides = array<i32>} : memref<1x1xf32, #tpu.memory_space<vmem>>, vector<1x1xf32>,
    } else {
    }
    %get3A_45 = arith.constant 0 : index
    %get3A_46 = arith.constant 0 : index
    %get3A_47 = vector.load %arg4[%get3A_45, %get3A_46] : memref<1x1xf32, #tpu.memory_space<vmem>>, vector<1x1xf32>
    %reshape3A = vector.broadcast %mul3A_40 : f32 to vector<1x1xf32>
    %add3A = arith.addf %get3A_47, %reshape3A : vector<1x1xf32>
    %swap3A = arith.constant 0 : index
    %swap3A_48 = arith.constant 0 : index
    %swap3A_49 = vector.load %arg4[%swap3A, %swap3A_48] : memref<1x1xf32, #tpu.memory_space<vmem>>, vector<1x1xf32>
    tpu.vector_store %arg4[%swap3A, %swap3A_48], %add3A {strides = array<i32>} : memref<1x1xf32, #tpu.memory_space<vmem>>, vector<1x1xf32>,
    return
  }
  func.func @transform_0(%arg0: i32) -> (i32, i32) {
    %add3A = arith.constant 1 : i32
    %add3A_0 = arith.addi %add3A, %arg0 : i32
    %c0_i32 = arith.constant 0 : i32
    %c0_i32_1 = arith.constant 0 : i32
    return %c0_i32, %add3A_0 : i32, i32
  }
  func.func @transform_1(%arg0: i32) -> (i32, i32) {
    %add3A = arith.constant 1 : i32
    %add3A_0 = arith.addi %add3A, %arg0 : i32
    %c0_i32 = arith.constant 0 : i32
    %c0_i32_1 = arith.constant 0 : i32
    return %add3A_0, %c0_i32 : i32, i32
  }
  func.func @transform_2(%arg0: i32) -> (i32, i32) {
    %c0_i32 = arith.constant 0 : i32
    %c0_i32_0 = arith.constant 0 : i32
    %c0_i32_1 = arith.constant 0 : i32
    return %c0_i32, %c0_i32_0 : i32, i32
  }
  func.func @transform_3(%arg0: i32) -> (i32, i32) {
    %c0_i32 = arith.constant 0 : i32
    %c0_i32_0 = arith.constant 0 : i32
    %c0_i32_1 = arith.constant 0 : i32
    return %c0_i32, %c0_i32_0 : i32, i32
  }
}

</mosaic_0001>

<sc_bundles>
// kernel: kernel.5.cloned.1.call-start
scs
__scs_entry_jumppad:
0x0: {  	(pc) =	sbr.rel $0x88, $3  }
0x1: {  	(tag) =	ssettag $0x0;
	lr =	simm.s32 $0x1  }
0x2: {  	[smem:$0x3F9E] =	sst lr;
	_ =	strace $0xD0000000  }
0x3: {  	_ = 	snop  }
0x4: {  	_ = 	snop  }
0x5: {  	_ = 	snop  }
0x6: {  	_ = 	snop  }
0x7: {  	_ = 	snop  }
__scs_overlays_trampoline_lowered:
0x8: {  	[smem:$0x3FAD] =	sst s0  }
0x9: {  	[smem:$0x3FAE] =	sst s1  }
0xa: {  	[smem:$0x3FAF] =	sst s2  }
0xb: {  	[smem:$0x3FB0] =	sst s3  }
0xc: {  	[smem:$0x3FB1] =	sst s4  }
0xd: {  	[smem:$0x3FB2] =	sst s5  }
0xe: {  	[smem:$0x3FB3] =	sst s6  }
0xf: {  	[smem:$0x3FB4] =	sst s7  }
0x10: {  	[smem:$0x3FB5] =	sst s8  }
0x11: {  	[smem:$0x3FB6] =	sst s9;
	s0 =	simm.s32 @!p0 $0x0  }
0x12: {  	s1 =	sld [smem:$0x3F9C];
	s0 =	simm.s32 @p0 $0x1  }
0x13: {  	[smem:$0x3FB7] =	sst s0;
	s0 =	simm.s32 @!p1 $0x0  }
0x14: {  	s2 =	sld [smem:$0x3F9B];
	s0 =	simm.s32 @p1 $0x1  }
0x15: {  	[smem:$0x3FB8] =	sst s0;
	s0 =	simm.s32 @!p2 $0x0  }
0x16: {  	s3 =	sld [smem:$0x3FDB];
	s0 =	simm.s32 @p2 $0x1  }
0x17: {  	s4 =	simm.s32 $0x1BF5;
	[smem:$0x3FBA] =	sst s0  }
0x18: {  	s0 =	sld [smem:$0x3F9D];
	_ =	swait.ge [sflag:s4], $0x0  }
0x19: {  	s7 =	sld [smem:$0x3F9E]  }
0x1a: {  	s8 =	sadd.s32 $0xFFFFE003, lr  }
0x1b: {  	s9 =	sadd.s32 $0xFFFFFEF7, lr;
	s5 =	simm.s32 $0xFFFFFFFF;
	p2 =	slt.u32 s8, $0xFFFFF086  }
0x1c: {  	p1 =	slt.u32 s9, $0xF7A;
	s5 =	simm.s32 @!p2 $0x0  }
0x1d: {  	s5 =	simm.s32 @p1 $0x1;
	p0 =	seq.s32 s7, s2  }
0x1e: {  	s7 =	smul.u32 @!p0 $0xF7A, s2;
	p2 =	seq.s32 @!p0 s5, $0x0  }
0x1f: {  	s9 =	smul.u32 $0xF7A, s1;
	s8 =	simm.s32 @!p0 $0x1BF5;
	p2 =	por !p2, p0  }
0x20: {  	[sflag:s8] =	ssyncset.s32 @!p0 $0xFFFFF086;
	s6 =	sadd.s32 @!p0 s3, s7;
	s7 =	simm.s32 @!p0 $0x108  }
0x21: {  	s3 =	sadd.s32 s3, s9;
	s6 =	sadd.s32 @!p0 $0x88, s6;
	s7 =	simm.s32 @p2 $0x1082  }
0x22: {  	[simem:s7], [sflag:s8] =	dma.local @!p0 [hbm:s6], $0xF7A  }
0x23: {  	s9 =	sor.u32 $0xD0000000, s2;
	s6 =	simm.s32 $0x108;
	_ =	swait.ge @!p0 [sflag:s8], $0x0  }
0x24: {  	s3 =	sadd.s32 $0x88, s3;
	s6 =	simm.s32 @!p1 $0x1082;
	[sflag:s4] =	ssyncset.s32 $0xFFFFF086  }
0x25: {  	[simem:s6], [sflag:s4] =	dma.local [hbm:s3], $0xF7A  }
0x26: {  	[smem:$0x3F9E] =	sst s1;
	(tag) =	ssettag s2;
	_ =	strace s9  }
0x27: {  	s1 =	sld [smem:$0x3FAE]  }
0x28: {  	s2 =	sld [smem:$0x3FAF]  }
0x29: {  	s4 =	sld [smem:$0x3FB1]  }
0x2a: {  	p0 =	seq.s32 s5, $0x0;
	s5 =	sld [smem:$0x3FB2]  }
0x2b: {  	s6 =	sld [smem:$0x3FB3]  }
0x2c: {  	s7 =	sld [smem:$0x3FB4]  }
0x2d: {  	s3 =	simm.s32 $0x108;
	s8 =	sld [smem:$0x3FB5]  }
0x2e: {  	s3 =	simm.s32 @!p0 $0x1082;
	s9 =	sld [smem:$0x3FB6]  }
0x2f: {  	lr =	sadd.s32 s0, s3;
	s0 =	sld [smem:$0x3FAD]  }
0x30: {  	s3 =	sld [smem:$0x3FB0]  }
0x31: {  	[smem:$0x3FB9] =	sst s10  }
0x32: {  	s10 =	sld [smem:$0x3FB7];
	_ =	sdelay $0x3  }
0x33: {  	p0 =	seq.s32 s10, $0x1;
	s10 =	sld [smem:$0x3FB9];
	_ =	sdelay $0x3  }
0x34: {  	[smem:$0x3FB9] =	sst s10  }
0x35: {  	s10 =	sld [smem:$0x3FB8];
	_ =	sdelay $0x3  }
0x36: {  	p1 =	seq.s32 s10, $0x1;
	s10 =	sld [smem:$0x3FB9];
	_ =	sdelay $0x3  }
0x37: {  	[smem:$0x3FB9] =	sst s10  }
0x38: {  	s10 =	sld [smem:$0x3FBA]  }
0x39: {  	_ = 	snop;
	(pc) =	sbr.ind lr, $3  }
0x3a: {  	_ = 	snop  }
0x3b: {  	_ = 	snop  }
0x3c: {  	p2 =	seq.s32 s10, $0x1;
	s10 =	sld [smem:$0x3FB9]  }
0x3d: {  	_ =	shalt  }
0x3e: {  	_ =	shalt  }
0x3f: {  	_ =	shalt  }
0x40: {  	_ =	shalt  }
0x41: {  	_ =	shalt  }
0x42: {  	_ =	shalt  }
0x43: {  	_ =	shalt  }
0x44: {  	_ =	shalt  }
0x45: {  	_ =	shalt  }
0x46: {  	_ =	shalt  }
0x47: {  	_ =	shalt  }
0x48: {  	_ =	shalt  }
0x49: {  	_ =	shalt  }
0x4a: {  	_ =	shalt  }
0x4b: {  	_ =	shalt  }
0x4c: {  	_ =	shalt  }
0x4d: {  	_ =	shalt  }
0x4e: {  	_ =	shalt  }
0x4f: {  	_ =	shalt  }
0x50: {  	_ =	shalt  }
0x51: {  	_ =	shalt  }
0x52: {  	_ =	shalt  }
0x53: {  	_ =	shalt  }
0x54: {  	_ =	shalt  }
0x55: {  	_ =	shalt  }
0x56: {  	_ =	shalt  }
0x57: {  	_ =	shalt  }
0x58: {  	_ =	shalt  }
0x59: {  	_ =	shalt  }
0x5a: {  	_ =	shalt  }
0x5b: {  	_ =	shalt  }
0x5c: {  	_ =	shalt  }
0x5d: {  	_ =	shalt  }
0x5e: {  	_ =	shalt  }
0x5f: {  	_ =	shalt  }
0x60: {  	_ =	shalt  }
0x61: {  	_ =	shalt  }
0x62: {  	_ =	shalt  }
0x63: {  	_ =	shalt  }
0x64: {  	_ =	shalt  }
0x65: {  	_ =	shalt  }
0x66: {  	_ =	shalt  }
0x67: {  	_ =	shalt  }
0x68: {  	_ =	shalt  }
0x69: {  	_ =	shalt  }
0x6a: {  	_ =	shalt  }
0x6b: {  	_ =	shalt  }
0x6c: {  	_ =	shalt  }
0x6d: {  	_ =	shalt  }
0x6e: {  	_ =	shalt  }
0x6f: {  	_ =	shalt  }
0x70: {  	_ =	shalt  }
0x71: {  	_ =	shalt  }
0x72: {  	_ =	shalt  }
0x73: {  	_ =	shalt  }
0x74: {  	_ =	shalt  }
0x75: {  	_ =	shalt  }
0x76: {  	_ =	shalt  }
0x77: {  	_ =	shalt  }
0x78: {  	_ =	shalt  }
0x79: {  	_ =	shalt  }
0x7a: {  	_ =	shalt  }
0x7b: {  	_ =	shalt  }
0x7c: {  	_ =	shalt  }
0x7d: {  	_ =	shalt  }
0x7e: {  	_ =	shalt  }
0x7f: {  	_ =	shalt  }
0x80: {  	_ =	shalt  }
0x81: {  	_ =	shalt  }
0x82: {  	_ =	shalt  }
0x83: {  	_ =	shalt  }
0x84: {  	_ =	shalt  }
0x85: {  	_ =	shalt  }
0x86: {  	_ =	shalt  }
0x87: {  	_ =	shalt  }
.Lfunc_end0:
.L_simem_size_0:
called_computation_lowered:
.L_overlay_start_0:
0x88: {  	s0 =	sld [smem:$0x3FD9]  }
0x89: {  	s1 =	sld [smem:$0x3FFE];
	_ =	sdelay $0x3  }
0x8a: {  	s0 =	sadd.s32 s1, s0  }
0x8b: {  	[smem:$0x3FC5] =	sst s0  }
0x8c: {  	_ = 	snop  }
0x8d: {  	(tm) =	ssettm $0x1  }
0x8e: {  	s15 =	sld [smem:$0x3FFB];
	_ =	sdelay $0x3  }
0x8f: {  	_ =	strace s15  }
0x90: {  	s0 =	sld [smem:$0x3FFC];
	_ =	sdelay $0x3  }
0x91: {  	_ =	strace s0  }
0x92: {  	s0 =	sld [smem:$0x3FFD];
	_ =	sdelay $0x3  }
0x93: {  	_ =	strace s0  }
0x94: {  	_ =	strace $0x8FFFFFFF  }
0x95: {  	s16 =	sld [smem:$0x3FDB];
	_ =	sdelay $0x1  }
0x96: {  	s17 =	simm.s32 $_scs_section_size  }
0x97: {  	s2 =	simm.s32 $_size__tile_overlayer_lowered;
	s3 =	simm.s32 $_tile_overlayer_lowered  }
0x98: {  	s20 =	simm.s32 $0x1BFF;
	s19 =	sshll.u32 s3, $0x1;
	s0 =	sadd.s32 s17, s16  }
0x99: {  	s4 =	simm.s32 $0x0;
	s18 =	sshll.u32 s2, $0x1;
	s2 =	sadd.s32 s19, s0  }
0x9a: {  	[timem:s4], [sflag:s20] =	dma.local [hbm:s2], s18  }
0x9b: {  	_ =	swait.ge [sflag:s20], s18  }
0x9c: {  	s1 =	ssub.s32 $0x0, s18;
	[sflag:s20] =	ssyncset.done $0x0  }
0x9d: {  	[sflag:s20] =	ssyncadd.s32 s1;
	_ =	sdelay $0x1  }
0x9e: {  	s21 =	simm.s32 $0x1B8B  }
0x9f: {  	_ =	swait.ge [sflag:s21], $0x1  }
0xa0: {  	[sflag:s21] =	ssyncset.done $0x0  }
0xa1: {  	s23 =	simm.s32 $0x1B8E;
	s22 =	sld [smem:$0x3FFE];
	[sflag:s21] =	ssyncadd.s32 $0xFFFFFFFF  }
0xa2: {  	s24 =	simm.s32 $execute0_lowered;
	[smem:$0x3FD2] =	sst s23  }
0xa3: {  	s2 =	sshll.u32 s24, $0x1;
	_ =	strace $0x80000046;
	[dreg:$0x1] =	wrdreg $0xFFFFFFFF  }
0xa4: {  	s25 =	simm.s32 $_size_execute0_lowered;
	s0 =	sadd.s32 s0, s2;
	[dreg:$0x0] =	wrdreg $0x0  }
0xa5: {  	s2 =	sshll.u32 s25, $0x1;
	[dreg:$0x2] =	wrdreg s0  }
0xa6: {  	[dreg:$0x3] =	wrdreg s2  }
0xa7: {  	[dreg:$0x4] =	wrdreg $0xC0  }
0xa8: {  	_ =	task [dreg:s4], $0x5FFFF  }
0xa9: {  	[dreg:$0x1] =	wrdreg $0xFFFFFFFF  }
0xaa: {  	[dreg:$0x0] =	wrdreg $0x60  }
0xab: {  	[dreg:$0x2] =	wrdreg s22  }
0xac: {  	[dreg:$0x3] =	wrdreg $0x9  }
0xad: {  	_ =	task.clear_ibuf [dreg:s4], $0x4FFFF;
	_ =	strace $0x90000046  }
0xae: {  	s26 =	simm.s32 $0x9;
	_ =	strace $0x80000048  }
0xaf: {  	_ =	swait.ge [sflag:s26], $0x1  }
0xb0: {  	[sflag:s26] =	ssyncadd.s32 $0xFFFFFFFF  }
0xb1: {  	_ =	strace $0x90000048  }
0xb2: {  	_ =	sfence  }
0xb3: {  	s28 =	sld [smem:$0x0];
	_ =	sdelay $0x1  }
0xb4: {  	s29 =	srdreg.scid  }
0xb5: {  	s30 =	sshll.u32 s29, $0xD;
	s31 =	sshrl.u32 s29, $0x2  }
0xb6: {  	s1 =	sand.u32 $0x1, s29;
	s2 =	sand.u32 $0x4000, s30;
	s0 =	sadd.s32 s31, s28  }
0xb7: {  	s1 =	sor.u32 s2, s1;
	s0 =	sshll.u32 s0, $0x11  }
0xb8: {  	s0 =	sor.u32 s0, s1  }
0xb9: {  	s0 =	sadd.s32 $0x8F2B, s0  }
0xba: {  	[sflag:s0] =	ssyncadd.remote.s32 $0x1  }
0xbb: {  	_ =	sfence.sel $0xFFFF  }
0xbc: {  	[dreg:$0x0] =	wrdreg $0xFFFFFFFF;
	(pc) =	sbr.abs _section_cstart, $3  }
0xbd: {  	[dreg:$0x1] =	wrdreg $0xFFFFFFFF  }
0xbe: {  	_ =	task.clear_ibuf [dreg:s4], $0x2FFFF;
	_ =	strace $0x9FFFFFFF  }
0xbf: {  	(tm) =	ssettm $0x7FFFFFFF  }
tec
execute0_lowered:
.L_overlay_start_1:
0x0: {  	(tag) =	ssettag $0x1  }
0x1: {  	s13 =	rddreg [dreg:$0x0];
	s1 =	simm.s32 $0x0  }
0x2: {  	s0 =	simm.s32 $0x4800;
	[smem:$0x7FF] =	sst s1  }
0x3: {  	s3 =	simm.s32 $0x2;
	s2 =	sadd.s32 $0x241200, s13;
	_ =	strace $0x80000047  }
0x4: {  	[tilespmem:s0], [sflag:$0x2] =	stream.linear.gather [hbm4b:s2+s1], $0x4000, $0x38;
	[tilespmem:$0xC980] =	vst v63  }
0x5: {  	_ =	swait.ge [sflag:s3], $0x4000  }
0x6: {  	[sflag:s3] =	ssyncset.done $0x0  }
0x7: {  	[sflag:s3] =	ssyncadd.s32 $0xFFFFC000  }
0x8: {  	v0 =	vld [tilespmem:$0x4800]  }
0x9: {  	v1 =	vld [tilespmem:$0x4810]  }
0xa: {  	v2 =	vld [tilespmem:$0x4820]  }
0xb: {  	v3 =	vld [tilespmem:$0x4830]  }
0xc: {  	v4 =	vld [tilespmem:$0x4840]  }
0xd: {  	v5 =	vld [tilespmem:$0x4850]  }
0xe: {  	v6 =	vld [tilespmem:$0x4860]  }
0xf: {  	v7 =	vld [tilespmem:$0x4870]  }
0x10: {  	v8 =	vld [tilespmem:$0x4C00]  }
0x11: {  	v9 =	vld [tilespmem:$0x4C10]  }
0x12: {  	v10 =	vld [tilespmem:$0x4C20]  }
0x13: {  	v11 =	vld [tilespmem:$0x4C30]  }
0x14: {  	v12 =	vld [tilespmem:$0x4880]  }
0x15: {  	v13 =	vld [tilespmem:$0x4C40]  }
0x16: {  	v14 =	vld [tilespmem:$0x4890]  }
0x17: {  	v15 =	vld [tilespmem:$0x4C50]  }
0x18: {  	v16 =	vld [tilespmem:$0x48A0]  }
0x19: {  	v17 =	vld [tilespmem:$0x4C60]  }
0x1a: {  	v38 =	vld [tilespmem:$0x48B0]  }
0x1b: {  	v18 =	vld [tilespmem:$0x4C70]  }
0x1c: {  	v39 =	vld [tilespmem:$0x48C0]  }
0x1d: {  	v40 =	vld [tilespmem:$0x5000]  }
0x1e: {  	v41 =	vld [tilespmem:$0x48D0]  }
0x1f: {  	v42 =	vld [tilespmem:$0x5010]  }
0x20: {  	v43 =	vld [tilespmem:$0x48E0]  }
0x21: {  	v44 =	vld [tilespmem:$0x5020]  }
0x22: {  	v45 =	vld [tilespmem:$0x48F0]  }
0x23: {  	v46 =	vld [tilespmem:$0x5030]  }
0x24: {  	v47 =	vld [tilespmem:$0x4C80]  }
0x25: {  	v48 =	vld [tilespmem:$0x5040]  }
0x26: {  	v49 =	vld [tilespmem:$0x4C90]  }
0x27: {  	v50 =	vld [tilespmem:$0x5050]  }
0x28: {  	v51 =	vld [tilespmem:$0x4CA0]  }
0x29: {  	v52 =	vld [tilespmem:$0x5060]  }
0x2a: {  	v53 =	vld [tilespmem:$0x4CB0]  }
0x2b: {  	v54 =	vld [tilespmem:$0x5070]  }
0x2c: {  	v55 =	vld [tilespmem:$0x4CC0]  }
0x2d: {  	v56 =	vld [tilespmem:$0x5400]  }
0x2e: {  	v57 =	vld [tilespmem:$0x4CD0]  }
0x2f: {  	v58 =	vld [tilespmem:$0x5410];
	v0 =	vadd.f32 $0.0e+00, v0  }
0x30: {  	v59 =	vld [tilespmem:$0x4CE0];
	v12 =	vadd.f32 $0.0e+00, v12  }
0x31: {  	v60 =	vld [tilespmem:$0x5420];
	v0 =	vadd.f32 v1, v0  }
0x32: {  	v61 =	vld [tilespmem:$0x4CF0];
	v12 =	vadd.f32 v14, v12  }
0x33: {  	v62 =	vld [tilespmem:$0x5430];
	v0 =	vadd.f32 v2, v0  }
0x34: {  	v63 =	vld [tilespmem:$0x5080];
	v12 =	vadd.f32 v16, v12  }
0x35: {  	v21 =	vld [tilespmem:$0x5440];
	v0 =	vadd.f32 v3, v0  }
0x36: {  	v22 =	vld [tilespmem:$0x5090];
	v1 =	vadd.f32 v38, v12  }
0x37: {  	v23 =	vld [tilespmem:$0x5450];
	v0 =	vadd.f32 v4, v0  }
0x38: {  	v24 =	vld [tilespmem:$0x50A0];
	v1 =	vadd.f32 v39, v1  }
0x39: {  	v25 =	vld [tilespmem:$0x5460];
	v0 =	vadd.f32 v5, v0  }
0x3a: {  	v26 =	vld [tilespmem:$0x50B0];
	v1 =	vadd.f32 v41, v1  }
0x3b: {  	v27 =	vld [tilespmem:$0x5470];
	v0 =	vadd.f32 v6, v0  }
0x3c: {  	v28 =	vld [tilespmem:$0x50C0];
	v1 =	vadd.f32 v43, v1  }
0x3d: {  	v29 =	vld [tilespmem:$0x5800];
	v0 =	vadd.f32 v7, v0  }
0x3e: {  	v30 =	vld [tilespmem:$0x50D0];
	v1 =	vadd.f32 v45, v1  }
0x3f: {  	v31 =	vld [tilespmem:$0x5810];
	v0 =	vadd.f32 v8, v0  }
0x40: {  	v32 =	vld [tilespmem:$0x50E0];
	v1 =	vadd.f32 v47, v1  }
0x41: {  	v33 =	vld [tilespmem:$0x5820];
	v0 =	vadd.f32 v9, v0  }
0x42: {  	v34 =	vld [tilespmem:$0x50F0];
	v1 =	vadd.f32 v49, v1  }
0x43: {  	v35 =	vld [tilespmem:$0x5830];
	v0 =	vadd.f32 v10, v0  }
0x44: {  	v36 =	vld [tilespmem:$0x5480];
	v1 =	vadd.f32 v51, v1  }
0x45: {  	v37 =	vld [tilespmem:$0x5840];
	v0 =	vadd.f32 v11, v0  }
0x46: {  	v19 =	vld [tilespmem:$0x4910];
	v1 =	vadd.f32 v53, v1  }
0x47: {  	v20 =	vld [tilespmem:$0x4920];
	v0 =	vadd.f32 v13, v0  }
0x48: {  	v38 =	vld [tilespmem:$0x5490];
	v1 =	vadd.f32 v55, v1  }
0x49: {  	v39 =	vld [tilespmem:$0x5850];
	v0 =	vadd.f32 v15, v0  }
0x4a: {  	v4 =	vld [tilespmem:$0x5D30];
	v1 =	vadd.f32 v57, v1  }
0x4b: {  	v41 =	vld [tilespmem:$0x5860];
	v0 =	vadd.f32 v17, v0  }
0x4c: {  	v5 =	vld [tilespmem:$0x5D40];
	v1 =	vadd.f32 v59, v1  }
0x4d: {  	v43 =	vld [tilespmem:$0x5870];
	v0 =	vadd.f32 v18, v0  }
0x4e: {  	v6 =	vld [tilespmem:$0x5D50];
	v1 =	vadd.f32 v61, v1  }
0x4f: {  	v45 =	vld [tilespmem:$0x5C00];
	v0 =	vadd.f32 v40, v0  }
0x50: {  	v47 =	vld [tilespmem:$0x5C10];
	v1 =	vadd.f32 v63, v1  }
0x51: {  	v49 =	vld [tilespmem:$0x5C20];
	v0 =	vadd.f32 v42, v0  }
0x52: {  	v51 =	vld [tilespmem:$0x5C30];
	v1 =	vadd.f32 v22, v1  }
0x53: {  	v53 =	vld [tilespmem:$0x5C40];
	v0 =	vadd.f32 v44, v0  }
0x54: {  	v55 =	vld [tilespmem:$0x5C50];
	v1 =	vadd.f32 v24, v1  }
0x55: {  	v57 =	vld [tilespmem:$0x5C60];
	v0 =	vadd.f32 v46, v0  }
0x56: {  	v15 =	vld [tilespmem:$0x64F0];
	v1 =	vadd.f32 v26, v1  }
0x57: {  	v59 =	vld [tilespmem:$0x5C70];
	v0 =	vadd.f32 v48, v0  }
0x58: {  	v61 =	vld [tilespmem:$0x6000];
	v1 =	vadd.f32 v28, v1  }
0x59: {  	v40 =	vld [tilespmem:$0x54A0];
	v0 =	vadd.f32 v50, v0  }
0x5a: {  	v63 =	vld [tilespmem:$0x6010];
	v1 =	vadd.f32 v30, v1  }
0x5b: {  	v42 =	vld [tilespmem:$0x54B0];
	v0 =	vadd.f32 v52, v0  }
0x5c: {  	v22 =	vld [tilespmem:$0x6020];
	v1 =	vadd.f32 v32, v1  }
0x5d: {  	v44 =	vld [tilespmem:$0x54C0];
	v0 =	vadd.f32 v54, v0  }
0x5e: {  	v24 =	vld [tilespmem:$0x6030];
	v1 =	vadd.f32 v34, v1  }
0x5f: {  	v46 =	vld [tilespmem:$0x54D0];
	v0 =	vadd.f32 v56, v0  }
0x60: {  	v26 =	vld [tilespmem:$0x6040];
	v1 =	vadd.f32 v36, v1  }
0x61: {  	v48 =	vld [tilespmem:$0x54E0];
	v0 =	vadd.f32 v58, v0  }
0x62: {  	v28 =	vld [tilespmem:$0x6050];
	v1 =	vadd.f32 v38, v1  }
0x63: {  	v50 =	vld [tilespmem:$0x54F0];
	v0 =	vadd.f32 v60, v0  }
0x64: {  	v30 =	vld [tilespmem:$0x6060];
	v1 =	vadd.f32 v40, v1  }
0x65: {  	v52 =	vld [tilespmem:$0x5880];
	v0 =	vadd.f32 v62, v0  }
0x66: {  	v32 =	vld [tilespmem:$0x6070];
	v1 =	vadd.f32 v42, v1  }
0x67: {  	v54 =	vld [tilespmem:$0x5890];
	v0 =	vadd.f32 v21, v0  }
0x68: {  	v34 =	vld [tilespmem:$0x6400];
	v1 =	vadd.f32 v44, v1  }
0x69: {  	v56 =	vld [tilespmem:$0x58A0];
	v0 =	vadd.f32 v23, v0  }
0x6a: {  	v36 =	vld [tilespmem:$0x6410];
	v1 =	vadd.f32 v46, v1  }
0x6b: {  	v58 =	vld [tilespmem:$0x58B0];
	v0 =	vadd.f32 v25, v0  }
0x6c: {  	v38 =	vld [tilespmem:$0x6420];
	v1 =	vadd.f32 v48, v1  }
0x6d: {  	v60 =	vld [tilespmem:$0x58C0];
	v0 =	vadd.f32 v27, v0  }
0x6e: {  	v40 =	vld [tilespmem:$0x6430];
	v1 =	vadd.f32 v50, v1  }
0x6f: {  	v62 =	vld [tilespmem:$0x58D0];
	v0 =	vadd.f32 v29, v0  }
0x70: {  	v42 =	vld [tilespmem:$0x6440];
	v1 =	vadd.f32 v52, v1  }
0x71: {  	v21 =	vld [tilespmem:$0x58E0];
	v0 =	vadd.f32 v31, v0  }
0x72: {  	v44 =	vld [tilespmem:$0x6450];
	v1 =	vadd.f32 v54, v1  }
0x73: {  	v23 =	vld [tilespmem:$0x58F0];
	v0 =	vadd.f32 v33, v0  }
0x74: {  	v46 =	vld [tilespmem:$0x6460];
	v1 =	vadd.f32 v56, v1  }
0x75: {  	v25 =	vld [tilespmem:$0x5C80];
	v0 =	vadd.f32 v35, v0  }
0x76: {  	v48 =	vld [tilespmem:$0x6470];
	v1 =	vadd.f32 v58, v1  }
0x77: {  	v27 =	vld [tilespmem:$0x5C90];
	v0 =	vadd.f32 v37, v0  }
0x78: {  	v50 =	vld [tilespmem:$0x60D0];
	v1 =	vadd.f32 v60, v1  }
0x79: {  	v29 =	vld [tilespmem:$0x5CA0];
	v0 =	vadd.f32 v39, v0  }
0x7a: {  	v52 =	vld [tilespmem:$0x60F0];
	v1 =	vadd.f32 v62, v1  }
0x7b: {  	v31 =	vld [tilespmem:$0x5CB0];
	v0 =	vadd.f32 v41, v0  }
0x7c: {  	v54 =	vld [tilespmem:$0x6490];
	v1 =	vadd.f32 v21, v1  }
0x7d: {  	v33 =	vld [tilespmem:$0x5CC0];
	v0 =	vadd.f32 v43, v0  }
0x7e: {  	v56 =	vld [tilespmem:$0x64B0];
	v1 =	vadd.f32 v23, v1  }
0x7f: {  	v35 =	vld [tilespmem:$0x5CD0];
	v0 =	vadd.f32 v45, v0  }
0x80: {  	v58 =	vld [tilespmem:$0x64D0];
	v1 =	vadd.f32 v25, v1  }
0x81: {  	v37 =	vld [tilespmem:$0x5CE0];
	v0 =	vadd.f32 v47, v0  }
0x82: {  	v60 =	vld [tilespmem:$0x5D00];
	v1 =	vadd.f32 v27, v1  }
0x83: {  	v39 =	vld [tilespmem:$0x5CF0];
	v0 =	vadd.f32 v49, v0  }
0x84: {  	v41 =	vld [tilespmem:$0x6080];
	v1 =	vadd.f32 v29, v1  }
0x85: {  	v21 =	vld [tilespmem:$0x4930];
	v0 =	vadd.f32 v51, v0  }
0x86: {  	v43 =	vld [tilespmem:$0x6090];
	v1 =	vadd.f32 v31, v1  }
0x87: {  	v23 =	vld [tilespmem:$0x4950];
	v0 =	vadd.f32 v53, v0  }
0x88: {  	v45 =	vld [tilespmem:$0x60A0];
	v1 =	vadd.f32 v33, v1  }
0x89: {  	v25 =	vld [tilespmem:$0x4970];
	v0 =	vadd.f32 v55, v0  }
0x8a: {  	v47 =	vld [tilespmem:$0x60B0];
	v1 =	vadd.f32 v35, v1  }
0x8b: {  	v27 =	vld [tilespmem:$0x4D10];
	v0 =	vadd.f32 v57, v0  }
0x8c: {  	v49 =	vld [tilespmem:$0x60C0];
	v1 =	vadd.f32 v37, v1  }
0x8d: {  	[tilespmem:$0x1EDA0] =	vst v19;
	v29 =	vld [tilespmem:$0x4D30];
	v0 =	vadd.f32 v59, v0  }
0x8e: {  	[tilespmem:$0x1EDB0] =	vst v20;
	v51 =	vld [tilespmem:$0x60E0];
	v1 =	vadd.f32 v39, v1  }
0x8f: {  	[tilespmem:$0x1F450] =	vst v4;
	v31 =	vld [tilespmem:$0x4D50];
	v0 =	vadd.f32 v61, v0  }
0x90: {  	[tilespmem:$0x1F490] =	vst v5;
	v53 =	vld [tilespmem:$0x6480];
	v1 =	vadd.f32 v41, v1  }
0x91: {  	[tilespmem:$0x1F4D0] =	vst v6;
	v33 =	vld [tilespmem:$0x4D70];
	v0 =	vadd.f32 v63, v0  }
0x92: {  	[tilespmem:$0x1F390] =	vst v60;
	v55 =	vld [tilespmem:$0x64A0];
	v1 =	vadd.f32 v43, v1  }
0x93: {  	[tilespmem:$0x1EDC0] =	vst v21;
	v35 =	vld [tilespmem:$0x5110];
	v0 =	vadd.f32 v22, v0  }
0x94: {  	[tilespmem:$0x1EDE0] =	vst v23;
	v57 =	vld [tilespmem:$0x64C0];
	v1 =	vadd.f32 v45, v1  }
0x95: {  	[tilespmem:$0x1EE00] =	vst v25;
	v37 =	vld [tilespmem:$0x5130];
	v0 =	vadd.f32 v24, v0  }
0x96: {  	[tilespmem:$0x1EE30] =	vst v27;
	v59 =	vld [tilespmem:$0x64E0];
	v1 =	vadd.f32 v47, v1  }
0x97: {  	[tilespmem:$0x1EE70] =	vst v29;
	v39 =	vld [tilespmem:$0x5150];
	v0 =	vadd.f32 v26, v0  }
0x98: {  	[tilespmem:$0x1EEB0] =	vst v31;
	v41 =	vld [tilespmem:$0x5170];
	v1 =	vadd.f32 v49, v1  }
0x99: {  	[tilespmem:$0x1EEF0] =	vst v33;
	v61 =	vld [tilespmem:$0x5D10];
	v0 =	vadd.f32 v28, v0  }
0x9a: {  	[tilespmem:$0x1EF30] =	vst v35;
	v43 =	vld [tilespmem:$0x5510];
	v1 =	vadd.f32 v50, v1  }
0x9b: {  	[tilespmem:$0x1EF70] =	vst v37;
	v63 =	vld [tilespmem:$0x5D20];
	v0 =	vadd.f32 v30, v0  }
0x9c: {  	[tilespmem:$0x1EFB0] =	vst v39;
	v22 =	vld [tilespmem:$0x4940];
	v1 =	vadd.f32 v51, v1  }
0x9d: {  	v45 =	vld [tilespmem:$0x5520];
	[tilespmem:$0x1F000] =	vst v41;
	v0 =	vadd.f32 v32, v0  }
0x9e: {  	[tilespmem:$0x1F3D0] =	vst v61;
	v24 =	vld [tilespmem:$0x4960];
	v1 =	vadd.f32 v52, v1  }
0x9f: {  	v47 =	vld [tilespmem:$0x5530];
	[tilespmem:$0x1F060] =	vst v43;
	v0 =	vadd.f32 v34, v0  }
0xa0: {  	[tilespmem:$0x1F410] =	vst v63;
	v26 =	vld [tilespmem:$0x4D00];
	v1 =	vadd.f32 v53, v1  }
0xa1: {  	v49 =	vld [tilespmem:$0x5550];
	[tilespmem:$0x1EDD0] =	vst v22;
	v0 =	vadd.f32 v36, v0  }
0xa2: {  	[tilespmem:$0x1F090] =	vst v45;
	v28 =	vld [tilespmem:$0x4D20];
	v1 =	vadd.f32 v54, v1  }
0xa3: {  	v50 =	vld [tilespmem:$0x5560];
	[tilespmem:$0x1EDF0] =	vst v24;
	v0 =	vadd.f32 v38, v0  }
0xa4: {  	[tilespmem:$0x1F0C0] =	vst v47;
	v30 =	vld [tilespmem:$0x4D40];
	v1 =	vadd.f32 v55, v1  }
0xa5: {  	v51 =	vld [tilespmem:$0x5570];
	[tilespmem:$0x1EE10] =	vst v26;
	v0 =	vadd.f32 v40, v0  }
0xa6: {  	[tilespmem:$0x1F120] =	vst v49;
	v32 =	vld [tilespmem:$0x4D60];
	v1 =	vadd.f32 v56, v1  }
0xa7: {  	v52 =	vld [tilespmem:$0x5900];
	[tilespmem:$0x1EE50] =	vst v28;
	v0 =	vadd.f32 v42, v0  }
0xa8: {  	[tilespmem:$0x1F150] =	vst v50;
	v34 =	vld [tilespmem:$0x5100];
	v1 =	vadd.f32 v57, v1  }
0xa9: {  	v53 =	vld [tilespmem:$0x5910];
	[tilespmem:$0x1EE90] =	vst v30;
	v0 =	vadd.f32 v44, v0  }
0xaa: {  	[tilespmem:$0x1F180] =	vst v51;
	v36 =	vld [tilespmem:$0x5120];
	v1 =	vadd.f32 v58, v1  }
0xab: {  	v54 =	vld [tilespmem:$0x5920];
	[tilespmem:$0x1EED0] =	vst v32;
	v0 =	vadd.f32 v46, v0  }
0xac: {  	[tilespmem:$0x1F1B0] =	vst v52;
	v38 =	vld [tilespmem:$0x5140];
	v1 =	vadd.f32 v59, v1  }
0xad: {  	v55 =	vld [tilespmem:$0x5930];
	[tilespmem:$0x1EF10] =	vst v34;
	v0 =	vadd.f32 v48, v0  }
0xae: {  	[tilespmem:$0x1F1E0] =	vst v53;
	v40 =	vld [tilespmem:$0x5160];
	v1 =	vadd.f32 v15, v1  }
0xaf: {  	v56 =	vld [tilespmem:$0x5940];
	[tilespmem:$0x1EF50] =	vst v36;
	(xrf2) =	vadd.scan.msk.f32 $0xffff, v0  }
0xb0: {  	[tilespmem:$0x1F210] =	vst v54;
	v42 =	vld [tilespmem:$0x5500];
	(xrf2) =	vadd.scan.msk.f32 $0xffff, v1  }
0xb1: {  	v57 =	vld [tilespmem:$0x5950];
	[tilespmem:$0x1EF90] =	vst v38  }
0xb2: {  	[tilespmem:$0x1F250] =	vst v55;
	v58 =	vld [tilespmem:$0x5960]  }
0xb3: {  	[tilespmem:$0x1EFD0] =	vst v40;
	v59 =	vld [tilespmem:$0x5970]  }
0xb4: {  	[tilespmem:$0x1F290] =	vst v56;
	v48 =	vld [tilespmem:$0x5540]  }
0xb5: {  	[tilespmem:$0x1F030] =	vst v42  }
0xb6: {  	[tilespmem:$0x1F2D0] =	vst v57  }
0xb7: {  	[tilespmem:$0x1F310] =	vst v58  }
0xb8: {  	[tilespmem:$0x1F350] =	vst v59  }
0xb9: {  	[tilespmem:$0x1F0F0] =	vst v48;
	v44, _, _ =	vpop (xrf2)  }
0xba: {  	[tilespmem:$0x1FE70] =	vst v44;
	v46, _, _ =	vpop (xrf2)  }
0xbb: {  	v62 =	vld [tilespmem:$0x4900];
	[tilespmem:$0x1FE90] =	vst v46  }
0xbc: {  	v0 =	vld [tilespmem:$0x5D60]  }
0xbd: {  	v7 =	vld [tilespmem:$0x5D70]  }
0xbe: {  	v8 =	vld [tilespmem:$0x6100]  }
0xbf: {  	v9 =	vld [tilespmem:$0x6110]  }
0xc0: {  	v10 =	vld [tilespmem:$0x6120]  }
0xc1: {  	v11 =	vld [tilespmem:$0x6130]  }
0xc2: {  	v12 =	vld [tilespmem:$0x6140]  }
0xc3: {  	v13 =	vld [tilespmem:$0x6150]  }
0xc4: {  	v14 =	vld [tilespmem:$0x6160]  }
0xc5: {  	v15 =	vld [tilespmem:$0x6170]  }
0xc6: {  	v16 =	vld [tilespmem:$0x6500]  }
0xc7: {  	v17 =	vld [tilespmem:$0x6510]  }
0xc8: {  	v18 =	vld [tilespmem:$0x6520]  }
0xc9: {  	v19 =	vld [tilespmem:$0x6530]  }
0xca: {  	v20 =	vld [tilespmem:$0x6540]  }
0xcb: {  	v21 =	vld [tilespmem:$0x6550]  }
0xcc: {  	v22 =	vld [tilespmem:$0x6560]  }
0xcd: {  	v23 =	vld [tilespmem:$0x6570]  }
0xce: {  	v39 =	vld [tilespmem:$0x4980]  }
0xcf: {  	v42 =	vld [tilespmem:$0x4990]  }
0xd0: {  	v44 =	vld [tilespmem:$0x49A0]  }
0xd1: {  	v48 =	vld [tilespmem:$0x49B0]  }
0xd2: {  	v50 =	vld [tilespmem:$0x49C0]  }
0xd3: {  	v54 =	vld [tilespmem:$0x49D0]  }
0xd4: {  	v56 =	vld [tilespmem:$0x49E0]  }
0xd5: {  	v60 =	vld [tilespmem:$0x49F0]  }
0xd6: {  	v24 =	vld [tilespmem:$0x4D80]  }
0xd7: {  	v25 =	vld [tilespmem:$0x4D90]  }
0xd8: {  	v26 =	vld [tilespmem:$0x4DA0]  }
0xd9: {  	v27 =	vld [tilespmem:$0x4DB0]  }
0xda: {  	v28 =	vld [tilespmem:$0x4DC0]  }
0xdb: {  	v29 =	vld [tilespmem:$0x4DD0]  }
0xdc: {  	v30 =	vld [tilespmem:$0x4DE0]  }
0xdd: {  	v31 =	vld [tilespmem:$0x4DF0]  }
0xde: {  	v32 =	vld [tilespmem:$0x5180]  }
0xdf: {  	v33 =	vld [tilespmem:$0x5190]  }
0xe0: {  	v34 =	vld [tilespmem:$0x51A0]  }
0xe1: {  	v35 =	vld [tilespmem:$0x51B0]  }
0xe2: {  	v36 =	vld [tilespmem:$0x51C0]  }
0xe3: {  	v37 =	vld [tilespmem:$0x51D0]  }
0xe4: {  	v38 =	vld [tilespmem:$0x51E0]  }
0xe5: {  	v40 =	vld [tilespmem:$0x51F0]  }
0xe6: {  	v41 =	vld [tilespmem:$0x5580]  }
0xe7: {  	v43 =	vld [tilespmem:$0x5590]  }
0xe8: {  	v45 =	vld [tilespmem:$0x55A0]  }
0xe9: {  	v46 =	vld [tilespmem:$0x55B0]  }
0xea: {  	v47 =	vld [tilespmem:$0x55C0]  }
0xeb: {  	v49 =	vld [tilespmem:$0x55D0]  }
0xec: {  	v51 =	vld [tilespmem:$0x55E0]  }
0xed: {  	v52 =	vld [tilespmem:$0x55F0]  }
0xee: {  	v53 =	vld [tilespmem:$0x5980]  }
0xef: {  	v55 =	vld [tilespmem:$0x5990]  }
0xf0: {  	v57 =	vld [tilespmem:$0x59A0]  }
0xf1: {  	v58 =	vld [tilespmem:$0x59B0]  }
0xf2: {  	v59 =	vld [tilespmem:$0x59C0]  }
0xf3: {  	v61 =	vld [tilespmem:$0x59D0]  }
0xf4: {  	v63 =	vld [tilespmem:$0x59E0]  }
0xf5: {  	v4 =	vld [tilespmem:$0x59F0]  }
0xf6: {  	v5 =	vld [tilespmem:$0x5D80]  }
0xf7: {  	v6 =	vld [tilespmem:$0x5D90]  }
0xf8: {  	v1 =	vld [tilespmem:$0x4A80]  }
0xf9: {  	v2 =	vld [tilespmem:$0x4A90]  }
0xfa: {  	v3 =	vld [tilespmem:$0x4AA0]  }
0xfb: {  	[tilespmem:$0x1F550] =	vst v7;
	v7 =	vld [tilespmem:$0x5DA0]  }
0xfc: {  	[tilespmem:$0x1F590] =	vst v8;
	v8 =	vld [tilespmem:$0x5DB0]  }
0xfd: {  	[tilespmem:$0x1F510] =	vst v0;
	v0 =	vld [tilespmem:$0x5A90]  }
0xfe: {  	[tilespmem:$0x1F5D0] =	vst v9;
	v9 =	vld [tilespmem:$0x5DC0]  }
0xff: {  	[tilespmem:$0x1F610] =	vst v10;
	v10 =	vld [tilespmem:$0x5DD0]  }
0x100: {  	[tilespmem:$0x1F650] =	vst v11;
	v11 =	vld [tilespmem:$0x5DE0]  }
0x101: {  	[tilespmem:$0x1F690] =	vst v12;
	v12 =	vld [tilespmem:$0x5DF0]  }
0x102: {  	[tilespmem:$0x1F240] =	vst v0;
	v0 =	vld [tilespmem:$0x5AA0]  }
0x103: {  	[tilespmem:$0x1F6D0] =	vst v13;
	v13 =	vld [tilespmem:$0x6180]  }
0x104: {  	[tilespmem:$0x1F710] =	vst v14;
	v14 =	vld [tilespmem:$0x6190]  }
0x105: {  	[tilespmem:$0x1F750] =	vst v15;
	v15 =	vld [tilespmem:$0x61A0]  }
0x106: {  	[tilespmem:$0x1F790] =	vst v16;
	v16 =	vld [tilespmem:$0x61B0]  }
0x107: {  	[tilespmem:$0x1F280] =	vst v0;
	v0 =	vld [tilespmem:$0x5AB0]  }
0x108: {  	[tilespmem:$0x1F7D0] =	vst v17;
	v17 =	vld [tilespmem:$0x61C0]  }
0x109: {  	[tilespmem:$0x1F810] =	vst v18;
	v18 =	vld [tilespmem:$0x61D0]  }
0x10a: {  	[tilespmem:$0x1F850] =	vst v19;
	v19 =	vld [tilespmem:$0x61E0]  }
0x10b: {  	[tilespmem:$0x1F890] =	vst v20;
	v20 =	vld [tilespmem:$0x61F0]  }
0x10c: {  	[tilespmem:$0x1F2C0] =	vst v0;
	v0 =	vld [tilespmem:$0x5AC0]  }
0x10d: {  	[tilespmem:$0x1F8D0] =	vst v21;
	v21 =	vld [tilespmem:$0x6580]  }
0x10e: {  	[tilespmem:$0x1F910] =	vst v22;
	v22 =	vld [tilespmem:$0x6590]  }
0x10f: {  	[tilespmem:$0x1F950] =	vst v23;
	v23 =	vld [tilespmem:$0x65A0]  }
0x110: {  	[tilespmem:$0x1EE20] =	vst v24;
	v24 =	vld [tilespmem:$0x65B0]  }
0x111: {  	[tilespmem:$0x1F300] =	vst v0;
	v0 =	vld [tilespmem:$0x5AD0]  }
0x112: {  	[tilespmem:$0x1EE40] =	vst v25;
	v25 =	vld [tilespmem:$0x65C0]  }
0x113: {  	[tilespmem:$0x1EE60] =	vst v26;
	v26 =	vld [tilespmem:$0x65D0]  }
0x114: {  	[tilespmem:$0x1EE80] =	vst v27;
	v27 =	vld [tilespmem:$0x65E0]  }
0x115: {  	[tilespmem:$0x1EEA0] =	vst v28;
	v28 =	vld [tilespmem:$0x65F0]  }
0x116: {  	[tilespmem:$0x1F340] =	vst v0;
	v0 =	vld [tilespmem:$0x5AE0]  }
0x117: {  	[tilespmem:$0x1EEE0] =	vst v30;
	v30 =	vld [tilespmem:$0x4E00]  }
0x118: {  	[tilespmem:$0x1EF20] =	vst v32;
	v32 =	vld [tilespmem:$0x4E10]  }
0x119: {  	[tilespmem:$0x1EF60] =	vst v34;
	v34 =	vld [tilespmem:$0x4E20]  }
0x11a: {  	[tilespmem:$0x1EFA0] =	vst v36;
	v36 =	vld [tilespmem:$0x4E30]  }
0x11b: {  	[tilespmem:$0x1F380] =	vst v0;
	v0 =	vld [tilespmem:$0x5AF0]  }
0x11c: {  	[tilespmem:$0x1EFF0] =	vst v38;
	v38 =	vld [tilespmem:$0x4E40]  }
0x11d: {  	[tilespmem:$0x1F050] =	vst v41;
	v41 =	vld [tilespmem:$0x4E50]  }
0x11e: {  	[tilespmem:$0x1F0B0] =	vst v45;
	v45 =	vld [tilespmem:$0x4E60]  }
0x11f: {  	[tilespmem:$0x1F110] =	vst v47;
	v47 =	vld [tilespmem:$0x4E70]  }
0x120: {  	[tilespmem:$0x1F3C0] =	vst v0;
	v0 =	vld [tilespmem:$0x5E80]  }
0x121: {  	[tilespmem:$0x1F170] =	vst v51;
	v51 =	vld [tilespmem:$0x5200]  }
0x122: {  	[tilespmem:$0x1F1D0] =	vst v53;
	v53 =	vld [tilespmem:$0x5210]  }
0x123: {  	[tilespmem:$0x1F230] =	vst v57;
	v57 =	vld [tilespmem:$0x5220]  }
0x124: {  	[tilespmem:$0x1F2B0] =	vst v59;
	v59 =	vld [tilespmem:$0x5230]  }
0x125: {  	[tilespmem:$0x1F400] =	vst v0;
	v0 =	vld [tilespmem:$0x5E90]  }
0x126: {  	[tilespmem:$0x1F330] =	vst v63;
	v63 =	vld [tilespmem:$0x5240]  }
0x127: {  	[tilespmem:$0x1EEC0] =	vst v29;
	v29 =	vld [tilespmem:$0x5250]  }
0x128: {  	[tilespmem:$0x1EF00] =	vst v31;
	v31 =	vld [tilespmem:$0x5260]  }
0x129: {  	[tilespmem:$0x1EF40] =	vst v33;
	v33 =	vld [tilespmem:$0x5270]  }
0x12a: {  	[tilespmem:$0x1F440] =	vst v0;
	v0 =	vld [tilespmem:$0x5EA0]  }
0x12b: {  	[tilespmem:$0x1EF80] =	vst v35;
	v35 =	vld [tilespmem:$0x5600]  }
0x12c: {  	[tilespmem:$0x1EFC0] =	vst v37;
	v37 =	vld [tilespmem:$0x5610]  }
0x12d: {  	[tilespmem:$0x1F020] =	vst v40;
	v40 =	vld [tilespmem:$0x5620]  }
0x12e: {  	[tilespmem:$0x1F080] =	vst v43;
	v43 =	vld [tilespmem:$0x5630]  }
0x12f: {  	[tilespmem:$0x1F480] =	vst v0;
	v0 =	vld [tilespmem:$0x5EB0]  }
0x130: {  	[tilespmem:$0x1F0E0] =	vst v46;
	v46 =	vld [tilespmem:$0x5640]  }
0x131: {  	[tilespmem:$0x1F140] =	vst v49;
	v49 =	vld [tilespmem:$0x5650]  }
0x132: {  	[tilespmem:$0x1F1A0] =	vst v52;
	v52 =	vld [tilespmem:$0x5660]  }
0x133: {  	[tilespmem:$0x1F200] =	vst v55;
	v55 =	vld [tilespmem:$0x5670]  }
0x134: {  	[tilespmem:$0x1F4C0] =	vst v0;
	v0 =	vld [tilespmem:$0x5EC0]  }
0x135: {  	[tilespmem:$0x1F270] =	vst v58;
	v58 =	vld [tilespmem:$0x5A00]  }
0x136: {  	[tilespmem:$0x1F2F0] =	vst v61;
	v61 =	vld [tilespmem:$0x5A10]  }
0x137: {  	[tilespmem:$0x1F370] =	vst v4;
	v4 =	vld [tilespmem:$0x5A20];
	v39 =	vadd.f32 $0.0e+00, v39  }
0x138: {  	[tilespmem:$0x1F3B0] =	vst v5;
	v5 =	vld [tilespmem:$0x5A30]  }
0x139: {  	v39 =	vadd.f32 v42, v39;
	[tilespmem:$0x1F500] =	vst v0;
	v0 =	vld [tilespmem:$0x5ED0]  }
0x13a: {  	[tilespmem:$0x1F3F0] =	vst v6;
	v6 =	vld [tilespmem:$0x5A40]  }
0x13b: {  	v42 =	vadd.f32 v44, v39;
	v44 =	vld [tilespmem:$0x4F00]  }
0x13c: {  	v39 =	vld [tilespmem:$0x4F10]  }
0x13d: {  	[tilespmem:$0x1F5F0] =	vst v14;
	v14 =	vld [tilespmem:$0x4A00]  }
0x13e: {  	[tilespmem:$0x1F540] =	vst v0;
	v0 =	vld [tilespmem:$0x5EE0]  }
0x13f: {  	[tilespmem:$0x1F670] =	vst v16;
	v16 =	vld [tilespmem:$0x4A10]  }
0x140: {  	[tilespmem:$0x1F6F0] =	vst v18;
	v18 =	vld [tilespmem:$0x4A20]  }
0x141: {  	[tilespmem:$0x1F770] =	vst v20;
	v20 =	vld [tilespmem:$0x4A30]  }
0x142: {  	[tilespmem:$0x1F7F0] =	vst v22;
	v22 =	vld [tilespmem:$0x4A40]  }
0x143: {  	[tilespmem:$0x1F580] =	vst v0;
	v0 =	vld [tilespmem:$0x5EF0]  }
0x144: {  	[tilespmem:$0x1F870] =	vst v24;
	v24 =	vld [tilespmem:$0x4A50]  }
0x145: {  	[tilespmem:$0x1F8F0] =	vst v26;
	v26 =	vld [tilespmem:$0x4A60]  }
0x146: {  	[tilespmem:$0x1F970] =	vst v28;
	v28 =	vld [tilespmem:$0x4A70]  }
0x147: {  	[tilespmem:$0x1F430] =	vst v7;
	v7 =	vld [tilespmem:$0x5A50]  }
0x148: {  	[tilespmem:$0x1F5C0] =	vst v0;
	v0 =	vld [tilespmem:$0x6280]  }
0x149: {  	[tilespmem:$0x1F470] =	vst v8;
	v8 =	vld [tilespmem:$0x5A60]  }
0x14a: {  	[tilespmem:$0x1F4B0] =	vst v9;
	v9 =	vld [tilespmem:$0x5A70]  }
0x14b: {  	[tilespmem:$0x1F4F0] =	vst v10;
	v10 =	vld [tilespmem:$0x5E00]  }
0x14c: {  	[tilespmem:$0x1F530] =	vst v11;
	v11 =	vld [tilespmem:$0x5E10]  }
0x14d: {  	[tilespmem:$0x1F600] =	vst v0;
	v0 =	vld [tilespmem:$0x6290]  }
0x14e: {  	[tilespmem:$0x1F570] =	vst v12;
	v12 =	vld [tilespmem:$0x5E20]  }
0x14f: {  	[tilespmem:$0x1F5B0] =	vst v13;
	v13 =	vld [tilespmem:$0x5E30]  }
0x150: {  	[tilespmem:$0x1F630] =	vst v15;
	v15 =	vld [tilespmem:$0x5E40]  }
0x151: {  	[tilespmem:$0x1F6B0] =	vst v17;
	v17 =	vld [tilespmem:$0x5E50]  }
0x152: {  	[tilespmem:$0x1F640] =	vst v0;
	v0 =	vld [tilespmem:$0x62A0]  }
0x153: {  	[tilespmem:$0x1F730] =	vst v19;
	v19 =	vld [tilespmem:$0x5E60]  }
0x154: {  	[tilespmem:$0x1F7B0] =	vst v21;
	v21 =	vld [tilespmem:$0x5E70]  }
0x155: {  	[tilespmem:$0x1F830] =	vst v23;
	v23 =	vld [tilespmem:$0x6200]  }
0x156: {  	[tilespmem:$0x1F8B0] =	vst v25;
	v25 =	vld [tilespmem:$0x6210]  }
0x157: {  	[tilespmem:$0x1F680] =	vst v0;
	v0 =	vld [tilespmem:$0x62B0]  }
0x158: {  	[tilespmem:$0x1F930] =	vst v27;
	v27 =	vld [tilespmem:$0x6220]  }
0x159: {  	[tilespmem:$0x1EFE0] =	vst v29;
	v29 =	vld [tilespmem:$0x6230]  }
0x15a: {  	[tilespmem:$0x1F010] =	vst v31;
	v31 =	vld [tilespmem:$0x6240]  }
0x15b: {  	[tilespmem:$0x1F040] =	vst v33;
	v33 =	vld [tilespmem:$0x6250]  }
0x15c: {  	[tilespmem:$0x1F6C0] =	vst v0;
	v0 =	vld [tilespmem:$0x62C0]  }
0x15d: {  	[tilespmem:$0x1F070] =	vst v35;
	v35 =	vld [tilespmem:$0x6260]  }
0x15e: {  	[tilespmem:$0x1F0A0] =	vst v37;
	v37 =	vld [tilespmem:$0x6270]  }
0x15f: {  	[tilespmem:$0x1F0D0] =	vst v40;
	v40 =	vld [tilespmem:$0x6600]  }
0x160: {  	[tilespmem:$0x1F100] =	vst v43;
	v43 =	vld [tilespmem:$0x6610]  }
0x161: {  	[tilespmem:$0x1F700] =	vst v0;
	v0 =	vld [tilespmem:$0x62D0]  }
0x162: {  	[tilespmem:$0x1F130] =	vst v46;
	v46 =	vld [tilespmem:$0x6620]  }
0x163: {  	[tilespmem:$0x1F160] =	vst v49;
	v49 =	vld [tilespmem:$0x6630]  }
0x164: {  	[tilespmem:$0x1F190] =	vst v52;
	v52 =	vld [tilespmem:$0x6640]  }
0x165: {  	[tilespmem:$0x1F1C0] =	vst v55;
	v55 =	vld [tilespmem:$0x6650]  }
0x166: {  	[tilespmem:$0x1F740] =	vst v0;
	v0 =	vld [tilespmem:$0x62E0]  }
0x167: {  	[tilespmem:$0x1F1F0] =	vst v58;
	v58 =	vld [tilespmem:$0x6660]  }
0x168: {  	[tilespmem:$0x1F220] =	vst v61;
	v61 =	vld [tilespmem:$0x6670]  }
0x169: {  	[tilespmem:$0x1F260] =	vst v4;
	v4 =	vld [tilespmem:$0x4AB0]  }
0x16a: {  	[tilespmem:$0x1F2A0] =	vst v5;
	v5 =	vld [tilespmem:$0x4AC0]  }
0x16b: {  	[tilespmem:$0x1F780] =	vst v0;
	v0 =	vld [tilespmem:$0x62F0]  }
0x16c: {  	[tilespmem:$0x1F2E0] =	vst v6;
	v6 =	vld [tilespmem:$0x4AD0]  }
0x16d: {  	v42 =	vadd.f32 v48, v42;
	v48 =	vld [tilespmem:$0x1EDD0]  }
0x16e: {  	[tilespmem:$0x1FA30] =	vst v44;
	v44 =	vld [tilespmem:$0x4F20]  }
0x16f: {  	[tilespmem:$0x1FA40] =	vst v39;
	v39 =	vld [tilespmem:$0x4F50]  }
0x170: {  	[tilespmem:$0x1F7C0] =	vst v0;
	v0 =	vld [tilespmem:$0x6680]  }
0x171: {  	[tilespmem:$0x1F320] =	vst v7;
	v7 =	vld [tilespmem:$0x4AE0]  }
0x172: {  	[tilespmem:$0x1F360] =	vst v8;
	v8 =	vld [tilespmem:$0x4AF0]  }
0x173: {  	[tilespmem:$0x1F3A0] =	vst v9;
	v9 =	vld [tilespmem:$0x4E80]  }
0x174: {  	[tilespmem:$0x1F3E0] =	vst v10;
	v10 =	vld [tilespmem:$0x4E90]  }
0x175: {  	[tilespmem:$0x1F800] =	vst v0;
	v0 =	vld [tilespmem:$0x6690]  }
0x176: {  	[tilespmem:$0x1F420] =	vst v11;
	v11 =	vld [tilespmem:$0x4EA0]  }
0x177: {  	[tilespmem:$0x1F460] =	vst v12;
	v12 =	vld [tilespmem:$0x4EB0]  }
0x178: {  	[tilespmem:$0x1F4A0] =	vst v13;
	v13 =	vld [tilespmem:$0x4EC0]  }
0x179: {  	[tilespmem:$0x1F4E0] =	vst v15;
	v15 =	vld [tilespmem:$0x4ED0]  }
0x17a: {  	[tilespmem:$0x1F840] =	vst v0;
	v0 =	vld [tilespmem:$0x66A0]  }
0x17b: {  	[tilespmem:$0x1F520] =	vst v17;
	v17 =	vld [tilespmem:$0x4EE0]  }
0x17c: {  	[tilespmem:$0x1F560] =	vst v19;
	v19 =	vld [tilespmem:$0x4EF0]  }
0x17d: {  	[tilespmem:$0x1F5A0] =	vst v21;
	v21 =	vld [tilespmem:$0x5280]  }
0x17e: {  	[tilespmem:$0x1F5E0] =	vst v23;
	v23 =	vld [tilespmem:$0x5290]  }
0x17f: {  	[tilespmem:$0x1F880] =	vst v0;
	v0 =	vld [tilespmem:$0x66B0]  }
0x180: {  	[tilespmem:$0x1F620] =	vst v25;
	v25 =	vld [tilespmem:$0x52A0]  }
0x181: {  	[tilespmem:$0x1F660] =	vst v27;
	v27 =	vld [tilespmem:$0x52B0]  }
0x182: {  	[tilespmem:$0x1F6A0] =	vst v29;
	v29 =	vld [tilespmem:$0x52C0]  }
0x183: {  	[tilespmem:$0x1F6E0] =	vst v31;
	v31 =	vld [tilespmem:$0x52D0]  }
0x184: {  	[tilespmem:$0x1F8C0] =	vst v0;
	v0 =	vld [tilespmem:$0x66C0]  }
0x185: {  	[tilespmem:$0x1F720] =	vst v33;
	v33 =	vld [tilespmem:$0x52E0]  }
0x186: {  	[tilespmem:$0x1F760] =	vst v35;
	v35 =	vld [tilespmem:$0x52F0]  }
0x187: {  	[tilespmem:$0x1F7A0] =	vst v37;
	v37 =	vld [tilespmem:$0x5680]  }
0x188: {  	[tilespmem:$0x1F7E0] =	vst v40;
	v40 =	vld [tilespmem:$0x5690]  }
0x189: {  	[tilespmem:$0x1F900] =	vst v0;
	v0 =	vld [tilespmem:$0x66D0]  }
0x18a: {  	[tilespmem:$0x1F820] =	vst v43;
	v43 =	vld [tilespmem:$0x56A0]  }
0x18b: {  	[tilespmem:$0x1F860] =	vst v46;
	v46 =	vld [tilespmem:$0x56B0]  }
0x18c: {  	[tilespmem:$0x1F8A0] =	vst v49;
	v49 =	vld [tilespmem:$0x56C0]  }
0x18d: {  	[tilespmem:$0x1F8E0] =	vst v52;
	v52 =	vld [tilespmem:$0x56D0]  }
0x18e: {  	[tilespmem:$0x1F940] =	vst v0;
	v0 =	vld [tilespmem:$0x66E0]  }
0x18f: {  	[tilespmem:$0x1F920] =	vst v55;
	v55 =	vld [tilespmem:$0x56E0]  }
0x190: {  	[tilespmem:$0x1F960] =	vst v58;
	v58 =	vld [tilespmem:$0x56F0];
	v14 =	vadd.f32 $0.0e+00, v14  }
0x191: {  	v1 =	vadd.f32 $0.0e+00, v1;
	[tilespmem:$0x1F990] =	vst v61;
	v61 =	vld [tilespmem:$0x5A80]  }
0x192: {  	v14 =	vadd.f32 v16, v14;
	v16 =	vadd.f32 v50, v42;
	v42 =	vld [tilespmem:$0x4F60]  }
0x193: {  	[tilespmem:$0x1F980] =	vst v0;
	v0 =	vld [tilespmem:$0x66F0]  }
0x194: {  	v1 =	vadd.f32 v2, v1;
	v50 =	vld [tilespmem:$0x5300]  }
0x195: {  	[tilespmem:$0x1FA50] =	vst v44;
	v44 =	vld [tilespmem:$0x1EDF0]  }
0x196: {  	v1 =	vadd.f32 v3, v1;
	v3 =	vadd.f32 v54, v16;
	v54 =	vld [tilespmem:$0x1EE00]  }
0x197: {  	v18 =	vadd.f32 v18, v14;
	v14 =	vld [tilespmem:$0x1EE10]  }
0x198: {  	[tilespmem:$0x1F9B0] =	vst v0;
	v0 =	vld [tilespmem:$0x4B00]  }
0x199: {  	v16 =	vld [tilespmem:$0x5330]  }
0x19a: {  	[tilespmem:$0x1FA80] =	vst v39;
	v39 =	vld [tilespmem:$0x5370]  }
0x19b: {  	v2 =	vadd.f32 v20, v18;
	v18 =	vld [tilespmem:$0x4F40]  }
0x19c: {  	v1 =	vadd.f32 v4, v1;
	v20 =	vld [tilespmem:$0x1EDE0]  }
0x19d: {  	[tilespmem:$0x1F9A0] =	vst v0;
	v0 =	vld [tilespmem:$0x4B10]  }
0x19e: {  	v1 =	vadd.f32 v5, v1;
	v3 =	vadd.f32 v56, v3;
	v56 =	vld [tilespmem:$0x5310]  }
0x19f: {  	[tilespmem:$0x1FA90] =	vst v42;
	v42 =	vld [tilespmem:$0x1EE60]  }
0x1a0: {  	v1 =	vadd.f32 v6, v1;
	[tilespmem:$0x1FAB0] =	vst v50;
	v50 =	vld [tilespmem:$0x5710]  }
0x1a1: {  	v2 =	vadd.f32 v22, v2;
	v22 =	vld [tilespmem:$0x1EE30]  }
0x1a2: {  	v1 =	vadd.f32 v7, v1;
	[tilespmem:$0x1F9C0] =	vst v0;
	v0 =	vld [tilespmem:$0x4B20]  }
0x1a3: {  	v3 =	vadd.f32 v60, v3;
	v60 =	vld [tilespmem:$0x1EE90]  }
0x1a4: {  	v1 =	vadd.f32 v8, v1;
	v8 =	vld [tilespmem:$0x1EEA0]  }
0x1a5: {  	[tilespmem:$0x1FAE0] =	vst v16;
	v16 =	vld [tilespmem:$0x5770]  }
0x1a6: {  	[tilespmem:$0x1FB20] =	vst v39;
	v39 =	vld [tilespmem:$0x5B50]  }
0x1a7: {  	[tilespmem:$0x1F9D0] =	vst v0;
	v0 =	vadd.f32 $0.0e+00, v62;
	v62 =	vld [tilespmem:$0x4B30]  }
0x1a8: {  	v2 =	vadd.f32 v24, v2;
	v24 =	vld [tilespmem:$0x5350]  }
0x1a9: {  	v1 =	vadd.f32 v9, v1;
	v9 =	vld [tilespmem:$0x5740]  }
0x1aa: {  	[tilespmem:$0x1FA70] =	vst v18;
	v18 =	vld [tilespmem:$0x1EE20]  }
0x1ab: {  	[tilespmem:$0x1FAC0] =	vst v56;
	v56 =	vld [tilespmem:$0x5720]  }
0x1ac: {  	[tilespmem:$0x1F9E0] =	vst v62;
	v62 =	vld [tilespmem:$0x4B40]  }
0x1ad: {  	v2 =	vadd.f32 v26, v2;
	v26 =	vld [tilespmem:$0x1EE40]  }
0x1ae: {  	v1 =	vadd.f32 v10, v1;
	v10 =	vld [tilespmem:$0x1EEB0]  }
0x1af: {  	[tilespmem:$0x1FB40] =	vst v50;
	v50 =	vld [tilespmem:$0x1EF70]  }
0x1b0: {  	v2 =	vadd.f32 v28, v2;
	v28 =	vld [tilespmem:$0x5360]  }
0x1b1: {  	[tilespmem:$0x1F9F0] =	vst v62;
	v62 =	vld [tilespmem:$0x1EDA0]  }
0x1b2: {  	v1 =	vadd.f32 v11, v1;
	v11 =	vld [tilespmem:$0x5750]  }
0x1b3: {  	[tilespmem:$0x1FBA0] =	vst v16;
	v16 =	vld [tilespmem:$0x1F000]  }
0x1b4: {  	[tilespmem:$0x1FB00] =	vst v24;
	v24 =	vld [tilespmem:$0x5B10]  }
0x1b5: {  	[tilespmem:$0x1FB70] =	vst v9;
	v9 =	vld [tilespmem:$0x1EFC0]  }
0x1b6: {  	v0 =	vadd.f32 v62, v0;
	v62 =	vld [tilespmem:$0x4B50]  }
0x1b7: {  	v2 =	vadd.f32 v30, v2;
	v30 =	vld [tilespmem:$0x1EE50]  }
0x1b8: {  	v1 =	vadd.f32 v12, v1;
	v12 =	vld [tilespmem:$0x1EEC0]  }
0x1b9: {  	v3 =	vadd.f32 v18, v3;
	v18 =	vld [tilespmem:$0x1EEE0]  }
0x1ba: {  	[tilespmem:$0x1FB50] =	vst v56;
	v56 =	vld [tilespmem:$0x1EF90]  }
0x1bb: {  	[tilespmem:$0x1FA00] =	vst v62;
	v62 =	vld [tilespmem:$0x4B60]  }
0x1bc: {  	v1 =	vadd.f32 v13, v1;
	v13 =	vld [tilespmem:$0x5760]  }
0x1bd: {  	v3 =	vadd.f32 v26, v3;
	v26 =	vld [tilespmem:$0x1EF00]  }
0x1be: {  	v2 =	vadd.f32 v32, v2;
	v32 =	vld [tilespmem:$0x5B30]  }
0x1bf: {  	[tilespmem:$0x1FB10] =	vst v28;
	v28 =	vld [tilespmem:$0x5B20]  }
0x1c0: {  	[tilespmem:$0x1FA10] =	vst v62;
	v62 =	vld [tilespmem:$0x1EDB0]  }
0x1c1: {  	[tilespmem:$0x1FB80] =	vst v11;
	v11 =	vld [tilespmem:$0x1EFD0];
	v2 =	vadd.f32 v34, v2  }
0x1c2: {  	v34 =	vld [tilespmem:$0x1EF20]  }
0x1c3: {  	v3 =	vadd.f32 v42, v3;
	v42 =	vld [tilespmem:$0x5B60];
	v2 =	vadd.f32 v36, v2  }
0x1c4: {  	v1 =	vadd.f32 v15, v1;
	v15 =	vld [tilespmem:$0x6300]  }
0x1c5: {  	v2 =	vadd.f32 v38, v2;
	v0 =	vadd.f32 v62, v0;
	v62 =	vld [tilespmem:$0x4B70]  }
0x1c6: {  	v36 =	vld [tilespmem:$0x5B40]  }
0x1c7: {  	v1 =	vadd.f32 v17, v1;
	v17 =	vld [tilespmem:$0x1F010];
	v2 =	vadd.f32 v41, v2  }
0x1c8: {  	[tilespmem:$0x1FB90] =	vst v13;
	v13 =	vld [tilespmem:$0x5F70]  }
0x1c9: {  	v38 =	vld [tilespmem:$0x1EF30];
	v2 =	vadd.f32 v45, v2  }
0x1ca: {  	[tilespmem:$0x1FA20] =	vst v62;
	v62 =	vld [tilespmem:$0x1EDC0]  }
0x1cb: {  	v1 =	vadd.f32 v19, v1;
	v19 =	vld [tilespmem:$0x1F020];
	v2 =	vadd.f32 v47, v2  }
0x1cc: {  	v41 =	vld [tilespmem:$0x1EF40]  }
0x1cd: {  	v45 =	vld [tilespmem:$0x5B70];
	v2 =	vadd.f32 v51, v2  }
0x1ce: {  	v47 =	vld [tilespmem:$0x1EF60]  }
0x1cf: {  	v51 =	vld [tilespmem:$0x5F10];
	v2 =	vadd.f32 v53, v2;
	v0 =	vadd.f32 v62, v0  }
0x1d0: {  	v53 =	vld [tilespmem:$0x1EF80]  }
0x1d1: {  	[tilespmem:$0x1FC00] =	vst v39;
	v2 =	vadd.f32 v57, v2;
	v62 =	vld [tilespmem:$0x4F30];
	v0 =	vadd.f32 v48, v0  }
0x1d2: {  	[tilespmem:$0x1FBC0] =	vst v24;
	v57 =	vld [tilespmem:$0x5F30]  }
0x1d3: {  	[tilespmem:$0x1FBE0] =	vst v32;
	v2 =	vadd.f32 v59, v2;
	v59 =	vld [tilespmem:$0x1EFA0];
	v0 =	vadd.f32 v20, v0  }
0x1d4: {  	[tilespmem:$0x1FBD0] =	vst v28;
	v48 =	vld [tilespmem:$0x4F70]  }
0x1d5: {  	[tilespmem:$0x1FC10] =	vst v42;
	v20 =	vld [tilespmem:$0x5340];
	v0 =	vadd.f32 v44, v0  }
0x1d6: {  	[tilespmem:$0x1FA60] =	vst v62;
	v62 =	vld [tilespmem:$0x5320]  }
0x1d7: {  	[tilespmem:$0x1FCB0] =	vst v15;
	v0 =	vadd.f32 v54, v0;
	v54 =	vld [tilespmem:$0x1EE80]  }
0x1d8: {  	[tilespmem:$0x1FBF0] =	vst v36;
	v44 =	vld [tilespmem:$0x5700]  }
0x1d9: {  	[tilespmem:$0x1FAA0] =	vst v48;
	v48 =	vld [tilespmem:$0x1EE70];
	v0 =	vadd.f32 v14, v0  }
0x1da: {  	[tilespmem:$0x1FAF0] =	vst v20;
	v20 =	vld [tilespmem:$0x5B00]  }
0x1db: {  	[tilespmem:$0x1FAD0] =	vst v62;
	v62 =	vld [tilespmem:$0x5730];
	v0 =	vadd.f32 v22, v0  }
0x1dc: {  	[tilespmem:$0x1FCA0] =	vst v13;
	v14 =	vld [tilespmem:$0x1EED0];
	v3 =	vadd.f32 v54, v3  }
0x1dd: {  	[tilespmem:$0x1FB30] =	vst v44;
	v44 =	vld [tilespmem:$0x1EF50];
	v0 =	vadd.f32 v30, v0  }
0x1de: {  	[tilespmem:$0x1FC20] =	vst v45;
	v54 =	vld [tilespmem:$0x5F20];
	v3 =	vadd.f32 v8, v3  }
0x1df: {  	[tilespmem:$0x1FC40] =	vst v51;
	v8 =	vld [tilespmem:$0x5F50];
	v0 =	vadd.f32 v48, v0  }
0x1e0: {  	[tilespmem:$0x1FC60] =	vst v57;
	v48 =	vld [tilespmem:$0x5F00];
	v3 =	vadd.f32 v12, v3  }
0x1e1: {  	[tilespmem:$0x1FBB0] =	vst v20;
	v0 =	vadd.f32 v60, v0;
	v60 =	vld [tilespmem:$0x5F40]  }
0x1e2: {  	[tilespmem:$0x1FB60] =	vst v62;
	v3 =	vadd.f32 v18, v3;
	v18 =	vld [tilespmem:$0x6310]  }
0x1e3: {  	[tilespmem:$0x1FC50] =	vst v54;
	v0 =	vadd.f32 v10, v0;
	v10 =	vld [tilespmem:$0x5F60]  }
0x1e4: {  	v20 =	vld [tilespmem:$0x6320];
	[tilespmem:$0x1FC80] =	vst v8  }
0x1e5: {  	v22 =	vld [tilespmem:$0x1EEF0];
	[tilespmem:$0x1FC30] =	vst v48  }
0x1e6: {  	v30 =	vld [tilespmem:$0x1EF10];
	[tilespmem:$0x1FC70] =	vst v60  }
0x1e7: {  	v62 =	vld [tilespmem:$0x1EFB0];
	[tilespmem:$0x1FCC0] =	vst v18  }
0x1e8: {  	v12 =	vld [tilespmem:$0x1EFE0];
	[tilespmem:$0x1FC90] =	vst v10  }
0x1e9: {  	v0 =	vadd.f32 v14, v0;
	v14 =	vld [tilespmem:$0x1EFF0];
	[tilespmem:$0x1FCD0] =	vst v20  }
0x1ea: {  	v4 =	vld [tilespmem:$0x1F030]  }
0x1eb: {  	v1 =	vadd.f32 v21, v1;
	v21 =	vld [tilespmem:$0x1F040]  }
0x1ec: {  	v0 =	vadd.f32 v22, v0;
	v22 =	vld [tilespmem:$0x6330]  }
0x1ed: {  	v1 =	vadd.f32 v23, v1;
	v23 =	vld [tilespmem:$0x1F050]  }
0x1ee: {  	v24 =	vld [tilespmem:$0x6340]  }
0x1ef: {  	v1 =	vadd.f32 v25, v1;
	v25 =	vld [tilespmem:$0x1F060]  }
0x1f0: {  	v3 =	vadd.f32 v26, v3;
	v26 =	vld [tilespmem:$0x1F070]  }
0x1f1: {  	v1 =	vadd.f32 v27, v1;
	v27 =	vld [tilespmem:$0x6350]  }
0x1f2: {  	v28 =	vld [tilespmem:$0x1F080]  }
0x1f3: {  	v1 =	vadd.f32 v29, v1;
	v29 =	vld [tilespmem:$0x6360]  }
0x1f4: {  	v0 =	vadd.f32 v30, v0;
	v30 =	vld [tilespmem:$0x1F090]  }
0x1f5: {  	v1 =	vadd.f32 v31, v1;
	v31 =	vld [tilespmem:$0x1F0A0]  }
0x1f6: {  	v32 =	vld [tilespmem:$0x6370]  }
0x1f7: {  	v1 =	vadd.f32 v33, v1;
	v33 =	vld [tilespmem:$0x1F0B0]  }
0x1f8: {  	v3 =	vadd.f32 v34, v3;
	v34 =	vld [tilespmem:$0x6700]  }
0x1f9: {  	v1 =	vadd.f32 v35, v1;
	v35 =	vld [tilespmem:$0x1F0C0]  }
0x1fa: {  	v36 =	vld [tilespmem:$0x1F0D0]  }
0x1fb: {  	v1 =	vadd.f32 v37, v1;
	v37 =	vld [tilespmem:$0x6710]  }
0x1fc: {  	v39 =	vld [tilespmem:$0x6720]  }
0x1fd: {  	v1 =	vadd.f32 v40, v1;
	v40 =	vld [tilespmem:$0x1F0F0]  }
0x1fe: {  	v3 =	vadd.f32 v41, v3;
	v41 =	vld [tilespmem:$0x1F100]  }
0x1ff: {  	v42 =	vld [tilespmem:$0x6730]  }
0x200: {  	v1 =	vadd.f32 v43, v1;
	v43 =	vld [tilespmem:$0x1F110]  }
0x201: {  	v45 =	vld [tilespmem:$0x1F120]  }
0x202: {  	v1 =	vadd.f32 v46, v1;
	v46 =	vld [tilespmem:$0x1F130]  }
0x203: {  	v48 =	vld [tilespmem:$0x1F140]  }
0x204: {  	v1 =	vadd.f32 v49, v1;
	v49 =	vld [tilespmem:$0x6760]  }
0x205: {  	v2 =	vadd.f32 v63, v2;
	v51 =	vld [tilespmem:$0x1F160]  }
0x206: {  	v54 =	vld [tilespmem:$0x1F170]  }
0x207: {  	v2 =	vadd.f32 v12, v2;
	v12 =	vld [tilespmem:$0x4B80]  }
0x208: {  	v57 =	vld [tilespmem:$0x1F180]  }
0x209: {  	v15 =	vld [tilespmem:$0x4BA0]  }
0x20a: {  	v20 =	vld [tilespmem:$0x1F1D0]  }
0x20b: {  	v2 =	vadd.f32 v17, v2;
	v17 =	vld [tilespmem:$0x4BC0]  }
0x20c: {  	v18 =	vld [tilespmem:$0x4BD0]  }
0x20d: {  	v3 =	vadd.f32 v47, v3;
	v47 =	vld [tilespmem:$0x6750]  }
0x20e: {  	v0 =	vadd.f32 v38, v0;
	v38 =	vld [tilespmem:$0x1F0E0]  }
0x20f: {  	v3 =	vadd.f32 v53, v3;
	v53 =	vld [tilespmem:$0x6770]  }
0x210: {  	v0 =	vadd.f32 v44, v0;
	v44 =	vld [tilespmem:$0x6740]  }
0x211: {  	v3 =	vadd.f32 v59, v3;
	v59 =	vld [tilespmem:$0x1F190]  }
0x212: {  	[tilespmem:$0x1FCF0] =	vst v22;
	v22 =	vld [tilespmem:$0x1F1E0]  }
0x213: {  	[tilespmem:$0x1FD10] =	vst v24;
	v24 =	vld [tilespmem:$0x1F200]  }
0x214: {  	[tilespmem:$0x1FD60] =	vst v32;
	v32 =	vld [tilespmem:$0x1F260]  }
0x215: {  	[tilespmem:$0x1FD80] =	vst v34;
	v34 =	vld [tilespmem:$0x1F280]  }
0x216: {  	[tilespmem:$0x1FDB0] =	vst v42;
	v42 =	vld [tilespmem:$0x4FB0]  }
0x217: {  	[tilespmem:$0x1FD90] =	vst v37;
	v37 =	vld [tilespmem:$0x1F2B0]  }
0x218: {  	[tilespmem:$0x1FDA0] =	vst v39;
	v39 =	vld [tilespmem:$0x1F2D0]  }
0x219: {  	[tilespmem:$0x1FE10] =	vst v49;
	v49 =	vld [tilespmem:$0x1F350]  }
0x21a: {  	v2 =	vadd.f32 v21, v2;
	v0 =	vadd.f32 v50, v0;
	v50 =	vld [tilespmem:$0x1F150]  }
0x21b: {  	[tilespmem:$0x1FDF0] =	vst v47;
	v47 =	vld [tilespmem:$0x1F330]  }
0x21c: {  	v2 =	vadd.f32 v26, v2;
	v26 =	vld [tilespmem:$0x1F220]  }
0x21d: {  	v0 =	vadd.f32 v56, v0;
	v56 =	vadd.f32 v52, v1;
	v52 =	vld [tilespmem:$0x1F380]  }
0x21e: {  	v3 =	vadd.f32 v9, v3;
	[tilespmem:$0x1FE50] =	vst v53;
	v53 =	vld [tilespmem:$0x1F390]  }
0x21f: {  	v1 =	vld [tilespmem:$0x6800]  }
0x220: {  	v3 =	vadd.f32 v14, v3;
	v14 =	vld [tilespmem:$0x4B90]  }
0x221: {  	v2 =	vadd.f32 v31, v2;
	v31 =	vld [tilespmem:$0x1F250]  }
0x222: {  	[tilespmem:$0x1FDD0] =	vst v44;
	v44 =	vld [tilespmem:$0x1F310]  }
0x223: {  	v0 =	vadd.f32 v62, v0;
	v62 =	vld [tilespmem:$0x1F1A0]  }
0x224: {  	v5 =	vadd.f32 v55, v56;
	v56 =	vld [tilespmem:$0x4FF0]  }
0x225: {  	v55 =	vld [tilespmem:$0x1F3A0]  }
0x226: {  	v3 =	vadd.f32 v19, v3;
	v19 =	vld [tilespmem:$0x1F1C0]  }
0x227: {  	v2 =	vadd.f32 v36, v2;
	v36 =	vld [tilespmem:$0x1F2A0]  }
0x228: {  	v0 =	vadd.f32 v11, v0;
	v11 =	vld [tilespmem:$0x1F1B0]  }
0x229: {  	v21 =	vadd.f32 v58, v5;
	v58 =	vld [tilespmem:$0x4BE0]  }
0x22a: {  	v5 =	vld [tilespmem:$0x1F3E0]  }
0x22b: {  	v3 =	vadd.f32 v23, v3;
	v23 =	vld [tilespmem:$0x1F1F0]  }
0x22c: {  	v2 =	vadd.f32 v41, v2;
	v41 =	vld [tilespmem:$0x1F2F0]  }
0x22d: {  	v0 =	vadd.f32 v16, v0;
	v16 =	vld [tilespmem:$0x4BB0]  }
0x22e: {  	v12 =	vadd.f32 $0.0e+00, v12;
	v9 =	vadd.f32 v61, v21;
	v61 =	vld [tilespmem:$0x1F3C0]  }
0x22f: {  	v21 =	vld [tilespmem:$0x1F420]  }
0x230: {  	v12 =	vadd.f32 v14, v12;
	v3 =	vadd.f32 v28, v3;
	v28 =	vld [tilespmem:$0x1F230]  }
0x231: {  	v2 =	vadd.f32 v46, v2;
	v46 =	vld [tilespmem:$0x1F320]  }
0x232: {  	v12 =	vadd.f32 v15, v12;
	v15 =	vld [tilespmem:$0x68D0]  }
0x233: {  	v0 =	vadd.f32 v4, v0;
	v3 =	vadd.f32 v33, v3;
	v33 =	vld [tilespmem:$0x1F270]  }
0x234: {  	v2 =	vadd.f32 v51, v2;
	v51 =	vld [tilespmem:$0x1F370]  }
0x235: {  	v0 =	vadd.f32 v25, v0;
	v25 =	vld [tilespmem:$0x1F210]  }
0x236: {  	v3 =	vadd.f32 v38, v3;
	v38 =	vld [tilespmem:$0x1F2C0]  }
0x237: {  	v60 =	vadd.f32 v59, v2;
	v59 =	vld [tilespmem:$0x4FE0]  }
0x238: {  	v12 =	vadd.f32 v16, v12;
	v16 =	vld [tilespmem:$0x1FA40]  }
0x239: {  	v0 =	vadd.f32 v30, v0;
	v30 =	vld [tilespmem:$0x1F240]  }
0x23a: {  	v6 =	vadd.f32 v19, v60;
	v60 =	vld [tilespmem:$0x4FA0]  }
0x23b: {  	v3 =	vadd.f32 v43, v3;
	v43 =	vld [tilespmem:$0x1F300]  }
0x23c: {  	v19 =	vld [tilespmem:$0x1F400]  }
0x23d: {  	v12 =	vadd.f32 v17, v12;
	v17 =	vld [tilespmem:$0x6CA0]  }
0x23e: {  	v0 =	vadd.f32 v35, v0;
	v35 =	vld [tilespmem:$0x1F290]  }
0x23f: {  	v3 =	vadd.f32 v48, v3;
	v48 =	vld [tilespmem:$0x1F340]  }
0x240: {  	v6 =	vadd.f32 v23, v6;
	v23 =	vld [tilespmem:$0x1F440]  }
0x241: {  	v12 =	vadd.f32 v18, v12;
	v18 =	vld [tilespmem:$0x6C30]  }
0x242: {  	v0 =	vadd.f32 v40, v0;
	v40 =	vld [tilespmem:$0x1F2E0]  }
0x243: {  	[tilespmem:$0x1FD30] =	vst v27;
	v27 =	vadd.f32 v26, v6;
	v6 =	vld [tilespmem:$0x4F80]  }
0x244: {  	v3 =	vadd.f32 v54, v3;
	v54 =	vld [tilespmem:$0x5390]  }
0x245: {  	v26 =	vld [tilespmem:$0x1F470]  }
0x246: {  	v9 =	vadd.f32 v30, v9;
	v30 =	vld [tilespmem:$0x1F4B0]  }
0x247: {  	v12 =	vadd.f32 v58, v12;
	v58 =	vld [tilespmem:$0x1FA20]  }
0x248: {  	v0 =	vadd.f32 v45, v0;
	v45 =	vld [tilespmem:$0x4FD0]  }
0x249: {  	v63 =	vadd.f32 v62, v3;
	v62 =	vld [tilespmem:$0x4FC0]  }
0x24a: {  	v10 =	vadd.f32 v32, v27;
	v27 =	vld [tilespmem:$0x1F480]  }
0x24b: {  	v32 =	vld [tilespmem:$0x1F4D0]  }
0x24c: {  	v9 =	vadd.f32 v34, v9;
	v34 =	vld [tilespmem:$0x1F4F0]  }
0x24d: {  	v3 =	vld [tilespmem:$0x6890]  }
0x24e: {  	v4 =	vadd.f32 v50, v0;
	v50 =	vld [tilespmem:$0x1F360]  }
0x24f: {  	v7 =	vadd.f32 v20, v63;
	v63 =	vld [tilespmem:$0x4BF0]  }
0x250: {  	v20 =	vld [tilespmem:$0x1F410]  }
0x251: {  	v9 =	vadd.f32 v38, v9;
	v38 =	vld [tilespmem:$0x57A0]  }
0x252: {  	v10 =	vadd.f32 v36, v10;
	v36 =	vld [tilespmem:$0x1F500]  }
0x253: {  	v4 =	vadd.f32 v57, v4;
	v57 =	vld [tilespmem:$0x1F3B0]  }
0x254: {  	v7 =	vadd.f32 v24, v7;
	v24 =	vld [tilespmem:$0x1F450]  }
0x255: {  	v9 =	vadd.f32 v43, v9;
	v43 =	vld [tilespmem:$0x5790]  }
0x256: {  	v10 =	vadd.f32 v40, v10;
	v40 =	vld [tilespmem:$0x57D0]  }
0x257: {  	v13 =	vadd.f32 v11, v4;
	v4 =	vld [tilespmem:$0x1F3D0]  }
0x258: {  	[tilespmem:$0x1FD50] =	vst v29;
	v29 =	vadd.f32 v28, v7;
	v7 =	vld [tilespmem:$0x4F90]  }
0x259: {  	v9 =	vadd.f32 v48, v9;
	v48 =	vld [tilespmem:$0x53D0]  }
0x25a: {  	v10 =	vadd.f32 v46, v10;
	v46 =	vld [tilespmem:$0x5780]  }
0x25b: {  	v28 =	vld [tilespmem:$0x1F490]  }
0x25c: {  	v8 =	vadd.f32 v22, v13;
	v13 =	vld [tilespmem:$0x1F3F0]  }
0x25d: {  	v22 =	vld [tilespmem:$0x1F430]  }
0x25e: {  	v12 =	vadd.f32 v63, v12;
	v63 =	vld [tilespmem:$0x6C20]  }
0x25f: {  	v9 =	vadd.f32 v52, v9;
	v52 =	vld [tilespmem:$0x53A0]  }
0x260: {  	v11 =	vadd.f32 v33, v29;
	v29 =	vld [tilespmem:$0x1F4A0]  }
0x261: {  	v33 =	vld [tilespmem:$0x1F4E0]  }
0x262: {  	v10 =	vadd.f32 v50, v10;
	v50 =	vld [tilespmem:$0x1F520]  }
0x263: {  	v8 =	vadd.f32 v25, v8;
	v25 =	vld [tilespmem:$0x1F460]  }
0x264: {  	v6 =	vadd.f32 v6, v12;
	v12 =	vld [tilespmem:$0x84B0]  }
0x265: {  	v11 =	vadd.f32 v37, v11;
	v37 =	vld [tilespmem:$0x1F510]  }
0x266: {  	v10 =	vadd.f32 v55, v10;
	v55 =	vld [tilespmem:$0x1F530]  }
0x267: {  	v9 =	vadd.f32 v61, v9;
	v61 =	vld [tilespmem:$0x1F550]  }
0x268: {  	v8 =	vadd.f32 v31, v8;
	v31 =	vld [tilespmem:$0x1F4C0]  }
0x269: {  	v11 =	vadd.f32 v41, v11;
	v41 =	vld [tilespmem:$0x57E0]  }
0x26a: {  	v10 =	vadd.f32 v5, v10;
	v5 =	vld [tilespmem:$0x1F570]  }
0x26b: {  	v6 =	vadd.f32 v7, v6;
	v9 =	vadd.f32 v19, v9;
	v19 =	vld [tilespmem:$0x1F590]  }
0x26c: {  	v8 =	vadd.f32 v35, v8;
	v35 =	vld [tilespmem:$0x53F0]  }
0x26d: {  	v6 =	vadd.f32 v60, v6;
	v60 =	vld [tilespmem:$0x1FA60]  }
0x26e: {  	v11 =	vadd.f32 v47, v11;
	v47 =	vld [tilespmem:$0x5380]  }
0x26f: {  	v10 =	vadd.f32 v21, v10;
	v21 =	vld [tilespmem:$0x1F5B0]  }
0x270: {  	v9 =	vadd.f32 v23, v9;
	v23 =	vld [tilespmem:$0x1F5D0]  }
0x271: {  	v8 =	vadd.f32 v39, v8;
	v39 =	vld [tilespmem:$0x57C0]  }
0x272: {  	v6 =	vadd.f32 v42, v6;
	v42 =	vld [tilespmem:$0x6C60]  }
0x273: {  	v11 =	vadd.f32 v51, v11;
	v51 =	vld [tilespmem:$0x53C0]  }
0x274: {  	v10 =	vadd.f32 v25, v10;
	v25 =	vld [tilespmem:$0x1F5F0]  }
0x275: {  	v9 =	vadd.f32 v27, v9;
	v27 =	vld [tilespmem:$0x1F610]  }
0x276: {  	v8 =	vadd.f32 v44, v8;
	v44 =	vld [tilespmem:$0x57B0]  }
0x277: {  	v6 =	vadd.f32 v62, v6;
	v62 =	vld [tilespmem:$0x6CF0]  }
0x278: {  	v11 =	vadd.f32 v57, v11;
	v57 =	vld [tilespmem:$0x1F540]  }
0x279: {  	v9 =	vadd.f32 v31, v9;
	v31 =	vld [tilespmem:$0x5BE0]  }
0x27a: {  	v10 =	vadd.f32 v29, v10;
	v29 =	vld [tilespmem:$0x1F620]  }
0x27b: {  	v8 =	vadd.f32 v49, v8;
	v49 =	vld [tilespmem:$0x53E0]  }
0x27c: {  	v6 =	vadd.f32 v45, v6;
	v45 =	vld [tilespmem:$0x7090]  }
0x27d: {  	v10 =	vadd.f32 v33, v10;
	v33 =	vld [tilespmem:$0x57F0]  }
0x27e: {  	v9 =	vadd.f32 v36, v9;
	v36 =	vld [tilespmem:$0x5B90]  }
0x27f: {  	v11 =	vadd.f32 v13, v11;
	v13 =	vld [tilespmem:$0x1F580]  }
0x280: {  	v8 =	vadd.f32 v53, v8;
	v53 =	vld [tilespmem:$0x53B0]  }
0x281: {  	v6 =	vadd.f32 v59, v6;
	v59 =	vld [tilespmem:$0x70B0]  }
0x282: {  	v11 =	vadd.f32 v22, v11;
	v22 =	vld [tilespmem:$0x1F5C0]  }
0x283: {  	v10 =	vadd.f32 v50, v10;
	v50 =	vld [tilespmem:$0x1F640]  }
0x284: {  	v8 =	vadd.f32 v4, v8;
	v4 =	vld [tilespmem:$0x1F560]  }
0x285: {  	v9 =	vadd.f32 v57, v9;
	v57 =	vld [tilespmem:$0x1F660]  }
0x286: {  	v6 =	vadd.f32 v56, v6;
	v56 =	vld [tilespmem:$0x7030]  }
0x287: {  	v11 =	vadd.f32 v26, v11;
	v26 =	vld [tilespmem:$0x1F600]  }
0x288: {  	v8 =	vadd.f32 v20, v8;
	v20 =	vld [tilespmem:$0x1F5A0]  }
0x289: {  	v9 =	vadd.f32 v13, v9;
	v13 =	vld [tilespmem:$0x1F6A0]  }
0x28a: {  	v6 =	vadd.f32 v47, v6;
	v47 =	vld [tilespmem:$0x7020]  }
0x28b: {  	v11 =	vadd.f32 v30, v11;
	v30 =	vld [tilespmem:$0x1F630]  }
0x28c: {  	v8 =	vadd.f32 v24, v8;
	v24 =	vld [tilespmem:$0x1F5E0]  }
0x28d: {  	v9 =	vadd.f32 v22, v9;
	v22 =	vld [tilespmem:$0x1F6C0]  }
0x28e: {  	v6 =	vadd.f32 v54, v6;
	v54 =	vld [tilespmem:$0x1FB20]  }
0x28f: {  	v11 =	vadd.f32 v34, v11;
	v34 =	vld [tilespmem:$0x5BB0]  }
0x290: {  	v10 =	vadd.f32 v4, v10;
	v4 =	vld [tilespmem:$0x1F680]  }
0x291: {  	v8 =	vadd.f32 v28, v8;
	v28 =	vld [tilespmem:$0x5BA0]  }
0x292: {  	v9 =	vadd.f32 v26, v9;
	v26 =	vld [tilespmem:$0x1F6F0]  }
0x293: {  	v6 =	vadd.f32 v52, v6;
	v52 =	vld [tilespmem:$0x70F0]  }
0x294: {  	v10 =	vadd.f32 v20, v10;
	v20 =	vld [tilespmem:$0x5BC0]  }
0x295: {  	v11 =	vadd.f32 v55, v11;
	v55 =	vld [tilespmem:$0x1F650]  }
0x296: {  	v8 =	vadd.f32 v32, v8;
	v32 =	vld [tilespmem:$0x5BD0]  }
0x297: {  	v9 =	vadd.f32 v50, v9;
	v50 =	vld [tilespmem:$0x1F700]  }
0x298: {  	v6 =	vadd.f32 v53, v6;
	v53 =	vld [tilespmem:$0x7400]  }
0x299: {  	v10 =	vadd.f32 v24, v10;
	v24 =	vld [tilespmem:$0x5BF0]  }
0x29a: {  	v11 =	vadd.f32 v5, v11;
	v5 =	vld [tilespmem:$0x1F690]  }
0x29b: {  	v8 =	vadd.f32 v37, v8;
	v37 =	vld [tilespmem:$0x5B80]  }
0x29c: {  	v9 =	vadd.f32 v4, v9;
	v4 =	vld [tilespmem:$0x1F740]  }
0x29d: {  	v6 =	vadd.f32 v51, v6;
	v51 =	vld [tilespmem:$0x1FB10]  }
0x29e: {  	v10 =	vadd.f32 v29, v10;
	v29 =	vld [tilespmem:$0x5F80]  }
0x29f: {  	v11 =	vadd.f32 v21, v11;
	v21 =	vld [tilespmem:$0x5FA0]  }
0x2a0: {  	v8 =	vadd.f32 v61, v8;
	v61 =	vld [tilespmem:$0x1F670]  }
0x2a1: {  	v9 =	vadd.f32 v22, v9;
	v22 =	vld [tilespmem:$0x5FD0]  }
0x2a2: {  	v6 =	vadd.f32 v48, v6;
	v48 =	vld [tilespmem:$0x74E0];
	v8 =	vadd.f32 v19, v8  }
0x2a3: {  	v11 =	vadd.f32 v25, v11;
	v25 =	vld [tilespmem:$0x1F6E0]  }
0x2a4: {  	v10 =	vadd.f32 v57, v10;
	v57 =	vld [tilespmem:$0x1F720];
	v8 =	vadd.f32 v23, v8  }
0x2a5: {  	v19 =	vld [tilespmem:$0x1F6B0]  }
0x2a6: {  	v9 =	vadd.f32 v50, v9;
	v50 =	vld [tilespmem:$0x1F770];
	v8 =	vadd.f32 v27, v8  }
0x2a7: {  	v6 =	vadd.f32 v49, v6;
	v23 =	vld [tilespmem:$0x1F6D0]  }
0x2a8: {  	v49 =	vld [tilespmem:$0x7470];
	v11 =	vadd.f32 v30, v11;
	v8 =	vadd.f32 v55, v8  }
0x2a9: {  	v10 =	vadd.f32 v13, v10;
	v55 =	vld [tilespmem:$0x1F710]  }
0x2aa: {  	v11 =	vadd.f32 v61, v11;
	v61 =	vld [tilespmem:$0x1F730];
	v8 =	vadd.f32 v5, v8  }
0x2ab: {  	v10 =	vadd.f32 v25, v10;
	v5 =	vld [tilespmem:$0x1F750]  }
0x2ac: {  	v13 =	vld [tilespmem:$0x1F760];
	v11 =	vadd.f32 v19, v11;
	v8 =	vadd.f32 v23, v8  }
0x2ad: {  	v30 =	vld [tilespmem:$0x5FB0];
	v10 =	vadd.f32 v57, v10  }
0x2ae: {  	v57 =	vld [tilespmem:$0x63A0];
	v11 =	vadd.f32 v26, v11;
	v8 =	vadd.f32 v55, v8  }
0x2af: {  	v9 =	vadd.f32 v4, v9;
	v4 =	vld [tilespmem:$0x1F790]  }
0x2b0: {  	v11 =	vadd.f32 v61, v11;
	v8 =	vadd.f32 v5, v8;
	v5 =	vld [tilespmem:$0x1F7A0]  }
0x2b1: {  	v10 =	vadd.f32 v13, v10;
	v13 =	vld [tilespmem:$0x63B0]  }
0x2b2: {  	v11 =	vadd.f32 v50, v11;
	v50 =	vld [tilespmem:$0x1F7B0]  }
0x2b3: {  	[tilespmem:$0x1FCE0] =	vst v57;
	v57 =	vld [tilespmem:$0x63C0]  }
0x2b4: {  	v55 =	vld [tilespmem:$0x1F780]  }
0x2b5: {  	v10 =	vadd.f32 v5, v10;
	v5 =	vld [tilespmem:$0x1F7E0]  }
0x2b6: {  	[tilespmem:$0x1FD00] =	vst v13;
	v13 =	vld [tilespmem:$0x63D0]  }
0x2b7: {  	v8 =	vadd.f32 v4, v8;
	v4 =	vld [tilespmem:$0x1F7D0]  }
0x2b8: {  	v11 =	vadd.f32 v50, v11;
	v50 =	vld [tilespmem:$0x1F7F0]  }
0x2b9: {  	v9 =	vadd.f32 v55, v9;
	v55 =	vld [tilespmem:$0x1F7C0]  }
0x2ba: {  	v10 =	vadd.f32 v5, v10;
	v5 =	vld [tilespmem:$0x63F0]  }
0x2bb: {  	[tilespmem:$0x1FD20] =	vst v57;
	v57 =	vld [tilespmem:$0x1F810]  }
0x2bc: {  	v8 =	vadd.f32 v4, v8;
	v4 =	vld [tilespmem:$0x1F820]  }
0x2bd: {  	[tilespmem:$0x1FD40] =	vst v13;
	v13 =	vadd.f32 v50, v11;
	v50 =	vld [tilespmem:$0x1F830]  }
0x2be: {  	v9 =	vadd.f32 v55, v9;
	v55 =	vld [tilespmem:$0x1F800]  }
0x2bf: {  	[tilespmem:$0x1FD70] =	vst v5;
	v5 =	vld [tilespmem:$0x1F870]  }
0x2c0: {  	v6 =	vadd.f32 v35, v6;
	v35 =	vld [tilespmem:$0x7440]  }
0x2c1: {  	v10 =	vadd.f32 v4, v10;
	v4 =	vld [tilespmem:$0x1F860]  }
0x2c2: {  	v8 =	vadd.f32 v57, v8;
	v57 =	vld [tilespmem:$0x1F850];
	v50 =	vadd.f32 v50, v13  }
0x2c3: {  	v9 =	vadd.f32 v55, v9;
	v55 =	vld [tilespmem:$0x1F840]  }
0x2c4: {  	v50 =	vadd.f32 v5, v50;
	v5 =	vld [tilespmem:$0x1F8A0]  }
0x2c5: {  	v27 =	vld [tilespmem:$0x5F90]  }
0x2c6: {  	v10 =	vadd.f32 v4, v10;
	v4 =	vld [tilespmem:$0x1F890]  }
0x2c7: {  	v25 =	vld [tilespmem:$0x5FF0]  }
0x2c8: {  	v6 =	vadd.f32 v46, v6;
	v46 =	vld [tilespmem:$0x7460];
	v9 =	vadd.f32 v55, v9  }
0x2c9: {  	v55 =	vadd.f32 v57, v8;
	v10 =	vadd.f32 v5, v10;
	v5 =	vld [tilespmem:$0x1F8B0]  }
0x2ca: {  	v19 =	vld [tilespmem:$0x5FC0]  }
0x2cb: {  	v55 =	vadd.f32 v4, v55;
	v4 =	vld [tilespmem:$0x67B0]  }
0x2cc: {  	v6 =	vadd.f32 v43, v6;
	v43 =	vld [tilespmem:$0x7450]  }
0x2cd: {  	v57 =	vld [tilespmem:$0x1F880]  }
0x2ce: {  	v50 =	vadd.f32 v5, v50;
	v5 =	vld [tilespmem:$0x67C0]  }
0x2cf: {  	v26 =	vld [tilespmem:$0x6380]  }
0x2d0: {  	[tilespmem:$0x1FDC0] =	vst v4;
	v4 =	vld [tilespmem:$0x1F8C0]  }
0x2d1: {  	v6 =	vadd.f32 v38, v6;
	v38 =	vld [tilespmem:$0x1FB60]  }
0x2d2: {  	v61 =	vld [tilespmem:$0x6390]  }
0x2d3: {  	v57 =	vadd.f32 v57, v9;
	[tilespmem:$0x1FDE0] =	vst v5;
	v5 =	vld [tilespmem:$0x1F8E0]  }
0x2d4: {  	v23 =	vld [tilespmem:$0x5FE0];
	v6 =	vadd.f32 v44, v6  }
0x2d5: {  	v57 =	vadd.f32 v4, v57;
	v4 =	vld [tilespmem:$0x1F8D0]  }
0x2d6: {  	v44 =	vld [tilespmem:$0x1FB70];
	v6 =	vadd.f32 v39, v6  }
0x2d7: {  	v39 =	vld [tilespmem:$0x1FC00]  }
0x2d8: {  	v6 =	vadd.f32 v40, v6;
	v10 =	vadd.f32 v5, v10;
	v5 =	vld [tilespmem:$0x1F8F0]  }
0x2d9: {  	v40 =	vld [tilespmem:$0x78E0]  }
0x2da: {  	v6 =	vadd.f32 v41, v6;
	v55 =	vadd.f32 v4, v55;
	v4 =	vld [tilespmem:$0x67D0]  }
0x2db: {  	v41 =	vld [tilespmem:$0x7870]  }
0x2dc: {  	v6 =	vadd.f32 v33, v6;
	v33 =	vld [tilespmem:$0x78C0]  }
0x2dd: {  	v50 =	vadd.f32 v5, v50;
	v5 =	vld [tilespmem:$0x67E0]  }
0x2de: {  	v6 =	vadd.f32 v37, v6;
	v37 =	vld [tilespmem:$0x78D0]  }
0x2df: {  	[tilespmem:$0x1FE00] =	vst v4;
	v4 =	vld [tilespmem:$0x1F900]  }
0x2e0: {  	v11 =	vld [tilespmem:$0x63E0]  }
0x2e1: {  	v6 =	vadd.f32 v36, v6;
	v36 =	vld [tilespmem:$0x1FBF0]  }
0x2e2: {  	[tilespmem:$0x1FE30] =	vst v5;
	v5 =	vld [tilespmem:$0x1F920]  }
0x2e3: {  	v6 =	vadd.f32 v28, v6;
	v28 =	vld [tilespmem:$0x1FBE0]  }
0x2e4: {  	v57 =	vadd.f32 v4, v57;
	v4 =	vld [tilespmem:$0x1F910]  }
0x2e5: {  	v13 =	vld [tilespmem:$0x6780]  }
0x2e6: {  	v6 =	vadd.f32 v34, v6;
	v34 =	vld [tilespmem:$0x80B0]  }
0x2e7: {  	v0 =	vadd.f32 v5, v10;
	v10 =	vld [tilespmem:$0x67F0]  }
0x2e8: {  	v6 =	vadd.f32 v20, v6;
	v20 =	vld [tilespmem:$0x1FC90]  }
0x2e9: {  	v55 =	vadd.f32 v4, v55;
	v4 =	vld [tilespmem:$0x1F930]  }
0x2ea: {  	v6 =	vadd.f32 v32, v6;
	v32 =	vld [tilespmem:$0x8030]  }
0x2eb: {  	v8 =	vld [tilespmem:$0x6790]  }
0x2ec: {  	[tilespmem:$0x1FE60] =	vst v10;
	v10 =	vld [tilespmem:$0x1F950]  }
0x2ed: {  	v6 =	vadd.f32 v31, v6;
	v31 =	vld [tilespmem:$0x80A0]  }
0x2ee: {  	v50 =	vadd.f32 v4, v50;
	v4 =	vld [tilespmem:$0x1F970]  }
0x2ef: {  	v6 =	vadd.f32 v24, v6;
	v24 =	vld [tilespmem:$0x8080]  }
0x2f0: {  	v5 =	vld [tilespmem:$0x1F940]  }
0x2f1: {  	v6 =	vadd.f32 v29, v6;
	v10 =	vadd.f32 v10, v55;
	v55 =	vld [tilespmem:$0x1F960]  }
0x2f2: {  	v29 =	vld [tilespmem:$0x8020]  }
0x2f3: {  	v6 =	vadd.f32 v27, v6;
	v2 =	vadd.f32 v4, v50;
	v50 =	vld [tilespmem:$0x1F990]  }
0x2f4: {  	v9 =	vld [tilespmem:$0x67A0]  }
0x2f5: {  	v27 =	vld [tilespmem:$0x1FCB0];
	v6 =	vadd.f32 v21, v6  }
0x2f6: {  	v57 =	vadd.f32 v5, v57;
	v5 =	vld [tilespmem:$0x1F980];
	v0 =	vadd.f32 v55, v0  }
0x2f7: {  	v21 =	vld [tilespmem:$0x7CF0]  }
0x2f8: {  	v6 =	vadd.f32 v30, v6;
	v0 =	vadd.f32 v50, v0;
	v50 =	vld [tilespmem:$0x1F9B0]  }
0x2f9: {  	v30 =	vld [tilespmem:$0x1FCC0]  }
0x2fa: {  	v6 =	vadd.f32 v19, v6;
	v19 =	vld [tilespmem:$0x7C70]  }
0x2fb: {  	v57 =	vadd.f32 v5, v57;
	v5 =	vld [tilespmem:$0x1F9A0]  }
0x2fc: {  	v6 =	vadd.f32 v22, v6;
	v22 =	vld [tilespmem:$0x8000]  }
0x2fd: {  	v57 =	vadd.f32 v50, v57;
	v50 =	vld [tilespmem:$0x1F9C0]  }
0x2fe: {  	v6 =	vadd.f32 v23, v6;
	v23 =	vld [tilespmem:$0x1FCA0]  }
0x2ff: {  	[tilespmem:$0x1FE20] =	vst v2;
	v2 =	vld [tilespmem:$0x6810]  }
0x300: {  	v55 =	vld [tilespmem:$0x6880];
	[tilespmem:$0x1FE40] =	vst v0;
	v0 =	vadd.f32 $0.0e+00, v5  }
0x301: {  	v6 =	vadd.f32 v25, v6;
	v25 =	vld [tilespmem:$0x8010]  }
0x302: {  	v0 =	vadd.f32 v50, v0;
	v50 =	vld [tilespmem:$0x1F9D0]  }
0x303: {  	v1 =	vadd.f32 $0.0e+00, v1;
	v4 =	vld [tilespmem:$0x6820]  }
0x304: {  	v5 =	vld [tilespmem:$0x68A0]  }
0x305: {  	v1 =	vadd.f32 v2, v1;
	v2 =	vld [tilespmem:$0x68B0];
	v14 =	vadd.f32 $0.0e+00, v55  }
0x306: {  	v55 =	vld [tilespmem:$0x6830]  }
0x307: {  	v3 =	vadd.f32 v3, v14;
	v0 =	vadd.f32 v50, v0;
	v50 =	vld [tilespmem:$0x1F9E0]  }
0x308: {  	v14 =	vld [tilespmem:$0x6840]  }
0x309: {  	v1 =	vadd.f32 v4, v1;
	v4 =	vld [tilespmem:$0x68C0];
	v3 =	vadd.f32 v5, v3  }
0x30a: {  	v5 =	vld [tilespmem:$0x6850]  }
0x30b: {  	v1 =	vadd.f32 v55, v1;
	v2 =	vadd.f32 v2, v3;
	v3 =	vld [tilespmem:$0x6860]  }
0x30c: {  	v0 =	vadd.f32 v50, v0;
	v50 =	vld [tilespmem:$0x1F9F0]  }
0x30d: {  	v1 =	vadd.f32 v14, v1;
	v14 =	vld [tilespmem:$0x68E0]  }
0x30e: {  	v2 =	vadd.f32 v4, v2;
	v4 =	vld [tilespmem:$0x6870]  }
0x30f: {  	v6 =	vadd.f32 v26, v6;
	v26 =	vld [tilespmem:$0x1FE10];
	v1 =	vadd.f32 v5, v1  }
0x310: {  	v2 =	vadd.f32 v15, v2;
	v15 =	vld [tilespmem:$0x6C00]  }
0x311: {  	v1 =	vadd.f32 v3, v1;
	v0 =	vadd.f32 v50, v0;
	v50 =	vld [tilespmem:$0x1FA00]  }
0x312: {  	v2 =	vadd.f32 v14, v2;
	v14 =	vld [tilespmem:$0x6C10]  }
0x313: {  	v55 =	vld [tilespmem:$0x1FA10];
	v1 =	vadd.f32 v4, v1  }
0x314: {  	v6 =	vadd.f32 v61, v6;
	v61 =	vld [tilespmem:$0x84A0]  }
0x315: {  	v5 =	vld [tilespmem:$0x68F0];
	v1 =	vadd.f32 v15, v1  }
0x316: {  	v15 =	vld [tilespmem:$0x84C0];
	v0 =	vadd.f32 v50, v0  }
0x317: {  	v1 =	vadd.f32 v14, v1;
	v14 =	vld [tilespmem:$0x1FDB0]  }
0x318: {  	v50 =	vld [tilespmem:$0x6C80];
	v0 =	vadd.f32 v55, v0  }
0x319: {  	v55 =	vld [tilespmem:$0x1FA30]  }
0x31a: {  	v1 =	vadd.f32 v63, v1;
	v0 =	vadd.f32 v58, v0;
	v58 =	vld [tilespmem:$0x6C90]  }
0x31b: {  	v2 =	vadd.f32 v5, v2;
	v63 =	vld [tilespmem:$0x6CC0]  }
0x31c: {  	v1 =	vadd.f32 v18, v1;
	v18 =	vld [tilespmem:$0x6CD0]  }
0x31d: {  	v2 =	vadd.f32 v50, v2;
	v50 =	vld [tilespmem:$0x1FA50]  }
0x31e: {  	v0 =	vadd.f32 v55, v0;
	v55 =	vld [tilespmem:$0x6CB0]  }
0x31f: {  	v2 =	vadd.f32 v58, v2;
	v58 =	vld [tilespmem:$0x6C40]  }
0x320: {  	v0 =	vadd.f32 v16, v0;
	v16 =	vld [tilespmem:$0x6C50]  }
0x321: {  	v2 =	vadd.f32 v17, v2;
	v17 =	vld [tilespmem:$0x1FA70]  }
0x322: {  	v0 =	vadd.f32 v50, v0;
	v50 =	vld [tilespmem:$0x1FA80]  }
0x323: {  	v2 =	vadd.f32 v55, v2;
	v55 =	vld [tilespmem:$0x6CE0]  }
0x324: {  	v0 =	vadd.f32 v60, v0;
	v60 =	vld [tilespmem:$0x1FA90]  }
0x325: {  	v1 =	vadd.f32 v58, v1;
	v58 =	vld [tilespmem:$0x6C70]  }
0x326: {  	v2 =	vadd.f32 v63, v2;
	v63 =	vld [tilespmem:$0x7000]  }
0x327: {  	v1 =	vadd.f32 v16, v1;
	v16 =	vld [tilespmem:$0x1FAA0]  }
0x328: {  	v0 =	vadd.f32 v17, v0;
	v17 =	vld [tilespmem:$0x7080]  }
0x329: {  	v2 =	vadd.f32 v18, v2;
	v18 =	vld [tilespmem:$0x7010]  }
0x32a: {  	v1 =	vadd.f32 v42, v1;
	v42 =	vld [tilespmem:$0x1FAB0]  }
0x32b: {  	v0 =	vadd.f32 v50, v0;
	v50 =	vld [tilespmem:$0x1FAC0]  }
0x32c: {  	v2 =	vadd.f32 v55, v2;
	v55 =	vld [tilespmem:$0x70A0]  }
0x32d: {  	v1 =	vadd.f32 v58, v1;
	v58 =	vld [tilespmem:$0x1FAD0]  }
0x32e: {  	v0 =	vadd.f32 v60, v0;
	v60 =	vld [tilespmem:$0x7040]  }
0x32f: {  	v2 =	vadd.f32 v62, v2;
	v62 =	vld [tilespmem:$0x1FAE0]  }
0x330: {  	v1 =	vadd.f32 v63, v1;
	v63 =	vld [tilespmem:$0x70C0]  }
0x331: {  	v0 =	vadd.f32 v16, v0;
	v16 =	vld [tilespmem:$0x7050]  }
0x332: {  	v2 =	vadd.f32 v17, v2;
	v17 =	vld [tilespmem:$0x1FAF0]  }
0x333: {  	v1 =	vadd.f32 v18, v1;
	v18 =	vld [tilespmem:$0x70D0]  }
0x334: {  	v0 =	vadd.f32 v42, v0;
	v42 =	vld [tilespmem:$0x7060]  }
0x335: {  	v2 =	vadd.f32 v45, v2;
	v45 =	vld [tilespmem:$0x1FB00]  }
0x336: {  	v1 =	vadd.f32 v47, v1;
	v47 =	vld [tilespmem:$0x70E0]  }
0x337: {  	v0 =	vadd.f32 v50, v0;
	v50 =	vld [tilespmem:$0x7070]  }
0x338: {  	v2 =	vadd.f32 v55, v2;
	v55 =	vld [tilespmem:$0x7480]  }
0x339: {  	v1 =	vadd.f32 v56, v1;
	v56 =	vld [tilespmem:$0x7410]  }
0x33a: {  	v0 =	vadd.f32 v58, v0;
	v58 =	vld [tilespmem:$0x1FB30]  }
0x33b: {  	v2 =	vadd.f32 v59, v2;
	v59 =	vld [tilespmem:$0x7490]  }
0x33c: {  	v1 =	vadd.f32 v60, v1;
	v60 =	vld [tilespmem:$0x7420]  }
0x33d: {  	v0 =	vadd.f32 v62, v0;
	v62 =	vld [tilespmem:$0x1FB40]  }
0x33e: {  	v2 =	vadd.f32 v63, v2;
	v63 =	vld [tilespmem:$0x74A0]  }
0x33f: {  	v1 =	vadd.f32 v16, v1;
	v16 =	vld [tilespmem:$0x7430]  }
0x340: {  	v0 =	vadd.f32 v17, v0;
	v17 =	vld [tilespmem:$0x1FB50]  }
0x341: {  	v2 =	vadd.f32 v18, v2;
	v18 =	vld [tilespmem:$0x74B0]  }
0x342: {  	v1 =	vadd.f32 v42, v1;
	v42 =	vld [tilespmem:$0x74C0]  }
0x343: {  	v0 =	vadd.f32 v45, v0;
	v45 =	vld [tilespmem:$0x74D0]  }
0x344: {  	v2 =	vadd.f32 v47, v2;
	v47 =	vld [tilespmem:$0x1FB80]  }
0x345: {  	v1 =	vadd.f32 v50, v1;
	v50 =	vld [tilespmem:$0x1FB90]  }
0x346: {  	v0 =	vadd.f32 v51, v0;
	v51 =	vld [tilespmem:$0x74F0]  }
0x347: {  	v2 =	vadd.f32 v52, v2;
	v52 =	vld [tilespmem:$0x7800]  }
0x348: {  	v1 =	vadd.f32 v53, v1;
	v53 =	vld [tilespmem:$0x1FBA0]  }
0x349: {  	v0 =	vadd.f32 v54, v0;
	v54 =	vld [tilespmem:$0x7880]  }
0x34a: {  	v2 =	vadd.f32 v55, v2;
	v55 =	vld [tilespmem:$0x7810]  }
0x34b: {  	v1 =	vadd.f32 v56, v1;
	v56 =	vld [tilespmem:$0x1FBB0]  }
0x34c: {  	v0 =	vadd.f32 v58, v0;
	v58 =	vld [tilespmem:$0x7890]  }
0x34d: {  	v2 =	vadd.f32 v59, v2;
	v59 =	vld [tilespmem:$0x7820]  }
0x34e: {  	v1 =	vadd.f32 v60, v1;
	v60 =	vld [tilespmem:$0x1FBC0]  }
0x34f: {  	v0 =	vadd.f32 v62, v0;
	v62 =	vld [tilespmem:$0x78A0]  }
0x350: {  	v2 =	vadd.f32 v63, v2;
	v63 =	vld [tilespmem:$0x7830]  }
0x351: {  	v1 =	vadd.f32 v16, v1;
	v16 =	vld [tilespmem:$0x1FBD0]  }
0x352: {  	v0 =	vadd.f32 v17, v0;
	v17 =	vld [tilespmem:$0x78B0]  }
0x353: {  	v2 =	vadd.f32 v18, v2;
	v18 =	vld [tilespmem:$0x7840]  }
0x354: {  	v0 =	vadd.f32 v38, v0;
	v1 =	vadd.f32 v35, v1;
	v35 =	vld [tilespmem:$0x7850]  }
0x355: {  	v38 =	vld [tilespmem:$0x7860]  }
0x356: {  	v2 =	vadd.f32 v42, v2;
	v42 =	vld [tilespmem:$0x1FC10];
	v0 =	vadd.f32 v44, v0  }
0x357: {  	v1 =	vadd.f32 v43, v1;
	v43 =	vld [tilespmem:$0x78F0]  }
0x358: {  	v44 =	vld [tilespmem:$0x7C00];
	v0 =	vadd.f32 v47, v0  }
0x359: {  	v2 =	vadd.f32 v45, v2;
	v45 =	vld [tilespmem:$0x1FC20]  }
0x35a: {  	v1 =	vadd.f32 v46, v1;
	v46 =	vld [tilespmem:$0x7C80];
	v0 =	vadd.f32 v50, v0  }
0x35b: {  	v47 =	vld [tilespmem:$0x7C10]  }
0x35c: {  	v2 =	vadd.f32 v48, v2;
	v48 =	vld [tilespmem:$0x1FC30];
	v0 =	vadd.f32 v53, v0  }
0x35d: {  	v1 =	vadd.f32 v49, v1;
	v49 =	vld [tilespmem:$0x7C90]  }
0x35e: {  	v50 =	vld [tilespmem:$0x7C20];
	v0 =	vadd.f32 v56, v0  }
0x35f: {  	v2 =	vadd.f32 v51, v2;
	v51 =	vld [tilespmem:$0x1FC40]  }
0x360: {  	v1 =	vadd.f32 v52, v1;
	v52 =	vld [tilespmem:$0x7CA0];
	v0 =	vadd.f32 v60, v0  }
0x361: {  	v53 =	vld [tilespmem:$0x7C30];
	v2 =	vadd.f32 v54, v2  }
0x362: {  	v54 =	vld [tilespmem:$0x1FC50];
	v1 =	vadd.f32 v55, v1;
	v0 =	vadd.f32 v16, v0  }
0x363: {  	v55 =	vld [tilespmem:$0x7CB0];
	v2 =	vadd.f32 v58, v2  }
0x364: {  	v56 =	vld [tilespmem:$0x7C40];
	v1 =	vadd.f32 v59, v1;
	v0 =	vadd.f32 v28, v0  }
0x365: {  	v58 =	vld [tilespmem:$0x1FC60];
	v2 =	vadd.f32 v62, v2  }
0x366: {  	v59 =	vld [tilespmem:$0x7CC0];
	v1 =	vadd.f32 v63, v1;
	v0 =	vadd.f32 v36, v0  }
0x367: {  	v60 =	vld [tilespmem:$0x7C50];
	v2 =	vadd.f32 v17, v2  }
0x368: {  	v62 =	vld [tilespmem:$0x1FC70];
	v1 =	vadd.f32 v18, v1;
	v0 =	vadd.f32 v39, v0  }
0x369: {  	v63 =	vld [tilespmem:$0x7CD0];
	v2 =	vadd.f32 v33, v2  }
0x36a: {  	v16 =	vld [tilespmem:$0x7C60];
	v1 =	vadd.f32 v35, v1;
	v0 =	vadd.f32 v42, v0  }
0x36b: {  	v17 =	vld [tilespmem:$0x1FC80];
	v2 =	vadd.f32 v37, v2  }
0x36c: {  	v18 =	vld [tilespmem:$0x7CE0];
	v1 =	vadd.f32 v38, v1;
	v0 =	vadd.f32 v45, v0  }
0x36d: {  	v28 =	vld [tilespmem:$0x8090];
	v2 =	vadd.f32 v40, v2  }
0x36e: {  	v33 =	vld [tilespmem:$0x1FCD0];
	v1 =	vadd.f32 v41, v1;
	v0 =	vadd.f32 v48, v0  }
0x36f: {  	v35 =	vld [tilespmem:$0x1FCE0];
	v2 =	vadd.f32 v43, v2  }
0x370: {  	v36 =	vld [tilespmem:$0x8040];
	v1 =	vadd.f32 v44, v1;
	v0 =	vadd.f32 v51, v0  }
0x371: {  	v37 =	vld [tilespmem:$0x1FCF0];
	v2 =	vadd.f32 v46, v2  }
0x372: {  	v38 =	vld [tilespmem:$0x80C0];
	v1 =	vadd.f32 v47, v1;
	v0 =	vadd.f32 v54, v0  }
0x373: {  	v39 =	vld [tilespmem:$0x1FD00];
	v2 =	vadd.f32 v49, v2  }
0x374: {  	v40 =	vld [tilespmem:$0x8050];
	v1 =	vadd.f32 v50, v1;
	v0 =	vadd.f32 v58, v0  }
0x375: {  	v41 =	vld [tilespmem:$0x1FD10];
	v2 =	vadd.f32 v52, v2  }
0x376: {  	v42 =	vld [tilespmem:$0x80D0];
	v1 =	vadd.f32 v53, v1;
	v0 =	vadd.f32 v62, v0  }
0x377: {  	v43 =	vld [tilespmem:$0x1FD20];
	v2 =	vadd.f32 v55, v2  }
0x378: {  	v44 =	vld [tilespmem:$0x8060];
	v1 =	vadd.f32 v56, v1;
	v0 =	vadd.f32 v17, v0  }
0x379: {  	v45 =	vld [tilespmem:$0x1FD30];
	v2 =	vadd.f32 v59, v2  }
0x37a: {  	v46 =	vld [tilespmem:$0x80E0];
	v1 =	vadd.f32 v60, v1;
	v0 =	vadd.f32 v20, v0  }
0x37b: {  	v47 =	vld [tilespmem:$0x1FD40];
	v2 =	vadd.f32 v63, v2  }
0x37c: {  	v48 =	vld [tilespmem:$0x8070];
	v1 =	vadd.f32 v16, v1;
	v0 =	vadd.f32 v23, v0  }
0x37d: {  	v49 =	vld [tilespmem:$0x1FD50];
	v2 =	vadd.f32 v18, v2  }
0x37e: {  	v50 =	vld [tilespmem:$0x80F0];
	v1 =	vadd.f32 v19, v1;
	v0 =	vadd.f32 v27, v0  }
0x37f: {  	v6 =	vadd.f32 v35, v6;
	v51 =	vld [tilespmem:$0x8400];
	v2 =	vadd.f32 v21, v2  }
0x380: {  	v52 =	vld [tilespmem:$0x1FD60];
	v1 =	vadd.f32 v22, v1;
	v0 =	vadd.f32 v30, v0  }
0x381: {  	v6 =	vadd.f32 v39, v6;
	v53 =	vld [tilespmem:$0x8480];
	v2 =	vadd.f32 v24, v2  }
0x382: {  	v54 =	vld [tilespmem:$0x1FD70];
	v1 =	vadd.f32 v25, v1;
	v0 =	vadd.f32 v33, v0  }
0x383: {  	v6 =	vadd.f32 v43, v6;
	v55 =	vld [tilespmem:$0x8410];
	v2 =	vadd.f32 v28, v2  }
0x384: {  	v56 =	vld [tilespmem:$0x1FD80];
	v1 =	vadd.f32 v29, v1;
	v0 =	vadd.f32 v37, v0  }
0x385: {  	v6 =	vadd.f32 v47, v6;
	v58 =	vld [tilespmem:$0x8490];
	v2 =	vadd.f32 v31, v2  }
0x386: {  	v59 =	vld [tilespmem:$0x8420];
	v1 =	vadd.f32 v32, v1;
	v0 =	vadd.f32 v41, v0  }
0x387: {  	v6 =	vadd.f32 v11, v6;
	v60 =	vld [tilespmem:$0x1FD90];
	v2 =	vadd.f32 v34, v2  }
0x388: {  	v62 =	vld [tilespmem:$0x8430];
	v1 =	vadd.f32 v36, v1;
	v0 =	vadd.f32 v45, v0  }
0x389: {  	v6 =	vadd.f32 v54, v6;
	v63 =	vld [tilespmem:$0x1FDA0];
	v2 =	vadd.f32 v38, v2  }
0x38a: {  	v16 =	vld [tilespmem:$0x1FDC0];
	v1 =	vadd.f32 v40, v1;
	v0 =	vadd.f32 v49, v0  }
0x38b: {  	v17 =	vld [tilespmem:$0x8450];
	v6 =	vadd.f32 v13, v6;
	v2 =	vadd.f32 v42, v2  }
0x38c: {  	v13 =	vld [tilespmem:$0x8440];
	v1 =	vadd.f32 v44, v1;
	v0 =	vadd.f32 v52, v0  }
0x38d: {  	v20 =	vld [tilespmem:$0x1FDE0];
	v6 =	vadd.f32 v8, v6;
	v2 =	vadd.f32 v46, v2  }
0x38e: {  	v28 =	vld [tilespmem:$0x1FE20];
	v1 =	vadd.f32 v48, v1;
	v0 =	vadd.f32 v56, v0  }
0x38f: {  	v18 =	vld [tilespmem:$0x1FDD0];
	v6 =	vadd.f32 v9, v6;
	v2 =	vadd.f32 v50, v2  }
0x390: {  	v24 =	vld [tilespmem:$0x1FE00];
	v1 =	vadd.f32 v51, v1;
	v0 =	vadd.f32 v60, v0  }
0x391: {  	v6 =	vadd.f32 v16, v6;
	v29 =	vld [tilespmem:$0x1FE30];
	v2 =	vadd.f32 v53, v2  }
0x392: {  	(xrf2) =	vadd.scan.msk.f32 $0xffff, v10;
	v30 =	vld [tilespmem:$0x1FE40];
	v1 =	vadd.f32 v55, v1;
	v0 =	vadd.f32 v63, v0  }
0x393: {  	v22 =	vld [tilespmem:$0x1FDF0];
	v6 =	vadd.f32 v20, v6;
	(xrf2) =	vadd.scan.msk.f32 $0xffff, v28;
	v2 =	vadd.f32 v58, v2  }
0x394: {  	v19 =	vld [tilespmem:$0x84D0];
	v1 =	vadd.f32 v59, v1;
	v0 =	vadd.f32 v14, v0  }
0x395: {  	v21 =	vld [tilespmem:$0x8460];
	v5 =	vadd.f32 v24, v6;
	v2 =	vadd.f32 v61, v2  }
0x396: {  	v47 =	vlaneseq.u32;
	v32 =	vld [tilespmem:$0x1FE60];
	v1 =	vadd.f32 v62, v1;
	v0 =	vadd.f32 v18, v0  }
0x397: {  	v31 =	vld [tilespmem:$0x1FE50];
	v5 =	vadd.f32 v29, v5;
	(xrf2) =	vadd.scan.msk.f32 $0xffff, v30;
	v50 =	vmul.u32 $0x80, v47;
	v2 =	vadd.f32 v12, v2  }
0x398: {  	v23 =	vld [tilespmem:$0x84E0];
	v1 =	vadd.f32 v13, v1;
	v0 =	vadd.f32 v22, v0  }
0x399: {  	v25 =	vld [tilespmem:$0x8470];
	(xrf2) =	vadd.scan.msk.f32 $0xffff, v57;
	v52 =	vor.u32 $0x1, v50;
	[tilespmem:$0x1FFB0] =	vst v50;
	v2 =	vadd.f32 v15, v2  }
0x39a: {  	v27 =	vld [tilespmem:$0x84F0];
	v53 =	vor.u32 $0x2, v50;
	[tilespmem:$0x1FF30] =	vst v52;
	v1 =	vadd.f32 v17, v1;
	v0 =	vadd.f32 v26, v0  }
0x39b: {  	v3 =	vadd.f32 v32, v5;
	v54 =	vor.u32 $0x3, v50;
	[tilespmem:$0x1FF40] =	vst v53;
	v2 =	vadd.f32 v19, v2  }
0x39c: {  	v35, _, _ =	vpop (xrf2);
	v57 =	vor.u32 $0x6, v50;
	[tilespmem:$0x1FF50] =	vst v54;
	v1 =	vadd.f32 v21, v1;
	v0 =	vadd.f32 v31, v0  }
0x39d: {  	v36, _, _ =	vpop (xrf2);
	v55 =	vor.u32 $0x4, v50;
	v56 =	vor.u32 $0x5, v50;
	[tilespmem:$0x1FF80] =	vst v57;
	v2 =	vadd.f32 v23, v2  }
0x39e: {  	v43 =	vbroadcast v36, $0xF;
	[tilespmem:$0x1FF60] =	vst v55;
	v33 =	vadd.f32 v25, v1;
	(xrf2) =	vadd.scan.msk.f32 $0xffff, v0  }
0x39f: {  	v38 =	vld [tilespmem:$0x1FE70];
	[tilespmem:$0x1FF70] =	vst v56;
	v58 =	vor.u32 $0x7, v50;
	v34 =	vadd.f32 v27, v2;
	(xrf2) =	vadd.scan.msk.f32 $0xffff, v3  }
0x3a0: {  	[tilespmem:$0x1FF90] =	vst v58;
	(xrf2) =	vadd.scan.msk.f32 $0xffff, v33  }
0x3a1: {  	v37, _, _ =	vpop (xrf2);
	v59 =	vor.u32 $0x8, v50;
	[tilespmem:$0x1FEC0] =	vst v43;
	(xrf2) =	vadd.scan.msk.f32 $0xffff, v34  }
0x3a2: {  	v45 =	vbroadcast v37, $0xF;
	v60 =	vor.u32 $0x9, v50;
	[tilespmem:$0x1FFA0] =	vst v59  }
0x3a3: {  	v41 =	vld [tilespmem:$0x1FE90];
	v39, _, _ =	vpop (xrf2);
	[tilespmem:$0x1FFC0] =	vst v60  }
0x3a4: {  	v46 =	vbroadcast v39, $0xF;
	v61 =	vand.u32 $0x7, v47;
	[tilespmem:$0x1FED0] =	vst v45;
	v3 =	vadd.f32 $0.0e+00, v38  }
0x3a5: {  	[tilespmem:$0x1FFD0] =	vst v61  }
0x3a6: {  	v63 =	vor.u32 $0x8, v47;
	[tilespmem:$0x1FEE0] =	vst v46;
	v3 =	vbroadcast v3, $0xF  }
0x3a7: {  	[tilespmem:$0x1FFF0] =	vst v63;
	v0 =	vbroadcast v35, $0xF  }
0x3a8: {  	[tilespmem:$0x1FE80] =	vst v3;
	v3 =	vbroadcast v41, $0xF;
	v40, _, _ =	vpop (xrf2)  }
0x3a9: {  	[tilespmem:$0x1FEB0] =	vst v0;
	v42, _, _ =	vpop (xrf2);
	v49 =	vbroadcast v40, $0xF  }
0x3aa: {  	[tilespmem:$0x1FEA0] =	vst v3;
	v44, _, _ =	vpop (xrf2);
	v3 =	vbroadcast v42, $0xF  }
0x3ab: {  	s31 =	stileid.u32;
	s24 =	simm.s32 $0xC800;
	s25 =	simm.s32 $0xC900;
	v48, _, _ =	vpop (xrf2);
	[tilespmem:$0x1FEF0] =	vst v49;
	v0 =	vbroadcast v44, $0xF  }
0x3ac: {  	s26 =	simm.s32 $0xC880;
	s4 =	sadd.s32 $0x201200, s13;
	s5 =	sadd.s32 $0x1200, s13;
	v62 =	vshrl.u32 v47, $0x3;
	[tilespmem:$0x1FF00] =	vst v3;
	v51 =	vbroadcast v48, $0xF  }
0x3ad: {  	s23 =	simm.s32 $0x1;
	s6 =	sadd.s32 $0x241A00, s13;
	s8 =	sadd.s32 $0x241C00, s13;
	[tilespmem:$0x1FF10] =	vst v0;
	v0 =	vmul.u32 $0x8, v62  }
0x3ae: {  	s28 =	simm.s32 $0x0;
	s9 =	sadd.s32 $0x241E00, s13;
	s11 =	sadd.s32 $0x241300, s13;
	[tilespmem:$0x1FF20] =	vst v51  }
0x3af: {  	vm0 =	vmmov $0xffff;
	vm1 =	vmmov $0xff;
	s10 =	sshll.u32 s31, $0x7;
	s12 =	sadd.s32 $0x241400, s13;
	s13 =	sadd.s32 $0x241500, s13;
	[tilespmem:$0x1FFE0] =	vst v0  }
.LBB2_1:
0x3b0: {  	s0 =	sshll.u32 s28, $0x4  }
0x3b1: {  	s29 =	sor.u32 s10, s0  }
0x3b2: {  	s0 =	sshll.u32 s29, $0x4  }
0x3b3: {  	s0 =	sadd.s32 s4, s0  }
0x3b4: {  	[tilespmem:s1], [sflag:$0x2] =	stream.linear.gather [hbm4b:s0+s1], $0x800, $0x38;
	[tilespmem:$0xC980] =	vst v63  }
0x3b5: {  	_ =	swait.ge [sflag:s3], $0x800  }
0x3b6: {  	s18 =	sshll.u32 s29, $0x7;
	[sflag:s3] =	ssyncset.done $0x0  }
0x3b7: {  	s7 =	simm.s32 $0x800;
	s0 =	sadd.s32 s5, s18;
	[sflag:s3] =	ssyncadd.s32 $0xFFFFF800  }
0x3b8: {  	[tilespmem:s7], [sflag:$0x2] =	stream.linear.gather [hbm4b:s0+s1], $0x4000, $0x38;
	[tilespmem:$0xC980] =	vst v63  }
0x3b9: {  	_ =	swait.ge [sflag:s3], $0x4000  }
0x3ba: {  	v0 =	vld [tilespmem:$0x1FFB0]  }
0x3bb: {  	v1 =	vld [tilespmem:$0x1FF30];
	_ =	sdelay $0x1  }
0x3bc: {  	v2 =	vld [tilespmem:$0x1FF40];
	_ =	sdelay $0x1  }
0x3bd: {  	v3 =	vld [tilespmem:$0x1FF50]  }
0x3be: {  	[sflag:s3] =	ssyncset.done $0x0  }
0x3bf: {  	[sflag:s3] =	ssyncadd.s32 $0xFFFFC000  }
0x3c0: {  	v0 =	vld.idx.msk [tilespmem:v0+s1+$0x0], $0xffff  }
0x3c1: {  	v1 =	vld.idx.msk [tilespmem:v1+s1+$0x0], $0xffff;
	_ =	sdelay $0x1  }
0x3c2: {  	v2 =	vld.idx.msk [tilespmem:v2+s1+$0x0], $0xffff;
	_ =	sdelay $0x1  }
0x3c3: {  	v3 =	vld.idx.msk [tilespmem:v3+s1+$0x0], $0xffff  }
0x3c4: {  	vm2 =	vgt.f32 v1, v0  }
0x3c5: {  	v0 =	vsel vm2, v1, v0;
	v1 =	vld [tilespmem:$0x1FF60]  }
0x3c6: {  	vm3 =	vgt.f32 v2, v0  }
0x3c7: {  	v0 =	vsel vm3, v2, v0;
	v2 =	vld [tilespmem:$0x1FF70]  }
0x3c8: {  	vm4 =	vgt.f32 v3, v0  }
0x3c9: {  	v0 =	vsel vm4, v3, v0;
	v3 =	vld [tilespmem:$0x1FF80];
	_ =	sdelay $0x3  }
0x3ca: {  	v1 =	vld.idx.msk [tilespmem:v1+s1+$0x0], $0xffff;
	_ =	sdelay $0x1  }
0x3cb: {  	v2 =	vld.idx.msk [tilespmem:v2+s1+$0x0], $0xffff;
	_ =	sdelay $0x1  }
0x3cc: {  	v3 =	vld.idx.msk [tilespmem:v3+s1+$0x0], $0xffff  }
0x3cd: {  	vm5 =	vgt.f32 v1, v0  }
0x3ce: {  	v0 =	vsel vm5, v1, v0;
	v1 =	vld [tilespmem:$0x1FF90]  }
0x3cf: {  	vm6 =	vgt.f32 v2, v0  }
0x3d0: {  	v4 =	vimm.s32 $0x0;
	v0 =	vsel vm6, v2, v0;
	v2 =	vld [tilespmem:$0x1FFA0]  }
0x3d1: {  	v4 =	vsel vm2, $0x1, v4;
	vm2 =	vgt.f32 v3, v0  }
0x3d2: {  	v0 =	vsel vm2, v3, v0;
	v3 =	vld [tilespmem:$0x1FFC0];
	_ =	sdelay $0x3  }
0x3d3: {  	v1 =	vld.idx.msk [tilespmem:v1+s1+$0x0], $0xffff;
	_ =	sdelay $0x1  }
0x3d4: {  	v2 =	vld.idx.msk [tilespmem:v2+s1+$0x0], $0xffff;
	_ =	sdelay $0x1  }
0x3d5: {  	v4 =	vsel vm3, $0x2, v4;
	v3 =	vld.idx.msk [tilespmem:v3+s1+$0x0], $0xffff  }
0x3d6: {  	v4 =	vsel vm4, $0x3, v4;
	vm4 =	vgt.f32 v1, v0  }
0x3d7: {  	v4 =	vsel vm5, $0x4, v4;
	v0 =	vsel vm4, v1, v0  }
0x3d8: {  	v1 =	vsel vm6, $0x5, v4;
	vm3 =	vgt.f32 v2, v0  }
0x3d9: {  	v1 =	vsel vm2, $0x6, v1;
	v0 =	vsel vm3, v2, v0  }
0x3da: {  	v1 =	vsel vm4, $0x7, v1;
	vm2 =	vgt.f32 v3, v0  }
0x3db: {  	v0 =	vsel vm3, $0x8, v1;
	vm2 =	vmneg vm2  }
0x3dc: {  	v1 =	vnsel vm2, $0x9, v0  }
0x3dd: {  	v0 =	vshll.u32 v1, $0x3  }
0x3de: {  	[tilespmem:$0x1EA70] =	vst v1;
	v1 =	vand.u32 $0x7, v1;
	v0 =	vand.u32 $0x7FFFFFC0, v0  }
0x3df: {  	v0 =	vor.u32 v1, v0;
	v1 =	vld [tilespmem:$0x1FFD0];
	_ =	sdelay $0x1  }
0x3e0: {  	v2 =	vld [tilespmem:$0x1FFE0];
	_ =	sdelay $0x2  }
0x3e1: {  	v1 =	vperm.xlane v0, v1;
	_ =	sdelay $0x1  }
0x3e2: {  	v1 =	vadd.s32 v2, v1  }
0x3e3: {  	v3 =	vld [tilespmem:$0x1FFF0];
	_ =	sdelay $0x2  }
0x3e4: {  	s19 =	simm.s32 $0x8800  }
0x3e5: {  	[tilespmem:s19], [sflag:$0x1] =	stream.indirect_vreg.gather [hbm4b:s2+s1], $0x80, v1, vm0, $0xb8;
	[tilespmem:$0xC980] =	vst v63  }
0x3e6: {  	s20 =	simm.s32 $0x9000;
	v0 =	vperm.xlane v0, v3  }
0x3e7: {  	[tilespmem:s20], [sflag:$0x1] =	stream.indirect_vreg.gather [hbm4b:s11+s1], $0x80, v1, vm0, $0xb8;
	[tilespmem:$0xC980] =	vst v63  }
0x3e8: {  	s21 =	simm.s32 $0x9800;
	v0 =	vadd.s32 v2, v0  }
0x3e9: {  	[tilespmem:s21], [sflag:$0x1] =	stream.indirect_vreg.gather [hbm4b:s12+s1], $0x80, v1, vm0, $0xb8;
	[tilespmem:$0xC980] =	vst v63  }
0x3ea: {  	s22 =	simm.s32 $0xA000  }
0x3eb: {  	[tilespmem:s22], [sflag:$0x1] =	stream.indirect_vreg.gather [hbm4b:s13+s1], $0x80, v1, vm0, $0xb8;
	[tilespmem:$0xC980] =	vst v63  }
0x3ec: {  	s7 =	simm.s32 $0xA800  }
0x3ed: {  	[tilespmem:s7], [sflag:$0x1] =	stream.indirect_vreg.gather [hbm4b:s2+s1], $0x80, v0, vm0, $0xb8;
	[tilespmem:$0xC980] =	vst v63  }
0x3ee: {  	s14 =	simm.s32 $0xB000  }
0x3ef: {  	[tilespmem:s14], [sflag:$0x1] =	stream.indirect_vreg.gather [hbm4b:s11+s1], $0x80, v0, vm0, $0xb8;
	[tilespmem:$0xC980] =	vst v63  }
0x3f0: {  	s15 =	simm.s32 $0xB800  }
0x3f1: {  	[tilespmem:s15], [sflag:$0x1] =	stream.indirect_vreg.gather [hbm4b:s12+s1], $0x80, v0, vm0, $0xb8;
	[tilespmem:$0xC980] =	vst v63  }
0x3f2: {  	s16 =	simm.s32 $0xC000  }
0x3f3: {  	[tilespmem:s16], [sflag:$0x1] =	stream.indirect_vreg.gather [hbm4b:s13+s1], $0x80, v0, vm0, $0xb8;
	[tilespmem:$0xC980] =	vst v63  }
0x3f4: {  	_ =	swait.ge [sflag:s23], $0x4000  }
0x3f5: {  	s17 =	sand.u32 $0x2000, s1;
	s18 =	sand.u32 $0x380, s1;
	[sflag:s23] =	ssyncset.done $0x0  }
0x3f6: {  	s0 =	sor.u32 s18, s17;
	[sflag:s23] =	ssyncadd.s32 $0xFFFFC000  }
0x3f7: {  	v0 =	vld [tilespmem:s0+$0x2070]  }
0x3f8: {  	v1 =	vld [tilespmem:s0+$0x2050]  }
0x3f9: {  	v54 =	vld [tilespmem:s0+$0x800]  }
0x3fa: {  	v52 =	vld [tilespmem:s0+$0x810]  }
0x3fb: {  	v51 =	vld [tilespmem:s0+$0x820]  }
0x3fc: {  	v49 =	vld [tilespmem:s0+$0x830];
	[tilespmem:$0x1ECD0] =	vst v0;
	v0 =	vmul.f32 $1.442695020e+00, v0  }
0x3fd: {  	v47 =	vld [tilespmem:s0+$0x840];
	[tilespmem:$0x1ECB0] =	vst v1;
	v1 =	vmul.f32 $1.442695020e+00, v1  }
0x3fe: {  	v2 =	vmul.f32 $1.442695020e+00, v54;
	(erf) = vpow2.f32 v0  }
0x3ff: {  	v0 =	vmul.f32 $1.442695020e+00, v52;
	(erf) = vpow2.f32 v1  }
0x400: {  	v46 =	vld [tilespmem:s0+$0x850];
	v1 =	vmul.f32 $1.442695020e+00, v51;
	(erf) = vpow2.f32 v2  }
0x401: {  	v26 =	vld [tilespmem:s0+$0x860];
	v2 =	vmul.f32 $1.442695020e+00, v49;
	(erf) = vpow2.f32 v0  }
0x402: {  	v0 =	vmul.f32 $1.442695020e+00, v47;
	(erf) = vpow2.f32 v1;
	v1 =	vld [tilespmem:s0+$0x8800]  }
0x403: {  	v27 =	vld [tilespmem:s0+$0x870];
	(erf) = vpow2.f32 v2  }
0x404: {  	(erf) = vpow2.f32 v0;
	v0 =	vld [tilespmem:s0+$0x8810];
	_ =	sdelay $0x1  }
0x405: {  	v30 =	vld [tilespmem:s0+$0xC00]  }
0x406: {  	[tilespmem:$0x1EA80] =	vst v1;
	v1 =	vmul.f32 $1.442695020e+00, v46  }
0x407: {  	v2 =	vmul.f32 $1.442695020e+00, v26  }
0x408: {  	v31 =	vld [tilespmem:s0+$0xC10];
	[tilespmem:$0x1EA90] =	vst v0;
	v0 =	vmul.f32 $1.442695020e+00, v27;
	(erf) = vpow2.f32 v1  }
0x409: {  	(erf) = vpow2.f32 v2;
	v2 =	vld [tilespmem:s0+$0x8820]  }
0x40a: {  	v33 =	vld [tilespmem:s0+$0xC20];
	v1 =	vmul.f32 $1.442695020e+00, v30;
	_ =	sdelay $0x1  }
0x40b: {  	(erf) = vpow2.f32 v0;
	v0 =	vpop (erf)  }
0x40c: {  	v5 =	vld [tilespmem:s0+$0xC50];
	[tilespmem:$0x1EB70] =	vst v0  }
0x40d: {  	v37 =	vld [tilespmem:s0+$0xC30];
	(erf) = vpow2.f32 v1;
	v1 =	vpop (erf);
	[tilespmem:$0x1EAA0] =	vst v2;
	v2 =	vmul.f32 $1.442695020e+00, v31  }
0x40e: {  	v0 =	vmul.f32 $1.442695020e+00, v33;
	[tilespmem:$0x1EB50] =	vst v1;
	v1 =	vld [tilespmem:s0+$0x8830]  }
0x40f: {  	v34 =	vld [tilespmem:s0+$0xC40];
	v3 =	vpop (erf);
	(erf) = vpow2.f32 v2  }
0x410: {  	v4 =	vpop (erf);
	(erf) = vpow2.f32 v0;
	v0 =	vld [tilespmem:s0+$0x8840];
	_ =	sdelay $0x2  }
0x411: {  	[tilespmem:$0x1EAB0] =	vst v1;
	v1 =	vmul.f32 $1.442695020e+00, v37  }
0x412: {  	v6 =	vld [tilespmem:s0+$0xC70];
	[tilespmem:$0x1EB30] =	vst v5;
	v2 =	vadd.f32 $0.0e+00, v3;
	v3 =	vmul.f32 $1.442695020e+00, v34  }
0x413: {  	v39 =	vld [tilespmem:s0+$0xC60];
	[tilespmem:$0x1EAC0] =	vst v0;
	v0 =	vmul.f32 $1.442695020e+00, v5;
	v5 =	vpop (erf);
	(erf) = vpow2.f32 v1  }
0x414: {  	v2 =	vadd.f32 v5, v2;
	v5 =	vpop (erf);
	(erf) = vpow2.f32 v3;
	v3 =	vld [tilespmem:s0+$0x8850];
	_ =	sdelay $0x1  }
0x415: {  	v40 =	vld [tilespmem:s0+$0x1000];
	_ =	sdelay $0x1  }
0x416: {  	[tilespmem:$0x1EB40] =	vst v6;
	v1 =	vadd.f32 $0.0e+00, v4;
	v4 =	vmul.f32 $1.442695020e+00, v39  }
0x417: {  	v25 =	vld [tilespmem:s0+$0x1010];
	[tilespmem:$0x1EAD0] =	vst v3;
	v3 =	vmul.f32 $1.442695020e+00, v6;
	v6 =	vpop (erf);
	(erf) = vpow2.f32 v0  }
0x418: {  	v0 =	vadd.f32 v5, v1;
	v5 =	vpop (erf);
	(erf) = vpow2.f32 v4;
	v4 =	vld [tilespmem:s0+$0x8860]  }
0x419: {  	v60 =	vld [tilespmem:s0+$0x1020];
	v1 =	vmul.f32 $1.442695020e+00, v40  }
0x41a: {  	v24 =	vld [tilespmem:s0+$0x1030];
	(erf) = vpow2.f32 v3  }
0x41b: {  	(erf) = vpow2.f32 v1;
	v1 =	vld [tilespmem:s0+$0x8870]  }
0x41c: {  	v63 =	vld [tilespmem:s0+$0x1040]  }
0x41d: {  	[tilespmem:$0x1EAE0] =	vst v4;
	v4 =	vmul.f32 $1.442695020e+00, v25  }
0x41e: {  	v22 =	vld [tilespmem:s0+$0x1070];
	v3 =	vmul.f32 $1.442695020e+00, v60  }
0x41f: {  	v23 =	vld [tilespmem:s0+$0x1050];
	(erf) = vpow2.f32 v4  }
0x420: {  	v2 =	vadd.f32 v6, v2;
	v6 =	vpop (erf);
	[tilespmem:$0x1EAF0] =	vst v1;
	v1 =	vmul.f32 $1.442695020e+00, v24;
	(erf) = vpow2.f32 v3;
	v3 =	vld [tilespmem:s0+$0x8C00]  }
0x421: {  	v28 =	vld [tilespmem:s0+$0x1060];
	v4 =	vmul.f32 $1.442695020e+00, v63  }
0x422: {  	v29 =	vld [tilespmem:s0+$0x1400];
	v0 =	vadd.f32 v5, v0;
	v5 =	vpop (erf);
	(erf) = vpow2.f32 v1  }
0x423: {  	v2 =	vadd.f32 v6, v2;
	v6 =	vpop (erf);
	(erf) = vpow2.f32 v4;
	v4 =	vld [tilespmem:s0+$0x8C10]  }
0x424: {  	v21 =	vld [tilespmem:s0+$0x1410];
	v0 =	vadd.f32 v5, v0  }
0x425: {  	v35 =	vld [tilespmem:s0+$0x1420];
	v2 =	vadd.f32 v6, v2;
	v5 =	vpop (erf);
	[tilespmem:$0x1EB00] =	vst v3;
	v3 =	vmul.f32 $1.442695020e+00, v23  }
0x426: {  	v20 =	vld [tilespmem:s0+$0x1430];
	v6 =	vpop (erf);
	v0 =	vadd.f32 v5, v0;
	v1 =	vmul.f32 $1.442695020e+00, v28  }
0x427: {  	v61 =	vld [tilespmem:s0+$0x1440];
	v2 =	vadd.f32 v6, v2;
	v5 =	vpop (erf);
	(erf) = vpow2.f32 v3;
	v3 =	vmul.f32 $1.442695020e+00, v22  }
0x428: {  	v19 =	vld [tilespmem:s0+$0x1450];
	v0 =	vadd.f32 v5, v0;
	[tilespmem:$0x1EB10] =	vst v4;
	v4 =	vpop (erf);
	(erf) = vpow2.f32 v1;
	v1 =	vmul.f32 $1.442695020e+00, v29  }
0x429: {  	v42 =	vld [tilespmem:s0+$0x1460];
	v2 =	vadd.f32 v4, v2;
	v4 =	vpop (erf);
	(erf) = vpow2.f32 v3;
	v3 =	vmul.f32 $1.442695020e+00, v21  }
0x42a: {  	v18 =	vld [tilespmem:s0+$0x1470];
	v0 =	vadd.f32 v4, v0;
	v4 =	vpop (erf);
	(erf) = vpow2.f32 v1;
	v1 =	vmul.f32 $1.442695020e+00, v35  }
0x42b: {  	v38 =	vld [tilespmem:s0+$0x1800];
	v2 =	vadd.f32 v4, v2;
	v4 =	vpop (erf);
	(erf) = vpow2.f32 v3;
	v3 =	vmul.f32 $1.442695020e+00, v20  }
0x42c: {  	v17 =	vld [tilespmem:s0+$0x1810];
	v0 =	vadd.f32 v4, v0;
	v4 =	vpop (erf);
	(erf) = vpow2.f32 v1;
	v1 =	vmul.f32 $1.442695020e+00, v61  }
0x42d: {  	v36 =	vld [tilespmem:s0+$0x1820];
	v2 =	vadd.f32 v4, v2;
	v4 =	vpop (erf);
	(erf) = vpow2.f32 v3;
	v3 =	vmul.f32 $1.442695020e+00, v19  }
0x42e: {  	v16 =	vld [tilespmem:s0+$0x1830];
	v0 =	vadd.f32 v4, v0;
	v4 =	vpop (erf);
	(erf) = vpow2.f32 v1;
	v1 =	vmul.f32 $1.442695020e+00, v42  }
0x42f: {  	v32 =	vld [tilespmem:s0+$0x1840];
	v2 =	vadd.f32 v4, v2;
	v4 =	vpop (erf);
	(erf) = vpow2.f32 v3;
	v3 =	vmul.f32 $1.442695020e+00, v18  }
0x430: {  	v15 =	vld [tilespmem:s0+$0x1850];
	v0 =	vadd.f32 v4, v0;
	v4 =	vpop (erf);
	(erf) = vpow2.f32 v1;
	v1 =	vmul.f32 $1.442695020e+00, v38  }
0x431: {  	[tilespmem:$0x1EBC0] =	vst v29;
	v29 =	vld [tilespmem:s0+$0x1860];
	(erf) = vpow2.f32 v3;
	v3 =	vmul.f32 $1.442695020e+00, v17  }
0x432: {  	v14 =	vld [tilespmem:s0+$0x1870];
	v2 =	vadd.f32 v4, v2;
	v4 =	vpop (erf);
	(erf) = vpow2.f32 v1;
	v1 =	vmul.f32 $1.442695020e+00, v36  }
0x433: {  	v45 =	vld [tilespmem:s0+$0x1C00];
	v0 =	vadd.f32 v4, v0;
	v4 =	vpop (erf);
	(erf) = vpow2.f32 v3;
	v3 =	vmul.f32 $1.442695020e+00, v16  }
0x434: {  	v7 =	vld [tilespmem:s0+$0x1C10];
	v2 =	vadd.f32 v4, v2;
	v4 =	vpop (erf);
	(erf) = vpow2.f32 v1;
	v1 =	vmul.f32 $1.442695020e+00, v32  }
0x435: {  	v0 =	vadd.f32 v4, v0;
	v4 =	vpop (erf);
	(erf) = vpow2.f32 v3;
	v3 =	vmul.f32 $1.442695020e+00, v15  }
0x436: {  	v13 =	vld [tilespmem:s0+$0x1C30];
	v2 =	vadd.f32 v4, v2;
	v4 =	vpop (erf);
	(erf) = vpow2.f32 v1;
	v1 =	vmul.f32 $1.442695020e+00, v29  }
0x437: {  	v48 =	vld [tilespmem:s0+$0x1C20];
	v0 =	vadd.f32 v4, v0;
	v4 =	vpop (erf);
	(erf) = vpow2.f32 v3;
	v3 =	vmul.f32 $1.442695020e+00, v14  }
0x438: {  	v2 =	vadd.f32 v4, v2;
	v4 =	vpop (erf);
	(erf) = vpow2.f32 v1;
	v1 =	vmul.f32 $1.442695020e+00, v45  }
0x439: {  	v0 =	vadd.f32 v4, v0;
	v4 =	vpop (erf);
	(erf) = vpow2.f32 v3;
	v3 =	vmul.f32 $1.442695020e+00, v7  }
0x43a: {  	v50 =	vld [tilespmem:s0+$0x1C40];
	v2 =	vadd.f32 v4, v2;
	v4 =	vpop (erf);
	(erf) = vpow2.f32 v1  }
0x43b: {  	v0 =	vadd.f32 v4, v0;
	v4 =	vpop (erf);
	(erf) = vpow2.f32 v3;
	v3 =	vmul.f32 $1.442695020e+00, v13  }
0x43c: {  	v53 =	vld [tilespmem:s0+$0x1C60];
	[tilespmem:$0x1EC60] =	vst v7;
	v2 =	vadd.f32 v4, v2;
	v1 =	vmul.f32 $1.442695020e+00, v48;
	v7 =	vpop (erf)  }
0x43d: {  	s19 =	sand.u32 $0x7, s1;
	v12 =	vld [tilespmem:s0+$0x1C50];
	v0 =	vadd.f32 v7, v0;
	v7 =	vpop (erf)  }
0x43e: {  	s7 =	sshll.u32 s19, $0x7;
	v56 =	vld [tilespmem:s0+$0x2000];
	v2 =	vadd.f32 v7, v2;
	(erf) = vpow2.f32 v1;
	v7 =	vpop (erf)  }
0x43f: {  	s18 =	sadd.s32 $0x0, s7;
	v11 =	vld [tilespmem:s0+$0x1C70];
	v1 =	vmul.f32 $1.442695020e+00, v50;
	(erf) = vpow2.f32 v3;
	v0 =	vadd.f32 v7, v0;
	v3 =	vpop (erf)  }
0x440: {  	s17 =	sor.u32 $0x1C00, s18;
	v5 =	vld [tilespmem:s0+$0x8C20];
	v43 =	vpop (erf)  }
0x441: {  	(erf) = vpow2.f32 v1;
	v1 =	vmul.f32 $1.442695020e+00, v53;
	v6 =	vadd.f32 v43, v0;
	v0 =	vld [tilespmem:s17+$0x8800]  }
0x442: {  	v10 =	vld [tilespmem:s0+$0x2010];
	v7 =	vmul.f32 $1.442695020e+00, v12  }
0x443: {  	v2 =	vadd.f32 v3, v2;
	v3 =	vmul.f32 $1.442695020e+00, v56  }
0x444: {  	v9 =	vld [tilespmem:s0+$0x2030];
	v4 =	vmul.f32 $1.442695020e+00, v11;
	(erf) = vpow2.f32 v7;
	v43 =	vpop (erf)  }
0x445: {  	v57 =	vld [tilespmem:s0+$0x2020];
	[tilespmem:$0x1EB20] =	vst v5;
	(erf) = vpow2.f32 v1;
	v1 =	vpop (erf)  }
0x446: {  	v5 =	vadd.f32 v43, v2;
	(erf) = vpow2.f32 v4;
	v1 =	vadd.f32 v1, v6;
	[tilespmem:$0x1ECC0] =	vst v0;
	v0 =	vpop (erf)  }
0x447: {  	v58 =	vld [tilespmem:s0+$0x2040];
	v2 =	vmul.f32 $1.442695020e+00, v10;
	(erf) = vpow2.f32 v3;
	v3 =	vpop (erf)  }
0x448: {  	[tilespmem:$0x1EC10] =	vst v18;
	v18 =	vld [tilespmem:s17+$0x800];
	v5 =	vadd.f32 v0, v5;
	v3 =	vadd.f32 v3, v1  }
0x449: {  	v41 =	vld [tilespmem:s0+$0x2060];
	(erf) = vpow2.f32 v2;
	v6 =	vpop (erf)  }
0x44a: {  	v2 =	vmul.f32 $1.442695020e+00, v57;
	v5 =	vadd.f32 v6, v5;
	v6 =	vmul.f32 $1.442695020e+00, v9;
	v1 =	vpop (erf)  }
0x44b: {  	v0 =	vpop (erf);
	v1 =	vadd.f32 v1, v3  }
0x44c: {  	(erf) = vpow2.f32 v2;
	v2 =	vmul.f32 $1.442695020e+00, v58;
	v0 =	vadd.f32 v0, v5;
	v3 =	vpop (erf)  }
0x44d: {  	(erf) = vpow2.f32 v6;
	v1 =	vadd.f32 v3, v1;
	v3 =	vmul.f32 $1.442695020e+00, v18  }
0x44e: {  	s15 =	sor.u32 $0x1C10, s18;
	(erf) = vpow2.f32 v2;
	v2 =	vmul.f32 $1.442695020e+00, v41;
	v6 =	vpop (erf)  }
0x44f: {  	v62 =	vld [tilespmem:s15+$0x800];
	v4 =	vadd.f32 v6, v0;
	v6 =	vpop (erf)  }
0x450: {  	s7 =	sor.u32 $0x1C50, s18;
	v44 =	vld [tilespmem:s0+$0x8C30];
	(erf) = vpow2.f32 v2;
	v0 =	vpop (erf)  }
0x451: {  	s14 =	sor.u32 $0x1C30, s18;
	v55 =	vld [tilespmem:s7+$0x800];
	(erf) = vpow2.f32 v3;
	v0 =	vadd.f32 v0, v4;
	v3 =	vpop (erf)  }
0x452: {  	v59 =	vld [tilespmem:s14+$0x800];
	v1 =	vadd.f32 v6, v1;
	v6 =	vpop (erf)  }
0x453: {  	v4 =	vadd.f32 v6, v0;
	v0 =	vld [tilespmem:$0x1EA90]  }
0x454: {  	v8 =	vld [tilespmem:s0+$0x9430];
	v2 =	vmul.f32 $1.442695020e+00, v62  }
0x455: {  	[tilespmem:$0x1EB60] =	vst v25;
	v25 =	vld [tilespmem:s0+$0x8C60]  }
0x456: {  	s16 =	sor.u32 $0x1C20, s18;
	(erf) = vpow2.f32 v2;
	v2 =	vld [tilespmem:$0x1EA80]  }
0x457: {  	[tilespmem:$0x1EC00] =	vst v19;
	v19 =	vld [tilespmem:s16+$0x800]  }
0x458: {  	v1 =	vadd.f32 v3, v1;
	v3 =	vmul.f32 v0, v52;
	v0 =	vld [tilespmem:$0x1EAA0]  }
0x459: {  	[tilespmem:$0x1EB80] =	vst v24;
	v24 =	vld [tilespmem:s0+$0x8C70]  }
0x45a: {  	[tilespmem:$0x1EBA0] =	vst v28;
	v28 =	vld [tilespmem:s0+$0x8C50]  }
0x45b: {  	v25 =	vmul.f32 v25, v39;
	v39 =	vld [tilespmem:$0x1EB70];
	v2 =	vmul.f32 v2, v54  }
0x45c: {  	[tilespmem:$0x1EB90] =	vst v23;
	v23 =	vld [tilespmem:s0+$0x9000];
	v52 =	vmul.f32 $1.442695020e+00, v19  }
0x45d: {  	[tilespmem:$0x1EBB0] =	vst v22;
	v22 =	vld [tilespmem:s0+$0x9010];
	v2 =	vadd.f32 $0.0e+00, v2;
	v51 =	vmul.f32 v0, v51  }
0x45e: {  	[tilespmem:$0x1EBD0] =	vst v21;
	v21 =	vld [tilespmem:s0+$0x9020]  }
0x45f: {  	v2 =	vadd.f32 v51, v2;
	v51 =	vld [tilespmem:$0x1EAC0]  }
0x460: {  	[tilespmem:$0x1EBE0] =	vst v35;
	v35 =	vld [tilespmem:s0+$0x8C40];
	(erf) = vpow2.f32 v52;
	v52 =	vpop (erf)  }
0x461: {  	v1 =	vadd.f32 v52, v1;
	v52 =	vld [tilespmem:$0x1EAE0]  }
0x462: {  	s20 =	sor.u32 $0x1C40, s18;
	[tilespmem:$0x1EBF0] =	vst v20;
	v20 =	vld [tilespmem:s0+$0x9030]  }
0x463: {  	s18 =	sor.u32 $0x1C58, s18;
	[tilespmem:$0x1EC20] =	vst v17;
	v17 =	vld [tilespmem:s20+$0x800]  }
0x464: {  	[tilespmem:$0x1EC30] =	vst v16;
	v16 =	vld [tilespmem:s18+$0x800];
	v47 =	vmul.f32 v51, v47  }
0x465: {  	[tilespmem:$0x1EC40] =	vst v15;
	v15 =	vld [tilespmem:s0+$0x9040]  }
0x466: {  	[tilespmem:$0x1EC50] =	vst v14;
	v14 =	vld [tilespmem:s0+$0x9050];
	v26 =	vmul.f32 v52, v26;
	v2 =	vadd.f32 v47, v2  }
0x467: {  	v0 =	vld [tilespmem:$0x1EAB0]  }
0x468: {  	v2 =	vadd.f32 v26, v2;
	v26 =	vld [tilespmem:$0x1EB00]  }
0x469: {  	[tilespmem:$0x1EC90] =	vst v11;
	v11 =	vld [tilespmem:s0+$0x9070]  }
0x46a: {  	v15 =	vmul.f32 v15, v63;
	v63 =	vld [tilespmem:$0x1EB90]  }
0x46b: {  	[tilespmem:$0x1EC70] =	vst v13;
	v13 =	vld [tilespmem:s0+$0x9400]  }
0x46c: {  	[tilespmem:$0x1EC80] =	vst v12;
	v12 =	vld [tilespmem:s0+$0x9420];
	v49 =	vmul.f32 v0, v49;
	v0 =	vmul.f32 $1.442695020e+00, v59  }
0x46d: {  	v7 =	vld [tilespmem:s0+$0x9460];
	v26 =	vmul.f32 v26, v30  }
0x46e: {  	(erf) = vpow2.f32 v0;
	v0 =	vld [tilespmem:$0x1EAD0]  }
0x46f: {  	v52 =	vpop (erf);
	v2 =	vadd.f32 v26, v2;
	v26 =	vld [tilespmem:$0x1EB20]  }
0x470: {  	v4 =	vadd.f32 v52, v4;
	v52 =	vld [tilespmem:$0x1EAF0]  }
0x471: {  	[tilespmem:$0x1ECA0] =	vst v10;
	v10 =	vld [tilespmem:s0+$0x9060];
	v3 =	vadd.f32 $0.0e+00, v3  }
0x472: {  	v43 =	vmov v9;
	v9 =	vld [tilespmem:s0+$0x9410]  }
0x473: {  	v5 =	vld [tilespmem:s0+$0x9470];
	v3 =	vadd.f32 v49, v3;
	v0 =	vmul.f32 v0, v46  }
0x474: {  	v6 =	vld [tilespmem:s0+$0x9450];
	v26 =	vmul.f32 v26, v33  }
0x475: {  	v54 =	vld [tilespmem:s0+$0x9440];
	v27 =	vmul.f32 v52, v27;
	v0 =	vadd.f32 v0, v3  }
0x476: {  	v52 =	vld [tilespmem:$0x1EB10];
	v30 =	vmul.f32 $1.442695020e+00, v17;
	v2 =	vadd.f32 v26, v2;
	v26 =	vmul.f32 $1.442695020e+00, v55  }
0x477: {  	v51 =	vld [tilespmem:s0+$0x9800];
	v0 =	vadd.f32 v27, v0;
	v27 =	vmul.f32 $1.442695020e+00, v16  }
0x478: {  	v49 =	vld [tilespmem:s0+$0x9810];
	(erf) = vpow2.f32 v30  }
0x479: {  	v47 =	vld [tilespmem:s0+$0x9820];
	(erf) = vpow2.f32 v27;
	v27 =	vmul.f32 v44, v37;
	v44 =	vpop (erf)  }
0x47a: {  	v37 =	vld [tilespmem:$0x1EB30];
	(erf) = vpow2.f32 v26;
	v26 =	vpop (erf)  }
0x47b: {  	v31 =	vmul.f32 v52, v31;
	v4 =	vadd.f32 v26, v4;
	v26 =	vld [tilespmem:$0x1EB40]  }
0x47c: {  	v46 =	vld [tilespmem:s0+$0x9840]  }
0x47d: {  	v3 =	vld [tilespmem:s0+$0x9830];
	v0 =	vadd.f32 v31, v0  }
0x47e: {  	v52 =	vld [tilespmem:s0+$0x9850];
	v33 =	vmul.f32 v35, v34  }
0x47f: {  	v30 =	vld [tilespmem:s0+$0x9860];
	v0 =	vadd.f32 v27, v0  }
0x480: {  	v31 =	vld [tilespmem:s0+$0x9870];
	v28 =	vmul.f32 v28, v37;
	v2 =	vadd.f32 v33, v2;
	v24 =	vmul.f32 v24, v26  }
0x481: {  	v27 =	vld [tilespmem:s0+$0x9C10]  }
0x482: {  	v0 =	vadd.f32 v28, v0;
	v28 =	vld [tilespmem:$0x1EB50];
	v2 =	vadd.f32 v25, v2;
	v25 =	vpop (erf)  }
0x483: {  	v4 =	vadd.f32 v25, v4;
	v25 =	vld [tilespmem:$0x1EB60]  }
0x484: {  	v35 =	vld [tilespmem:s0+$0x9C00];
	v0 =	vadd.f32 v24, v0;
	v24 =	vpop (erf)  }
0x485: {  	v1 =	vadd.f32 v44, v1;
	v4 =	vadd.f32 v24, v4;
	v24 =	vld [tilespmem:$0x1EB80]  }
0x486: {  	v34 =	vld [tilespmem:s0+$0x9C60]  }
0x487: {  	v23 =	vmul.f32 v23, v40;
	v33 =	vld [tilespmem:s0+$0x9C20];
	v1 =	vadd.f32 v28, v1  }
0x488: {  	v28 =	vld [tilespmem:s0+$0x9C40];
	v22 =	vmul.f32 v22, v25  }
0x489: {  	v21 =	vmul.f32 v21, v60;
	v2 =	vadd.f32 v23, v2;
	v23 =	vld [tilespmem:s0+$0xA000];
	v1 =	vadd.f32 v39, v1;
	v40 =	vpop (erf)  }
0x48a: {  	v14 =	vmul.f32 v14, v63;
	v39 =	vld [tilespmem:$0x1EBA0];
	v0 =	vadd.f32 v22, v0;
	v44 =	vpop (erf);
	v20 =	vmul.f32 v20, v24  }
0x48b: {  	v2 =	vadd.f32 v21, v2;
	v1 =	vadd.f32 v40, v1;
	v40 =	vld [tilespmem:$0x1EBB0];
	v60 =	vpop (erf)  }
0x48c: {  	v21 =	vld [tilespmem:s0+$0xA020];
	v37 =	vpop (erf);
	v0 =	vadd.f32 v20, v0  }
0x48d: {  	v26 =	vld [tilespmem:s0+$0x9C30];
	v2 =	vadd.f32 v15, v2;
	v1 =	vadd.f32 v60, v1;
	v15 =	vpop (erf)  }
0x48e: {  	v25 =	vld [tilespmem:s0+$0x9C50];
	v0 =	vadd.f32 v14, v0;
	v14 =	vpop (erf)  }
0x48f: {  	v10 =	vmul.f32 v10, v39;
	v4 =	vadd.f32 v44, v4;
	v1 =	vadd.f32 v14, v1;
	v14 =	vld [tilespmem:$0x1EBC0]  }
0x490: {  	v22 =	vld [tilespmem:s0+$0xA010];
	v11 =	vmul.f32 v11, v40  }
0x491: {  	v2 =	vadd.f32 v10, v2;
	v10 =	vld [tilespmem:s0+$0xA040];
	v4 =	vadd.f32 v37, v4  }
0x492: {  	v44 =	vld [tilespmem:s0+$0xA030];
	v0 =	vadd.f32 v11, v0;
	v11 =	vsel vm1, $0x0, v15  }
0x493: {  	v4 =	vadd.f32 v11, v4;
	v11 =	vld [tilespmem:$0x1EBE0]  }
0x494: {  	v24 =	vld [tilespmem:s0+$0x9C70];
	v13 =	vmul.f32 v13, v14  }
0x495: {  	v15 =	vld [tilespmem:s20+$0x8800]  }
0x496: {  	v1 =	vadd.f32 v4, v1;
	v2 =	vadd.f32 v13, v2;
	v13 =	vld [tilespmem:$0x1EBF0]  }
0x497: {  	v14 =	vld [tilespmem:$0x1EBD0]  }
0x498: {  	(xrf2) =	vadd.scan.msk.f32 $0xffff, v1;
	v1 =	vmul.f32 v7, v42;
	v7 =	vld [tilespmem:s14+$0x8800];
	v11 =	vmul.f32 v12, v11  }
0x499: {  	v12 =	vld [tilespmem:s0+$0xA060]  }
0x49a: {  	v2 =	vadd.f32 v11, v2;
	v11 =	vld [tilespmem:s15+$0x8800]  }
0x49b: {  	v4 =	vmul.f32 v54, v61;
	v8 =	vmul.f32 v8, v13;
	v13 =	vld [tilespmem:$0x1EC00]  }
0x49c: {  	v9 =	vmul.f32 v9, v14;
	v14 =	vld [tilespmem:s0+$0xA050]  }
0x49d: {  	v2 =	vadd.f32 v4, v2;
	v4 =	vld [tilespmem:$0x1EC10]  }
0x49e: {  	s14 =	simm.s32 $0x80;
	v0 =	vadd.f32 v9, v0;
	v9 =	vld [tilespmem:s0+$0xA070];
	s0 =	simm.s32 $0x400  }
0x49f: {  	s22 =	sand.u32 $0x380, s14;
	s21 =	sand.u32 $0x2000, s0;
	v1 =	vadd.f32 v1, v2;
	v2 =	vld [tilespmem:s18+$0x8800]  }
0x4a0: {  	v0 =	vadd.f32 v8, v0;
	v8 =	vmul.f32 v47, v36;
	s31 =	sor.u32 s22, s21;
	v36 =	vld [tilespmem:s7+$0x8800];
	v6 =	vmul.f32 v6, v13  }
0x4a1: {  	v63 =	vld [tilespmem:s31+$0x2050]  }
0x4a2: {  	v0 =	vadd.f32 v6, v0;
	v6 =	vld [tilespmem:$0x1EC20]  }
0x4a3: {  	v54 =	vld [tilespmem:s31+$0x1C50]  }
0x4a4: {  	v37 =	vld [tilespmem:s31+$0x1C10]  }
0x4a5: {  	v39 =	vld [tilespmem:s31+$0x1870]  }
0x4a6: {  	v40 =	vld [tilespmem:s31+$0x1850]  }
0x4a7: {  	v4 =	vmul.f32 v5, v4;
	v6 =	vmul.f32 v49, v6;
	v49 =	vld [tilespmem:$0x1EC30]  }
0x4a8: {  	v47 =	vld [tilespmem:s31+$0x1810]  }
0x4a9: {  	v5 =	vmul.f32 v51, v38;
	v0 =	vadd.f32 v4, v0;
	v4 =	vld [tilespmem:$0x1EC40]  }
0x4aa: {  	v20 =	vmul.f32 v44, v43;
	v43 =	vld [tilespmem:s31+$0x1450]  }
0x4ab: {  	v1 =	vadd.f32 v5, v1;
	v0 =	vadd.f32 v6, v0;
	v6 =	vld [tilespmem:$0x1EC50]  }
0x4ac: {  	v60 =	vld [tilespmem:s31+$0x1070];
	v3 =	vmul.f32 v3, v49  }
0x4ad: {  	v32 =	vmul.f32 v46, v32;
	v1 =	vadd.f32 v8, v1;
	v8 =	vld [tilespmem:$0x1EC60]  }
0x4ae: {  	v23 =	vmul.f32 v23, v56;
	v38 =	vld [tilespmem:s31+$0x2070];
	v4 =	vmul.f32 v52, v4;
	v0 =	vadd.f32 v3, v0  }
0x4af: {  	v21 =	vmul.f32 v21, v57;
	v51 =	vmov s1;
	v5 =	vmul.f32 v30, v29;
	v3 =	vld [tilespmem:$0x1EC70]  }
0x4b0: {  	v13 =	vld [tilespmem:s16+$0x8800];
	v29 =	vlaneseq.u32;
	v6 =	vmul.f32 v31, v6;
	v0 =	vadd.f32 v4, v0  }
0x4b1: {  	v7 =	vmul.f32 v7, v59;
	vm4 =	veq.s32 v51, v29;
	v1 =	vadd.f32 v32, v1;
	v4 =	vld [tilespmem:$0x1EC90]  }
0x4b2: {  	v30 =	vld [tilespmem:s31+$0x2060];
	v29 =	vmul.f32 v35, v45;
	v8 =	vmul.f32 v27, v8;
	v0 =	vadd.f32 v6, v0  }
0x4b3: {  	v35 =	vld [tilespmem:s31+$0x1C30];
	[tilespmem:$0x1ED40] =	vst v54;
	v54 =	vmul.f32 $1.442695020e+00, v54;
	v56 =	vmul.f32 $1.442695020e+00, v37;
	v1 =	vadd.f32 v5, v1  }
0x4b4: {  	v3 =	vmul.f32 v26, v3;
	v26 =	vmul.f32 v28, v50;
	v28 =	vld [tilespmem:$0x1EC80];
	v0 =	vadd.f32 v8, v0  }
0x4b5: {  	v45 =	vld [tilespmem:s31+$0x1470];
	v59 =	vmul.f32 $1.442695020e+00, v40;
	v27 =	vmul.f32 v33, v48  }
0x4b6: {  	v1 =	vadd.f32 v29, v1;
	v24 =	vmul.f32 v24, v4;
	v4, _, _ =	vpop (xrf2);
	v0 =	vadd.f32 v3, v0;
	v3 =	vld [tilespmem:$0x1ECD0]  }
0x4b7: {  	v57 =	vimm.f32 $0.0e+00;
	v5 =	vld [tilespmem:$0x1ECA0];
	v29 =	vmul.f32 v10, v58;
	v4 =	vbroadcast v4, $0xF  }
0x4b8: {  	v33 =	vld [tilespmem:s31+$0x1C70];
	v10 =	vmul.f32 v13, v19;
	v13 =	vmul.f32 $1.442695020e+00, v63;
	v1 =	vadd.f32 v27, v1  }
0x4b9: {  	[tilespmem:$0x1ED60] =	vst v37;
	v58 =	vmul.f32 $1.442695020e+00, v39;
	v25 =	vmul.f32 v25, v28;
	v61 =	vsel vm4, v4, v57;
	v4 =	vld [tilespmem:$0x1ECB0]  }
0x4ba: {  	[tilespmem:$0x1ED80] =	vst v40;
	v52 =	vld [tilespmem:s31+$0x2010];
	v6 =	vmul.f32 v11, v62;
	v1 =	vadd.f32 v26, v1;
	v28 =	vmul.f32 v34, v53  }
0x4bb: {  	[tilespmem:$0x1ED90] =	vst v39;
	v32 =	vld [tilespmem:s31+$0x1030];
	v11 =	vadd.f32 v25, v0;
	v8 =	vmul.f32 v9, v3;
	v9 =	vmul.f32 v2, v16  }
0x4bc: {  	[tilespmem:$0x1ECE0] =	vst v38;
	v22 =	vmul.f32 v22, v5;
	v5 =	vmul.f32 v12, v41;
	v31 =	vld [tilespmem:s31+$0x2030];
	v1 =	vadd.f32 v28, v1  }
0x4bd: {  	[tilespmem:$0x1ED70] =	vst v35;
	v49 =	vld [tilespmem:s31+$0x1830];
	v0 =	vsel vm1, $0x0, v9;
	v9 =	vadd.f32 v24, v11;
	v11 =	vmul.f32 $1.442695020e+00, v30  }
0x4be: {  	[tilespmem:$0x1ED50] =	vst v33;
	v53 =	vmul.f32 $1.442695020e+00, v33;
	v14 =	vmul.f32 v14, v4;
	v4 =	vld [tilespmem:$0x1ECC0]  }
0x4bf: {  	v41 =	vld [tilespmem:s31+$0x1430];
	v1 =	vadd.f32 v23, v1;
	[tilespmem:$0x1ECF0] =	vst v11;
	v9 =	vadd.f32 v22, v9;
	v11 =	vmul.f32 $1.442695020e+00, v52  }
0x4c0: {  	[tilespmem:$0x1ED00] =	vst v52;
	v25 =	vld [tilespmem:s31+$0x1410];
	v3 =	vmul.f32 v15, v17;
	v15 =	vmul.f32 $1.442695020e+00, v38  }
0x4c1: {  	v38 =	vld [tilespmem:s31+$0x1050];
	v1 =	vadd.f32 v21, v1;
	[tilespmem:$0x1ED10] =	vst v11;
	v11 =	vmul.f32 $1.442695020e+00, v31;
	v9 =	vadd.f32 v20, v9  }
0x4c2: {  	v62 =	vmovc v30;
	[tilespmem:$0x1ED20] =	vst v31;
	vm4 =	vmmov vm4;
	v2 =	vmul.f32 v36, v55;
	v55 =	vmul.f32 $1.442695020e+00, v35;
	v35 =	vld [tilespmem:s31+$0xC70]  }
0x4c3: {  	s30 =	simm.s32 $0x1;
	s15 =	simm.s32 $0x2;
	s7 =	simm.s32 $0x0;
	v12 =	vadd.f32 v29, v1;
	v31 =	vld [tilespmem:s31+$0x1010];
	v4 =	vmul.f32 v4, v18;
	[tilespmem:$0x1ED30] =	vst v11;
	v16 =	vadd.f32 v14, v9  }
.LBB2_2:
0x4c4: {  	_ = 	snop  }
0x4c5: {  	v5 =	vadd.f32 v5, v12  }
0x4c6: {  	v14 =	vld [tilespmem:s31+$0x800]  }
0x4c7: {  	v40 =	vld [tilespmem:s31+$0x810];
	v11 =	vadd.f32 v8, v16;
	v4 =	vadd.f32 v4, v5  }
0x4c8: {  	v8 =	vld [tilespmem:s31+$0x820];
	(erf) = vpow2.f32 v15  }
0x4c9: {  	(erf) = vpow2.f32 v13;
	v6 =	vadd.f32 v6, v11;
	v11 =	vld [tilespmem:s31+$0x830];
	v4 =	vadd.f32 v10, v4  }
0x4ca: {  	v12 =	vld [tilespmem:s31+$0x850];
	v22 =	vmul.f32 $1.442695020e+00, v25;
	v9 =	vmul.f32 $1.442695020e+00, v41  }
0x4cb: {  	v34 =	vld [tilespmem:s31+$0x840];
	[tilespmem:$0x1E9F0] =	vst v25;
	v25 =	vmul.f32 $1.442695020e+00, v35;
	v6 =	vadd.f32 v7, v6;
	v3 =	vadd.f32 v3, v4  }
0x4cc: {  	v1 =	vld [tilespmem:s31+$0xC50];
	v10 =	vmul.f32 $1.442695020e+00, v14;
	v15 =	vmul.f32 $1.442695020e+00, v40  }
0x4cd: {  	v5 =	vld [tilespmem:s31+$0x8800];
	v13 =	vmul.f32 $1.442695020e+00, v8;
	v6 =	vadd.f32 v2, v6;
	v0 =	vadd.f32 v0, v3  }
0x4ce: {  	v39 =	vld [tilespmem:s31+$0x870];
	[tilespmem:$0x1E980] =	vst v35;
	(erf) = vpow2.f32 v10;
	v10 =	vmul.f32 $1.442695020e+00, v11  }
0x4cf: {  	[tilespmem:$0x1EA00] =	vst v41;
	v41 =	vld [tilespmem:s31+$0x860];
	(erf) = vpow2.f32 v15;
	v35 =	vadd.f32 v0, v6;
	v0 =	vmul.f32 $1.442695020e+00, v12  }
0x4d0: {  	[tilespmem:$0x1EA40] =	vst v61;
	v61 =	vld [tilespmem:s31+$0xC10];
	v15 =	vmul.f32 $1.442695020e+00, v34;
	(erf) = vpow2.f32 v13  }
0x4d1: {  	[tilespmem:$0x1E9D0] =	vst v60;
	v20 =	vmul.f32 $1.442695020e+00, v60;
	v60 =	vld [tilespmem:s31+$0xC00];
	(erf) = vpow2.f32 v10  }
0x4d2: {  	v2 =	vld [tilespmem:s31+$0xC30];
	[tilespmem:$0x1E870] =	vst v5;
	v5 =	vpop (erf);
	(erf) = vpow2.f32 v15  }
0x4d3: {  	v17 =	vmul.f32 $1.442695020e+00, v31;
	v3 =	vld [tilespmem:s31+$0xC20];
	(erf) = vpow2.f32 v0;
	v0 =	vpop (erf)  }
0x4d4: {  	v18 =	vmul.f32 $1.442695020e+00, v32;
	v6 =	vmul.f32 $1.442695020e+00, v41;
	[tilespmem:$0x1E8B0] =	vst v0;
	v0 =	vld [tilespmem:s31+$0x8810]  }
0x4d5: {  	v16 =	vmul.f32 $1.442695020e+00, v1;
	v4 =	vld [tilespmem:s31+$0xC40];
	v10 =	vmul.f32 $1.442695020e+00, v39  }
0x4d6: {  	[tilespmem:$0x1E960] =	vst v1;
	v1 =	vld [tilespmem:s31+$0xC60];
	v7 =	vmul.f32 $1.442695020e+00, v60;
	(erf) = vpow2.f32 v6  }
0x4d7: {  	[tilespmem:$0x1E8E0] =	vst v5;
	v6 =	vmul.f32 $1.442695020e+00, v61;
	(erf) = vpow2.f32 v10  }
0x4d8: {  	[tilespmem:$0x1E920] =	vst v3;
	v5 =	vmul.f32 $1.442695020e+00, v3;
	v3 =	vld [tilespmem:s31+$0x1000];
	(erf) = vpow2.f32 v7  }
0x4d9: {  	v15 =	vmul.f32 $1.442695020e+00, v2;
	[tilespmem:$0x1E880] =	vst v0;
	v0 =	vpop (erf);
	(erf) = vpow2.f32 v6  }
0x4da: {  	v26 =	vmul.f32 $1.442695020e+00, v4;
	v6 =	vadd.f32 $0.0e+00, v0;
	v0 =	vld [tilespmem:s31+$0x1020];
	v27 =	vpop (erf);
	(erf) = vpow2.f32 v5  }
0x4db: {  	v29 =	vmul.f32 $1.442695020e+00, v1;
	v10 =	vpop (erf);
	(erf) = vpow2.f32 v15  }
0x4dc: {  	[tilespmem:$0x1E970] =	vst v1;
	v1 =	vld [tilespmem:s31+$0x1040];
	v15 =	vadd.f32 $0.0e+00, v27;
	v6 =	vadd.f32 v10, v6;
	v27 =	vpop (erf);
	(erf) = vpow2.f32 v26  }
0x4dd: {  	v26 =	vmul.f32 $1.442695020e+00, v3;
	v30 =	vpop (erf);
	(erf) = vpow2.f32 v16  }
0x4de: {  	v16 =	vadd.f32 v27, v15;
	v6 =	vadd.f32 v30, v6;
	v27 =	vpop (erf);
	(erf) = vpow2.f32 v29  }
0x4df: {  	v36 =	vld [tilespmem:s31+$0x1060];
	v29 =	vmul.f32 $1.442695020e+00, v0;
	v30 =	vpop (erf);
	(erf) = vpow2.f32 v25  }
0x4e0: {  	v25 =	vadd.f32 v27, v16;
	v6 =	vadd.f32 v30, v6;
	v27 =	vpop (erf);
	(erf) = vpow2.f32 v26  }
0x4e1: {  	[tilespmem:$0x1E9A0] =	vst v0;
	v0 =	vld [tilespmem:s31+$0x1400];
	v30 =	vmul.f32 $1.442695020e+00, v1;
	v26 =	vpop (erf);
	(erf) = vpow2.f32 v17  }
0x4e2: {  	v25 =	vadd.f32 v27, v25;
	v6 =	vadd.f32 v26, v6;
	v27 =	vpop (erf);
	(erf) = vpow2.f32 v29  }
0x4e3: {  	[tilespmem:$0x1EA50] =	vst v63;
	v63 =	vld [tilespmem:s31+$0x1420];
	v19 =	vmul.f32 $1.442695020e+00, v38;
	v33 =	vpop (erf);
	(erf) = vpow2.f32 v18  }
0x4e4: {  	[tilespmem:$0x1EA60] =	vst v62;
	v29 =	vmul.f32 $1.442695020e+00, v36;
	v6 =	vadd.f32 v33, v6;
	v62 =	vpop (erf);
	(erf) = vpow2.f32 v30  }
0x4e5: {  	v25 =	vadd.f32 v27, v25;
	v18 =	vld [tilespmem:s31+$0x1440];
	v37 =	vpop (erf);
	(erf) = vpow2.f32 v19  }
0x4e6: {  	v30 =	vmul.f32 $1.442695020e+00, v0;
	v6 =	vadd.f32 v37, v6;
	v42 =	vpop (erf);
	(erf) = vpow2.f32 v29  }
0x4e7: {  	[tilespmem:$0x1EA10] =	vst v43;
	v24 =	vmul.f32 $1.442695020e+00, v43;
	v25 =	vadd.f32 v62, v25;
	v19 =	vld [tilespmem:s31+$0x1460];
	v43 =	vpop (erf);
	(erf) = vpow2.f32 v20  }
0x4e8: {  	v29 =	vmul.f32 $1.442695020e+00, v63;
	v6 =	vadd.f32 v43, v6;
	v44 =	vpop (erf);
	(erf) = vpow2.f32 v30  }
0x4e9: {  	[tilespmem:$0x1EA20] =	vst v45;
	v23 =	vmul.f32 $1.442695020e+00, v45;
	v25 =	vadd.f32 v42, v25;
	v20 =	vld [tilespmem:s31+$0x1800];
	v45 =	vpop (erf);
	(erf) = vpow2.f32 v22  }
0x4ea: {  	v30 =	vmul.f32 $1.442695020e+00, v18;
	v6 =	vadd.f32 v45, v6;
	v46 =	vpop (erf);
	(erf) = vpow2.f32 v29  }
0x4eb: {  	[tilespmem:$0x1EA30] =	vst v47;
	v21 =	vmul.f32 $1.442695020e+00, v47;
	v25 =	vadd.f32 v44, v25;
	v22 =	vld [tilespmem:s31+$0x1820];
	v47 =	vpop (erf);
	(erf) = vpow2.f32 v9  }
0x4ec: {  	v29 =	vmul.f32 $1.442695020e+00, v19;
	v6 =	vadd.f32 v47, v6;
	v48 =	vpop (erf);
	(erf) = vpow2.f32 v30  }
0x4ed: {  	v25 =	vadd.f32 v46, v25;
	v51 =	vpop (erf);
	(erf) = vpow2.f32 v24  }
0x4ee: {  	v30 =	vmul.f32 $1.442695020e+00, v20;
	v6 =	vadd.f32 v51, v6;
	v52 =	vpop (erf);
	(erf) = vpow2.f32 v29  }
0x4ef: {  	v50 =	vld [tilespmem:s31+$0x1840];
	v25 =	vadd.f32 v48, v25;
	v62 =	vpop (erf);
	(erf) = vpow2.f32 v23  }
0x4f0: {  	v24 =	vld [tilespmem:s31+$0x1860];
	v29 =	vmul.f32 $1.442695020e+00, v22;
	v6 =	vadd.f32 v62, v6;
	v23 =	vpop (erf);
	(erf) = vpow2.f32 v30  }
0x4f1: {  	v44 =	vpop (erf);
	(erf) = vpow2.f32 v21  }
0x4f2: {  	v25 =	vadd.f32 v52, v25;
	v62 =	vld [tilespmem:s31+$0x1C00];
	v6 =	vadd.f32 v44, v6;
	v46 =	vpop (erf);
	(erf) = vpow2.f32 v29  }
0x4f3: {  	v28 =	vmul.f32 $1.442695020e+00, v49;
	[tilespmem:$0x1E9E0] =	vst v0;
	v0 =	vld [tilespmem:s31+$0x8C00];
	v47 =	vpop (erf)  }
0x4f4: {  	v30 =	vmul.f32 $1.442695020e+00, v50;
	v45 =	vadd.f32 v23, v25;
	v25 =	vld [tilespmem:s31+$0x1C20];
	v6 =	vadd.f32 v47, v6;
	v48 =	vpop (erf)  }
0x4f5: {  	v29 =	vmul.f32 $1.442695020e+00, v24;
	(erf) = vpow2.f32 v28;
	v51 =	vpop (erf)  }
0x4f6: {  	v21 =	vadd.f32 v46, v45;
	v28 =	vld [tilespmem:s31+$0x1C40];
	(erf) = vpow2.f32 v30;
	v6 =	vadd.f32 v51, v6;
	v52 =	vpop (erf)  }
0x4f7: {  	v30 =	vmul.f32 $1.442695020e+00, v62;
	(erf) = vpow2.f32 v59;
	v23 =	vpop (erf)  }
0x4f8: {  	[tilespmem:$0x1E910] =	vst v0;
	v0 =	vld [tilespmem:s31+$0x8C20];
	v33 =	vadd.f32 v48, v21;
	(erf) = vpow2.f32 v29;
	v6 =	vadd.f32 v23, v6;
	v48 =	vpop (erf)  }
0x4f9: {  	v59 =	vld [tilespmem:s31+$0x1C60];
	v29 =	vmul.f32 $1.442695020e+00, v25;
	(erf) = vpow2.f32 v58;
	v46 =	vpop (erf)  }
0x4fa: {  	v33 =	vadd.f32 v52, v33;
	v58 =	vld [tilespmem:s31+$0x2000];
	(erf) = vpow2.f32 v30;
	v6 =	vadd.f32 v46, v6;
	v51 =	vpop (erf)  }
0x4fb: {  	[tilespmem:$0x1E940] =	vst v2;
	v2 =	vld [tilespmem:s31+$0x8820];
	v30 =	vmul.f32 $1.442695020e+00, v28;
	(erf) = vpow2.f32 v56;
	v52 =	vpop (erf)  }
0x4fc: {  	v33 =	vadd.f32 v48, v33;
	(erf) = vpow2.f32 v29;
	v23 =	vadd.f32 v52, v6  }
0x4fd: {  	(erf) = vpow2.f32 v55  }
0x4fe: {  	[tilespmem:$0x1E930] =	vst v0;
	v0 =	vld [tilespmem:$0x1ED10];
	v29 =	vmul.f32 $1.442695020e+00, v59;
	v33 =	vadd.f32 v51, v33;
	v52 =	vpop (erf);
	(erf) = vpow2.f32 v30  }
0x4ff: {  	[tilespmem:$0x1E9C0] =	vst v38;
	v56 =	vld [tilespmem:s31+$0x2020];
	v30 =	vmul.f32 $1.442695020e+00, v58;
	v48 =	vpop (erf);
	(erf) = vpow2.f32 v54  }
0x500: {  	[tilespmem:$0x1E890] =	vst v2;
	v2 =	vld [tilespmem:s31+$0x8830];
	v47 =	vadd.f32 v52, v33;
	v38 =	vadd.f32 v48, v23;
	v23 =	vpop (erf);
	(erf) = vpow2.f32 v29  }
0x501: {  	[tilespmem:$0x1E9B0] =	vst v1;
	v1 =	vld [tilespmem:s31+$0x8860];
	v51 =	vpop (erf);
	(erf) = vpow2.f32 v53  }
0x502: {  	v55 =	vld [tilespmem:s31+$0x2040];
	v47 =	vadd.f32 v23, v47;
	v23 =	vpop (erf);
	(erf) = vpow2.f32 v30  }
0x503: {  	v52 =	vpop (erf);
	(erf) = vpow2.f32 v0;
	v0 =	vld [tilespmem:$0x1ED30]  }
0x504: {  	v29 =	vmul.f32 $1.442695020e+00, v56  }
0x505: {  	s7 =	sadd.s32 $0x1, s7  }
0x506: {  	s16 =	sand.u32 $0x7, s7;
	[tilespmem:$0x1E8A0] =	vst v2;
	v2 =	vld [tilespmem:s31+$0x8840];
	v15 =	vmov v31;
	v45 =	vadd.f32 v51, v38  }
0x507: {  	s16 =	sshll.u32 s16, $0x7;
	[tilespmem:$0x1E8F0] =	vst v1;
	v1 =	vld [tilespmem:s31+$0x8870];
	v30 =	vmul.f32 $1.442695020e+00, v55;
	v51 =	vadd.f32 v23, v47;
	v31 =	vpop (erf);
	(erf) = vpow2.f32 v29  }
0x508: {  	s21 =	sadd.s32 s16, s0;
	v29 =	vpop (erf);
	(erf) = vpow2.f32 v0;
	v0 =	vld [tilespmem:$0x1ECF0]  }
0x509: {  	s22 =	sor.u32 $0x1C00, s21;
	v48 =	vadd.f32 v52, v45;
	v31 =	vadd.f32 v31, v51  }
0x50a: {  	v38 =	vld [tilespmem:s22+$0x800];
	v45 =	vpop (erf)  }
0x50b: {  	[tilespmem:$0x1E8C0] =	vst v2;
	v2 =	vld [tilespmem:s31+$0x8850];
	v48 =	vadd.f32 v29, v48;
	v6 =	vadd.f32 v45, v31;
	(erf) = vpow2.f32 v30;
	v30 =	vpop (erf)  }
0x50c: {  	[tilespmem:$0x1E900] =	vst v1;
	v1 =	vpop (erf)  }
0x50d: {  	v45 =	vadd.f32 v30, v48;
	v1 =	vadd.f32 v1, v6;
	(erf) = vpow2.f32 v0;
	v0 =	vpop (erf)  }
0x50e: {  	v31 =	vpop (erf)  }
0x50f: {  	[tilespmem:$0x1E990] =	vst v3;
	v3 =	vmul.f32 $1.442695020e+00, v38;
	v6 =	vadd.f32 v0, v45;
	v0 =	vpop (erf);
	v1 =	vadd.f32 v31, v1  }
0x510: {  	[tilespmem:$0x1E8D0] =	vst v2;
	v2 =	vpop (erf)  }
0x511: {  	(erf) = vpow2.f32 v3;
	v3 =	vadd.f32 v0, v6;
	v0 =	vpop (erf);
	v1 =	vadd.f32 v2, v1  }
0x512: {  	v2 =	vpop (erf)  }
0x513: {  	v2 =	vadd.f32 v2, v1;
	v1 =	vld [tilespmem:$0x1E880];
	_ =	sdelay $0x4  }
0x514: {  	v40 =	vmul.f32 v1, v40;
	v1 =	vld [tilespmem:$0x1E890];
	_ =	sdelay $0x4  }
0x515: {  	v8 =	vmul.f32 v1, v8;
	v1 =	vld [tilespmem:$0x1E8A0];
	_ =	sdelay $0x4  }
0x516: {  	v11 =	vmul.f32 v1, v11;
	v1 =	vld [tilespmem:$0x1E8B0]  }
0x517: {  	v0 =	vadd.f32 v0, v3;
	v3 =	vld [tilespmem:$0x1E870];
	_ =	sdelay $0x3  }
0x518: {  	v2 =	vadd.f32 v1, v2;
	v1 =	vld [tilespmem:$0x1E8C0]  }
0x519: {  	v3 =	vmul.f32 v3, v14;
	_ =	sdelay $0x1  }
0x51a: {  	s18 =	sor.u32 $0x1C10, s21;
	v3 =	vadd.f32 $0.0e+00, v3  }
0x51b: {  	v53 =	vld [tilespmem:s18+$0x800]  }
0x51c: {  	s19 =	sor.u32 $0x1C20, s21;
	v3 =	vadd.f32 v8, v3;
	v8 =	vmul.f32 v1, v34;
	v1 =	vld [tilespmem:$0x1E8D0]  }
0x51d: {  	s20 =	sor.u32 $0x1C40, s21;
	v52 =	vld [tilespmem:s19+$0x800]  }
0x51e: {  	s17 =	sor.u32 $0x1C30, s21;
	v51 =	vld [tilespmem:s20+$0x800]  }
0x51f: {  	s16 =	sor.u32 $0x1C50, s21;
	s21 =	sor.u32 $0x1C58, s21;
	v33 =	vld [tilespmem:s17+$0x800]  }
0x520: {  	(xrf2) =	vadd.scan.msk.f32 $0xffff, v35;
	v35 =	vld [tilespmem:s21+$0x800]  }
0x521: {  	v12 =	vmul.f32 v1, v12;
	v1 =	vld [tilespmem:$0x1E8E0]  }
0x522: {  	[tilespmem:$0x1E950] =	vst v4;
	v4 =	vmul.f32 $1.442695020e+00, v53  }
0x523: {  	v5 =	vmul.f32 $1.442695020e+00, v52;
	v45 =	vmul.f32 $1.442695020e+00, v51  }
0x524: {  	v10 =	vmov v32;
	v32 =	vmul.f32 $1.442695020e+00, v33;
	(erf) = vpow2.f32 v4  }
0x525: {  	(erf) = vpow2.f32 v5  }
0x526: {  	v31 =	vmul.f32 $1.442695020e+00, v35;
	(erf) = vpow2.f32 v32;
	v2 =	vadd.f32 v1, v2;
	v1 =	vld [tilespmem:$0x1E8F0]  }
0x527: {  	(erf) = vpow2.f32 v45;
	v45 =	vpop (erf)  }
0x528: {  	(erf) = vpow2.f32 v31;
	v0 =	vadd.f32 v45, v0  }
0x529: {  	v7 =	vmov v57;
	v57 =	vpop (erf)  }
0x52a: {  	v13 =	vld [tilespmem:s31+$0x9410];
	v0 =	vadd.f32 v57, v0  }
0x52b: {  	v40 =	vadd.f32 $0.0e+00, v40;
	v3 =	vadd.f32 v8, v3;
	v8 =	vmul.f32 v1, v41;
	v1 =	vld [tilespmem:$0x1E900]  }
0x52c: {  	v37 =	vld [tilespmem:s31+$0x8C10];
	v57 =	vpop (erf)  }
0x52d: {  	v54 =	vld [tilespmem:s16+$0x800];
	v0 =	vadd.f32 v57, v0;
	v57 =	vpop (erf);
	v11 =	vadd.f32 v11, v40  }
0x52e: {  	v16 =	vld [tilespmem:s31+$0x9030];
	v41 =	vpop (erf)  }
0x52f: {  	v17 =	vld [tilespmem:s31+$0x9010];
	v11 =	vadd.f32 v12, v11;
	v0 =	vadd.f32 v41, v0;
	v41 =	vpop (erf)  }
0x530: {  	v2 =	vadd.f32 v57, v2;
	v3 =	vadd.f32 v8, v3;
	v8 =	vld [tilespmem:$0x1E910];
	v57 =	vpop (erf);
	v39 =	vmul.f32 v1, v39  }
0x531: {  	v37 =	vmul.f32 v37, v61;
	v0 =	vadd.f32 v57, v0;
	v61 =	vpop (erf);
	v57 =	vld [tilespmem:$0x1E920]  }
0x532: {  	v23 =	vmovc v49;
	v49 =	vmul.f32 $1.442695020e+00, v54;
	v11 =	vadd.f32 v39, v11;
	v39 =	vsel vm1, $0x0, v61;
	v61 =	vld [tilespmem:$0x1E930]  }
0x533: {  	v26 =	vld [tilespmem:s31+$0x8C40]  }
0x534: {  	v27 =	vld [tilespmem:s31+$0x8C30];
	(erf) = vpow2.f32 v49  }
0x535: {  	v10 =	vmul.f32 v16, v10;
	v16 =	vld [tilespmem:s31+$0x9C70]  }
0x536: {  	v42 =	vld [tilespmem:s31+$0x8C50]  }
0x537: {  	v43 =	vld [tilespmem:s31+$0x8C60];
	v8 =	vmul.f32 v8, v60;
	v57 =	vmul.f32 v61, v57  }
0x538: {  	v9 =	vld [tilespmem:s31+$0x9400]  }
0x539: {  	v44 =	vld [tilespmem:s31+$0x8C70];
	v3 =	vadd.f32 v8, v3  }
0x53a: {  	v21 =	vld [tilespmem:s31+$0x9000]  }
0x53b: {  	v3 =	vadd.f32 v57, v3;
	v57 =	vmov v7;
	v7 =	vld [tilespmem:$0x1E960]  }
0x53c: {  	v46 =	vld [tilespmem:s31+$0x9020];
	v2 =	vadd.f32 v41, v2  }
0x53d: {  	v47 =	vld [tilespmem:s31+$0x9040];
	v41 =	vpop (erf)  }
0x53e: {  	v2 =	vadd.f32 v41, v2;
	v41 =	vld [tilespmem:$0x1E940]  }
0x53f: {  	v29 =	vld [tilespmem:s31+$0x9050]  }
0x540: {  	v0 =	vadd.f32 v39, v0;
	v39 =	vmul.f32 v42, v7;
	v7 =	vld [tilespmem:$0x1E970]  }
0x541: {  	v48 =	vld [tilespmem:s31+$0x9060]  }
0x542: {  	v30 =	vld [tilespmem:s31+$0x9070]  }
0x543: {  	v4 =	vld [tilespmem:s31+$0x9810];
	v11 =	vadd.f32 v37, v11;
	v27 =	vmul.f32 v27, v41  }
0x544: {  	v6 =	vld [tilespmem:s31+$0x9420]  }
0x545: {  	v0 =	vadd.f32 v0, v2;
	v2 =	vadd.f32 v27, v11;
	v11 =	vmul.f32 v43, v7;
	v7 =	vld [tilespmem:$0x1E980]  }
0x546: {  	v5 =	vld [tilespmem:s31+$0x9470]  }
0x547: {  	v32 =	vld [tilespmem:s31+$0x9430]  }
0x548: {  	v31 =	vld [tilespmem:s31+$0x9450]  }
0x549: {  	v40 =	vld [tilespmem:s31+$0x9820]  }
0x54a: {  	v27 =	vmul.f32 v44, v7;
	v7 =	vld [tilespmem:$0x1E990]  }
0x54b: {  	v41 =	vld [tilespmem:$0x1E950]  }
0x54c: {  	v49 =	vld [tilespmem:s31+$0x9460]  }
0x54d: {  	v14 =	vld [tilespmem:s31+$0x9440]  }
0x54e: {  	v22 =	vmul.f32 v40, v22;
	v40 =	vld [tilespmem:$0x1EA40]  }
0x54f: {  	v21 =	vmul.f32 v21, v7;
	v7 =	vld [tilespmem:$0x1E9B0]  }
0x550: {  	v34 =	vld [tilespmem:s31+$0x9800];
	v26 =	vmul.f32 v26, v41  }
0x551: {  	v12 =	vld [tilespmem:s31+$0x9840]  }
0x552: {  	v1 =	vld [tilespmem:s31+$0x9830];
	v3 =	vadd.f32 v26, v3  }
0x553: {  	v60 =	vld [tilespmem:s31+$0x9850]  }
0x554: {  	v3 =	vadd.f32 v11, v3;
	v11 =	vmul.f32 v47, v7;
	v7 =	vld [tilespmem:$0x1E9C0]  }
0x555: {  	v8 =	vld [tilespmem:s31+$0x9860]  }
0x556: {  	v37 =	vld [tilespmem:s31+$0x9C00]  }
0x557: {  	v61 =	vld [tilespmem:s31+$0x9870]  }
0x558: {  	v41 =	vld [tilespmem:s31+$0x9C10]  }
0x559: {  	v29 =	vmul.f32 v29, v7;
	v7 =	vld [tilespmem:$0x1E9D0]  }
0x55a: {  	v45, _, _ =	vpop (xrf2);
	(xrf2) =	vadd.scan.msk.f32 $0xffff, v0;
	v0 =	vadd.f32 v39, v2;
	v2 =	vld [tilespmem:$0x1E9A0]  }
0x55b: {  	v42 =	vld [tilespmem:s31+$0x9C50]  }
0x55c: {  	v39 =	vld [tilespmem:s31+$0x9C40]  }
0x55d: {  	v43 =	vld [tilespmem:s31+$0x9C20]  }
0x55e: {  	v26 =	vmul.f32 v17, v15;
	v0 =	vadd.f32 v27, v0;
	v30 =	vmul.f32 v30, v7;
	v7 =	vld [tilespmem:$0x1E9E0]  }
0x55f: {  	v2 =	vmul.f32 v46, v2;
	v44 =	vld [tilespmem:s31+$0x9C30]  }
0x560: {  	v27 =	vmul.f32 v48, v36;
	v48 =	vld [tilespmem:s31+$0xA000];
	v0 =	vadd.f32 v26, v0;
	v3 =	vadd.f32 v21, v3  }
0x561: {  	v26 =	vld [tilespmem:s31+$0xA040]  }
0x562: {  	v0 =	vadd.f32 v10, v0;
	v10 =	vmul.f32 v49, v19;
	v19 =	vld [tilespmem:s31+$0xA020];
	v2 =	vadd.f32 v2, v3  }
0x563: {  	v9 =	vmul.f32 v9, v7;
	v7 =	vld [tilespmem:$0x1E9F0]  }
0x564: {  	v49 =	vld [tilespmem:s31+$0xA030];
	v2 =	vadd.f32 v11, v2  }
0x565: {  	v21 =	vmul.f32 v48, v58;
	v48 =	vld [tilespmem:s21+$0x8800]  }
0x566: {  	v3 =	vmul.f32 v14, v18;
	v18 =	vld [tilespmem:s31+$0xA010];
	v2 =	vadd.f32 v27, v2  }
0x567: {  	v6 =	vmul.f32 v6, v63;
	v47 =	vld [tilespmem:s31+$0x9C60]  }
0x568: {  	v0 =	vadd.f32 v29, v0;
	v2 =	vadd.f32 v9, v2;
	v7 =	vmul.f32 v13, v7;
	v13 =	vld [tilespmem:$0x1EA00]  }
0x569: {  	v27 =	vld [tilespmem:s31+$0xA050]  }
0x56a: {  	v0 =	vadd.f32 v30, v0;
	v30 =	vld [tilespmem:s31+$0xA060];
	v2 =	vadd.f32 v6, v2  }
0x56b: {  	v9 =	vmul.f32 v8, v24;
	v8 =	vld [tilespmem:s22+$0x8800]  }
0x56c: {  	v2 =	vadd.f32 v3, v2;
	v3 =	vld [tilespmem:$0x1ED40]  }
0x56d: {  	v17 =	vmul.f32 v32, v13;
	v13 =	vld [tilespmem:$0x1EA10]  }
0x56e: {  	v0 =	vadd.f32 v7, v0;
	v7 =	vld [tilespmem:$0x1ED90]  }
0x56f: {  	v6 =	vld [tilespmem:$0x1ED60]  }
0x570: {  	v2 =	vadd.f32 v10, v2;
	v10 =	vld [tilespmem:$0x1ED00]  }
0x571: {  	v0 =	vadd.f32 v17, v0;
	v17 =	vmul.f32 v43, v25;
	v43 =	vmul.f32 v42, v3;
	v3 =	vld [tilespmem:s17+$0x8800]  }
0x572: {  	v24 =	vlaneseq.u32;
	v14 =	vmul.f32 v31, v13;
	v13 =	vld [tilespmem:$0x1EA20];
	v31 =	vmov s30  }
0x573: {  	v29, _, _ =	vpop (xrf2);
	vm5 =	veq.s32 v31, v24;
	v24 =	vmul.f32 v61, v7;
	v7 =	vld [tilespmem:s31+$0xA070]  }
0x574: {  	s14 =	sadd.s32 $0x80, s14;
	s0 =	sadd.s32 $0x400, s0;
	v29 =	vbroadcast v29, $0xF;
	v31 =	vld [tilespmem:s19+$0x8800]  }
0x575: {  	s22 =	sand.u32 $0x380, s14;
	v0 =	vadd.f32 v14, v0;
	v14 =	vmul.f32 v47, v59;
	v47 =	vld [tilespmem:s20+$0x8800];
	s20 =	sand.u32 $0x2000, s0  }
0x576: {  	v61 =	vsel vm5, v29, v40;
	v29 =	vmul.f32 v41, v6;
	v6 =	vld [tilespmem:s18+$0x8800];
	s31 =	sor.u32 s22, s20  }
0x577: {  	v12 =	vmul.f32 v12, v50;
	v50 =	vld [tilespmem:s31+$0x2070]  }
0x578: {  	v63 =	vld [tilespmem:s31+$0x2050]  }
0x579: {  	v11 =	vmul.f32 v34, v20;
	v5 =	vmul.f32 v5, v13;
	v13 =	vld [tilespmem:$0x1EA30]  }
0x57a: {  	v46 =	vmul.f32 v37, v62;
	v62 =	vld [tilespmem:s31+$0x2060]  }
0x57b: {  	v2 =	vadd.f32 v11, v2;
	v11 =	vmul.f32 v26, v55;
	v55 =	vld [tilespmem:s31+$0x1C50]  }
0x57c: {  	v0 =	vadd.f32 v5, v0;
	v5 =	vld [tilespmem:$0x1ED20]  }
0x57d: {  	v1 =	vmul.f32 v1, v23;
	v23 =	vld [tilespmem:s31+$0x1870]  }
0x57e: {  	v4 =	vmul.f32 v4, v13;
	v13 =	vld [tilespmem:$0x1ED80]  }
0x57f: {  	v41 =	vld [tilespmem:s31+$0x1430]  }
0x580: {  	v32 =	vld [tilespmem:s31+$0x1030]  }
0x581: {  	v20 =	vmul.f32 v49, v5;
	v5 =	vld [tilespmem:$0x1EA50];
	v0 =	vadd.f32 v4, v0  }
0x582: {  	v2 =	vadd.f32 v22, v2;
	v4 =	vld [tilespmem:$0x1EA60]  }
0x583: {  	v0 =	vadd.f32 v1, v0;
	v15 =	vmul.f32 v60, v13;
	v13 =	vld [tilespmem:$0x1ED70]  }
0x584: {  	v18 =	vmul.f32 v18, v10;
	v10 =	vmul.f32 v31, v52;
	v31 =	vld [tilespmem:s31+$0x1C70];
	v1 =	vadd.f32 v12, v2  }
0x585: {  	v28 =	vmul.f32 v39, v28;
	v19 =	vmul.f32 v19, v56;
	v49 =	vld [tilespmem:s16+$0x8800];
	v15 =	vadd.f32 v15, v0  }
0x586: {  	v12 =	vmul.f32 v48, v35;
	v35 =	vld [tilespmem:s31+$0xC70];
	v1 =	vadd.f32 v9, v1;
	v26 =	vmul.f32 v27, v5  }
0x587: {  	v5 =	vmul.f32 v30, v4;
	v4 =	vmul.f32 v8, v38;
	v8 =	vld [tilespmem:$0x1ECE0];
	v9 =	vadd.f32 v24, v15  }
0x588: {  	v6 =	vmul.f32 v6, v53;
	v25 =	vmul.f32 v44, v13;
	v13 =	vld [tilespmem:$0x1ED50]  }
0x589: {  	v58 =	vmul.f32 $1.442695020e+00, v23;
	v30 =	vld [tilespmem:s31+$0x2010];
	v1 =	vadd.f32 v46, v1;
	v9 =	vadd.f32 v29, v9  }
0x58a: {  	[tilespmem:$0x1ED40] =	vst v55;
	v53 =	vmul.f32 $1.442695020e+00, v31;
	v27 =	vld [tilespmem:s31+$0x2030];
	v2 =	vmul.f32 v49, v54  }
0x58b: {  	[tilespmem:$0x1ED90] =	vst v23;
	v54 =	vmovc v50;
	v0 =	vsel vm1, $0x0, v12;
	v12 =	vld [tilespmem:s31+$0x1C30];
	v1 =	vadd.f32 v17, v1;
	v9 =	vadd.f32 v25, v9  }
0x58c: {  	v60 =	vld [tilespmem:s31+$0x1070];
	[tilespmem:$0x1ECE0] =	vst v54;
	v15 =	vmul.f32 $1.442695020e+00, v54;
	v54 =	vmul.f32 $1.442695020e+00, v55  }
0x58d: {  	v24 =	vld [tilespmem:s31+$0x1C10];
	[tilespmem:$0x1ED50] =	vst v31;
	v1 =	vadd.f32 v28, v1;
	v16 =	vmul.f32 v16, v13;
	v9 =	vadd.f32 v43, v9  }
0x58e: {  	v49 =	vld [tilespmem:s31+$0x1830];
	v8 =	vmul.f32 v7, v8;
	v7 =	vmul.f32 v3, v33;
	[tilespmem:$0x1ED00] =	vst v30  }
0x58f: {  	v29 =	vld [tilespmem:s31+$0x1850];
	[tilespmem:$0x1ED20] =	vst v27;
	v1 =	vadd.f32 v14, v1;
	v14 =	vmul.f32 $1.442695020e+00, v62;
	v9 =	vadd.f32 v16, v9  }
0x590: {  	p0 =	sne.s32 s15, $0xF;
	v38 =	vld [tilespmem:s31+$0x1050];
	v3 =	vmul.f32 v47, v51;
	[tilespmem:$0x1ED70] =	vst v12;
	v55 =	vmul.f32 $1.442695020e+00, v12  }
.Ltmp0:
0x591: {  	v31 =	vld [tilespmem:s31+$0x1010];
	v1 =	vadd.f32 v21, v1;
	[tilespmem:$0x1ECF0] =	vst v14;
	v14 =	vmul.f32 $1.442695020e+00, v30;
	v9 =	vadd.f32 v18, v9;
	(pc) =	sbr.rel @p0 .LBB2_2-.Ltmp0, $4  }
0x592: {  	v47 =	vld [tilespmem:s31+$0x1810];
	[tilespmem:$0x1ED60] =	vst v24;
	v56 =	vmul.f32 $1.442695020e+00, v24;
	v13 =	vbroadcast v45, $0xF  }
0x593: {  	v25 =	vld [tilespmem:s31+$0x1410];
	[tilespmem:$0x1ED10] =	vst v14;
	v14 =	vmul.f32 $1.442695020e+00, v27;
	v1 =	vadd.f32 v19, v1;
	v9 =	vadd.f32 v20, v9  }
0x594: {  	v45 =	vld [tilespmem:s31+$0x1470];
	[tilespmem:$0x1ED80] =	vst v29;
	v59 =	vmul.f32 $1.442695020e+00, v29;
	v57 =	vsel vm4, v13, v57;
	vm4 =	vmmov vm5  }
0x595: {  	s30 =	smov.u32 s15;
	s15 =	sadd.s32 $0x1, s15;
	v43 =	vld [tilespmem:s31+$0x1450];
	v13 =	vmul.f32 $1.442695020e+00, v63;
	[tilespmem:$0x1ED30] =	vst v14;
	v12 =	vadd.f32 v11, v1;
	v16 =	vadd.f32 v26, v9  }
0x596: {  	v1 =	vld [tilespmem:s31+$0xC50]  }
0x597: {  	v39 =	vld [tilespmem:s31+$0x800]  }
0x598: {  	v36 =	vld [tilespmem:s31+$0x810]  }
0x599: {  	v30 =	vld [tilespmem:s31+$0x820]  }
0x59a: {  	v28 =	vld [tilespmem:s31+$0x830]  }
0x59b: {  	v27 =	vld [tilespmem:s31+$0x840]  }
0x59c: {  	v26 =	vld [tilespmem:s31+$0x850]  }
0x59d: {  	(erf) = vpow2.f32 v15;
	v24 =	vld [tilespmem:s31+$0x860];
	v22 =	vmul.f32 $1.442695020e+00, v35  }
0x59e: {  	v23 =	vld [tilespmem:s31+$0x870];
	(erf) = vpow2.f32 v13;
	v14 =	vmul.f32 $1.442695020e+00, v1  }
0x59f: {  	v20 =	vld [tilespmem:s31+$0xC00];
	v9 =	vmul.f32 $1.442695020e+00, v39;
	v11 =	vmul.f32 $1.442695020e+00, v36  }
0x5a0: {  	v17 =	vld [tilespmem:s31+$0xC10];
	v52 =	vmul.f32 $1.442695020e+00, v30;
	v29 =	vmul.f32 $1.442695020e+00, v28  }
0x5a1: {  	v15 =	vld [tilespmem:s31+$0xC20];
	v18 =	vmul.f32 $1.442695020e+00, v27;
	v33 =	vmul.f32 $1.442695020e+00, v26  }
0x5a2: {  	v19 =	vmul.f32 $1.442695020e+00, v24;
	(erf) = vpow2.f32 v9  }
0x5a3: {  	v12 =	vadd.f32 v5, v12;
	v5 =	vld [tilespmem:s31+$0xC60];
	v34 =	vmul.f32 $1.442695020e+00, v23;
	(erf) = vpow2.f32 v11  }
0x5a4: {  	v37 =	vmul.f32 $1.442695020e+00, v20;
	v9 =	vld [tilespmem:s31+$0xC40];
	(erf) = vpow2.f32 v52  }
0x5a5: {  	v8 =	vadd.f32 v8, v16;
	v40 =	vmul.f32 $1.442695020e+00, v17;
	v11 =	vld [tilespmem:s31+$0xC30];
	(erf) = vpow2.f32 v29  }
0x5a6: {  	v12 =	vadd.f32 v4, v12;
	v4 =	vld [tilespmem:s31+$0x1000];
	v44 =	vmul.f32 $1.442695020e+00, v15;
	v42 =	vpop (erf);
	(erf) = vpow2.f32 v18  }
0x5a7: {  	v6 =	vadd.f32 v6, v8;
	[tilespmem:$0x1E860] =	vst v42;
	v42 =	vmul.f32 $1.442695020e+00, v31;
	(erf) = vpow2.f32 v33;
	v33 =	vld [tilespmem:s31+$0x1020]  }
0x5a8: {  	v18 =	vmul.f32 $1.442695020e+00, v5;
	(erf) = vpow2.f32 v19  }
0x5a9: {  	v6 =	vadd.f32 v7, v6;
	v7 =	vld [tilespmem:s31+$0x1040];
	v51 =	vmul.f32 $1.442695020e+00, v9;
	(erf) = vpow2.f32 v34  }
0x5aa: {  	v46 =	vpop (erf);
	v48 =	vmul.f32 $1.442695020e+00, v11;
	v34 =	vld [tilespmem:s31+$0x8800];
	(erf) = vpow2.f32 v37  }
0x5ab: {  	v21 =	vadd.f32 v10, v12;
	v37 =	vmul.f32 $1.442695020e+00, v4;
	(erf) = vpow2.f32 v40;
	v50 =	vpop (erf)  }
0x5ac: {  	[tilespmem:$0x1E850] =	vst v46;
	(erf) = vpow2.f32 v44;
	v52 =	vadd.f32 $0.0e+00, v50;
	v16 =	vpop (erf);
	v46 =	vmul.f32 $1.442695020e+00, v33  }
0x5ad: {  	[tilespmem:$0x1E980] =	vst v35;
	v35 =	vld [tilespmem:s31+$0x8810];
	v50 =	vmul.f32 $1.442695020e+00, v32;
	(erf) = vpow2.f32 v48;
	v19 =	vpop (erf);
	v10 =	vadd.f32 $0.0e+00, v16  }
0x5ae: {  	v8 =	vld [tilespmem:s31+$0x1060];
	(erf) = vpow2.f32 v51;
	v12 =	vadd.f32 v19, v52;
	v29 =	vpop (erf);
	v52 =	vmul.f32 $1.442695020e+00, v7  }
0x5af: {  	v13 =	vld [tilespmem:s31+$0x1440];
	v21 =	vadd.f32 v3, v21;
	v39 =	vmul.f32 v34, v39;
	(erf) = vpow2.f32 v14;
	v40 =	vpop (erf)  }
0x5b0: {  	v3 =	vld [tilespmem:s31+$0x1C20];
	v10 =	vadd.f32 v29, v10;
	(erf) = vpow2.f32 v18;
	v12 =	vadd.f32 v40, v12;
	v44 =	vpop (erf)  }
0x5b1: {  	[tilespmem:$0x1E9C0] =	vst v38;
	v40 =	vmul.f32 $1.442695020e+00, v38;
	v38 =	vld [tilespmem:s31+$0x8840];
	(erf) = vpow2.f32 v22;
	v48 =	vpop (erf)  }
0x5b2: {  	v16 =	vadd.f32 v44, v10;
	v10 =	vld [tilespmem:s31+$0x1400];
	(erf) = vpow2.f32 v37;
	v12 =	vadd.f32 v48, v12;
	v51 =	vpop (erf)  }
0x5b3: {  	v0 =	vadd.f32 v0, v21;
	v21 =	vld [tilespmem:s31+$0x1C40];
	v44 =	vmul.f32 $1.442695020e+00, v8;
	(erf) = vpow2.f32 v42;
	v22 =	vpop (erf)  }
0x5b4: {  	v16 =	vadd.f32 v51, v16;
	(erf) = vpow2.f32 v46;
	v18 =	vadd.f32 v22, v12;
	v12 =	vld [tilespmem:s31+$0x1420]  }
0x5b5: {  	[tilespmem:$0x1E830] =	vst v32;
	v32 =	vld [tilespmem:s31+$0x8850];
	v48 =	vmul.f32 $1.442695020e+00, v60;
	v42 =	vpop (erf);
	(erf) = vpow2.f32 v50  }
0x5b6: {  	v19 =	vld [tilespmem:s31+$0x1840];
	v16 =	vadd.f32 v42, v16;
	v46 =	vpop (erf);
	v27 =	vmul.f32 v38, v27;
	(erf) = vpow2.f32 v52  }
0x5b7: {  	v34 =	vld [tilespmem:s31+$0x2000];
	v22 =	vpop (erf);
	v50 =	vmul.f32 $1.442695020e+00, v10;
	(erf) = vpow2.f32 v40  }
0x5b8: {  	v37 =	vld [tilespmem:s31+$0x8830];
	v52 =	vmul.f32 $1.442695020e+00, v25;
	v16 =	vadd.f32 v22, v16;
	v51 =	vpop (erf);
	(erf) = vpow2.f32 v44  }
0x5b9: {  	v29 =	vld [tilespmem:s31+$0x8820];
	v18 =	vadd.f32 v46, v18;
	v42 =	vpop (erf);
	(erf) = vpow2.f32 v48;
	v44 =	vmul.f32 $1.442695020e+00, v12  }
0x5ba: {  	[tilespmem:$0x1E9F0] =	vst v25;
	v14 =	vld [tilespmem:s31+$0x1460];
	v25 =	vadd.f32 v42, v16;
	v46 =	vpop (erf);
	v48 =	vmul.f32 $1.442695020e+00, v41;
	(erf) = vpow2.f32 v50  }
0x5bb: {  	v40 =	vld [tilespmem:s31+$0x8860];
	v18 =	vadd.f32 v51, v18;
	v50 =	vpop (erf);
	(erf) = vpow2.f32 v52;
	v52 =	vmul.f32 $1.442695020e+00, v43  }
0x5bc: {  	[tilespmem:$0x1EA00] =	vst v41;
	v51 =	vmul.f32 $1.442695020e+00, v13;
	v16 =	vld [tilespmem:s31+$0x1800];
	v25 =	vadd.f32 v50, v25;
	v42 =	vpop (erf);
	(erf) = vpow2.f32 v44  }
0x5bd: {  	v38 =	vld [tilespmem:$0x1EA00];
	v37 =	vmul.f32 v37, v28;
	v18 =	vadd.f32 v46, v18;
	v46 =	vpop (erf);
	(erf) = vpow2.f32 v48  }
0x5be: {  	v22 =	vld [tilespmem:s31+$0x1C00];
	v50 =	vmul.f32 $1.442695020e+00, v45;
	v25 =	vadd.f32 v46, v25;
	v44 =	vpop (erf);
	(erf) = vpow2.f32 v51  }
0x5bf: {  	v42 =	vadd.f32 v42, v18;
	v18 =	vld [tilespmem:s31+$0x1820];
	v48 =	vmul.f32 $1.442695020e+00, v14;
	(erf) = vpow2.f32 v52;
	v52 =	vpop (erf)  }
0x5c0: {  	[tilespmem:$0x1EA20] =	vst v45;
	v41 =	vld [tilespmem:s31+$0x8870];
	v24 =	vmul.f32 v40, v24;
	v45 =	vadd.f32 v52, v25;
	v52 =	vmul.f32 $1.442695020e+00, v47  }
0x5c1: {  	s7 =	sadd.s32 $0x1, s7;
	v46 =	vld [tilespmem:s31+$0x8C10];
	v42 =	vadd.f32 v44, v42;
	(erf) = vpow2.f32 v48;
	v48 =	vmul.f32 $1.442695020e+00, v16;
	v51 =	vpop (erf)  }
0x5c2: {  	s7 =	sand.u32 $0x7, s7;
	v44 =	vmul.f32 $1.442695020e+00, v49;
	v25 =	vld [tilespmem:s31+$0x1860];
	(erf) = vpow2.f32 v50;
	v50 =	vpop (erf)  }
0x5c3: {  	s7 =	sshll.u32 s7, $0x7;
	v28 =	vld [tilespmem:s31+$0x2020];
	v42 =	vadd.f32 v51, v42;
	v45 =	vadd.f32 v50, v45;
	(erf) = vpow2.f32 v48;
	v51 =	vpop (erf)  }
0x5c4: {  	[tilespmem:$0x1EA30] =	vst v47;
	s17 =	sadd.s32 s7, s0;
	v47 =	vld [tilespmem:s31+$0x8C20];
	v48 =	vmul.f32 $1.442695020e+00, v18;
	(erf) = vpow2.f32 v52;
	v52 =	vpop (erf)  }
0x5c5: {  	[tilespmem:$0x1EA10] =	vst v43;
	s14 =	sor.u32 $0x1C10, s17;
	v43 =	vld [tilespmem:s31+$0x8C00];
	v23 =	vmul.f32 v41, v23;
	v45 =	vadd.f32 v52, v45;
	v52 =	vmul.f32 $1.442695020e+00, v19  }
0x5c6: {  	v40 =	vmul.f32 v46, v17;
	v17 =	vld [tilespmem:s14+$0x800];
	v42 =	vadd.f32 v51, v42;
	(erf) = vpow2.f32 v48;
	v50 =	vpop (erf)  }
0x5c7: {  	[tilespmem:$0x1E840] =	vst v49;
	v48 =	vld [tilespmem:s31+$0x8C30];
	(erf) = vpow2.f32 v44;
	v49 =	vmul.f32 $1.442695020e+00, v25;
	v51 =	vpop (erf)  }
0x5c8: {  	s18 =	sor.u32 $0x1C00, s17;
	v42 =	vadd.f32 v50, v42;
	v44 =	vadd.f32 v51, v45;
	(erf) = vpow2.f32 v52;
	v45 =	vld [tilespmem:s31+$0x8C40]  }
0x5c9: {  	v2 =	vadd.f32 v2, v6;
	v41 =	vmul.f32 v47, v15;
	v15 =	vld [tilespmem:s18+$0x800];
	(erf) = vpow2.f32 v59;
	v52 =	vpop (erf)  }
0x5ca: {  	v50 =	vmul.f32 $1.442695020e+00, v22;
	(erf) = vpow2.f32 v49;
	v49 =	vld [tilespmem:s31+$0x8C60];
	v6 =	vadd.f32 v52, v42;
	v52 =	vpop (erf)  }
0x5cb: {  	v42 =	vld [tilespmem:s31+$0x8C50];
	(erf) = vpow2.f32 v58;
	v51 =	vpop (erf)  }
0x5cc: {  	(erf) = vpow2.f32 v50;
	v50 =	vld [tilespmem:s31+$0x8C70];
	v6 =	vadd.f32 v51, v6;
	v59 =	vpop (erf)  }
0x5cd: {  	v44 =	vadd.f32 v52, v44;
	v51 =	vmul.f32 $1.442695020e+00, v3;
	v9 =	vmul.f32 v45, v9;
	v45 =	vld [tilespmem:s31+$0x9400];
	v52 =	vpop (erf)  }
0x5ce: {  	s0 =	sor.u32 $0x1C50, s17;
	s7 =	sor.u32 $0x1C30, s17;
	(erf) = vpow2.f32 v56;
	v58 =	vadd.f32 v52, v6;
	v6 =	vld [tilespmem:s31+$0x1C60]  }
0x5cf: {  	s15 =	sor.u32 $0x1C20, s17;
	s16 =	sor.u32 $0x1C40, s17;
	s17 =	sor.u32 $0x1C58, s17;
	v35 =	vmul.f32 v35, v36;
	(erf) = vpow2.f32 v51;
	v51 =	vld [tilespmem:s31+$0x9000]  }
0x5d0: {  	v44 =	vadd.f32 v59, v44;
	v49 =	vmul.f32 v49, v5;
	v5 =	vld [tilespmem:s17+$0x800]  }
0x5d1: {  	v35 =	vadd.f32 $0.0e+00, v35;
	v59 =	vpop (erf);
	v46 =	vmul.f32 v42, v1;
	v1 =	vld [tilespmem:s16+$0x800]  }
0x5d2: {  	v0 =	vadd.f32 v0, v2;
	v44 =	vadd.f32 v59, v44;
	v52 =	vpop (erf);
	v59 =	vmul.f32 $1.442695020e+00, v21;
	v42 =	vld [tilespmem:s31+$0x9070]  }
0x5d3: {  	(erf) = vpow2.f32 v55;
	v2 =	vadd.f32 v52, v58;
	v56 =	vpop (erf);
	v58 =	vadd.f32 $0.0e+00, v39;
	v39 =	vld [tilespmem:s31+$0x9010]  }
0x5d4: {  	v36 =	vadd.f32 v56, v44;
	v56 =	vpop (erf);
	(erf) = vpow2.f32 v59;
	v59 =	vmul.f32 v32, v26;
	v26 =	vld [tilespmem:s31+$0x2040]  }
0x5d5: {  	v29 =	vmul.f32 v29, v30;
	v44 =	vadd.f32 v37, v35;
	v35 =	vld [tilespmem:s31+$0x9030]  }
0x5d6: {  	v10 =	vmul.f32 v45, v10;
	v45 =	vld [tilespmem:s31+$0x9830]  }
0x5d7: {  	v58 =	vadd.f32 v29, v58;
	v29 =	vld [tilespmem:s31+$0x9020]  }
0x5d8: {  	v52 =	vadd.f32 v56, v2;
	v2 =	vld [tilespmem:s0+$0x800]  }
0x5d9: {  	v56 =	vmul.f32 v43, v20;
	v20 =	vld [tilespmem:s7+$0x800]  }
0x5da: {  	v55 =	vpop (erf);
	v43 =	vmul.f32 v48, v11;
	v11 =	vld [tilespmem:s15+$0x800];
	v30 =	vadd.f32 v59, v44  }
0x5db: {  	v36 =	vadd.f32 v55, v36;
	v55 =	vld [tilespmem:$0x1ED10]  }
0x5dc: {  	v27 =	vadd.f32 v27, v58;
	v23 =	vadd.f32 v23, v30;
	v30 =	vmul.f32 v42, v60;
	v60 =	vld [tilespmem:s31+$0x9470]  }
0x5dd: {  	v42 =	vld [tilespmem:s31+$0x9820]  }
0x5de: {  	v58 =	vmul.f32 $1.442695020e+00, v6;
	v59 =	vpop (erf);
	v24 =	vadd.f32 v24, v27;
	v27 =	vld [tilespmem:s31+$0x9040]  }
0x5df: {  	(erf) = vpow2.f32 v54;
	v37 =	vadd.f32 v59, v52;
	v52 =	vld [tilespmem:s31+$0x9050]  }
0x5e0: {  	(erf) = vpow2.f32 v58;
	v58 =	vld [tilespmem:s31+$0x9060]  }
0x5e1: {  	v59 =	vmul.f32 v39, v31;
	v31 =	vld [tilespmem:s31+$0x9C30]  }
0x5e2: {  	v47 =	vmul.f32 $1.442695020e+00, v34;
	(erf) = vpow2.f32 v53;
	v53 =	vld [tilespmem:$0x1E980]  }
0x5e3: {  	v44 =	vpop (erf);
	v23 =	vadd.f32 v40, v23;
	v40 =	vld [tilespmem:s31+$0x9810]  }
0x5e4: {  	v32 =	vadd.f32 v44, v36;
	v48 =	vpop (erf);
	(erf) = vpow2.f32 v47;
	v47 =	vld [tilespmem:s31+$0x9410]  }
0x5e5: {  	v24 =	vadd.f32 v56, v24;
	v37 =	vadd.f32 v48, v37;
	v56 =	vpop (erf);
	v48 =	vld [tilespmem:s31+$0x9420]  }
0x5e6: {  	v23 =	vadd.f32 v43, v23;
	v32 =	vadd.f32 v56, v32;
	v44 =	vpop (erf);
	v56 =	vld [tilespmem:s31+$0x9450]  }
0x5e7: {  	v29 =	vmul.f32 v29, v33;
	v33 =	vadd.f32 v44, v37;
	v37 =	vld [tilespmem:s31+$0x9800]  }
0x5e8: {  	v43 =	vmul.f32 $1.442695020e+00, v28;
	v23 =	vadd.f32 v46, v23;
	v46 =	vld [tilespmem:$0x1E830]  }
0x5e9: {  	(erf) = vpow2.f32 v55;
	v8 =	vmul.f32 v58, v8;
	v58 =	vld [tilespmem:s31+$0x9460]  }
0x5ea: {  	v4 =	vmul.f32 v51, v4;
	v51 =	vpop (erf);
	(erf) = vpow2.f32 v43;
	v43 =	vld [tilespmem:$0x1EA10]  }
0x5eb: {  	v24 =	vadd.f32 v41, v24;
	v7 =	vmul.f32 v27, v7;
	v27 =	vadd.f32 v51, v32;
	v51 =	vld [tilespmem:s31+$0x9860]  }
0x5ec: {  	v54 =	vmul.f32 v50, v53;
	v50 =	vld [tilespmem:$0x1E9C0]  }
0x5ed: {  	v55 =	vpop (erf);
	v9 =	vadd.f32 v9, v24;
	v53 =	vld [tilespmem:s31+$0x9440]  }
0x5ee: {  	v33 =	vadd.f32 v55, v33;
	v55 =	vld [tilespmem:s31+$0x9C00];
	v23 =	vadd.f32 v54, v23  }
0x5ef: {  	v9 =	vadd.f32 v49, v9;
	v49 =	vld [tilespmem:$0x1ED30]  }
0x5f0: {  	v23 =	vadd.f32 v59, v23;
	v59 =	vld [tilespmem:$0x1E9F0]  }
0x5f1: {  	v36 =	vpop (erf);
	v35 =	vmul.f32 v35, v46;
	v46 =	vld [tilespmem:s31+$0x9840]  }
0x5f2: {  	v4 =	vadd.f32 v4, v9;
	v9 =	vmul.f32 v48, v12;
	v12 =	vadd.f32 v36, v27;
	v36 =	vld [tilespmem:s31+$0x9C50]  }
0x5f3: {  	v24 =	vmul.f32 v52, v50;
	v52 =	vld [tilespmem:s31+$0x9430]  }
0x5f4: {  	v13 =	vmul.f32 v53, v13;
	v53 =	vld [tilespmem:s31+$0x9870]  }
0x5f5: {  	v39 =	vpop (erf);
	v23 =	vadd.f32 v35, v23;
	v35 =	vld [tilespmem:$0x1ECF0]  }
0x5f6: {  	v4 =	vadd.f32 v29, v4;
	v29 =	vadd.f32 v39, v33;
	v33 =	vld [tilespmem:s31+$0x9C40]  }
0x5f7: {  	v41 =	vpop (erf);
	v39 =	vld [tilespmem:$0x1ED60]  }
0x5f8: {  	v54 =	vmul.f32 $1.442695020e+00, v26;
	v12 =	vadd.f32 v41, v12;
	v41 =	vld [tilespmem:s31+$0x9C70];
	v4 =	vadd.f32 v7, v4  }
0x5f9: {  	v32 =	vmul.f32 $1.442695020e+00, v20;
	(erf) = vpow2.f32 v49;
	v49 =	vld [tilespmem:s31+$0x9850]  }
0x5fa: {  	v23 =	vadd.f32 v24, v23;
	v24 =	vmul.f32 v56, v43;
	v56 =	vld [tilespmem:$0x1E840];
	v4 =	vadd.f32 v8, v4  }
0x5fb: {  	v44 =	vpop (erf);
	v48 =	vmul.f32 $1.442695020e+00, v15;
	(erf) = vpow2.f32 v54;
	v43 =	vld [tilespmem:$0x1ED70]  }
0x5fc: {  	v54 =	vpop (erf);
	v7 =	vmul.f32 v47, v59;
	v47 =	vld [tilespmem:$0x1EA20];
	v23 =	vadd.f32 v30, v23;
	v4 =	vadd.f32 v10, v4  }
0x5fd: {  	v50 =	vmul.f32 $1.442695020e+00, v17;
	v12 =	vadd.f32 v54, v12;
	v59 =	vld [tilespmem:s31+$0x9C10];
	v27 =	vmul.f32 v52, v38  }
0x5fe: {  	v54 =	vld [tilespmem:s31+$0xA050];
	v8 =	vmul.f32 v58, v14;
	v7 =	vadd.f32 v7, v23;
	v4 =	vadd.f32 v9, v4  }
0x5ff: {  	v52 =	vld [tilespmem:$0x1EA30];
	v30 =	vmul.f32 $1.442695020e+00, v11;
	(erf) = vpow2.f32 v35  }
0x600: {  	v38 =	vld [tilespmem:s31+$0x9C60];
	(erf) = vpow2.f32 v48;
	v7 =	vadd.f32 v27, v7;
	v4 =	vadd.f32 v13, v4  }
0x601: {  	v29 =	vadd.f32 v44, v29;
	v35 =	vld [tilespmem:$0x1ED90];
	v10 =	vmul.f32 v37, v16;
	(erf) = vpow2.f32 v50  }
0x602: {  	v58 =	vpop (erf);
	v48 =	vld [tilespmem:$0x1ED40];
	v14 =	vmul.f32 v60, v47;
	v7 =	vadd.f32 v24, v7;
	v4 =	vadd.f32 v8, v4  }
0x603: {  	v16 =	vmul.f32 v45, v56;
	v9 =	vmul.f32 v42, v18;
	v18 =	vadd.f32 v58, v29;
	v29 =	vld [tilespmem:$0x1ED80]  }
0x604: {  	v45 =	vld [tilespmem:s31+$0xA010];
	v23 =	vmul.f32 v40, v52;
	v7 =	vadd.f32 v14, v7;
	v4 =	vadd.f32 v10, v4  }
0x605: {  	v44 =	vmul.f32 $1.442695020e+00, v1;
	v50 =	vld [tilespmem:s31+$0xA040];
	(erf) = vpow2.f32 v30  }
0x606: {  	v37 =	vpop (erf);
	v60 =	vld [tilespmem:s31+$0x9C20];
	v13 =	vmul.f32 v46, v19;
	v7 =	vadd.f32 v23, v7;
	v4 =	vadd.f32 v9, v4  }
0x607: {  	v12 =	vadd.f32 v37, v12;
	v56 =	vld [tilespmem:$0x1ED00];
	(erf) = vpow2.f32 v32;
	v8 =	vmul.f32 v51, v25  }
0x608: {  	v37 =	vld [tilespmem:s0+$0x8800];
	v19 =	vmul.f32 v49, v29;
	v7 =	vadd.f32 v16, v7;
	v4 =	vadd.f32 v13, v4  }
0x609: {  	v42 =	vld [tilespmem:s31+$0xA000];
	v6 =	vmul.f32 v38, v6;
	v14 =	vmul.f32 v53, v35  }
0x60a: {  	v47 =	vld [tilespmem:s31+$0xA020];
	v10 =	vmul.f32 v55, v22;
	v7 =	vadd.f32 v19, v7;
	v4 =	vadd.f32 v8, v4  }
0x60b: {  	v52 =	vld [tilespmem:$0x1ED50];
	v46 =	vmul.f32 $1.442695020e+00, v5;
	v3 =	vmul.f32 v60, v3  }
0x60c: {  	v32 =	vld [tilespmem:s16+$0x8800];
	v22 =	vmul.f32 v59, v39;
	v7 =	vadd.f32 v14, v7;
	v4 =	vadd.f32 v10, v4  }
0x60d: {  	v40 =	vpop (erf);
	(erf) = vpow2.f32 v44;
	v25 =	vld [tilespmem:s14+$0x8800];
	v13 =	vmul.f32 v33, v21  }
0x60e: {  	v35 =	vld [tilespmem:s17+$0x8800];
	v10 =	vmul.f32 v31, v43;
	v7 =	vadd.f32 v22, v7;
	v3 =	vadd.f32 v3, v4  }
0x60f: {  	(erf) = vpow2.f32 v46;
	v51 =	vmul.f32 $1.442695020e+00, v2;
	v49 =	vld [tilespmem:s31+$0xA030]  }
0x610: {  	v60 =	vld [tilespmem:s31+$0xA070];
	v16 =	vmul.f32 v36, v48;
	v7 =	vadd.f32 v10, v7;
	v3 =	vadd.f32 v13, v3  }
0x611: {  	v18 =	vadd.f32 v40, v18;
	v2 =	vmul.f32 v37, v2;
	v23 =	vld [tilespmem:$0x1ED20];
	v9 =	vmul.f32 v42, v34  }
0x612: {  	v53 =	vpop (erf);
	v55 =	vld [tilespmem:s31+$0xA060];
	v14 =	vmul.f32 v41, v52;
	v7 =	vadd.f32 v16, v7;
	v3 =	vadd.f32 v6, v3  }
0x613: {  	v12 =	vadd.f32 v53, v12;
	(erf) = vpow2.f32 v51;
	v59 =	vld [tilespmem:s18+$0x8800];
	v4 =	vmul.f32 v47, v28  }
0x614: {  	v58 =	vpop (erf);
	v22 =	vld [tilespmem:$0x1E850];
	v13 =	vmul.f32 v45, v56;
	v7 =	vadd.f32 v14, v7;
	v3 =	vadd.f32 v9, v3  }
0x615: {  	v18 =	vadd.f32 v58, v18;
	v1 =	vmul.f32 v32, v1;
	v33 =	vld [tilespmem:$0x1ECE0];
	v8 =	vmul.f32 v50, v26  }
0x616: {  	v24 =	vpop (erf);
	v10 =	vmul.f32 v49, v23;
	v28 =	vld [tilespmem:$0x1E860];
	v7 =	vadd.f32 v13, v7;
	v3 =	vadd.f32 v4, v3  }
0x617: {  	v27 =	vld [tilespmem:s15+$0x8800];
	v18 =	vadd.f32 v24, v18;
	v5 =	vmul.f32 v35, v5;
	v26 =	vpop (erf);
	v16 =	vmul.f32 v54, v63  }
0x618: {  	v29 =	vpop (erf);
	v6 =	vmul.f32 v55, v62;
	v7 =	vadd.f32 v10, v7;
	v3 =	vadd.f32 v8, v3  }
0x619: {  	v30 =	vld [tilespmem:s7+$0x8800];
	v42 =	vsel vm1, $0x0, v5;
	v31 =	vpop (erf);
	v12 =	vadd.f32 v22, v12;
	v14 =	vmul.f32 v59, v15  }
0x61a: {  	v43 =	vld [tilespmem:$0x1EA70];
	v34 =	vpop (erf);
	v9 =	vmul.f32 v60, v33;
	v7 =	vadd.f32 v16, v7;
	v3 =	vadd.f32 v6, v3  }
0x61b: {  	v18 =	vadd.f32 v26, v18;
	v36 =	vpop (erf);
	v12 =	vadd.f32 v28, v12;
	v13 =	vmul.f32 v25, v17  }
0x61c: {  	v38 =	vpop (erf);
	v45 =	vld [tilespmem:$0x1FEA0];
	v4 =	vmul.f32 v27, v11;
	v7 =	vadd.f32 v9, v7;
	v3 =	vadd.f32 v14, v3  }
0x61d: {  	v44 =	vld [tilespmem:$0x1FE80];
	v18 =	vadd.f32 v31, v18;
	v41 =	vsel vm1, $0x0, v38;
	v12 =	vadd.f32 v29, v12  }
0x61e: {  	v10 =	vmul.f32 v30, v20;
	v7 =	vadd.f32 v13, v7;
	v3 =	vadd.f32 v4, v3  }
0x61f: {  	v48 =	vld [tilespmem:$0x1FEB0];
	vm5 =	veq.s32 v43, $0x0;
	v15 =	vadd.f32 v36, v18;
	v12 =	vadd.f32 v34, v12  }
0x620: {  	v39 =	vpop (erf);
	vm6 =	veq.s32 v43, $0x1;
	v40 =	vadd.f32 v10, v7;
	v1 =	vadd.f32 v1, v3  }
0x621: {  	v49 =	vld [tilespmem:$0x1FEC0];
	v11 =	vadd.f32 v39, v12;
	v6 =	vadd.f32 v41, v15;
	v4 =	vnsel vm6, $0x0, v45  }
0x622: {  	v2 =	vadd.f32 v2, v40;
	v3 =	vnsel vm5, $0x0, v44;
	v1 =	vadd.f32 v42, v1  }
0x623: {  	v50 =	vld [tilespmem:$0x1FED0];
	vm9 =	veq.s32 v43, $0x2;
	v46 =	vadd.f32 v6, v11;
	v3 =	vadd.f32 v4, v3  }
0x624: {  	(xrf2) =	vadd.scan.msk.f32 $0xffff, v0;
	v47 =	vadd.f32 v1, v2;
	v1 =	vnsel vm9, $0x0, v48  }
0x625: {  	v51 =	vld [tilespmem:$0x1FEE0];
	vm10 =	veq.s32 v43, $0x3;
	(xrf2) =	vadd.scan.msk.f32 $0xffff, v46;
	v1 =	vadd.f32 v3, v1  }
0x626: {  	v0 =	vnsel vm10, $0x0, v49;
	(xrf2) =	vadd.scan.msk.f32 $0xffff, v47  }
0x627: {  	v52 =	vld [tilespmem:$0x1FEF0];
	vm11 =	veq.s32 v43, $0x4;
	v0 =	vadd.f32 v1, v0  }
0x628: {  	v1 =	vnsel vm11, $0x0, v50  }
0x629: {  	vm12 =	veq.s32 v43, $0x5;
	v55 =	vld [tilespmem:$0x1FF00];
	v0 =	vadd.f32 v0, v1  }
0x62a: {  	v1 =	vnsel vm12, $0x0, v51  }
0x62b: {  	vm13 =	veq.s32 v43, $0x6;
	v62 =	vld [tilespmem:$0x1FF10];
	v0 =	vadd.f32 v0, v1  }
0x62c: {  	v1 =	vnsel vm13, $0x0, v52  }
0x62d: {  	v63 =	vld [tilespmem:$0x1FF20];
	vm14 =	veq.s32 v43, $0x7;
	v0 =	vadd.f32 v0, v1  }
0x62e: {  	v53, _, _ =	vpop (xrf2);
	v54 =	vmov s30;
	v59 =	vlaneseq.u32;
	v3 =	vnsel vm14, $0x0, v55  }
0x62f: {  	vm3 =	vmand vm3, vm2;
	vm15 =	veq.s32 v54, v59;
	v56, _, _ =	vpop (xrf2);
	v0 =	vadd.f32 v0, v3  }
0x630: {  	v4 =	vnsel vm3, $0x0, v62;
	v58 =	vbroadcast v56, $0xF;
	v1 =	vbroadcast v53, $0xF;
	v60, _, _ =	vpop (xrf2)  }
0x631: {  	vm3 =	vmmov vm15;
	v0 =	vadd.f32 v0, v4;
	v2 =	vbroadcast v60, $0xF  }
0x632: {  	v1 =	vsel vm4, v1, v57;
	v3 =	vsel vm15, v58, v61;
	v4 =	vsel vm2, $0x0, v63  }
0x633: {  	[tilespmem:$0xC800] =	vst v3;
	v1 =	vsel vm3, v2, v1;
	v0 =	vadd.f32 v0, v4  }
0x634: {  	s29 =	sshrl.u32 s29, $0x3;
	[tilespmem:$0xC900] =	vst v1  }
0x635: {  	s30 =	sadd.s32 s6, s29;
	[tilespmem:$0xC880] =	vst v0  }
0x636: {  	[hbm4b:s30+s1] =	stream.linear.scatter [tilespmem:s24], [sflag:$0x2], $0x10, $0x38;
	[tilespmem:$0xC980] =	vst v63  }
0x637: {  	_ =	swait.ge [sflag:s3], $0x10  }
0x638: {  	[sflag:s3] =	ssyncset.done $0x0  }
0x639: {  	s31 =	sadd.s32 s9, s29;
	[sflag:s3] =	ssyncadd.s32 $0xFFFFFFF0  }
0x63a: {  	[hbm4b:s31+s1] =	stream.linear.scatter [tilespmem:s25], [sflag:$0x2], $0x10, $0x38;
	[tilespmem:$0xC980] =	vst v63  }
0x63b: {  	s28 =	sadd.s32 $0x1, s28;
	_ =	swait.ge [sflag:s3], $0x10  }
0x63c: {  	p0 =	sne.s32 s28, $0x8;
	[sflag:s3] =	ssyncset.done $0x0  }
.Ltmp1:
0x63d: {  	s0 =	sadd.s32 s8, s29;
	[sflag:s3] =	ssyncadd.s32 $0xFFFFFFF0;
	(pc) =	sbr.rel @p0 .LBB2_1-.Ltmp1, $4  }
0x63e: {  	[hbm4b:s0+s1] =	stream.linear.scatter [tilespmem:s26], [sflag:$0x2], $0x10, $0x38;
	[tilespmem:$0xC980] =	vst v63  }
0x63f: {  	_ =	swait.ge [sflag:s3], $0x10  }
0x640: {  	[sflag:s3] =	ssyncset.done $0x0  }
0x641: {  	[sflag:s3] =	ssyncadd.s32 $0xFFFFFFF0  }
0x642: {  	_ =	sfence.sel $0x180000  }
0x643: {  	[bflag:$0x0] =	sbarrier.arrive $0xFFFF  }
0x644: {  	_ =	strace $0x90000047  }
0x645: {  	s0 =	stileid.u32;
	[bflag:$0x2] =	sbarrier.arrive $0xFFFF  }
0x646: {  	p0 =	sne.s32 s0, $0x0;
	s0 =	rddreg [dreg:$0x1]  }
0x647: {  	s0 =	sadd.s32 @!p0 $0x100000, s0  }
0x648: {  	[sflag:s0] =	ssyncadd.tile.s32 @!p0 $0x1;
	_ =	shalt  }
.Lfunc_end2:
_tile_overlayer_lowered:
.L_overlay_start_2:
0x649: {  	(tag) =	ssettag $0x2  }
0x64a: {  	s0 =	rddreg [dreg:$0x0];
	s2 =	stileid.u32  }
0x64b: {  	s1 =	rddreg [dreg:$0x1];
	p0 =	sne.s32 s2, $0x0  }
0x64c: {  	s3 =	rddreg [dreg:$0x2];
	[bflag:$0x3] =	sbarrier.arrive $0xFFFF;
	s2 =	simm.s32 @!p0 $0x1C02  }
0x64d: {  	[timem:s3], [sflag:s2] =	dma.local @!p0 [hbm:s0], s1  }
0x64e: {  	s0 =	simm.s32 @!p0 $0x2  }
0x64f: {  	_ =	swait.ge @!p0 [sflag:s0], s1  }
0x650: {  	s1 =	ssub.s32 @!p0 $0x0, s1;
	[sflag:s0] =	ssyncset.done @!p0 $0x0  }
0x651: {  	[sflag:s0] =	ssyncadd.s32 @!p0 s1  }
0x652: {  	[bflag:$0x3] =	sbarrier.arrive $0xFFFF  }
0x653: {  	_ =	shalt  }

</sc_bundles>
